<compile_context>
chip_gen: v7x
topology: tpu7x:2x2x1
jax: 0.10.2.dev20260603
libtpu: 0.0.44.dev20260713+nightly
codegen_flags: <defaults>
</compile_context>

<pallas_src>
import functools

import jax
import jax.numpy as jnp
from jax import lax
from jax.experimental import pallas as pl
from jax.experimental.pallas import tpu as pltpu
from jax.experimental.pallas import tpu_sc as plsc

_B = 2
_N = 10000
_CIN = 128
_HID = 128
_SEQ = 12
_T1 = 10
_T2 = 8
_NSLICE = _B * _T1
_OUT = 12

_NSC = 2
_TPS = 16
_NTILES = _NSC * _TPS
_CHUNK = 128
_CPT = 80
_EPT = _CHUNK * _CPT
_E_PAD = _NTILES * _EPT
_STRIPE = 632
_ROWS = _TPS * _STRIPE

_BN = 400
_NB = _N // _BN


def _dis_from_deg(deg_blk):
    return jnp.where(deg_blk > 0.0, lax.rsqrt(jnp.maximum(deg_blk, 1.0)), 0.0)



def _sc_degree(src_rm3):
    mesh = plsc.VectorSubcoreMesh(core_axis_name="c", subcore_axis_name="s",
                                  num_cores=_NSC, num_subcores=_TPS)

    @functools.partial(
        pl.kernel,
        out_type=jax.ShapeDtypeStruct((_NSC, _ROWS, _HID), jnp.float32),
        mesh=mesh,
        scratch_types=[
            pltpu.VMEM((_CPT, _CHUNK), jnp.int32),
            pltpu.VMEM((_CHUNK, _HID), jnp.float32),
            pltpu.VMEM_SHARED((_ROWS, _HID), jnp.float32),
        ],
    )
    def deg_kernel(src_hbm, out_hbm, idx_v, buf, acc):
        sc = lax.axis_index("c")
        ts = lax.axis_index("s")
        w = sc * _TPS + ts
        pltpu.sync_copy(src_hbm.at[w], idx_v)

        def fill(val):
            def frow(i, carry):
                def fcol(j, inner):
                    buf[i, pl.ds(j * 16, 16)] = jnp.full((16,), val,
                                                         jnp.float32)
                    return inner
                return lax.fori_loop(0, _HID // 16, fcol, carry)
            lax.fori_loop(0, _CHUNK, frow, 0)

        fill(0.0)
        for r in range(4):
            pltpu.sync_copy(buf,
                            acc.at[pl.ds(ts * _STRIPE + r * _CHUNK, _CHUNK)])
        rem = _STRIPE - 4 * _CHUNK
        pltpu.sync_copy(buf.at[pl.ds(0, rem)],
                        acc.at[pl.ds(ts * _STRIPE + 4 * _CHUNK, rem)])
        fill(1.0)
        plsc.subcore_barrier()

        def add_chunk(c, carry):
            pltpu.sync_copy(buf, acc.at[idx_v.at[c]], add=True)
            return carry

        lax.fori_loop(0, _CPT, add_chunk, 0)
        plsc.subcore_barrier()
        pltpu.sync_copy(acc.at[pl.ds(ts * _STRIPE, _STRIPE)],
                        out_hbm.at[sc, pl.ds(ts * _STRIPE, _STRIPE)])

    return deg_kernel(src_rm3)


def _sc_lap(u_flat, srcoff, dst_rm3):
    mesh = plsc.VectorSubcoreMesh(core_axis_name="c", subcore_axis_name="s",
                                   num_cores=_NSC, num_subcores=_TPS)

    hcpt = _CPT // 2

    @functools.partial(
        pl.kernel,
        out_type=jax.ShapeDtypeStruct((_NSC, _NSLICE, _ROWS, _HID),
                                      jnp.float32),
        mesh=mesh,
        scratch_types=[
            pltpu.VMEM((hcpt, _CHUNK), jnp.int32),
            pltpu.VMEM((hcpt, _CHUNK), jnp.int32),
            pltpu.VMEM((_CHUNK, _HID), jnp.float32),
            pltpu.VMEM((_CHUNK, _HID), jnp.float32),
            pltpu.VMEM_SHARED((_ROWS, _HID), jnp.float32),
            pltpu.SemaphoreType.DMA,
            pltpu.SemaphoreType.DMA,
        ],
    )
    def lap_kernel(u_hbm, src_hbm, dst_hbm, out_hbm,
                   src_v, dst_v, g0, g1, acc, sem0, sem1):
        sc = lax.axis_index("c")
        ts = lax.axis_index("s")
        w = sc * _TPS + ts
        gbufs = (g0, g1)
        sems = (sem0, sem1)

        def zero_stripe():
            def zrow(i, carry):
                def zcol(j, inner):
                    g0[i, pl.ds(j * 16, 16)] = jnp.zeros((16,), jnp.float32)
                    return inner
                return lax.fori_loop(0, _HID // 16, zcol, carry)

            lax.fori_loop(0, _CHUNK, zrow, 0)
            for r in range(4):
                pltpu.sync_copy(
                    g0, acc.at[pl.ds(ts * _STRIPE + r * _CHUNK, _CHUNK)])
            rem = _STRIPE - 4 * _CHUNK
            pltpu.sync_copy(g0.at[pl.ds(0, rem)],
                            acc.at[pl.ds(ts * _STRIPE + 4 * _CHUNK, rem)])

        zero_stripe()

        def half_body(s, h):
            pltpu.sync_copy(src_hbm.at[s, w, pl.ds(h * hcpt, hcpt)], src_v)
            pltpu.sync_copy(dst_hbm.at[w, pl.ds(h * hcpt, hcpt)], dst_v)
            for b in range(2):
                pltpu.async_copy(u_hbm.at[src_v.at[b]], gbufs[b], sems[b])

            def pair(p, inner):
                for b in range(2):
                    c = 2 * p + b
                    pltpu.make_async_copy(
                        u_hbm.at[pl.ds(0, _CHUNK)], gbufs[b],
                        sems[b]).wait()
                    pltpu.sync_copy(gbufs[b], acc.at[dst_v.at[c]], add=True)

                    @pl.when(p < hcpt // 2 - 1)
                    def _():
                        pltpu.async_copy(u_hbm.at[src_v.at[c + 2]],
                                         gbufs[b], sems[b])
                return inner

            lax.fori_loop(0, hcpt // 2, pair, 0)

        def slice_body(s, carry):
            plsc.subcore_barrier()
            half_body(s, 0)
            half_body(s, 1)
            plsc.subcore_barrier()
            pltpu.sync_copy(acc.at[pl.ds(ts * _STRIPE, _STRIPE)],
                            out_hbm.at[sc, s, pl.ds(ts * _STRIPE, _STRIPE)])
            zero_stripe()
            return carry

        lax.fori_loop(0, _NSLICE, slice_body, 0)

    return lap_kernel(u_flat, srcoff, dst_rm3)



def _k1_body(x0, x1, x2, w_ref, b_ref, deg_ref, t0_ref, u0_ref):
    xs = (x0[0, 0], x1[0, 0], x2[0, 0])
    gates = []
    for g in range(3):
        acc = jnp.zeros((_BN, _HID), jnp.float32)
        for k in range(3):
            acc = acc + jnp.dot(xs[k], w_ref[g, k],
                                preferred_element_type=jnp.float32)
        gates.append(acc + b_ref[g][None, :])
    p, q, r = gates
    h = jnp.maximum(p * jax.nn.sigmoid(q) + r, 0.0)
    dis = _dis_from_deg(deg_ref[...])
    t0_ref[0] = h
    u0_ref[0] = h * dis


def _k1(xt, w1s, b1s, deg):
    grid = (_NSLICE, _NB)

    def xmap(k):
        return lambda s, nb: (s // _T1, (s % _T1) + k, nb, 0)

    return pl.pallas_call(
        _k1_body,
        grid=grid,
        in_specs=[
            pl.BlockSpec((1, 1, _BN, _CIN), xmap(0)),
            pl.BlockSpec((1, 1, _BN, _CIN), xmap(1)),
            pl.BlockSpec((1, 1, _BN, _CIN), xmap(2)),
            pl.BlockSpec((3, 3, _CIN, _HID), lambda s, nb: (0, 0, 0, 0)),
            pl.BlockSpec((3, _HID), lambda s, nb: (0, 0)),
            pl.BlockSpec((_BN, 1), lambda s, nb: (nb, 0)),
        ],
        out_specs=[
            pl.BlockSpec((1, _BN, _HID), lambda s, nb: (s, nb, 0)),
            pl.BlockSpec((1, _BN, _HID), lambda s, nb: (s, nb, 0)),
        ],
        out_shape=[
            jax.ShapeDtypeStruct((_NSLICE, _N, _HID), jnp.float32),
            jax.ShapeDtypeStruct((_NSLICE, _N, _HID), jnp.float32),
        ],
    )(xt, xt, xt, w1s, b1s, deg)


def _k2_body(a0, a1, t0, deg_ref, w0_ref, w1_ref, u1_ref, p_ref):
    dis = _dis_from_deg(deg_ref[...])
    tx1 = -(dis * (a0[0, 0] + a1[0, 0]))
    u1_ref[0] = dis * tx1
    p_ref[0] = (jnp.dot(t0[0], w0_ref[...], preferred_element_type=jnp.float32)
                + jnp.dot(tx1, w1_ref[...], preferred_element_type=jnp.float32))


def _k2(acc1, t0, deg, w0, w1):
    grid = (_NSLICE, _NB)
    return pl.pallas_call(
        _k2_body,
        grid=grid,
        in_specs=[
            pl.BlockSpec((1, 1, _BN, _HID), lambda s, nb: (0, s, nb, 0)),
            pl.BlockSpec((1, 1, _BN, _HID), lambda s, nb: (1, s, nb, 0)),
            pl.BlockSpec((1, _BN, _HID), lambda s, nb: (s, nb, 0)),
            pl.BlockSpec((_BN, 1), lambda s, nb: (nb, 0)),
            pl.BlockSpec((_HID, _HID), lambda s, nb: (0, 0)),
            pl.BlockSpec((_HID, _HID), lambda s, nb: (0, 0)),
        ],
        out_specs=[
            pl.BlockSpec((1, _BN, _HID), lambda s, nb: (s, nb, 0)),
            pl.BlockSpec((1, _BN, _HID), lambda s, nb: (s, nb, 0)),
        ],
        out_shape=[
            jax.ShapeDtypeStruct((_NSLICE, _N, _HID), jnp.float32),
            jax.ShapeDtypeStruct((_NSLICE, _N, _HID), jnp.float32),
        ],
    )(acc1, acc1, t0, deg, w0, w1)


def _k4_body(a0, a1, t0, p, deg_ref, w2_ref, cb_ref, h_ref):
    dis = _dis_from_deg(deg_ref[...])
    tx2 = -2.0 * (dis * (a0[0, 0] + a1[0, 0])) - t0[0]
    out = (p[0]
           + jnp.dot(tx2, w2_ref[...], preferred_element_type=jnp.float32)
           + cb_ref[0][None, :])
    h_ref[0] = jnp.maximum(out, 0.0)


def _k4(acc2, t0, p, deg, w2, cb):
    grid = (_NSLICE, _NB)
    return pl.pallas_call(
        _k4_body,
        grid=grid,
        in_specs=[
            pl.BlockSpec((1, 1, _BN, _HID), lambda s, nb: (0, s, nb, 0)),
            pl.BlockSpec((1, 1, _BN, _HID), lambda s, nb: (1, s, nb, 0)),
            pl.BlockSpec((1, _BN, _HID), lambda s, nb: (s, nb, 0)),
            pl.BlockSpec((1, _BN, _HID), lambda s, nb: (s, nb, 0)),
            pl.BlockSpec((_BN, 1), lambda s, nb: (nb, 0)),
            pl.BlockSpec((_HID, _HID), lambda s, nb: (0, 0)),
            pl.BlockSpec((1, _HID), lambda s, nb: (0, 0)),
        ],
        out_specs=pl.BlockSpec((1, _BN, _HID), lambda s, nb: (s, nb, 0)),
        out_shape=jax.ShapeDtypeStruct((_NSLICE, _N, _HID), jnp.float32),
    )(acc2, acc2, t0, p, deg, w2, cb)


def _k5_body(h_ref, w_ref, b_ref, bnw_ref, bnb_ref, o_ref):
    outs = []
    for b in range(_B):
        for t in range(_T2):
            gates = []
            for g in range(3):
                acc = jnp.zeros((_BN, _OUT), jnp.float32)
                for k in range(3):
                    acc = acc + jnp.dot(h_ref[b, t + k], w_ref[g, k],
                                        preferred_element_type=jnp.float32)
                gates.append(acc + b_ref[g][None, :])
            p, q, r = gates
            outs.append(jnp.maximum(p * jax.nn.sigmoid(q) + r, 0.0))
    stack = jnp.stack(outs, axis=0)
    cnt = float(_B * _T2 * _OUT)
    mean = jnp.sum(jnp.sum(stack, axis=0), axis=1) / cnt
    msq = jnp.sum(jnp.sum(stack * stack, axis=0), axis=1) / cnt
    var = msq - mean * mean
    scale = lax.rsqrt(var + 1e-5) * bnw_ref[:, 0]
    shift = bnb_ref[:, 0]
    last = jnp.stack([outs[_T2 - 1], outs[2 * _T2 - 1]], axis=0)
    o_ref[...] = ((last - mean[None, :, None]) * scale[None, :, None]
                  + shift[None, :, None])


def _k5(h5, w2s, b2s, bnw, bnb):
    grid = (_NB,)
    return pl.pallas_call(
        _k5_body,
        grid=grid,
        in_specs=[
            pl.BlockSpec((_B, _T1, _BN, _HID), lambda nb: (0, 0, nb, 0)),
            pl.BlockSpec((3, 3, _HID, _OUT), lambda nb: (0, 0, 0, 0)),
            pl.BlockSpec((3, _OUT), lambda nb: (0, 0)),
            pl.BlockSpec((_BN, 1), lambda nb: (nb, 0)),
            pl.BlockSpec((_BN, 1), lambda nb: (nb, 0)),
        ],
        out_specs=pl.BlockSpec((_B, _BN, _OUT), lambda nb: (0, nb, 0)),
        out_shape=jax.ShapeDtypeStruct((_B, _N, _OUT), jnp.float32),
    )(h5, w2s, b2s, bnw, bnb)



def kernel(X, edge_index, w11, b11, w12, b12, w13, b13, cheb_w, cheb_b,
           w21, b21, w22, b22, w23, b23, bn_w, bn_b):
    src = edge_index[0].astype(jnp.int32)
    dst = edge_index[1].astype(jnp.int32)
    npad = _E_PAD - src.shape[0]
    srcp = jnp.concatenate([src, jnp.zeros((npad,), jnp.int32)])
    dstp = jnp.concatenate([dst, jnp.zeros((npad,), jnp.int32)])
    real = srcp != dstp
    dummy = jnp.int32(_N) + (jnp.arange(_E_PAD, dtype=jnp.int32) % 16)
    src_rm3 = jnp.where(real, srcp, dummy).reshape(_NTILES, _CPT, _CHUNK)
    dst_rm3 = jnp.where(real, dstp, dummy).reshape(_NTILES, _CPT, _CHUNK)
    soff = (srcp[None, :]
            + (jnp.arange(_NSLICE, dtype=jnp.int32) * _N)[:, None]
            ).reshape(_NSLICE, _NTILES, _CPT, _CHUNK)

    degs = _sc_degree(src_rm3)
    deg = (degs[0, :_N, 0] + degs[1, :_N, 0]).reshape(_N, 1)

    xt = jnp.transpose(X, (0, 3, 1, 2))
    w1s = jnp.stack([jnp.transpose(w[:, :, 0, :], (2, 1, 0))
                     for w in (w11, w12, w13)])
    b1s = jnp.stack([b11, b12, b13])
    t0, u0 = _k1(xt, w1s, b1s, deg)

    acc1 = _sc_lap(u0.reshape(_NSLICE * _N, _HID), soff, dst_rm3)
    u1, p = _k2(acc1, t0, deg, cheb_w[0], cheb_w[1])
    acc2 = _sc_lap(u1.reshape(_NSLICE * _N, _HID), soff, dst_rm3)
    h = _k4(acc2, t0, p, deg, cheb_w[2], cheb_b.reshape(1, _HID))

    h5 = h.reshape(_B, _T1, _N, _HID)
    w2s = jnp.stack([jnp.transpose(w[:, :, 0, :], (2, 1, 0))
                     for w in (w21, w22, w23)])
    b2s = jnp.stack([b21, b22, b23])
    o5 = _k5(h5, w2s, b2s, bn_w.reshape(_N, 1), bn_b.reshape(_N, 1))

    return jnp.transpose(o5, (2, 0, 1)).reshape(_SEQ, _B, _N, 1)

# --- scband reference (transcript-rebuilt; emitter-appended) ---
"""Pipeline reference for scband-stgcn-43928925504131 (READ-ONLY COPY).

The authoritative reference and input builder live on the scoring server;
editing this copy changes nothing except your own understanding.
"""

import jax, jax.numpy as jnp
import numpy as np

B = 2
N_NODES = 10000
IN_CH = 128
HID = 128
K_CHEB = 3
KT = 3
SEQ = 12
PRED_LEN = 12
OUT_SIZE = 1
OUT_CH = OUT_SIZE * PRED_LEN
N_EDGES = 320000
LAMBDA_MAX = 2.0


def _conv_init(key, o, i, kh, kw):
    bound = 1.0 / np.sqrt(i * kh * kw)
    k1, k2 = jax.random.split(key)
    w = jax.random.uniform(k1, (o, i, kh, kw), minval=-bound, maxval=bound, dtype=jnp.float32)
    b = jax.random.uniform(k2, (o,), minval=-bound, maxval=bound, dtype=jnp.float32)
    return w, b


def setup_inputs(seed: int = 0) -> dict:
    key = jax.random.key(seed)
    ks = jax.random.split(key, 12)
    X = jax.random.normal(ks[0], (B, N_NODES, IN_CH, SEQ), dtype=jnp.float32)
    edge_index = jax.random.randint(ks[1], (2, N_EDGES), 0, N_NODES, dtype=jnp.int32)
    w11, b11 = _conv_init(ks[2], HID, IN_CH, 1, KT)
    w12, b12 = _conv_init(ks[3], HID, IN_CH, 1, KT)
    w13, b13 = _conv_init(ks[4], HID, IN_CH, 1, KT)
    glorot = float(np.sqrt(6.0 / (HID + HID)))
    cheb_w = jax.random.uniform(ks[5], (K_CHEB, HID, HID), minval=-glorot, maxval=glorot, dtype=jnp.float32)
    cheb_b = jnp.zeros((HID,), dtype=jnp.float32)
    w21, b21 = _conv_init(ks[6], OUT_CH, HID, 1, KT)
    w22, b22 = _conv_init(ks[7], OUT_CH, HID, 1, KT)
    w23, b23 = _conv_init(ks[8], OUT_CH, HID, 1, KT)
    bn_w = jnp.ones((N_NODES,), dtype=jnp.float32)
    bn_b = jnp.zeros((N_NODES,), dtype=jnp.float32)
    return {"X": X, "edge_index": edge_index, "w11": w11, "b11": b11, "w12": w12, "b12": b12, "w13": w13, "b13": b13, "cheb_w": cheb_w, "cheb_b": cheb_b, "w21": w21, "b21": b21, "w22": w22, "b22": b22, "w23": w23, "b23": b23, "bn_w": bn_w, "bn_b": bn_b}


def _conv2d(x, w, b):
    y = jax.lax.conv_general_dilated(x, w, window_strides=(1, 1), padding='VALID', dimension_numbers=('NCHW', 'OIHW', 'NCHW'))
    return y + b[None, :, None, None]


def _temporal_conv(X, w1, b1, w2, b2, w3, b3):
    # X: (B, T, N, C) -> (B, T', N, C_out)
    Xp = jnp.transpose(X, (0, 3, 2, 1))
    P = _conv2d(Xp, w1, b1)
    Q = jax.nn.sigmoid(_conv2d(Xp, w2, b2))
    H = jax.nn.relu(P * Q + _conv2d(Xp, w3, b3))
    return jnp.transpose(H, (0, 3, 2, 1))


def _cheb_conv(x, src, dst, norm, diag, Ws, bias):
    # PyG ChebConv: L_hat = 2L/lambda_max - I with sym-normalized Laplacian.
    def lap(v):
        msg = norm[:, None] * jnp.take(v, src, axis=0)
        agg = jax.ops.segment_sum(msg, dst, num_segments=N_NODES)
        return agg + diag * v
    Tx0 = x
    out = Tx0 @ Ws[0]
    Tx1 = lap(Tx0)
    out = out + Tx1 @ Ws[1]
    for k in range(2, K_CHEB):
        Tx2 = 2.0 * lap(Tx1) - Tx0
        out = out + Tx2 @ Ws[k]
        Tx0, Tx1 = Tx1, Tx2
    return out + bias


def _forward(X, edge_index, w11, b11, w12, b12, w13, b13, cheb_w, cheb_b, w21, b21, w22, b22, w23, b23, bn_w, bn_b):
    # X: (B, N, C_in, T) -> permute(0,3,1,2) -> (B, T, N, C_in)
    X4 = jnp.transpose(X, (0, 3, 1, 2))
    T0 = _temporal_conv(X4, w11, b11, w12, b12, w13, b13)
    src = edge_index[0]
    dst = edge_index[1]
    # remove self loops (weight 0), unit edge weights otherwise
    ew = jnp.where(src != dst, 1.0, 0.0).astype(jnp.float32)
    deg = jax.ops.segment_sum(ew, src, num_segments=N_NODES)
    dis = jnp.where(deg > 0, 1.0 / jnp.sqrt(jnp.where(deg > 0, deg, 1.0)), 0.0)
    norm = (-dis[src] * ew * dis[dst]) * (2.0 / LAMBDA_MAX)
    diag = 2.0 / LAMBDA_MAX - 1.0  # (2/lmax)*1 from laplacian diag + (-1) from ChebConv add_self_loops
    Bc, T1 = T0.shape[0], T0.shape[1]
    flat = T0.reshape(Bc * T1, N_NODES, HID)
    outs = [_cheb_conv(flat[i], src, dst, norm, diag, cheb_w, cheb_b) for i in range(Bc * T1)]
    T = jnp.stack(outs, axis=0).reshape(Bc, T1, N_NODES, HID)
    T = jax.nn.relu(T)
    T = _temporal_conv(T, w21, b21, w22, b22, w23, b23)  # (B, T2, N, OUT_CH)
    T = jnp.transpose(T, (0, 2, 1, 3))  # (B, N, T2, OUT_CH)
    # BatchNorm2d(num_nodes) in training mode: batch stats over dims (0,2,3)
    mean = jnp.mean(T, axis=(0, 2, 3), keepdims=True)
    var = jnp.var(T, axis=(0, 2, 3), keepdims=True)
    T = (T - mean) / jnp.sqrt(var + 1e-5) * bn_w[None, :, None, None] + bn_b[None, :, None, None]
    T = jnp.transpose(T, (3, 0, 1, 2))[..., -1]  # (OUT_CH, B, N)
    return T.reshape(SEQ, B, N_NODES, -1)


def reference(X, edge_index, w11, b11, w12, b12, w13, b13, cheb_w, cheb_b, w21, b21, w22, b22, w23, b23, bn_w, bn_b):
    return _forward(X, edge_index, w11, b11, w12, b12, w13, b13, cheb_w, cheb_b, w21, b21, w22, b22, w23, b23, bn_w, bn_b)

if __name__ == "__main__":
    import jax
    _d = setup_inputs()
    print(jax.jit(kernel)(*tuple(_d.values())))

</pallas_src>

<mosaic_0001>
#map = affine_map<(d0, d1) -> (0, 0)>
#map1 = affine_map<(d0, d1) -> (0, 0, 0, 0)>
#map2 = affine_map<(d0, d1) -> (0, 0, 0)>
module attributes {stable_mosaic.version = 14 : i64} {
  func.func @lap_kernel(%arg0: i32, %arg1: i32, %arg2: memref<200000x128xf32, #tpu.memory_space<hbm>>, %arg3: memref<20x32x80x128xi32, #tpu.memory_space<hbm>>, %arg4: memref<32x80x128xi32, #tpu.memory_space<hbm>>, %arg5: memref<2x20x10112x128xf32, #tpu.memory_space<hbm>>, %arg6: memref<40x128xi32, #tpu.memory_space<vmem>>, %arg7: memref<40x128xi32, #tpu.memory_space<vmem>>, %arg8: memref<128x128xf32, #tpu.memory_space<vmem>>, %arg9: memref<128x128xf32, #tpu.memory_space<vmem>>, %arg10: memref<10112x128xf32, #tpu.memory_space<vmem_shared>>, %arg11: memref<!tpu.dma_semaphore, #tpu.memory_space<semaphore_mem>>, %arg12: memref<!tpu.dma_semaphore, #tpu.memory_space<semaphore_mem>>) attributes {dimension_semantics = [#tpu.dimension_semantics<core_parallel>, #tpu.dimension_semantics<subcore_parallel>], iteration_bounds = array<i64: 2, 16>, scalar_prefetch = 0 : i64, scratch_operands = 7 : i64, tpu.core_type = #tpu.core_type<sc_vector_subcore>, window_params = [{transform_indices = #map}, {transform_indices = #map1}, {transform_indices = #map2}, {transform_indices = #map1}]} {
    %mul3A = arith.constant 16 : i32
    %mul3A_0 = arith.muli %arg0, %mul3A : i32
    %add3A = arith.addi %mul3A_0, %arg1 : i32
    %scan3A = arith.constant 0 : i32
    %scan3A_1 = arith.constant 0 : i32
    %scan3A_2 = arith.constant 128 : i32
    %scan3A_3 = arith.addi %scan3A_1, %scan3A_2 : i32
    %scan3A_4 = arith.constant 1 : i32
    scf.for %scan3A_32 = %scan3A_1 to %scan3A_3 step %scan3A_4  : i32 {
      %scan3A_33 = arith.constant 0 : i32
      %scan3A_34 = arith.constant 8 : i32
      %scan3A_35 = arith.addi %scan3A_33, %scan3A_34 : i32
      %scan3A_36 = arith.constant 1 : i32
      scf.for %scan3A_38 = %scan3A_33 to %scan3A_35 step %scan3A_36  : i32 {
        %broadcast_in_dim3A = arith.constant 0.000000e+00 : f32
        %broadcast_in_dim3A_39 = vector.broadcast %broadcast_in_dim3A : f32 to vector<16xf32>
        %mul3A_40 = arith.constant 16 : i32
        %mul3A_41 = arith.muli %scan3A_38, %mul3A_40 : i32
        %swap3A = arith.index_cast %scan3A_32 : i32 to index
        %swap3A_42 = arith.index_cast %mul3A_41 : i32 to index
        %swap3A_43 = tpu.vector_load %arg8[%swap3A, %swap3A_42] {strides = array<i32>} : memref<128x128xf32, #tpu.memory_space<vmem>>, vector<1x16xf32>,
        %swap3A_44 = vector.shape_cast %swap3A_43 : vector<1x16xf32> to vector<16xf32>
        %swap3A_45 = vector.shape_cast %broadcast_in_dim3A_39 : vector<16xf32> to vector<1x16xf32>
        tpu.vector_store %arg8[%swap3A, %swap3A_42], %swap3A_45 {strides = array<i32>} : memref<128x128xf32, #tpu.memory_space<vmem>>, vector<1x16xf32>,
      }
      %scan3A_37 = arith.constant 8 : i32
    }
    %scan3A_5 = arith.constant 128 : i32
    %mul3A_6 = arith.constant 632 : i32
    %mul3A_7 = arith.muli %arg1, %mul3A_6 : i32
    %add3A_8 = arith.constant 0 : i32
    %add3A_9 = arith.addi %mul3A_7, %add3A_8 : i32
    "tpu.region"() ({
      %run_scoped3A = tpu.sem_alloc : memref<!tpu.dma_semaphore, #tpu.memory_space<semaphore_mem>>
      %dma_start3A = arith.constant 0 : i32
      %dma_start3A_32 = tpu.memref_slice %arg10[%add3A_9, %dma_start3A] : memref<10112x128xf32, #tpu.memory_space<vmem_shared>> -> memref<128x128xf32, #tpu.memory_space<vmem_shared>>
      %dma_start3A_33 = arith.constant 0 : i32
      %dma_start3A_34 = tpu.memref_slice %arg10[%add3A_9, %dma_start3A_33] : memref<10112x128xf32, #tpu.memory_space<vmem_shared>> -> memref<128x128xf32, #tpu.memory_space<vmem_shared>>
      tpu.enqueue_dma source(%arg8 : memref<128x128xf32, #tpu.memory_space<vmem>>) target(%dma_start3A_34 : memref<128x128xf32, #tpu.memory_space<vmem_shared>>) target_semaphore(%run_scoped3A : memref<!tpu.dma_semaphore, #tpu.memory_space<semaphore_mem>>)
      %dma_wait3A = arith.constant 0 : i32
      %dma_wait3A_35 = tpu.memref_slice %arg10[%add3A_9, %dma_wait3A] : memref<10112x128xf32, #tpu.memory_space<vmem_shared>> -> memref<128x128xf32, #tpu.memory_space<vmem_shared>>
      %dma_wait3A_36 = arith.constant 0 : i32
      %dma_wait3A_37 = tpu.memref_slice %arg10[%add3A_9, %dma_wait3A_36] : memref<10112x128xf32, #tpu.memory_space<vmem_shared>> -> memref<128x128xf32, #tpu.memory_space<vmem_shared>>
      tpu.wait_dma2 semaphore(%run_scoped3A : memref<!tpu.dma_semaphore, #tpu.memory_space<semaphore_mem>>) src(%arg8 : memref<128x128xf32, #tpu.memory_space<vmem>>) dst(%dma_wait3A_37 : memref<128x128xf32, #tpu.memory_space<vmem_shared>>)
      tpu.yield
    }) : () -> ()
    %mul3A_10 = arith.constant 632 : i32
    %mul3A_11 = arith.muli %arg1, %mul3A_10 : i32
    %add3A_12 = arith.constant 128 : i32
    %add3A_13 = arith.addi %mul3A_11, %add3A_12 : i32
    "tpu.region"() ({
      %run_scoped3A = tpu.sem_alloc : memref<!tpu.dma_semaphore, #tpu.memory_space<semaphore_mem>>
      %dma_start3A = arith.constant 0 : i32
      %dma_start3A_32 = tpu.memref_slice %arg10[%add3A_13, %dma_start3A] : memref<10112x128xf32, #tpu.memory_space<vmem_shared>> -> memref<128x128xf32, #tpu.memory_space<vmem_shared>>
      %dma_start3A_33 = arith.constant 0 : i32
      %dma_start3A_34 = tpu.memref_slice %arg10[%add3A_13, %dma_start3A_33] : memref<10112x128xf32, #tpu.memory_space<vmem_shared>> -> memref<128x128xf32, #tpu.memory_space<vmem_shared>>
      tpu.enqueue_dma source(%arg8 : memref<128x128xf32, #tpu.memory_space<vmem>>) target(%dma_start3A_34 : memref<128x128xf32, #tpu.memory_space<vmem_shared>>) target_semaphore(%run_scoped3A : memref<!tpu.dma_semaphore, #tpu.memory_space<semaphore_mem>>)
      %dma_wait3A = arith.constant 0 : i32
      %dma_wait3A_35 = tpu.memref_slice %arg10[%add3A_13, %dma_wait3A] : memref<10112x128xf32, #tpu.memory_space<vmem_shared>> -> memref<128x128xf32, #tpu.memory_space<vmem_shared>>
      %dma_wait3A_36 = arith.constant 0 : i32
      %dma_wait3A_37 = tpu.memref_slice %arg10[%add3A_13, %dma_wait3A_36] : memref<10112x128xf32, #tpu.memory_space<vmem_shared>> -> memref<128x128xf32, #tpu.memory_space<vmem_shared>>
      tpu.wait_dma2 semaphore(%run_scoped3A : memref<!tpu.dma_semaphore, #tpu.memory_space<semaphore_mem>>) src(%arg8 : memref<128x128xf32, #tpu.memory_space<vmem>>) dst(%dma_wait3A_37 : memref<128x128xf32, #tpu.memory_space<vmem_shared>>)
      tpu.yield
    }) : () -> ()
    %mul3A_14 = arith.constant 632 : i32
    %mul3A_15 = arith.muli %arg1, %mul3A_14 : i32
    %add3A_16 = arith.constant 256 : i32
    %add3A_17 = arith.addi %mul3A_15, %add3A_16 : i32
    "tpu.region"() ({
      %run_scoped3A = tpu.sem_alloc : memref<!tpu.dma_semaphore, #tpu.memory_space<semaphore_mem>>
      %dma_start3A = arith.constant 0 : i32
      %dma_start3A_32 = tpu.memref_slice %arg10[%add3A_17, %dma_start3A] : memref<10112x128xf32, #tpu.memory_space<vmem_shared>> -> memref<128x128xf32, #tpu.memory_space<vmem_shared>>
      %dma_start3A_33 = arith.constant 0 : i32
      %dma_start3A_34 = tpu.memref_slice %arg10[%add3A_17, %dma_start3A_33] : memref<10112x128xf32, #tpu.memory_space<vmem_shared>> -> memref<128x128xf32, #tpu.memory_space<vmem_shared>>
      tpu.enqueue_dma source(%arg8 : memref<128x128xf32, #tpu.memory_space<vmem>>) target(%dma_start3A_34 : memref<128x128xf32, #tpu.memory_space<vmem_shared>>) target_semaphore(%run_scoped3A : memref<!tpu.dma_semaphore, #tpu.memory_space<semaphore_mem>>)
      %dma_wait3A = arith.constant 0 : i32
      %dma_wait3A_35 = tpu.memref_slice %arg10[%add3A_17, %dma_wait3A] : memref<10112x128xf32, #tpu.memory_space<vmem_shared>> -> memref<128x128xf32, #tpu.memory_space<vmem_shared>>
      %dma_wait3A_36 = arith.constant 0 : i32
      %dma_wait3A_37 = tpu.memref_slice %arg10[%add3A_17, %dma_wait3A_36] : memref<10112x128xf32, #tpu.memory_space<vmem_shared>> -> memref<128x128xf32, #tpu.memory_space<vmem_shared>>
      tpu.wait_dma2 semaphore(%run_scoped3A : memref<!tpu.dma_semaphore, #tpu.memory_space<semaphore_mem>>) src(%arg8 : memref<128x128xf32, #tpu.memory_space<vmem>>) dst(%dma_wait3A_37 : memref<128x128xf32, #tpu.memory_space<vmem_shared>>)
      tpu.yield
    }) : () -> ()
    %mul3A_18 = arith.constant 632 : i32
    %mul3A_19 = arith.muli %arg1, %mul3A_18 : i32
    %add3A_20 = arith.constant 384 : i32
    %add3A_21 = arith.addi %mul3A_19, %add3A_20 : i32
    "tpu.region"() ({
      %run_scoped3A = tpu.sem_alloc : memref<!tpu.dma_semaphore, #tpu.memory_space<semaphore_mem>>
      %dma_start3A = arith.constant 0 : i32
      %dma_start3A_32 = tpu.memref_slice %arg10[%add3A_21, %dma_start3A] : memref<10112x128xf32, #tpu.memory_space<vmem_shared>> -> memref<128x128xf32, #tpu.memory_space<vmem_shared>>
      %dma_start3A_33 = arith.constant 0 : i32
      %dma_start3A_34 = tpu.memref_slice %arg10[%add3A_21, %dma_start3A_33] : memref<10112x128xf32, #tpu.memory_space<vmem_shared>> -> memref<128x128xf32, #tpu.memory_space<vmem_shared>>
      tpu.enqueue_dma source(%arg8 : memref<128x128xf32, #tpu.memory_space<vmem>>) target(%dma_start3A_34 : memref<128x128xf32, #tpu.memory_space<vmem_shared>>) target_semaphore(%run_scoped3A : memref<!tpu.dma_semaphore, #tpu.memory_space<semaphore_mem>>)
      %dma_wait3A = arith.constant 0 : i32
      %dma_wait3A_35 = tpu.memref_slice %arg10[%add3A_21, %dma_wait3A] : memref<10112x128xf32, #tpu.memory_space<vmem_shared>> -> memref<128x128xf32, #tpu.memory_space<vmem_shared>>
      %dma_wait3A_36 = arith.constant 0 : i32
      %dma_wait3A_37 = tpu.memref_slice %arg10[%add3A_21, %dma_wait3A_36] : memref<10112x128xf32, #tpu.memory_space<vmem_shared>> -> memref<128x128xf32, #tpu.memory_space<vmem_shared>>
      tpu.wait_dma2 semaphore(%run_scoped3A : memref<!tpu.dma_semaphore, #tpu.memory_space<semaphore_mem>>) src(%arg8 : memref<128x128xf32, #tpu.memory_space<vmem>>) dst(%dma_wait3A_37 : memref<128x128xf32, #tpu.memory_space<vmem_shared>>)
      tpu.yield
    }) : () -> ()
    %mul3A_22 = arith.constant 632 : i32
    %mul3A_23 = arith.muli %arg1, %mul3A_22 : i32
    %add3A_24 = arith.constant 512 : i32
    %add3A_25 = arith.addi %mul3A_23, %add3A_24 : i32
    "tpu.region"() ({
      %run_scoped3A = tpu.sem_alloc : memref<!tpu.dma_semaphore, #tpu.memory_space<semaphore_mem>>
      %dma_start3A = arith.constant 0 : i32
      %dma_start3A_32 = arith.constant 0 : i32
      %dma_start3A_33 = tpu.memref_slice %arg8[%dma_start3A, %dma_start3A_32] : memref<128x128xf32, #tpu.memory_space<vmem>> -> memref<120x128xf32, #tpu.memory_space<vmem>>
      %dma_start3A_34 = arith.constant 0 : i32
      %dma_start3A_35 = tpu.memref_slice %arg10[%add3A_25, %dma_start3A_34] : memref<10112x128xf32, #tpu.memory_space<vmem_shared>> -> memref<120x128xf32, #tpu.memory_space<vmem_shared>>
      %dma_start3A_36 = arith.constant 0 : i32
      %dma_start3A_37 = tpu.memref_slice %arg10[%add3A_25, %dma_start3A_36] : memref<10112x128xf32, #tpu.memory_space<vmem_shared>> -> memref<120x128xf32, #tpu.memory_space<vmem_shared>>
      %dma_start3A_38 = arith.constant 0 : i32
      %dma_start3A_39 = arith.constant 0 : i32
      %dma_start3A_40 = tpu.memref_slice %arg8[%dma_start3A_38, %dma_start3A_39] : memref<128x128xf32, #tpu.memory_space<vmem>> -> memref<120x128xf32, #tpu.memory_space<vmem>>
      tpu.enqueue_dma source(%dma_start3A_40 : memref<120x128xf32, #tpu.memory_space<vmem>>) target(%dma_start3A_37 : memref<120x128xf32, #tpu.memory_space<vmem_shared>>) target_semaphore(%run_scoped3A : memref<!tpu.dma_semaphore, #tpu.memory_space<semaphore_mem>>)
      %dma_wait3A = arith.constant 0 : i32
      %dma_wait3A_41 = arith.constant 0 : i32
      %dma_wait3A_42 = tpu.memref_slice %arg8[%dma_wait3A, %dma_wait3A_41] : memref<128x128xf32, #tpu.memory_space<vmem>> -> memref<120x128xf32, #tpu.memory_space<vmem>>
      %dma_wait3A_43 = arith.constant 0 : i32
      %dma_wait3A_44 = tpu.memref_slice %arg10[%add3A_25, %dma_wait3A_43] : memref<10112x128xf32, #tpu.memory_space<vmem_shared>> -> memref<120x128xf32, #tpu.memory_space<vmem_shared>>
      %dma_wait3A_45 = arith.constant 0 : i32
      %dma_wait3A_46 = tpu.memref_slice %arg10[%add3A_25, %dma_wait3A_45] : memref<10112x128xf32, #tpu.memory_space<vmem_shared>> -> memref<120x128xf32, #tpu.memory_space<vmem_shared>>
      %dma_wait3A_47 = arith.constant 0 : i32
      %dma_wait3A_48 = arith.constant 0 : i32
      %dma_wait3A_49 = tpu.memref_slice %arg8[%dma_wait3A_47, %dma_wait3A_48] : memref<128x128xf32, #tpu.memory_space<vmem>> -> memref<120x128xf32, #tpu.memory_space<vmem>>
      tpu.wait_dma2 semaphore(%run_scoped3A : memref<!tpu.dma_semaphore, #tpu.memory_space<semaphore_mem>>) src(%dma_wait3A_49 : memref<120x128xf32, #tpu.memory_space<vmem>>) dst(%dma_wait3A_46 : memref<120x128xf32, #tpu.memory_space<vmem_shared>>)
      tpu.yield
    }) : () -> ()
    %scan3A_26 = arith.constant 0 : i32
    %scan3A_27 = arith.constant 0 : i32
    %scan3A_28 = arith.constant 20 : i32
    %scan3A_29 = arith.addi %scan3A_27, %scan3A_28 : i32
    %scan3A_30 = arith.constant 1 : i32
    scf.for %scan3A_32 = %scan3A_27 to %scan3A_29 step %scan3A_30  : i32 {
      %barrier3A = arith.constant 0 : index
      tpu.barrier barrier_id(%barrier3A)
      "tpu.region"() ({
        %run_scoped3A = tpu.sem_alloc : memref<!tpu.dma_semaphore, #tpu.memory_space<semaphore_mem>>
        %dma_start3A_103 = arith.constant 0 : i32
        %dma_start3A_104 = arith.constant 0 : i32
        %dma_start3A_105 = tpu.memref_slice %arg3[%scan3A_32, %add3A, %dma_start3A_103, %dma_start3A_104] : memref<20x32x80x128xi32, #tpu.memory_space<hbm>> -> memref<1x1x40x128xi32, #tpu.memory_space<hbm>>
        %dma_start3A_106 = tpu.memref_squeeze %dma_start3A_105 : memref<1x1x40x128xi32, #tpu.memory_space<hbm>> -> memref<40x128xi32, #tpu.memory_space<hbm>>
        %dma_start3A_107 = arith.constant 0 : i32
        %dma_start3A_108 = arith.constant 0 : i32
        %dma_start3A_109 = tpu.memref_slice %arg3[%scan3A_32, %add3A, %dma_start3A_107, %dma_start3A_108] : memref<20x32x80x128xi32, #tpu.memory_space<hbm>> -> memref<1x1x40x128xi32, #tpu.memory_space<hbm>>
        %dma_start3A_110 = tpu.memref_squeeze %dma_start3A_109 : memref<1x1x40x128xi32, #tpu.memory_space<hbm>> -> memref<40x128xi32, #tpu.memory_space<hbm>>
        tpu.enqueue_dma source(%dma_start3A_110 : memref<40x128xi32, #tpu.memory_space<hbm>>) target(%arg6 : memref<40x128xi32, #tpu.memory_space<vmem>>) target_semaphore(%run_scoped3A : memref<!tpu.dma_semaphore, #tpu.memory_space<semaphore_mem>>)
        %dma_wait3A = arith.constant 0 : i32
        %dma_wait3A_111 = arith.constant 0 : i32
        %dma_wait3A_112 = tpu.memref_slice %arg3[%scan3A_32, %add3A, %dma_wait3A, %dma_wait3A_111] : memref<20x32x80x128xi32, #tpu.memory_space<hbm>> -> memref<1x1x40x128xi32, #tpu.memory_space<hbm>>
        %dma_wait3A_113 = tpu.memref_squeeze %dma_wait3A_112 : memref<1x1x40x128xi32, #tpu.memory_space<hbm>> -> memref<40x128xi32, #tpu.memory_space<hbm>>
        %dma_wait3A_114 = arith.constant 0 : i32
        %dma_wait3A_115 = arith.constant 0 : i32
        %dma_wait3A_116 = tpu.memref_slice %arg3[%scan3A_32, %add3A, %dma_wait3A_114, %dma_wait3A_115] : memref<20x32x80x128xi32, #tpu.memory_space<hbm>> -> memref<1x1x40x128xi32, #tpu.memory_space<hbm>>
        %dma_wait3A_117 = tpu.memref_squeeze %dma_wait3A_116 : memref<1x1x40x128xi32, #tpu.memory_space<hbm>> -> memref<40x128xi32, #tpu.memory_space<hbm>>
        tpu.wait_dma2 semaphore(%run_scoped3A : memref<!tpu.dma_semaphore, #tpu.memory_space<semaphore_mem>>) src(%dma_wait3A_117 : memref<40x128xi32, #tpu.memory_space<hbm>>) dst(%arg6 : memref<40x128xi32, #tpu.memory_space<vmem>>)
        tpu.yield
      }) : () -> ()
      "tpu.region"() ({
        %run_scoped3A = tpu.sem_alloc : memref<!tpu.dma_semaphore, #tpu.memory_space<semaphore_mem>>
        %dma_start3A_103 = arith.constant 0 : i32
        %dma_start3A_104 = arith.constant 0 : i32
        %dma_start3A_105 = tpu.memref_slice %arg4[%add3A, %dma_start3A_103, %dma_start3A_104] : memref<32x80x128xi32, #tpu.memory_space<hbm>> -> memref<1x40x128xi32, #tpu.memory_space<hbm>>
        %dma_start3A_106 = tpu.memref_squeeze %dma_start3A_105 : memref<1x40x128xi32, #tpu.memory_space<hbm>> -> memref<40x128xi32, #tpu.memory_space<hbm>>
        %dma_start3A_107 = arith.constant 0 : i32
        %dma_start3A_108 = arith.constant 0 : i32
        %dma_start3A_109 = tpu.memref_slice %arg4[%add3A, %dma_start3A_107, %dma_start3A_108] : memref<32x80x128xi32, #tpu.memory_space<hbm>> -> memref<1x40x128xi32, #tpu.memory_space<hbm>>
        %dma_start3A_110 = tpu.memref_squeeze %dma_start3A_109 : memref<1x40x128xi32, #tpu.memory_space<hbm>> -> memref<40x128xi32, #tpu.memory_space<hbm>>
        tpu.enqueue_dma source(%dma_start3A_110 : memref<40x128xi32, #tpu.memory_space<hbm>>) target(%arg7 : memref<40x128xi32, #tpu.memory_space<vmem>>) target_semaphore(%run_scoped3A : memref<!tpu.dma_semaphore, #tpu.memory_space<semaphore_mem>>)
        %dma_wait3A = arith.constant 0 : i32
        %dma_wait3A_111 = arith.constant 0 : i32
        %dma_wait3A_112 = tpu.memref_slice %arg4[%add3A, %dma_wait3A, %dma_wait3A_111] : memref<32x80x128xi32, #tpu.memory_space<hbm>> -> memref<1x40x128xi32, #tpu.memory_space<hbm>>
        %dma_wait3A_113 = tpu.memref_squeeze %dma_wait3A_112 : memref<1x40x128xi32, #tpu.memory_space<hbm>> -> memref<40x128xi32, #tpu.memory_space<hbm>>
        %dma_wait3A_114 = arith.constant 0 : i32
        %dma_wait3A_115 = arith.constant 0 : i32
        %dma_wait3A_116 = tpu.memref_slice %arg4[%add3A, %dma_wait3A_114, %dma_wait3A_115] : memref<32x80x128xi32, #tpu.memory_space<hbm>> -> memref<1x40x128xi32, #tpu.memory_space<hbm>>
        %dma_wait3A_117 = tpu.memref_squeeze %dma_wait3A_116 : memref<1x40x128xi32, #tpu.memory_space<hbm>> -> memref<40x128xi32, #tpu.memory_space<hbm>>
        tpu.wait_dma2 semaphore(%run_scoped3A : memref<!tpu.dma_semaphore, #tpu.memory_space<semaphore_mem>>) src(%dma_wait3A_117 : memref<40x128xi32, #tpu.memory_space<hbm>>) dst(%arg7 : memref<40x128xi32, #tpu.memory_space<vmem>>)
        tpu.yield
      }) : () -> ()
      %dma_start3A = arith.constant 0 : i32
      %dma_start3A_33 = arith.constant 0 : i32
      %dma_start3A_34 = tpu.memref_slice %arg6[%dma_start3A, %dma_start3A_33] : memref<40x128xi32, #tpu.memory_space<vmem>> -> memref<1x128xi32, #tpu.memory_space<vmem>>
      %dma_start3A_35 = tpu.memref_squeeze %dma_start3A_34 : memref<1x128xi32, #tpu.memory_space<vmem>> -> memref<128xi32, #tpu.memory_space<vmem>>
      %dma_start3A_36 = arith.constant 0 : i32
      %dma_start3A_37 = arith.constant 0 : i32
      %dma_start3A_38 = tpu.memref_slice %arg2[%dma_start3A_36, %dma_start3A_37] : memref<200000x128xf32, #tpu.memory_space<hbm>> -> memref<200000x128xf32, #tpu.memory_space<hbm>>
      tpu.enqueue_indirect_dma source(%dma_start3A_38 : memref<200000x128xf32, #tpu.memory_space<hbm>>) target(%arg8 : memref<128x128xf32, #tpu.memory_space<vmem>>) offsets(%dma_start3A_35 : memref<128xi32, #tpu.memory_space<vmem>>) semaphore(%arg11 : memref<!tpu.dma_semaphore, #tpu.memory_space<semaphore_mem>>)
      %dma_start3A_39 = arith.constant 1 : i32
      %dma_start3A_40 = arith.constant 0 : i32
      %dma_start3A_41 = tpu.memref_slice %arg6[%dma_start3A_39, %dma_start3A_40] : memref<40x128xi32, #tpu.memory_space<vmem>> -> memref<1x128xi32, #tpu.memory_space<vmem>>
      %dma_start3A_42 = tpu.memref_squeeze %dma_start3A_41 : memref<1x128xi32, #tpu.memory_space<vmem>> -> memref<128xi32, #tpu.memory_space<vmem>>
      %dma_start3A_43 = arith.constant 0 : i32
      %dma_start3A_44 = arith.constant 0 : i32
      %dma_start3A_45 = tpu.memref_slice %arg2[%dma_start3A_43, %dma_start3A_44] : memref<200000x128xf32, #tpu.memory_space<hbm>> -> memref<200000x128xf32, #tpu.memory_space<hbm>>
      tpu.enqueue_indirect_dma source(%dma_start3A_45 : memref<200000x128xf32, #tpu.memory_space<hbm>>) target(%arg9 : memref<128x128xf32, #tpu.memory_space<vmem>>) offsets(%dma_start3A_42 : memref<128xi32, #tpu.memory_space<vmem>>) semaphore(%arg12 : memref<!tpu.dma_semaphore, #tpu.memory_space<semaphore_mem>>)
      %scan3A_46 = arith.constant 0 : i32
      %scan3A_47 = arith.constant 0 : i32
      %scan3A_48 = arith.constant 20 : i32
      %scan3A_49 = arith.addi %scan3A_47, %scan3A_48 : i32
      %scan3A_50 = arith.constant 1 : i32
      scf.for %scan3A_103 = %scan3A_47 to %scan3A_49 step %scan3A_50  : i32 {
        %mul3A_104 = arith.constant 2 : i32
        %mul3A_105 = arith.muli %mul3A_104, %scan3A_103 : i32
        %add3A_106 = arith.constant 0 : i32
        %add3A_107 = arith.addi %mul3A_105, %add3A_106 : i32
        %dma_wait3A = arith.constant 0 : i32
        %dma_wait3A_108 = arith.constant 0 : i32
        %dma_wait3A_109 = tpu.memref_slice %arg2[%dma_wait3A, %dma_wait3A_108] : memref<200000x128xf32, #tpu.memory_space<hbm>> -> memref<128x128xf32, #tpu.memory_space<hbm>>
        %dma_wait3A_110 = arith.constant 0 : i32
        %dma_wait3A_111 = arith.constant 0 : i32
        %dma_wait3A_112 = tpu.memref_slice %arg2[%dma_wait3A_110, %dma_wait3A_111] : memref<200000x128xf32, #tpu.memory_space<hbm>> -> memref<128x128xf32, #tpu.memory_space<hbm>>
        tpu.wait_dma2 semaphore(%arg11 : memref<!tpu.dma_semaphore, #tpu.memory_space<semaphore_mem>>) src(%dma_wait3A_112 : memref<128x128xf32, #tpu.memory_space<hbm>>) dst(%arg8 : memref<128x128xf32, #tpu.memory_space<vmem>>)
        "tpu.region"() ({
          %run_scoped3A = tpu.sem_alloc : memref<!tpu.dma_semaphore, #tpu.memory_space<semaphore_mem>>
          %dma_start3A_130 = arith.constant 0 : i32
          %dma_start3A_131 = tpu.memref_slice %arg7[%add3A_107, %dma_start3A_130] : memref<40x128xi32, #tpu.memory_space<vmem>> -> memref<1x128xi32, #tpu.memory_space<vmem>>
          %dma_start3A_132 = tpu.memref_squeeze %dma_start3A_131 : memref<1x128xi32, #tpu.memory_space<vmem>> -> memref<128xi32, #tpu.memory_space<vmem>>
          %dma_start3A_133 = arith.constant 0 : i32
          %dma_start3A_134 = arith.constant 0 : i32
          %dma_start3A_135 = tpu.memref_slice %arg10[%dma_start3A_133, %dma_start3A_134] : memref<10112x128xf32, #tpu.memory_space<vmem_shared>> -> memref<10112x128xf32, #tpu.memory_space<vmem_shared>>
          tpu.enqueue_indirect_dma source(%arg8 : memref<128x128xf32, #tpu.memory_space<vmem>>) target(%dma_start3A_135 : memref<10112x128xf32, #tpu.memory_space<vmem_shared>>) offsets(%dma_start3A_132 : memref<128xi32, #tpu.memory_space<vmem>>) semaphore(%run_scoped3A : memref<!tpu.dma_semaphore, #tpu.memory_space<semaphore_mem>>) {add = true}
          %dma_wait3A_136 = arith.constant 0 : i32
          %dma_wait3A_137 = tpu.memref_slice %arg7[%add3A_107, %dma_wait3A_136] : memref<40x128xi32, #tpu.memory_space<vmem>> -> memref<1x128xi32, #tpu.memory_space<vmem>>
          %dma_wait3A_138 = tpu.memref_squeeze %dma_wait3A_137 : memref<1x128xi32, #tpu.memory_space<vmem>> -> memref<128xi32, #tpu.memory_space<vmem>>
          %dma_wait3A_139 = arith.constant 0 : i32
          %dma_wait3A_140 = arith.constant 0 : i32
          %dma_wait3A_141 = tpu.memref_slice %arg10[%dma_wait3A_139, %dma_wait3A_140] : memref<10112x128xf32, #tpu.memory_space<vmem_shared>> -> memref<10112x128xf32, #tpu.memory_space<vmem_shared>>
          tpu.wait_indirect_dma semaphore(%run_scoped3A : memref<!tpu.dma_semaphore, #tpu.memory_space<semaphore_mem>>) src(%arg8 : memref<128x128xf32, #tpu.memory_space<vmem>>) dst(%dma_wait3A_141 : memref<10112x128xf32, #tpu.memory_space<vmem_shared>>)
          tpu.yield
        }) : () -> ()
        %lt3A = arith.constant 19 : i32
        %lt3A_113 = arith.cmpi slt, %scan3A_103, %lt3A : i32
        %convert_element_type3A = arith.extui %lt3A_113 : i1 to i32
        %cond3A = arith.constant 0 : i32
        %cond3A_114 = arith.cmpi ne, %convert_element_type3A, %cond3A : i32
        scf.if %cond3A_114 {
          %add3A_130 = arith.constant 2 : i32
          %add3A_131 = arith.addi %add3A_107, %add3A_130 : i32
          %dma_start3A_132 = arith.constant 0 : i32
          %dma_start3A_133 = tpu.memref_slice %arg6[%add3A_131, %dma_start3A_132] : memref<40x128xi32, #tpu.memory_space<vmem>> -> memref<1x128xi32, #tpu.memory_space<vmem>>
          %dma_start3A_134 = tpu.memref_squeeze %dma_start3A_133 : memref<1x128xi32, #tpu.memory_space<vmem>> -> memref<128xi32, #tpu.memory_space<vmem>>
          %dma_start3A_135 = arith.constant 0 : i32
          %dma_start3A_136 = arith.constant 0 : i32
          %dma_start3A_137 = tpu.memref_slice %arg2[%dma_start3A_135, %dma_start3A_136] : memref<200000x128xf32, #tpu.memory_space<hbm>> -> memref<200000x128xf32, #tpu.memory_space<hbm>>
          tpu.enqueue_indirect_dma source(%dma_start3A_137 : memref<200000x128xf32, #tpu.memory_space<hbm>>) target(%arg8 : memref<128x128xf32, #tpu.memory_space<vmem>>) offsets(%dma_start3A_134 : memref<128xi32, #tpu.memory_space<vmem>>) semaphore(%arg11 : memref<!tpu.dma_semaphore, #tpu.memory_space<semaphore_mem>>)
        } else {
        }
        %mul3A_115 = arith.constant 2 : i32
        %mul3A_116 = arith.muli %mul3A_115, %scan3A_103 : i32
        %add3A_117 = arith.constant 1 : i32
        %add3A_118 = arith.addi %mul3A_116, %add3A_117 : i32
        %dma_wait3A_119 = arith.constant 0 : i32
        %dma_wait3A_120 = arith.constant 0 : i32
        %dma_wait3A_121 = tpu.memref_slice %arg2[%dma_wait3A_119, %dma_wait3A_120] : memref<200000x128xf32, #tpu.memory_space<hbm>> -> memref<128x128xf32, #tpu.memory_space<hbm>>
        %dma_wait3A_122 = arith.constant 0 : i32
        %dma_wait3A_123 = arith.constant 0 : i32
        %dma_wait3A_124 = tpu.memref_slice %arg2[%dma_wait3A_122, %dma_wait3A_123] : memref<200000x128xf32, #tpu.memory_space<hbm>> -> memref<128x128xf32, #tpu.memory_space<hbm>>
        tpu.wait_dma2 semaphore(%arg12 : memref<!tpu.dma_semaphore, #tpu.memory_space<semaphore_mem>>) src(%dma_wait3A_124 : memref<128x128xf32, #tpu.memory_space<hbm>>) dst(%arg9 : memref<128x128xf32, #tpu.memory_space<vmem>>)
        "tpu.region"() ({
          %run_scoped3A = tpu.sem_alloc : memref<!tpu.dma_semaphore, #tpu.memory_space<semaphore_mem>>
          %dma_start3A_130 = arith.constant 0 : i32
          %dma_start3A_131 = tpu.memref_slice %arg7[%add3A_118, %dma_start3A_130] : memref<40x128xi32, #tpu.memory_space<vmem>> -> memref<1x128xi32, #tpu.memory_space<vmem>>
          %dma_start3A_132 = tpu.memref_squeeze %dma_start3A_131 : memref<1x128xi32, #tpu.memory_space<vmem>> -> memref<128xi32, #tpu.memory_space<vmem>>
          %dma_start3A_133 = arith.constant 0 : i32
          %dma_start3A_134 = arith.constant 0 : i32
          %dma_start3A_135 = tpu.memref_slice %arg10[%dma_start3A_133, %dma_start3A_134] : memref<10112x128xf32, #tpu.memory_space<vmem_shared>> -> memref<10112x128xf32, #tpu.memory_space<vmem_shared>>
          tpu.enqueue_indirect_dma source(%arg9 : memref<128x128xf32, #tpu.memory_space<vmem>>) target(%dma_start3A_135 : memref<10112x128xf32, #tpu.memory_space<vmem_shared>>) offsets(%dma_start3A_132 : memref<128xi32, #tpu.memory_space<vmem>>) semaphore(%run_scoped3A : memref<!tpu.dma_semaphore, #tpu.memory_space<semaphore_mem>>) {add = true}
          %dma_wait3A_136 = arith.constant 0 : i32
          %dma_wait3A_137 = tpu.memref_slice %arg7[%add3A_118, %dma_wait3A_136] : memref<40x128xi32, #tpu.memory_space<vmem>> -> memref<1x128xi32, #tpu.memory_space<vmem>>
          %dma_wait3A_138 = tpu.memref_squeeze %dma_wait3A_137 : memref<1x128xi32, #tpu.memory_space<vmem>> -> memref<128xi32, #tpu.memory_space<vmem>>
          %dma_wait3A_139 = arith.constant 0 : i32
          %dma_wait3A_140 = arith.constant 0 : i32
          %dma_wait3A_141 = tpu.memref_slice %arg10[%dma_wait3A_139, %dma_wait3A_140] : memref<10112x128xf32, #tpu.memory_space<vmem_shared>> -> memref<10112x128xf32, #tpu.memory_space<vmem_shared>>
          tpu.wait_indirect_dma semaphore(%run_scoped3A : memref<!tpu.dma_semaphore, #tpu.memory_space<semaphore_mem>>) src(%arg9 : memref<128x128xf32, #tpu.memory_space<vmem>>) dst(%dma_wait3A_141 : memref<10112x128xf32, #tpu.memory_space<vmem_shared>>)
          tpu.yield
        }) : () -> ()
        %lt3A_125 = arith.constant 19 : i32
        %lt3A_126 = arith.cmpi slt, %scan3A_103, %lt3A_125 : i32
        %convert_element_type3A_127 = arith.extui %lt3A_126 : i1 to i32
        %cond3A_128 = arith.constant 0 : i32
        %cond3A_129 = arith.cmpi ne, %convert_element_type3A_127, %cond3A_128 : i32
        scf.if %cond3A_129 {
          %add3A_130 = arith.constant 2 : i32
          %add3A_131 = arith.addi %add3A_118, %add3A_130 : i32
          %dma_start3A_132 = arith.constant 0 : i32
          %dma_start3A_133 = tpu.memref_slice %arg6[%add3A_131, %dma_start3A_132] : memref<40x128xi32, #tpu.memory_space<vmem>> -> memref<1x128xi32, #tpu.memory_space<vmem>>
          %dma_start3A_134 = tpu.memref_squeeze %dma_start3A_133 : memref<1x128xi32, #tpu.memory_space<vmem>> -> memref<128xi32, #tpu.memory_space<vmem>>
          %dma_start3A_135 = arith.constant 0 : i32
          %dma_start3A_136 = arith.constant 0 : i32
          %dma_start3A_137 = tpu.memref_slice %arg2[%dma_start3A_135, %dma_start3A_136] : memref<200000x128xf32, #tpu.memory_space<hbm>> -> memref<200000x128xf32, #tpu.memory_space<hbm>>
          tpu.enqueue_indirect_dma source(%dma_start3A_137 : memref<200000x128xf32, #tpu.memory_space<hbm>>) target(%arg9 : memref<128x128xf32, #tpu.memory_space<vmem>>) offsets(%dma_start3A_134 : memref<128xi32, #tpu.memory_space<vmem>>) semaphore(%arg12 : memref<!tpu.dma_semaphore, #tpu.memory_space<semaphore_mem>>)
        } else {
        }
      }
      %scan3A_51 = arith.constant 20 : i32
      "tpu.region"() ({
        %run_scoped3A = tpu.sem_alloc : memref<!tpu.dma_semaphore, #tpu.memory_space<semaphore_mem>>
        %dma_start3A_103 = arith.constant 40 : i32
        %dma_start3A_104 = arith.constant 0 : i32
        %dma_start3A_105 = tpu.memref_slice %arg3[%scan3A_32, %add3A, %dma_start3A_103, %dma_start3A_104] : memref<20x32x80x128xi32, #tpu.memory_space<hbm>> -> memref<1x1x40x128xi32, #tpu.memory_space<hbm>>
        %dma_start3A_106 = tpu.memref_squeeze %dma_start3A_105 : memref<1x1x40x128xi32, #tpu.memory_space<hbm>> -> memref<40x128xi32, #tpu.memory_space<hbm>>
        %dma_start3A_107 = arith.constant 40 : i32
        %dma_start3A_108 = arith.constant 0 : i32
        %dma_start3A_109 = tpu.memref_slice %arg3[%scan3A_32, %add3A, %dma_start3A_107, %dma_start3A_108] : memref<20x32x80x128xi32, #tpu.memory_space<hbm>> -> memref<1x1x40x128xi32, #tpu.memory_space<hbm>>
        %dma_start3A_110 = tpu.memref_squeeze %dma_start3A_109 : memref<1x1x40x128xi32, #tpu.memory_space<hbm>> -> memref<40x128xi32, #tpu.memory_space<hbm>>
        tpu.enqueue_dma source(%dma_start3A_110 : memref<40x128xi32, #tpu.memory_space<hbm>>) target(%arg6 : memref<40x128xi32, #tpu.memory_space<vmem>>) target_semaphore(%run_scoped3A : memref<!tpu.dma_semaphore, #tpu.memory_space<semaphore_mem>>)
        %dma_wait3A = arith.constant 40 : i32
        %dma_wait3A_111 = arith.constant 0 : i32
        %dma_wait3A_112 = tpu.memref_slice %arg3[%scan3A_32, %add3A, %dma_wait3A, %dma_wait3A_111] : memref<20x32x80x128xi32, #tpu.memory_space<hbm>> -> memref<1x1x40x128xi32, #tpu.memory_space<hbm>>
        %dma_wait3A_113 = tpu.memref_squeeze %dma_wait3A_112 : memref<1x1x40x128xi32, #tpu.memory_space<hbm>> -> memref<40x128xi32, #tpu.memory_space<hbm>>
        %dma_wait3A_114 = arith.constant 40 : i32
        %dma_wait3A_115 = arith.constant 0 : i32
        %dma_wait3A_116 = tpu.memref_slice %arg3[%scan3A_32, %add3A, %dma_wait3A_114, %dma_wait3A_115] : memref<20x32x80x128xi32, #tpu.memory_space<hbm>> -> memref<1x1x40x128xi32, #tpu.memory_space<hbm>>
        %dma_wait3A_117 = tpu.memref_squeeze %dma_wait3A_116 : memref<1x1x40x128xi32, #tpu.memory_space<hbm>> -> memref<40x128xi32, #tpu.memory_space<hbm>>
        tpu.wait_dma2 semaphore(%run_scoped3A : memref<!tpu.dma_semaphore, #tpu.memory_space<semaphore_mem>>) src(%dma_wait3A_117 : memref<40x128xi32, #tpu.memory_space<hbm>>) dst(%arg6 : memref<40x128xi32, #tpu.memory_space<vmem>>)
        tpu.yield
      }) : () -> ()
      "tpu.region"() ({
        %run_scoped3A = tpu.sem_alloc : memref<!tpu.dma_semaphore, #tpu.memory_space<semaphore_mem>>
        %dma_start3A_103 = arith.constant 40 : i32
        %dma_start3A_104 = arith.constant 0 : i32
        %dma_start3A_105 = tpu.memref_slice %arg4[%add3A, %dma_start3A_103, %dma_start3A_104] : memref<32x80x128xi32, #tpu.memory_space<hbm>> -> memref<1x40x128xi32, #tpu.memory_space<hbm>>
        %dma_start3A_106 = tpu.memref_squeeze %dma_start3A_105 : memref<1x40x128xi32, #tpu.memory_space<hbm>> -> memref<40x128xi32, #tpu.memory_space<hbm>>
        %dma_start3A_107 = arith.constant 40 : i32
        %dma_start3A_108 = arith.constant 0 : i32
        %dma_start3A_109 = tpu.memref_slice %arg4[%add3A, %dma_start3A_107, %dma_start3A_108] : memref<32x80x128xi32, #tpu.memory_space<hbm>> -> memref<1x40x128xi32, #tpu.memory_space<hbm>>
        %dma_start3A_110 = tpu.memref_squeeze %dma_start3A_109 : memref<1x40x128xi32, #tpu.memory_space<hbm>> -> memref<40x128xi32, #tpu.memory_space<hbm>>
        tpu.enqueue_dma source(%dma_start3A_110 : memref<40x128xi32, #tpu.memory_space<hbm>>) target(%arg7 : memref<40x128xi32, #tpu.memory_space<vmem>>) target_semaphore(%run_scoped3A : memref<!tpu.dma_semaphore, #tpu.memory_space<semaphore_mem>>)
        %dma_wait3A = arith.constant 40 : i32
        %dma_wait3A_111 = arith.constant 0 : i32
        %dma_wait3A_112 = tpu.memref_slice %arg4[%add3A, %dma_wait3A, %dma_wait3A_111] : memref<32x80x128xi32, #tpu.memory_space<hbm>> -> memref<1x40x128xi32, #tpu.memory_space<hbm>>
        %dma_wait3A_113 = tpu.memref_squeeze %dma_wait3A_112 : memref<1x40x128xi32, #tpu.memory_space<hbm>> -> memref<40x128xi32, #tpu.memory_space<hbm>>
        %dma_wait3A_114 = arith.constant 40 : i32
        %dma_wait3A_115 = arith.constant 0 : i32
        %dma_wait3A_116 = tpu.memref_slice %arg4[%add3A, %dma_wait3A_114, %dma_wait3A_115] : memref<32x80x128xi32, #tpu.memory_space<hbm>> -> memref<1x40x128xi32, #tpu.memory_space<hbm>>
        %dma_wait3A_117 = tpu.memref_squeeze %dma_wait3A_116 : memref<1x40x128xi32, #tpu.memory_space<hbm>> -> memref<40x128xi32, #tpu.memory_space<hbm>>
        tpu.wait_dma2 semaphore(%run_scoped3A : memref<!tpu.dma_semaphore, #tpu.memory_space<semaphore_mem>>) src(%dma_wait3A_117 : memref<40x128xi32, #tpu.memory_space<hbm>>) dst(%arg7 : memref<40x128xi32, #tpu.memory_space<vmem>>)
        tpu.yield
      }) : () -> ()
      %dma_start3A_52 = arith.constant 0 : i32
      %dma_start3A_53 = arith.constant 0 : i32
      %dma_start3A_54 = tpu.memref_slice %arg6[%dma_start3A_52, %dma_start3A_53] : memref<40x128xi32, #tpu.memory_space<vmem>> -> memref<1x128xi32, #tpu.memory_space<vmem>>
      %dma_start3A_55 = tpu.memref_squeeze %dma_start3A_54 : memref<1x128xi32, #tpu.memory_space<vmem>> -> memref<128xi32, #tpu.memory_space<vmem>>
      %dma_start3A_56 = arith.constant 0 : i32
      %dma_start3A_57 = arith.constant 0 : i32
      %dma_start3A_58 = tpu.memref_slice %arg2[%dma_start3A_56, %dma_start3A_57] : memref<200000x128xf32, #tpu.memory_space<hbm>> -> memref<200000x128xf32, #tpu.memory_space<hbm>>
      tpu.enqueue_indirect_dma source(%dma_start3A_58 : memref<200000x128xf32, #tpu.memory_space<hbm>>) target(%arg8 : memref<128x128xf32, #tpu.memory_space<vmem>>) offsets(%dma_start3A_55 : memref<128xi32, #tpu.memory_space<vmem>>) semaphore(%arg11 : memref<!tpu.dma_semaphore, #tpu.memory_space<semaphore_mem>>)
      %dma_start3A_59 = arith.constant 1 : i32
      %dma_start3A_60 = arith.constant 0 : i32
      %dma_start3A_61 = tpu.memref_slice %arg6[%dma_start3A_59, %dma_start3A_60] : memref<40x128xi32, #tpu.memory_space<vmem>> -> memref<1x128xi32, #tpu.memory_space<vmem>>
      %dma_start3A_62 = tpu.memref_squeeze %dma_start3A_61 : memref<1x128xi32, #tpu.memory_space<vmem>> -> memref<128xi32, #tpu.memory_space<vmem>>
      %dma_start3A_63 = arith.constant 0 : i32
      %dma_start3A_64 = arith.constant 0 : i32
      %dma_start3A_65 = tpu.memref_slice %arg2[%dma_start3A_63, %dma_start3A_64] : memref<200000x128xf32, #tpu.memory_space<hbm>> -> memref<200000x128xf32, #tpu.memory_space<hbm>>
      tpu.enqueue_indirect_dma source(%dma_start3A_65 : memref<200000x128xf32, #tpu.memory_space<hbm>>) target(%arg9 : memref<128x128xf32, #tpu.memory_space<vmem>>) offsets(%dma_start3A_62 : memref<128xi32, #tpu.memory_space<vmem>>) semaphore(%arg12 : memref<!tpu.dma_semaphore, #tpu.memory_space<semaphore_mem>>)
      %scan3A_66 = arith.constant 0 : i32
      %scan3A_67 = arith.constant 0 : i32
      %scan3A_68 = arith.constant 20 : i32
      %scan3A_69 = arith.addi %scan3A_67, %scan3A_68 : i32
      %scan3A_70 = arith.constant 1 : i32
      scf.for %scan3A_103 = %scan3A_67 to %scan3A_69 step %scan3A_70  : i32 {
        %mul3A_104 = arith.constant 2 : i32
        %mul3A_105 = arith.muli %mul3A_104, %scan3A_103 : i32
        %add3A_106 = arith.constant 0 : i32
        %add3A_107 = arith.addi %mul3A_105, %add3A_106 : i32
        %dma_wait3A = arith.constant 0 : i32
        %dma_wait3A_108 = arith.constant 0 : i32
        %dma_wait3A_109 = tpu.memref_slice %arg2[%dma_wait3A, %dma_wait3A_108] : memref<200000x128xf32, #tpu.memory_space<hbm>> -> memref<128x128xf32, #tpu.memory_space<hbm>>
        %dma_wait3A_110 = arith.constant 0 : i32
        %dma_wait3A_111 = arith.constant 0 : i32
        %dma_wait3A_112 = tpu.memref_slice %arg2[%dma_wait3A_110, %dma_wait3A_111] : memref<200000x128xf32, #tpu.memory_space<hbm>> -> memref<128x128xf32, #tpu.memory_space<hbm>>
        tpu.wait_dma2 semaphore(%arg11 : memref<!tpu.dma_semaphore, #tpu.memory_space<semaphore_mem>>) src(%dma_wait3A_112 : memref<128x128xf32, #tpu.memory_space<hbm>>) dst(%arg8 : memref<128x128xf32, #tpu.memory_space<vmem>>)
        "tpu.region"() ({
          %run_scoped3A = tpu.sem_alloc : memref<!tpu.dma_semaphore, #tpu.memory_space<semaphore_mem>>
          %dma_start3A_130 = arith.constant 0 : i32
          %dma_start3A_131 = tpu.memref_slice %arg7[%add3A_107, %dma_start3A_130] : memref<40x128xi32, #tpu.memory_space<vmem>> -> memref<1x128xi32, #tpu.memory_space<vmem>>
          %dma_start3A_132 = tpu.memref_squeeze %dma_start3A_131 : memref<1x128xi32, #tpu.memory_space<vmem>> -> memref<128xi32, #tpu.memory_space<vmem>>
          %dma_start3A_133 = arith.constant 0 : i32
          %dma_start3A_134 = arith.constant 0 : i32
          %dma_start3A_135 = tpu.memref_slice %arg10[%dma_start3A_133, %dma_start3A_134] : memref<10112x128xf32, #tpu.memory_space<vmem_shared>> -> memref<10112x128xf32, #tpu.memory_space<vmem_shared>>
          tpu.enqueue_indirect_dma source(%arg8 : memref<128x128xf32, #tpu.memory_space<vmem>>) target(%dma_start3A_135 : memref<10112x128xf32, #tpu.memory_space<vmem_shared>>) offsets(%dma_start3A_132 : memref<128xi32, #tpu.memory_space<vmem>>) semaphore(%run_scoped3A : memref<!tpu.dma_semaphore, #tpu.memory_space<semaphore_mem>>) {add = true}
          %dma_wait3A_136 = arith.constant 0 : i32
          %dma_wait3A_137 = tpu.memref_slice %arg7[%add3A_107, %dma_wait3A_136] : memref<40x128xi32, #tpu.memory_space<vmem>> -> memref<1x128xi32, #tpu.memory_space<vmem>>
          %dma_wait3A_138 = tpu.memref_squeeze %dma_wait3A_137 : memref<1x128xi32, #tpu.memory_space<vmem>> -> memref<128xi32, #tpu.memory_space<vmem>>
          %dma_wait3A_139 = arith.constant 0 : i32
          %dma_wait3A_140 = arith.constant 0 : i32
          %dma_wait3A_141 = tpu.memref_slice %arg10[%dma_wait3A_139, %dma_wait3A_140] : memref<10112x128xf32, #tpu.memory_space<vmem_shared>> -> memref<10112x128xf32, #tpu.memory_space<vmem_shared>>
          tpu.wait_indirect_dma semaphore(%run_scoped3A : memref<!tpu.dma_semaphore, #tpu.memory_space<semaphore_mem>>) src(%arg8 : memref<128x128xf32, #tpu.memory_space<vmem>>) dst(%dma_wait3A_141 : memref<10112x128xf32, #tpu.memory_space<vmem_shared>>)
          tpu.yield
        }) : () -> ()
        %lt3A = arith.constant 19 : i32
        %lt3A_113 = arith.cmpi slt, %scan3A_103, %lt3A : i32
        %convert_element_type3A = arith.extui %lt3A_113 : i1 to i32
        %cond3A = arith.constant 0 : i32
        %cond3A_114 = arith.cmpi ne, %convert_element_type3A, %cond3A : i32
        scf.if %cond3A_114 {
          %add3A_130 = arith.constant 2 : i32
          %add3A_131 = arith.addi %add3A_107, %add3A_130 : i32
          %dma_start3A_132 = arith.constant 0 : i32
          %dma_start3A_133 = tpu.memref_slice %arg6[%add3A_131, %dma_start3A_132] : memref<40x128xi32, #tpu.memory_space<vmem>> -> memref<1x128xi32, #tpu.memory_space<vmem>>
          %dma_start3A_134 = tpu.memref_squeeze %dma_start3A_133 : memref<1x128xi32, #tpu.memory_space<vmem>> -> memref<128xi32, #tpu.memory_space<vmem>>
          %dma_start3A_135 = arith.constant 0 : i32
          %dma_start3A_136 = arith.constant 0 : i32
          %dma_start3A_137 = tpu.memref_slice %arg2[%dma_start3A_135, %dma_start3A_136] : memref<200000x128xf32, #tpu.memory_space<hbm>> -> memref<200000x128xf32, #tpu.memory_space<hbm>>
          tpu.enqueue_indirect_dma source(%dma_start3A_137 : memref<200000x128xf32, #tpu.memory_space<hbm>>) target(%arg8 : memref<128x128xf32, #tpu.memory_space<vmem>>) offsets(%dma_start3A_134 : memref<128xi32, #tpu.memory_space<vmem>>) semaphore(%arg11 : memref<!tpu.dma_semaphore, #tpu.memory_space<semaphore_mem>>)
        } else {
        }
        %mul3A_115 = arith.constant 2 : i32
        %mul3A_116 = arith.muli %mul3A_115, %scan3A_103 : i32
        %add3A_117 = arith.constant 1 : i32
        %add3A_118 = arith.addi %mul3A_116, %add3A_117 : i32
        %dma_wait3A_119 = arith.constant 0 : i32
        %dma_wait3A_120 = arith.constant 0 : i32
        %dma_wait3A_121 = tpu.memref_slice %arg2[%dma_wait3A_119, %dma_wait3A_120] : memref<200000x128xf32, #tpu.memory_space<hbm>> -> memref<128x128xf32, #tpu.memory_space<hbm>>
        %dma_wait3A_122 = arith.constant 0 : i32
        %dma_wait3A_123 = arith.constant 0 : i32
        %dma_wait3A_124 = tpu.memref_slice %arg2[%dma_wait3A_122, %dma_wait3A_123] : memref<200000x128xf32, #tpu.memory_space<hbm>> -> memref<128x128xf32, #tpu.memory_space<hbm>>
        tpu.wait_dma2 semaphore(%arg12 : memref<!tpu.dma_semaphore, #tpu.memory_space<semaphore_mem>>) src(%dma_wait3A_124 : memref<128x128xf32, #tpu.memory_space<hbm>>) dst(%arg9 : memref<128x128xf32, #tpu.memory_space<vmem>>)
        "tpu.region"() ({
          %run_scoped3A = tpu.sem_alloc : memref<!tpu.dma_semaphore, #tpu.memory_space<semaphore_mem>>
          %dma_start3A_130 = arith.constant 0 : i32
          %dma_start3A_131 = tpu.memref_slice %arg7[%add3A_118, %dma_start3A_130] : memref<40x128xi32, #tpu.memory_space<vmem>> -> memref<1x128xi32, #tpu.memory_space<vmem>>
          %dma_start3A_132 = tpu.memref_squeeze %dma_start3A_131 : memref<1x128xi32, #tpu.memory_space<vmem>> -> memref<128xi32, #tpu.memory_space<vmem>>
          %dma_start3A_133 = arith.constant 0 : i32
          %dma_start3A_134 = arith.constant 0 : i32
          %dma_start3A_135 = tpu.memref_slice %arg10[%dma_start3A_133, %dma_start3A_134] : memref<10112x128xf32, #tpu.memory_space<vmem_shared>> -> memref<10112x128xf32, #tpu.memory_space<vmem_shared>>
          tpu.enqueue_indirect_dma source(%arg9 : memref<128x128xf32, #tpu.memory_space<vmem>>) target(%dma_start3A_135 : memref<10112x128xf32, #tpu.memory_space<vmem_shared>>) offsets(%dma_start3A_132 : memref<128xi32, #tpu.memory_space<vmem>>) semaphore(%run_scoped3A : memref<!tpu.dma_semaphore, #tpu.memory_space<semaphore_mem>>) {add = true}
          %dma_wait3A_136 = arith.constant 0 : i32
          %dma_wait3A_137 = tpu.memref_slice %arg7[%add3A_118, %dma_wait3A_136] : memref<40x128xi32, #tpu.memory_space<vmem>> -> memref<1x128xi32, #tpu.memory_space<vmem>>
          %dma_wait3A_138 = tpu.memref_squeeze %dma_wait3A_137 : memref<1x128xi32, #tpu.memory_space<vmem>> -> memref<128xi32, #tpu.memory_space<vmem>>
          %dma_wait3A_139 = arith.constant 0 : i32
          %dma_wait3A_140 = arith.constant 0 : i32
          %dma_wait3A_141 = tpu.memref_slice %arg10[%dma_wait3A_139, %dma_wait3A_140] : memref<10112x128xf32, #tpu.memory_space<vmem_shared>> -> memref<10112x128xf32, #tpu.memory_space<vmem_shared>>
          tpu.wait_indirect_dma semaphore(%run_scoped3A : memref<!tpu.dma_semaphore, #tpu.memory_space<semaphore_mem>>) src(%arg9 : memref<128x128xf32, #tpu.memory_space<vmem>>) dst(%dma_wait3A_141 : memref<10112x128xf32, #tpu.memory_space<vmem_shared>>)
          tpu.yield
        }) : () -> ()
        %lt3A_125 = arith.constant 19 : i32
        %lt3A_126 = arith.cmpi slt, %scan3A_103, %lt3A_125 : i32
        %convert_element_type3A_127 = arith.extui %lt3A_126 : i1 to i32
        %cond3A_128 = arith.constant 0 : i32
        %cond3A_129 = arith.cmpi ne, %convert_element_type3A_127, %cond3A_128 : i32
        scf.if %cond3A_129 {
          %add3A_130 = arith.constant 2 : i32
          %add3A_131 = arith.addi %add3A_118, %add3A_130 : i32
          %dma_start3A_132 = arith.constant 0 : i32
          %dma_start3A_133 = tpu.memref_slice %arg6[%add3A_131, %dma_start3A_132] : memref<40x128xi32, #tpu.memory_space<vmem>> -> memref<1x128xi32, #tpu.memory_space<vmem>>
          %dma_start3A_134 = tpu.memref_squeeze %dma_start3A_133 : memref<1x128xi32, #tpu.memory_space<vmem>> -> memref<128xi32, #tpu.memory_space<vmem>>
          %dma_start3A_135 = arith.constant 0 : i32
          %dma_start3A_136 = arith.constant 0 : i32
          %dma_start3A_137 = tpu.memref_slice %arg2[%dma_start3A_135, %dma_start3A_136] : memref<200000x128xf32, #tpu.memory_space<hbm>> -> memref<200000x128xf32, #tpu.memory_space<hbm>>
          tpu.enqueue_indirect_dma source(%dma_start3A_137 : memref<200000x128xf32, #tpu.memory_space<hbm>>) target(%arg9 : memref<128x128xf32, #tpu.memory_space<vmem>>) offsets(%dma_start3A_134 : memref<128xi32, #tpu.memory_space<vmem>>) semaphore(%arg12 : memref<!tpu.dma_semaphore, #tpu.memory_space<semaphore_mem>>)
        } else {
        }
      }
      %scan3A_71 = arith.constant 20 : i32
      %barrier3A_72 = arith.constant 0 : index
      tpu.barrier barrier_id(%barrier3A_72)
      %mul3A_73 = arith.constant 632 : i32
      %mul3A_74 = arith.muli %arg1, %mul3A_73 : i32
      %mul3A_75 = arith.constant 632 : i32
      %mul3A_76 = arith.muli %arg1, %mul3A_75 : i32
      "tpu.region"() ({
        %run_scoped3A = tpu.sem_alloc : memref<!tpu.dma_semaphore, #tpu.memory_space<semaphore_mem>>
        %dma_start3A_103 = arith.constant 0 : i32
        %dma_start3A_104 = tpu.memref_slice %arg5[%arg0, %scan3A_32, %mul3A_76, %dma_start3A_103] : memref<2x20x10112x128xf32, #tpu.memory_space<hbm>> -> memref<1x1x632x128xf32, #tpu.memory_space<hbm>>
        %dma_start3A_105 = tpu.memref_squeeze %dma_start3A_104 : memref<1x1x632x128xf32, #tpu.memory_space<hbm>> -> memref<632x128xf32, #tpu.memory_space<hbm>>
        %dma_start3A_106 = arith.constant 0 : i32
        %dma_start3A_107 = tpu.memref_slice %arg10[%mul3A_74, %dma_start3A_106] : memref<10112x128xf32, #tpu.memory_space<vmem_shared>> -> memref<632x128xf32, #tpu.memory_space<vmem_shared>>
        tpu.enqueue_dma source(%dma_start3A_107 : memref<632x128xf32, #tpu.memory_space<vmem_shared>>) target(%dma_start3A_105 : memref<632x128xf32, #tpu.memory_space<hbm>>) target_semaphore(%run_scoped3A : memref<!tpu.dma_semaphore, #tpu.memory_space<semaphore_mem>>)
        %dma_wait3A = arith.constant 0 : i32
        %dma_wait3A_108 = tpu.memref_slice %arg5[%arg0, %scan3A_32, %mul3A_76, %dma_wait3A] : memref<2x20x10112x128xf32, #tpu.memory_space<hbm>> -> memref<1x1x632x128xf32, #tpu.memory_space<hbm>>
        %dma_wait3A_109 = tpu.memref_squeeze %dma_wait3A_108 : memref<1x1x632x128xf32, #tpu.memory_space<hbm>> -> memref<632x128xf32, #tpu.memory_space<hbm>>
        %dma_wait3A_110 = arith.constant 0 : i32
        %dma_wait3A_111 = tpu.memref_slice %arg10[%mul3A_74, %dma_wait3A_110] : memref<10112x128xf32, #tpu.memory_space<vmem_shared>> -> memref<632x128xf32, #tpu.memory_space<vmem_shared>>
        tpu.wait_dma2 semaphore(%run_scoped3A : memref<!tpu.dma_semaphore, #tpu.memory_space<semaphore_mem>>) src(%dma_wait3A_111 : memref<632x128xf32, #tpu.memory_space<vmem_shared>>) dst(%dma_wait3A_109 : memref<632x128xf32, #tpu.memory_space<hbm>>)
        tpu.yield
      }) : () -> ()
      %scan3A_77 = arith.constant 0 : i32
      %scan3A_78 = arith.constant 0 : i32
      %scan3A_79 = arith.constant 128 : i32
      %scan3A_80 = arith.addi %scan3A_78, %scan3A_79 : i32
      %scan3A_81 = arith.constant 1 : i32
      scf.for %scan3A_103 = %scan3A_78 to %scan3A_80 step %scan3A_81  : i32 {
        %scan3A_104 = arith.constant 0 : i32
        %scan3A_105 = arith.constant 8 : i32
        %scan3A_106 = arith.addi %scan3A_104, %scan3A_105 : i32
        %scan3A_107 = arith.constant 1 : i32
        scf.for %scan3A_109 = %scan3A_104 to %scan3A_106 step %scan3A_107  : i32 {
          %broadcast_in_dim3A = arith.constant 0.000000e+00 : f32
          %broadcast_in_dim3A_110 = vector.broadcast %broadcast_in_dim3A : f32 to vector<16xf32>
          %mul3A_111 = arith.constant 16 : i32
          %mul3A_112 = arith.muli %scan3A_109, %mul3A_111 : i32
          %swap3A = arith.index_cast %scan3A_103 : i32 to index
          %swap3A_113 = arith.index_cast %mul3A_112 : i32 to index
          %swap3A_114 = tpu.vector_load %arg8[%swap3A, %swap3A_113] {strides = array<i32>} : memref<128x128xf32, #tpu.memory_space<vmem>>, vector<1x16xf32>,
          %swap3A_115 = vector.shape_cast %swap3A_114 : vector<1x16xf32> to vector<16xf32>
          %swap3A_116 = vector.shape_cast %broadcast_in_dim3A_110 : vector<16xf32> to vector<1x16xf32>
          tpu.vector_store %arg8[%swap3A, %swap3A_113], %swap3A_116 {strides = array<i32>} : memref<128x128xf32, #tpu.memory_space<vmem>>, vector<1x16xf32>,
        }
        %scan3A_108 = arith.constant 8 : i32
      }
      %scan3A_82 = arith.constant 128 : i32
      %mul3A_83 = arith.constant 632 : i32
      %mul3A_84 = arith.muli %arg1, %mul3A_83 : i32
      %add3A_85 = arith.constant 0 : i32
      %add3A_86 = arith.addi %mul3A_84, %add3A_85 : i32
      "tpu.region"() ({
        %run_scoped3A = tpu.sem_alloc : memref<!tpu.dma_semaphore, #tpu.memory_space<semaphore_mem>>
        %dma_start3A_103 = arith.constant 0 : i32
        %dma_start3A_104 = tpu.memref_slice %arg10[%add3A_86, %dma_start3A_103] : memref<10112x128xf32, #tpu.memory_space<vmem_shared>> -> memref<128x128xf32, #tpu.memory_space<vmem_shared>>
        %dma_start3A_105 = arith.constant 0 : i32
        %dma_start3A_106 = tpu.memref_slice %arg10[%add3A_86, %dma_start3A_105] : memref<10112x128xf32, #tpu.memory_space<vmem_shared>> -> memref<128x128xf32, #tpu.memory_space<vmem_shared>>
        tpu.enqueue_dma source(%arg8 : memref<128x128xf32, #tpu.memory_space<vmem>>) target(%dma_start3A_106 : memref<128x128xf32, #tpu.memory_space<vmem_shared>>) target_semaphore(%run_scoped3A : memref<!tpu.dma_semaphore, #tpu.memory_space<semaphore_mem>>)
        %dma_wait3A = arith.constant 0 : i32
        %dma_wait3A_107 = tpu.memref_slice %arg10[%add3A_86, %dma_wait3A] : memref<10112x128xf32, #tpu.memory_space<vmem_shared>> -> memref<128x128xf32, #tpu.memory_space<vmem_shared>>
        %dma_wait3A_108 = arith.constant 0 : i32
        %dma_wait3A_109 = tpu.memref_slice %arg10[%add3A_86, %dma_wait3A_108] : memref<10112x128xf32, #tpu.memory_space<vmem_shared>> -> memref<128x128xf32, #tpu.memory_space<vmem_shared>>
        tpu.wait_dma2 semaphore(%run_scoped3A : memref<!tpu.dma_semaphore, #tpu.memory_space<semaphore_mem>>) src(%arg8 : memref<128x128xf32, #tpu.memory_space<vmem>>) dst(%dma_wait3A_109 : memref<128x128xf32, #tpu.memory_space<vmem_shared>>)
        tpu.yield
      }) : () -> ()
      %mul3A_87 = arith.constant 632 : i32
      %mul3A_88 = arith.muli %arg1, %mul3A_87 : i32
      %add3A_89 = arith.constant 128 : i32
      %add3A_90 = arith.addi %mul3A_88, %add3A_89 : i32
      "tpu.region"() ({
        %run_scoped3A = tpu.sem_alloc : memref<!tpu.dma_semaphore, #tpu.memory_space<semaphore_mem>>
        %dma_start3A_103 = arith.constant 0 : i32
        %dma_start3A_104 = tpu.memref_slice %arg10[%add3A_90, %dma_start3A_103] : memref<10112x128xf32, #tpu.memory_space<vmem_shared>> -> memref<128x128xf32, #tpu.memory_space<vmem_shared>>
        %dma_start3A_105 = arith.constant 0 : i32
        %dma_start3A_106 = tpu.memref_slice %arg10[%add3A_90, %dma_start3A_105] : memref<10112x128xf32, #tpu.memory_space<vmem_shared>> -> memref<128x128xf32, #tpu.memory_space<vmem_shared>>
        tpu.enqueue_dma source(%arg8 : memref<128x128xf32, #tpu.memory_space<vmem>>) target(%dma_start3A_106 : memref<128x128xf32, #tpu.memory_space<vmem_shared>>) target_semaphore(%run_scoped3A : memref<!tpu.dma_semaphore, #tpu.memory_space<semaphore_mem>>)
        %dma_wait3A = arith.constant 0 : i32
        %dma_wait3A_107 = tpu.memref_slice %arg10[%add3A_90, %dma_wait3A] : memref<10112x128xf32, #tpu.memory_space<vmem_shared>> -> memref<128x128xf32, #tpu.memory_space<vmem_shared>>
        %dma_wait3A_108 = arith.constant 0 : i32
        %dma_wait3A_109 = tpu.memref_slice %arg10[%add3A_90, %dma_wait3A_108] : memref<10112x128xf32, #tpu.memory_space<vmem_shared>> -> memref<128x128xf32, #tpu.memory_space<vmem_shared>>
        tpu.wait_dma2 semaphore(%run_scoped3A : memref<!tpu.dma_semaphore, #tpu.memory_space<semaphore_mem>>) src(%arg8 : memref<128x128xf32, #tpu.memory_space<vmem>>) dst(%dma_wait3A_109 : memref<128x128xf32, #tpu.memory_space<vmem_shared>>)
        tpu.yield
      }) : () -> ()
      %mul3A_91 = arith.constant 632 : i32
      %mul3A_92 = arith.muli %arg1, %mul3A_91 : i32
      %add3A_93 = arith.constant 256 : i32
      %add3A_94 = arith.addi %mul3A_92, %add3A_93 : i32
      "tpu.region"() ({
        %run_scoped3A = tpu.sem_alloc : memref<!tpu.dma_semaphore, #tpu.memory_space<semaphore_mem>>
        %dma_start3A_103 = arith.constant 0 : i32
        %dma_start3A_104 = tpu.memref_slice %arg10[%add3A_94, %dma_start3A_103] : memref<10112x128xf32, #tpu.memory_space<vmem_shared>> -> memref<128x128xf32, #tpu.memory_space<vmem_shared>>
        %dma_start3A_105 = arith.constant 0 : i32
        %dma_start3A_106 = tpu.memref_slice %arg10[%add3A_94, %dma_start3A_105] : memref<10112x128xf32, #tpu.memory_space<vmem_shared>> -> memref<128x128xf32, #tpu.memory_space<vmem_shared>>
        tpu.enqueue_dma source(%arg8 : memref<128x128xf32, #tpu.memory_space<vmem>>) target(%dma_start3A_106 : memref<128x128xf32, #tpu.memory_space<vmem_shared>>) target_semaphore(%run_scoped3A : memref<!tpu.dma_semaphore, #tpu.memory_space<semaphore_mem>>)
        %dma_wait3A = arith.constant 0 : i32
        %dma_wait3A_107 = tpu.memref_slice %arg10[%add3A_94, %dma_wait3A] : memref<10112x128xf32, #tpu.memory_space<vmem_shared>> -> memref<128x128xf32, #tpu.memory_space<vmem_shared>>
        %dma_wait3A_108 = arith.constant 0 : i32
        %dma_wait3A_109 = tpu.memref_slice %arg10[%add3A_94, %dma_wait3A_108] : memref<10112x128xf32, #tpu.memory_space<vmem_shared>> -> memref<128x128xf32, #tpu.memory_space<vmem_shared>>
        tpu.wait_dma2 semaphore(%run_scoped3A : memref<!tpu.dma_semaphore, #tpu.memory_space<semaphore_mem>>) src(%arg8 : memref<128x128xf32, #tpu.memory_space<vmem>>) dst(%dma_wait3A_109 : memref<128x128xf32, #tpu.memory_space<vmem_shared>>)
        tpu.yield
      }) : () -> ()
      %mul3A_95 = arith.constant 632 : i32
      %mul3A_96 = arith.muli %arg1, %mul3A_95 : i32
      %add3A_97 = arith.constant 384 : i32
      %add3A_98 = arith.addi %mul3A_96, %add3A_97 : i32
      "tpu.region"() ({
        %run_scoped3A = tpu.sem_alloc : memref<!tpu.dma_semaphore, #tpu.memory_space<semaphore_mem>>
        %dma_start3A_103 = arith.constant 0 : i32
        %dma_start3A_104 = tpu.memref_slice %arg10[%add3A_98, %dma_start3A_103] : memref<10112x128xf32, #tpu.memory_space<vmem_shared>> -> memref<128x128xf32, #tpu.memory_space<vmem_shared>>
        %dma_start3A_105 = arith.constant 0 : i32
        %dma_start3A_106 = tpu.memref_slice %arg10[%add3A_98, %dma_start3A_105] : memref<10112x128xf32, #tpu.memory_space<vmem_shared>> -> memref<128x128xf32, #tpu.memory_space<vmem_shared>>
        tpu.enqueue_dma source(%arg8 : memref<128x128xf32, #tpu.memory_space<vmem>>) target(%dma_start3A_106 : memref<128x128xf32, #tpu.memory_space<vmem_shared>>) target_semaphore(%run_scoped3A : memref<!tpu.dma_semaphore, #tpu.memory_space<semaphore_mem>>)
        %dma_wait3A = arith.constant 0 : i32
        %dma_wait3A_107 = tpu.memref_slice %arg10[%add3A_98, %dma_wait3A] : memref<10112x128xf32, #tpu.memory_space<vmem_shared>> -> memref<128x128xf32, #tpu.memory_space<vmem_shared>>
        %dma_wait3A_108 = arith.constant 0 : i32
        %dma_wait3A_109 = tpu.memref_slice %arg10[%add3A_98, %dma_wait3A_108] : memref<10112x128xf32, #tpu.memory_space<vmem_shared>> -> memref<128x128xf32, #tpu.memory_space<vmem_shared>>
        tpu.wait_dma2 semaphore(%run_scoped3A : memref<!tpu.dma_semaphore, #tpu.memory_space<semaphore_mem>>) src(%arg8 : memref<128x128xf32, #tpu.memory_space<vmem>>) dst(%dma_wait3A_109 : memref<128x128xf32, #tpu.memory_space<vmem_shared>>)
        tpu.yield
      }) : () -> ()
      %mul3A_99 = arith.constant 632 : i32
      %mul3A_100 = arith.muli %arg1, %mul3A_99 : i32
      %add3A_101 = arith.constant 512 : i32
      %add3A_102 = arith.addi %mul3A_100, %add3A_101 : i32
      "tpu.region"() ({
        %run_scoped3A = tpu.sem_alloc : memref<!tpu.dma_semaphore, #tpu.memory_space<semaphore_mem>>
        %dma_start3A_103 = arith.constant 0 : i32
        %dma_start3A_104 = arith.constant 0 : i32
        %dma_start3A_105 = tpu.memref_slice %arg8[%dma_start3A_103, %dma_start3A_104] : memref<128x128xf32, #tpu.memory_space<vmem>> -> memref<120x128xf32, #tpu.memory_space<vmem>>
        %dma_start3A_106 = arith.constant 0 : i32
        %dma_start3A_107 = tpu.memref_slice %arg10[%add3A_102, %dma_start3A_106] : memref<10112x128xf32, #tpu.memory_space<vmem_shared>> -> memref<120x128xf32, #tpu.memory_space<vmem_shared>>
        %dma_start3A_108 = arith.constant 0 : i32
        %dma_start3A_109 = tpu.memref_slice %arg10[%add3A_102, %dma_start3A_108] : memref<10112x128xf32, #tpu.memory_space<vmem_shared>> -> memref<120x128xf32, #tpu.memory_space<vmem_shared>>
        %dma_start3A_110 = arith.constant 0 : i32
        %dma_start3A_111 = arith.constant 0 : i32
        %dma_start3A_112 = tpu.memref_slice %arg8[%dma_start3A_110, %dma_start3A_111] : memref<128x128xf32, #tpu.memory_space<vmem>> -> memref<120x128xf32, #tpu.memory_space<vmem>>
        tpu.enqueue_dma source(%dma_start3A_112 : memref<120x128xf32, #tpu.memory_space<vmem>>) target(%dma_start3A_109 : memref<120x128xf32, #tpu.memory_space<vmem_shared>>) target_semaphore(%run_scoped3A : memref<!tpu.dma_semaphore, #tpu.memory_space<semaphore_mem>>)
        %dma_wait3A = arith.constant 0 : i32
        %dma_wait3A_113 = arith.constant 0 : i32
        %dma_wait3A_114 = tpu.memref_slice %arg8[%dma_wait3A, %dma_wait3A_113] : memref<128x128xf32, #tpu.memory_space<vmem>> -> memref<120x128xf32, #tpu.memory_space<vmem>>
        %dma_wait3A_115 = arith.constant 0 : i32
        %dma_wait3A_116 = tpu.memref_slice %arg10[%add3A_102, %dma_wait3A_115] : memref<10112x128xf32, #tpu.memory_space<vmem_shared>> -> memref<120x128xf32, #tpu.memory_space<vmem_shared>>
        %dma_wait3A_117 = arith.constant 0 : i32
        %dma_wait3A_118 = tpu.memref_slice %arg10[%add3A_102, %dma_wait3A_117] : memref<10112x128xf32, #tpu.memory_space<vmem_shared>> -> memref<120x128xf32, #tpu.memory_space<vmem_shared>>
        %dma_wait3A_119 = arith.constant 0 : i32
        %dma_wait3A_120 = arith.constant 0 : i32
        %dma_wait3A_121 = tpu.memref_slice %arg8[%dma_wait3A_119, %dma_wait3A_120] : memref<128x128xf32, #tpu.memory_space<vmem>> -> memref<120x128xf32, #tpu.memory_space<vmem>>
        tpu.wait_dma2 semaphore(%run_scoped3A : memref<!tpu.dma_semaphore, #tpu.memory_space<semaphore_mem>>) src(%dma_wait3A_121 : memref<120x128xf32, #tpu.memory_space<vmem>>) dst(%dma_wait3A_118 : memref<120x128xf32, #tpu.memory_space<vmem_shared>>)
        tpu.yield
      }) : () -> ()
    }
    %scan3A_31 = arith.constant 20 : i32
    return
  }
}

#map = affine_map<(d0, d1) -> (0, 0, 0)>
module attributes {stable_mosaic.version = 14 : i64} {
  func.func @deg_kernel(%arg0: i32, %arg1: i32, %arg2: memref<32x80x128xi32, #tpu.memory_space<hbm>>, %arg3: memref<2x10112x128xf32, #tpu.memory_space<hbm>>, %arg4: memref<80x128xi32, #tpu.memory_space<vmem>>, %arg5: memref<128x128xf32, #tpu.memory_space<vmem>>, %arg6: memref<10112x128xf32, #tpu.memory_space<vmem_shared>>) attributes {dimension_semantics = [#tpu.dimension_semantics<core_parallel>, #tpu.dimension_semantics<subcore_parallel>], iteration_bounds = array<i64: 2, 16>, scalar_prefetch = 0 : i64, scratch_operands = 3 : i64, tpu.core_type = #tpu.core_type<sc_vector_subcore>, window_params = [{transform_indices = #map}, {transform_indices = #map}]} {
    %mul3A = arith.constant 16 : i32
    %mul3A_0 = arith.muli %arg0, %mul3A : i32
    %add3A = arith.addi %mul3A_0, %arg1 : i32
    "tpu.region"() ({
      %run_scoped3A = tpu.sem_alloc : memref<!tpu.dma_semaphore, #tpu.memory_space<semaphore_mem>>
      %dma_start3A = arith.constant 0 : i32
      %dma_start3A_43 = arith.constant 0 : i32
      %dma_start3A_44 = tpu.memref_slice %arg2[%add3A, %dma_start3A, %dma_start3A_43] : memref<32x80x128xi32, #tpu.memory_space<hbm>> -> memref<1x80x128xi32, #tpu.memory_space<hbm>>
      %dma_start3A_45 = tpu.memref_squeeze %dma_start3A_44 : memref<1x80x128xi32, #tpu.memory_space<hbm>> -> memref<80x128xi32, #tpu.memory_space<hbm>>
      %dma_start3A_46 = arith.constant 0 : i32
      %dma_start3A_47 = arith.constant 0 : i32
      %dma_start3A_48 = tpu.memref_slice %arg2[%add3A, %dma_start3A_46, %dma_start3A_47] : memref<32x80x128xi32, #tpu.memory_space<hbm>> -> memref<1x80x128xi32, #tpu.memory_space<hbm>>
      %dma_start3A_49 = tpu.memref_squeeze %dma_start3A_48 : memref<1x80x128xi32, #tpu.memory_space<hbm>> -> memref<80x128xi32, #tpu.memory_space<hbm>>
      tpu.enqueue_dma source(%dma_start3A_49 : memref<80x128xi32, #tpu.memory_space<hbm>>) target(%arg4 : memref<80x128xi32, #tpu.memory_space<vmem>>) target_semaphore(%run_scoped3A : memref<!tpu.dma_semaphore, #tpu.memory_space<semaphore_mem>>)
      %dma_wait3A = arith.constant 0 : i32
      %dma_wait3A_50 = arith.constant 0 : i32
      %dma_wait3A_51 = tpu.memref_slice %arg2[%add3A, %dma_wait3A, %dma_wait3A_50] : memref<32x80x128xi32, #tpu.memory_space<hbm>> -> memref<1x80x128xi32, #tpu.memory_space<hbm>>
      %dma_wait3A_52 = tpu.memref_squeeze %dma_wait3A_51 : memref<1x80x128xi32, #tpu.memory_space<hbm>> -> memref<80x128xi32, #tpu.memory_space<hbm>>
      %dma_wait3A_53 = arith.constant 0 : i32
      %dma_wait3A_54 = arith.constant 0 : i32
      %dma_wait3A_55 = tpu.memref_slice %arg2[%add3A, %dma_wait3A_53, %dma_wait3A_54] : memref<32x80x128xi32, #tpu.memory_space<hbm>> -> memref<1x80x128xi32, #tpu.memory_space<hbm>>
      %dma_wait3A_56 = tpu.memref_squeeze %dma_wait3A_55 : memref<1x80x128xi32, #tpu.memory_space<hbm>> -> memref<80x128xi32, #tpu.memory_space<hbm>>
      tpu.wait_dma2 semaphore(%run_scoped3A : memref<!tpu.dma_semaphore, #tpu.memory_space<semaphore_mem>>) src(%dma_wait3A_56 : memref<80x128xi32, #tpu.memory_space<hbm>>) dst(%arg4 : memref<80x128xi32, #tpu.memory_space<vmem>>)
      tpu.yield
    }) : () -> ()
    %scan3A = arith.constant 0 : i32
    %scan3A_1 = arith.constant 0 : i32
    %scan3A_2 = arith.constant 128 : i32
    %scan3A_3 = arith.addi %scan3A_1, %scan3A_2 : i32
    %scan3A_4 = arith.constant 1 : i32
    scf.for %scan3A_43 = %scan3A_1 to %scan3A_3 step %scan3A_4  : i32 {
      %scan3A_44 = arith.constant 0 : i32
      %scan3A_45 = arith.constant 8 : i32
      %scan3A_46 = arith.addi %scan3A_44, %scan3A_45 : i32
      %scan3A_47 = arith.constant 1 : i32
      scf.for %scan3A_49 = %scan3A_44 to %scan3A_46 step %scan3A_47  : i32 {
        %broadcast_in_dim3A = arith.constant 0.000000e+00 : f32
        %broadcast_in_dim3A_50 = vector.broadcast %broadcast_in_dim3A : f32 to vector<16xf32>
        %mul3A_51 = arith.constant 16 : i32
        %mul3A_52 = arith.muli %scan3A_49, %mul3A_51 : i32
        %swap3A = arith.index_cast %scan3A_43 : i32 to index
        %swap3A_53 = arith.index_cast %mul3A_52 : i32 to index
        %swap3A_54 = tpu.vector_load %arg5[%swap3A, %swap3A_53] {strides = array<i32>} : memref<128x128xf32, #tpu.memory_space<vmem>>, vector<1x16xf32>,
        %swap3A_55 = vector.shape_cast %swap3A_54 : vector<1x16xf32> to vector<16xf32>
        %swap3A_56 = vector.shape_cast %broadcast_in_dim3A_50 : vector<16xf32> to vector<1x16xf32>
        tpu.vector_store %arg5[%swap3A, %swap3A_53], %swap3A_56 {strides = array<i32>} : memref<128x128xf32, #tpu.memory_space<vmem>>, vector<1x16xf32>,
      }
      %scan3A_48 = arith.constant 8 : i32
    }
    %scan3A_5 = arith.constant 128 : i32
    %mul3A_6 = arith.constant 632 : i32
    %mul3A_7 = arith.muli %arg1, %mul3A_6 : i32
    %add3A_8 = arith.constant 0 : i32
    %add3A_9 = arith.addi %mul3A_7, %add3A_8 : i32
    "tpu.region"() ({
      %run_scoped3A = tpu.sem_alloc : memref<!tpu.dma_semaphore, #tpu.memory_space<semaphore_mem>>
      %dma_start3A = arith.constant 0 : i32
      %dma_start3A_43 = tpu.memref_slice %arg6[%add3A_9, %dma_start3A] : memref<10112x128xf32, #tpu.memory_space<vmem_shared>> -> memref<128x128xf32, #tpu.memory_space<vmem_shared>>
      %dma_start3A_44 = arith.constant 0 : i32
      %dma_start3A_45 = tpu.memref_slice %arg6[%add3A_9, %dma_start3A_44] : memref<10112x128xf32, #tpu.memory_space<vmem_shared>> -> memref<128x128xf32, #tpu.memory_space<vmem_shared>>
      tpu.enqueue_dma source(%arg5 : memref<128x128xf32, #tpu.memory_space<vmem>>) target(%dma_start3A_45 : memref<128x128xf32, #tpu.memory_space<vmem_shared>>) target_semaphore(%run_scoped3A : memref<!tpu.dma_semaphore, #tpu.memory_space<semaphore_mem>>)
      %dma_wait3A = arith.constant 0 : i32
      %dma_wait3A_46 = tpu.memref_slice %arg6[%add3A_9, %dma_wait3A] : memref<10112x128xf32, #tpu.memory_space<vmem_shared>> -> memref<128x128xf32, #tpu.memory_space<vmem_shared>>
      %dma_wait3A_47 = arith.constant 0 : i32
      %dma_wait3A_48 = tpu.memref_slice %arg6[%add3A_9, %dma_wait3A_47] : memref<10112x128xf32, #tpu.memory_space<vmem_shared>> -> memref<128x128xf32, #tpu.memory_space<vmem_shared>>
      tpu.wait_dma2 semaphore(%run_scoped3A : memref<!tpu.dma_semaphore, #tpu.memory_space<semaphore_mem>>) src(%arg5 : memref<128x128xf32, #tpu.memory_space<vmem>>) dst(%dma_wait3A_48 : memref<128x128xf32, #tpu.memory_space<vmem_shared>>)
      tpu.yield
    }) : () -> ()
    %mul3A_10 = arith.constant 632 : i32
    %mul3A_11 = arith.muli %arg1, %mul3A_10 : i32
    %add3A_12 = arith.constant 128 : i32
    %add3A_13 = arith.addi %mul3A_11, %add3A_12 : i32
    "tpu.region"() ({
      %run_scoped3A = tpu.sem_alloc : memref<!tpu.dma_semaphore, #tpu.memory_space<semaphore_mem>>
      %dma_start3A = arith.constant 0 : i32
      %dma_start3A_43 = tpu.memref_slice %arg6[%add3A_13, %dma_start3A] : memref<10112x128xf32, #tpu.memory_space<vmem_shared>> -> memref<128x128xf32, #tpu.memory_space<vmem_shared>>
      %dma_start3A_44 = arith.constant 0 : i32
      %dma_start3A_45 = tpu.memref_slice %arg6[%add3A_13, %dma_start3A_44] : memref<10112x128xf32, #tpu.memory_space<vmem_shared>> -> memref<128x128xf32, #tpu.memory_space<vmem_shared>>
      tpu.enqueue_dma source(%arg5 : memref<128x128xf32, #tpu.memory_space<vmem>>) target(%dma_start3A_45 : memref<128x128xf32, #tpu.memory_space<vmem_shared>>) target_semaphore(%run_scoped3A : memref<!tpu.dma_semaphore, #tpu.memory_space<semaphore_mem>>)
      %dma_wait3A = arith.constant 0 : i32
      %dma_wait3A_46 = tpu.memref_slice %arg6[%add3A_13, %dma_wait3A] : memref<10112x128xf32, #tpu.memory_space<vmem_shared>> -> memref<128x128xf32, #tpu.memory_space<vmem_shared>>
      %dma_wait3A_47 = arith.constant 0 : i32
      %dma_wait3A_48 = tpu.memref_slice %arg6[%add3A_13, %dma_wait3A_47] : memref<10112x128xf32, #tpu.memory_space<vmem_shared>> -> memref<128x128xf32, #tpu.memory_space<vmem_shared>>
      tpu.wait_dma2 semaphore(%run_scoped3A : memref<!tpu.dma_semaphore, #tpu.memory_space<semaphore_mem>>) src(%arg5 : memref<128x128xf32, #tpu.memory_space<vmem>>) dst(%dma_wait3A_48 : memref<128x128xf32, #tpu.memory_space<vmem_shared>>)
      tpu.yield
    }) : () -> ()
    %mul3A_14 = arith.constant 632 : i32
    %mul3A_15 = arith.muli %arg1, %mul3A_14 : i32
    %add3A_16 = arith.constant 256 : i32
    %add3A_17 = arith.addi %mul3A_15, %add3A_16 : i32
    "tpu.region"() ({
      %run_scoped3A = tpu.sem_alloc : memref<!tpu.dma_semaphore, #tpu.memory_space<semaphore_mem>>
      %dma_start3A = arith.constant 0 : i32
      %dma_start3A_43 = tpu.memref_slice %arg6[%add3A_17, %dma_start3A] : memref<10112x128xf32, #tpu.memory_space<vmem_shared>> -> memref<128x128xf32, #tpu.memory_space<vmem_shared>>
      %dma_start3A_44 = arith.constant 0 : i32
      %dma_start3A_45 = tpu.memref_slice %arg6[%add3A_17, %dma_start3A_44] : memref<10112x128xf32, #tpu.memory_space<vmem_shared>> -> memref<128x128xf32, #tpu.memory_space<vmem_shared>>
      tpu.enqueue_dma source(%arg5 : memref<128x128xf32, #tpu.memory_space<vmem>>) target(%dma_start3A_45 : memref<128x128xf32, #tpu.memory_space<vmem_shared>>) target_semaphore(%run_scoped3A : memref<!tpu.dma_semaphore, #tpu.memory_space<semaphore_mem>>)
      %dma_wait3A = arith.constant 0 : i32
      %dma_wait3A_46 = tpu.memref_slice %arg6[%add3A_17, %dma_wait3A] : memref<10112x128xf32, #tpu.memory_space<vmem_shared>> -> memref<128x128xf32, #tpu.memory_space<vmem_shared>>
      %dma_wait3A_47 = arith.constant 0 : i32
      %dma_wait3A_48 = tpu.memref_slice %arg6[%add3A_17, %dma_wait3A_47] : memref<10112x128xf32, #tpu.memory_space<vmem_shared>> -> memref<128x128xf32, #tpu.memory_space<vmem_shared>>
      tpu.wait_dma2 semaphore(%run_scoped3A : memref<!tpu.dma_semaphore, #tpu.memory_space<semaphore_mem>>) src(%arg5 : memref<128x128xf32, #tpu.memory_space<vmem>>) dst(%dma_wait3A_48 : memref<128x128xf32, #tpu.memory_space<vmem_shared>>)
      tpu.yield
    }) : () -> ()
    %mul3A_18 = arith.constant 632 : i32
    %mul3A_19 = arith.muli %arg1, %mul3A_18 : i32
    %add3A_20 = arith.constant 384 : i32
    %add3A_21 = arith.addi %mul3A_19, %add3A_20 : i32
    "tpu.region"() ({
      %run_scoped3A = tpu.sem_alloc : memref<!tpu.dma_semaphore, #tpu.memory_space<semaphore_mem>>
      %dma_start3A = arith.constant 0 : i32
      %dma_start3A_43 = tpu.memref_slice %arg6[%add3A_21, %dma_start3A] : memref<10112x128xf32, #tpu.memory_space<vmem_shared>> -> memref<128x128xf32, #tpu.memory_space<vmem_shared>>
      %dma_start3A_44 = arith.constant 0 : i32
      %dma_start3A_45 = tpu.memref_slice %arg6[%add3A_21, %dma_start3A_44] : memref<10112x128xf32, #tpu.memory_space<vmem_shared>> -> memref<128x128xf32, #tpu.memory_space<vmem_shared>>
      tpu.enqueue_dma source(%arg5 : memref<128x128xf32, #tpu.memory_space<vmem>>) target(%dma_start3A_45 : memref<128x128xf32, #tpu.memory_space<vmem_shared>>) target_semaphore(%run_scoped3A : memref<!tpu.dma_semaphore, #tpu.memory_space<semaphore_mem>>)
      %dma_wait3A = arith.constant 0 : i32
      %dma_wait3A_46 = tpu.memref_slice %arg6[%add3A_21, %dma_wait3A] : memref<10112x128xf32, #tpu.memory_space<vmem_shared>> -> memref<128x128xf32, #tpu.memory_space<vmem_shared>>
      %dma_wait3A_47 = arith.constant 0 : i32
      %dma_wait3A_48 = tpu.memref_slice %arg6[%add3A_21, %dma_wait3A_47] : memref<10112x128xf32, #tpu.memory_space<vmem_shared>> -> memref<128x128xf32, #tpu.memory_space<vmem_shared>>
      tpu.wait_dma2 semaphore(%run_scoped3A : memref<!tpu.dma_semaphore, #tpu.memory_space<semaphore_mem>>) src(%arg5 : memref<128x128xf32, #tpu.memory_space<vmem>>) dst(%dma_wait3A_48 : memref<128x128xf32, #tpu.memory_space<vmem_shared>>)
      tpu.yield
    }) : () -> ()
    %mul3A_22 = arith.constant 632 : i32
    %mul3A_23 = arith.muli %arg1, %mul3A_22 : i32
    %add3A_24 = arith.constant 512 : i32
    %add3A_25 = arith.addi %mul3A_23, %add3A_24 : i32
    "tpu.region"() ({
      %run_scoped3A = tpu.sem_alloc : memref<!tpu.dma_semaphore, #tpu.memory_space<semaphore_mem>>
      %dma_start3A = arith.constant 0 : i32
      %dma_start3A_43 = arith.constant 0 : i32
      %dma_start3A_44 = tpu.memref_slice %arg5[%dma_start3A, %dma_start3A_43] : memref<128x128xf32, #tpu.memory_space<vmem>> -> memref<120x128xf32, #tpu.memory_space<vmem>>
      %dma_start3A_45 = arith.constant 0 : i32
      %dma_start3A_46 = tpu.memref_slice %arg6[%add3A_25, %dma_start3A_45] : memref<10112x128xf32, #tpu.memory_space<vmem_shared>> -> memref<120x128xf32, #tpu.memory_space<vmem_shared>>
      %dma_start3A_47 = arith.constant 0 : i32
      %dma_start3A_48 = tpu.memref_slice %arg6[%add3A_25, %dma_start3A_47] : memref<10112x128xf32, #tpu.memory_space<vmem_shared>> -> memref<120x128xf32, #tpu.memory_space<vmem_shared>>
      %dma_start3A_49 = arith.constant 0 : i32
      %dma_start3A_50 = arith.constant 0 : i32
      %dma_start3A_51 = tpu.memref_slice %arg5[%dma_start3A_49, %dma_start3A_50] : memref<128x128xf32, #tpu.memory_space<vmem>> -> memref<120x128xf32, #tpu.memory_space<vmem>>
      tpu.enqueue_dma source(%dma_start3A_51 : memref<120x128xf32, #tpu.memory_space<vmem>>) target(%dma_start3A_48 : memref<120x128xf32, #tpu.memory_space<vmem_shared>>) target_semaphore(%run_scoped3A : memref<!tpu.dma_semaphore, #tpu.memory_space<semaphore_mem>>)
      %dma_wait3A = arith.constant 0 : i32
      %dma_wait3A_52 = arith.constant 0 : i32
      %dma_wait3A_53 = tpu.memref_slice %arg5[%dma_wait3A, %dma_wait3A_52] : memref<128x128xf32, #tpu.memory_space<vmem>> -> memref<120x128xf32, #tpu.memory_space<vmem>>
      %dma_wait3A_54 = arith.constant 0 : i32
      %dma_wait3A_55 = tpu.memref_slice %arg6[%add3A_25, %dma_wait3A_54] : memref<10112x128xf32, #tpu.memory_space<vmem_shared>> -> memref<120x128xf32, #tpu.memory_space<vmem_shared>>
      %dma_wait3A_56 = arith.constant 0 : i32
      %dma_wait3A_57 = tpu.memref_slice %arg6[%add3A_25, %dma_wait3A_56] : memref<10112x128xf32, #tpu.memory_space<vmem_shared>> -> memref<120x128xf32, #tpu.memory_space<vmem_shared>>
      %dma_wait3A_58 = arith.constant 0 : i32
      %dma_wait3A_59 = arith.constant 0 : i32
      %dma_wait3A_60 = tpu.memref_slice %arg5[%dma_wait3A_58, %dma_wait3A_59] : memref<128x128xf32, #tpu.memory_space<vmem>> -> memref<120x128xf32, #tpu.memory_space<vmem>>
      tpu.wait_dma2 semaphore(%run_scoped3A : memref<!tpu.dma_semaphore, #tpu.memory_space<semaphore_mem>>) src(%dma_wait3A_60 : memref<120x128xf32, #tpu.memory_space<vmem>>) dst(%dma_wait3A_57 : memref<120x128xf32, #tpu.memory_space<vmem_shared>>)
      tpu.yield
    }) : () -> ()
    %scan3A_26 = arith.constant 0 : i32
    %scan3A_27 = arith.constant 0 : i32
    %scan3A_28 = arith.constant 128 : i32
    %scan3A_29 = arith.addi %scan3A_27, %scan3A_28 : i32
    %scan3A_30 = arith.constant 1 : i32
    scf.for %scan3A_43 = %scan3A_27 to %scan3A_29 step %scan3A_30  : i32 {
      %scan3A_44 = arith.constant 0 : i32
      %scan3A_45 = arith.constant 8 : i32
      %scan3A_46 = arith.addi %scan3A_44, %scan3A_45 : i32
      %scan3A_47 = arith.constant 1 : i32
      scf.for %scan3A_49 = %scan3A_44 to %scan3A_46 step %scan3A_47  : i32 {
        %broadcast_in_dim3A = arith.constant 1.000000e+00 : f32
        %broadcast_in_dim3A_50 = vector.broadcast %broadcast_in_dim3A : f32 to vector<16xf32>
        %mul3A_51 = arith.constant 16 : i32
        %mul3A_52 = arith.muli %scan3A_49, %mul3A_51 : i32
        %swap3A = arith.index_cast %scan3A_43 : i32 to index
        %swap3A_53 = arith.index_cast %mul3A_52 : i32 to index
        %swap3A_54 = tpu.vector_load %arg5[%swap3A, %swap3A_53] {strides = array<i32>} : memref<128x128xf32, #tpu.memory_space<vmem>>, vector<1x16xf32>,
        %swap3A_55 = vector.shape_cast %swap3A_54 : vector<1x16xf32> to vector<16xf32>
        %swap3A_56 = vector.shape_cast %broadcast_in_dim3A_50 : vector<16xf32> to vector<1x16xf32>
        tpu.vector_store %arg5[%swap3A, %swap3A_53], %swap3A_56 {strides = array<i32>} : memref<128x128xf32, #tpu.memory_space<vmem>>, vector<1x16xf32>,
      }
      %scan3A_48 = arith.constant 8 : i32
    }
    %scan3A_31 = arith.constant 128 : i32
    %barrier3A = arith.constant 0 : index
    tpu.barrier barrier_id(%barrier3A)
    %scan3A_32 = arith.constant 0 : i32
    %scan3A_33 = arith.constant 0 : i32
    %scan3A_34 = arith.constant 80 : i32
    %scan3A_35 = arith.addi %scan3A_33, %scan3A_34 : i32
    %scan3A_36 = arith.constant 1 : i32
    scf.for %scan3A_43 = %scan3A_33 to %scan3A_35 step %scan3A_36  : i32 {
      "tpu.region"() ({
        %run_scoped3A = tpu.sem_alloc : memref<!tpu.dma_semaphore, #tpu.memory_space<semaphore_mem>>
        %dma_start3A = arith.constant 0 : i32
        %dma_start3A_44 = tpu.memref_slice %arg4[%scan3A_43, %dma_start3A] : memref<80x128xi32, #tpu.memory_space<vmem>> -> memref<1x128xi32, #tpu.memory_space<vmem>>
        %dma_start3A_45 = tpu.memref_squeeze %dma_start3A_44 : memref<1x128xi32, #tpu.memory_space<vmem>> -> memref<128xi32, #tpu.memory_space<vmem>>
        %dma_start3A_46 = arith.constant 0 : i32
        %dma_start3A_47 = arith.constant 0 : i32
        %dma_start3A_48 = tpu.memref_slice %arg6[%dma_start3A_46, %dma_start3A_47] : memref<10112x128xf32, #tpu.memory_space<vmem_shared>> -> memref<10112x128xf32, #tpu.memory_space<vmem_shared>>
        tpu.enqueue_indirect_dma source(%arg5 : memref<128x128xf32, #tpu.memory_space<vmem>>) target(%dma_start3A_48 : memref<10112x128xf32, #tpu.memory_space<vmem_shared>>) offsets(%dma_start3A_45 : memref<128xi32, #tpu.memory_space<vmem>>) semaphore(%run_scoped3A : memref<!tpu.dma_semaphore, #tpu.memory_space<semaphore_mem>>) {add = true}
        %dma_wait3A = arith.constant 0 : i32
        %dma_wait3A_49 = tpu.memref_slice %arg4[%scan3A_43, %dma_wait3A] : memref<80x128xi32, #tpu.memory_space<vmem>> -> memref<1x128xi32, #tpu.memory_space<vmem>>
        %dma_wait3A_50 = tpu.memref_squeeze %dma_wait3A_49 : memref<1x128xi32, #tpu.memory_space<vmem>> -> memref<128xi32, #tpu.memory_space<vmem>>
        %dma_wait3A_51 = arith.constant 0 : i32
        %dma_wait3A_52 = arith.constant 0 : i32
        %dma_wait3A_53 = tpu.memref_slice %arg6[%dma_wait3A_51, %dma_wait3A_52] : memref<10112x128xf32, #tpu.memory_space<vmem_shared>> -> memref<10112x128xf32, #tpu.memory_space<vmem_shared>>
        tpu.wait_indirect_dma semaphore(%run_scoped3A : memref<!tpu.dma_semaphore, #tpu.memory_space<semaphore_mem>>) src(%arg5 : memref<128x128xf32, #tpu.memory_space<vmem>>) dst(%dma_wait3A_53 : memref<10112x128xf32, #tpu.memory_space<vmem_shared>>)
        tpu.yield
      }) : () -> ()
    }
    %scan3A_37 = arith.constant 80 : i32
    %barrier3A_38 = arith.constant 0 : index
    tpu.barrier barrier_id(%barrier3A_38)
    %mul3A_39 = arith.constant 632 : i32
    %mul3A_40 = arith.muli %arg1, %mul3A_39 : i32
    %mul3A_41 = arith.constant 632 : i32
    %mul3A_42 = arith.muli %arg1, %mul3A_41 : i32
    "tpu.region"() ({
      %run_scoped3A = tpu.sem_alloc : memref<!tpu.dma_semaphore, #tpu.memory_space<semaphore_mem>>
      %dma_start3A = arith.constant 0 : i32
      %dma_start3A_43 = tpu.memref_slice %arg3[%arg0, %mul3A_42, %dma_start3A] : memref<2x10112x128xf32, #tpu.memory_space<hbm>> -> memref<1x632x128xf32, #tpu.memory_space<hbm>>
      %dma_start3A_44 = tpu.memref_squeeze %dma_start3A_43 : memref<1x632x128xf32, #tpu.memory_space<hbm>> -> memref<632x128xf32, #tpu.memory_space<hbm>>
      %dma_start3A_45 = arith.constant 0 : i32
      %dma_start3A_46 = tpu.memref_slice %arg6[%mul3A_40, %dma_start3A_45] : memref<10112x128xf32, #tpu.memory_space<vmem_shared>> -> memref<632x128xf32, #tpu.memory_space<vmem_shared>>
      tpu.enqueue_dma source(%dma_start3A_46 : memref<632x128xf32, #tpu.memory_space<vmem_shared>>) target(%dma_start3A_44 : memref<632x128xf32, #tpu.memory_space<hbm>>) target_semaphore(%run_scoped3A : memref<!tpu.dma_semaphore, #tpu.memory_space<semaphore_mem>>)
      %dma_wait3A = arith.constant 0 : i32
      %dma_wait3A_47 = tpu.memref_slice %arg3[%arg0, %mul3A_42, %dma_wait3A] : memref<2x10112x128xf32, #tpu.memory_space<hbm>> -> memref<1x632x128xf32, #tpu.memory_space<hbm>>
      %dma_wait3A_48 = tpu.memref_squeeze %dma_wait3A_47 : memref<1x632x128xf32, #tpu.memory_space<hbm>> -> memref<632x128xf32, #tpu.memory_space<hbm>>
      %dma_wait3A_49 = arith.constant 0 : i32
      %dma_wait3A_50 = tpu.memref_slice %arg6[%mul3A_40, %dma_wait3A_49] : memref<10112x128xf32, #tpu.memory_space<vmem_shared>> -> memref<632x128xf32, #tpu.memory_space<vmem_shared>>
      tpu.wait_dma2 semaphore(%run_scoped3A : memref<!tpu.dma_semaphore, #tpu.memory_space<semaphore_mem>>) src(%dma_wait3A_50 : memref<632x128xf32, #tpu.memory_space<vmem_shared>>) dst(%dma_wait3A_48 : memref<632x128xf32, #tpu.memory_space<hbm>>)
      tpu.yield
    }) : () -> ()
    return
  }
}

#map = affine_map<(d0, d1) -> (0, 0)>
#map1 = affine_map<(d0, d1) -> (0, 0, 0, 0)>
#map2 = affine_map<(d0, d1) -> (0, 0, 0)>
module attributes {stable_mosaic.version = 14 : i64} {
  func.func @lap_kernel(%arg0: i32, %arg1: i32, %arg2: memref<200000x128xf32, #tpu.memory_space<hbm>>, %arg3: memref<20x32x80x128xi32, #tpu.memory_space<hbm>>, %arg4: memref<32x80x128xi32, #tpu.memory_space<hbm>>, %arg5: memref<2x20x10112x128xf32, #tpu.memory_space<hbm>>, %arg6: memref<40x128xi32, #tpu.memory_space<vmem>>, %arg7: memref<40x128xi32, #tpu.memory_space<vmem>>, %arg8: memref<128x128xf32, #tpu.memory_space<vmem>>, %arg9: memref<128x128xf32, #tpu.memory_space<vmem>>, %arg10: memref<10112x128xf32, #tpu.memory_space<vmem_shared>>, %arg11: memref<!tpu.dma_semaphore, #tpu.memory_space<semaphore_mem>>, %arg12: memref<!tpu.dma_semaphore, #tpu.memory_space<semaphore_mem>>) attributes {dimension_semantics = [#tpu.dimension_semantics<core_parallel>, #tpu.dimension_semantics<subcore_parallel>], iteration_bounds = array<i64: 2, 16>, scalar_prefetch = 0 : i64, scratch_operands = 7 : i64, tpu.core_type = #tpu.core_type<sc_vector_subcore>, window_params = [{transform_indices = #map}, {transform_indices = #map1}, {transform_indices = #map2}, {transform_indices = #map1}]} {
    %mul3A = arith.constant 16 : i32
    %mul3A_0 = arith.muli %arg0, %mul3A : i32
    %add3A = arith.addi %mul3A_0, %arg1 : i32
    %scan3A = arith.constant 0 : i32
    %scan3A_1 = arith.constant 0 : i32
    %scan3A_2 = arith.constant 128 : i32
    %scan3A_3 = arith.addi %scan3A_1, %scan3A_2 : i32
    %scan3A_4 = arith.constant 1 : i32
    scf.for %scan3A_32 = %scan3A_1 to %scan3A_3 step %scan3A_4  : i32 {
      %scan3A_33 = arith.constant 0 : i32
      %scan3A_34 = arith.constant 8 : i32
      %scan3A_35 = arith.addi %scan3A_33, %scan3A_34 : i32
      %scan3A_36 = arith.constant 1 : i32
      scf.for %scan3A_38 = %scan3A_33 to %scan3A_35 step %scan3A_36  : i32 {
        %broadcast_in_dim3A = arith.constant 0.000000e+00 : f32
        %broadcast_in_dim3A_39 = vector.broadcast %broadcast_in_dim3A : f32 to vector<16xf32>
        %mul3A_40 = arith.constant 16 : i32
        %mul3A_41 = arith.muli %scan3A_38, %mul3A_40 : i32
        %swap3A = arith.index_cast %scan3A_32 : i32 to index
        %swap3A_42 = arith.index_cast %mul3A_41 : i32 to index
        %swap3A_43 = tpu.vector_load %arg8[%swap3A, %swap3A_42] {strides = array<i32>} : memref<128x128xf32, #tpu.memory_space<vmem>>, vector<1x16xf32>,
        %swap3A_44 = vector.shape_cast %swap3A_43 : vector<1x16xf32> to vector<16xf32>
        %swap3A_45 = vector.shape_cast %broadcast_in_dim3A_39 : vector<16xf32> to vector<1x16xf32>
        tpu.vector_store %arg8[%swap3A, %swap3A_42], %swap3A_45 {strides = array<i32>} : memref<128x128xf32, #tpu.memory_space<vmem>>, vector<1x16xf32>,
      }
      %scan3A_37 = arith.constant 8 : i32
    }
    %scan3A_5 = arith.constant 128 : i32
    %mul3A_6 = arith.constant 632 : i32
    %mul3A_7 = arith.muli %arg1, %mul3A_6 : i32
    %add3A_8 = arith.constant 0 : i32
    %add3A_9 = arith.addi %mul3A_7, %add3A_8 : i32
    "tpu.region"() ({
      %run_scoped3A = tpu.sem_alloc : memref<!tpu.dma_semaphore, #tpu.memory_space<semaphore_mem>>
      %dma_start3A = arith.constant 0 : i32
      %dma_start3A_32 = tpu.memref_slice %arg10[%add3A_9, %dma_start3A] : memref<10112x128xf32, #tpu.memory_space<vmem_shared>> -> memref<128x128xf32, #tpu.memory_space<vmem_shared>>
      %dma_start3A_33 = arith.constant 0 : i32
      %dma_start3A_34 = tpu.memref_slice %arg10[%add3A_9, %dma_start3A_33] : memref<10112x128xf32, #tpu.memory_space<vmem_shared>> -> memref<128x128xf32, #tpu.memory_space<vmem_shared>>
      tpu.enqueue_dma source(%arg8 : memref<128x128xf32, #tpu.memory_space<vmem>>) target(%dma_start3A_34 : memref<128x128xf32, #tpu.memory_space<vmem_shared>>) target_semaphore(%run_scoped3A : memref<!tpu.dma_semaphore, #tpu.memory_space<semaphore_mem>>)
      %dma_wait3A = arith.constant 0 : i32
      %dma_wait3A_35 = tpu.memref_slice %arg10[%add3A_9, %dma_wait3A] : memref<10112x128xf32, #tpu.memory_space<vmem_shared>> -> memref<128x128xf32, #tpu.memory_space<vmem_shared>>
      %dma_wait3A_36 = arith.constant 0 : i32
      %dma_wait3A_37 = tpu.memref_slice %arg10[%add3A_9, %dma_wait3A_36] : memref<10112x128xf32, #tpu.memory_space<vmem_shared>> -> memref<128x128xf32, #tpu.memory_space<vmem_shared>>
      tpu.wait_dma2 semaphore(%run_scoped3A : memref<!tpu.dma_semaphore, #tpu.memory_space<semaphore_mem>>) src(%arg8 : memref<128x128xf32, #tpu.memory_space<vmem>>) dst(%dma_wait3A_37 : memref<128x128xf32, #tpu.memory_space<vmem_shared>>)
      tpu.yield
    }) : () -> ()
    %mul3A_10 = arith.constant 632 : i32
    %mul3A_11 = arith.muli %arg1, %mul3A_10 : i32
    %add3A_12 = arith.constant 128 : i32
    %add3A_13 = arith.addi %mul3A_11, %add3A_12 : i32
    "tpu.region"() ({
      %run_scoped3A = tpu.sem_alloc : memref<!tpu.dma_semaphore, #tpu.memory_space<semaphore_mem>>
      %dma_start3A = arith.constant 0 : i32
      %dma_start3A_32 = tpu.memref_slice %arg10[%add3A_13, %dma_start3A] : memref<10112x128xf32, #tpu.memory_space<vmem_shared>> -> memref<128x128xf32, #tpu.memory_space<vmem_shared>>
      %dma_start3A_33 = arith.constant 0 : i32
      %dma_start3A_34 = tpu.memref_slice %arg10[%add3A_13, %dma_start3A_33] : memref<10112x128xf32, #tpu.memory_space<vmem_shared>> -> memref<128x128xf32, #tpu.memory_space<vmem_shared>>
      tpu.enqueue_dma source(%arg8 : memref<128x128xf32, #tpu.memory_space<vmem>>) target(%dma_start3A_34 : memref<128x128xf32, #tpu.memory_space<vmem_shared>>) target_semaphore(%run_scoped3A : memref<!tpu.dma_semaphore, #tpu.memory_space<semaphore_mem>>)
      %dma_wait3A = arith.constant 0 : i32
      %dma_wait3A_35 = tpu.memref_slice %arg10[%add3A_13, %dma_wait3A] : memref<10112x128xf32, #tpu.memory_space<vmem_shared>> -> memref<128x128xf32, #tpu.memory_space<vmem_shared>>
      %dma_wait3A_36 = arith.constant 0 : i32
      %dma_wait3A_37 = tpu.memref_slice %arg10[%add3A_13, %dma_wait3A_36] : memref<10112x128xf32, #tpu.memory_space<vmem_shared>> -> memref<128x128xf32, #tpu.memory_space<vmem_shared>>
      tpu.wait_dma2 semaphore(%run_scoped3A : memref<!tpu.dma_semaphore, #tpu.memory_space<semaphore_mem>>) src(%arg8 : memref<128x128xf32, #tpu.memory_space<vmem>>) dst(%dma_wait3A_37 : memref<128x128xf32, #tpu.memory_space<vmem_shared>>)
      tpu.yield
    }) : () -> ()
    %mul3A_14 = arith.constant 632 : i32
    %mul3A_15 = arith.muli %arg1, %mul3A_14 : i32
    %add3A_16 = arith.constant 256 : i32
    %add3A_17 = arith.addi %mul3A_15, %add3A_16 : i32
    "tpu.region"() ({
      %run_scoped3A = tpu.sem_alloc : memref<!tpu.dma_semaphore, #tpu.memory_space<semaphore_mem>>
      %dma_start3A = arith.constant 0 : i32
      %dma_start3A_32 = tpu.memref_slice %arg10[%add3A_17, %dma_start3A] : memref<10112x128xf32, #tpu.memory_space<vmem_shared>> -> memref<128x128xf32, #tpu.memory_space<vmem_shared>>
      %dma_start3A_33 = arith.constant 0 : i32
      %dma_start3A_34 = tpu.memref_slice %arg10[%add3A_17, %dma_start3A_33] : memref<10112x128xf32, #tpu.memory_space<vmem_shared>> -> memref<128x128xf32, #tpu.memory_space<vmem_shared>>
      tpu.enqueue_dma source(%arg8 : memref<128x128xf32, #tpu.memory_space<vmem>>) target(%dma_start3A_34 : memref<128x128xf32, #tpu.memory_space<vmem_shared>>) target_semaphore(%run_scoped3A : memref<!tpu.dma_semaphore, #tpu.memory_space<semaphore_mem>>)
      %dma_wait3A = arith.constant 0 : i32
      %dma_wait3A_35 = tpu.memref_slice %arg10[%add3A_17, %dma_wait3A] : memref<10112x128xf32, #tpu.memory_space<vmem_shared>> -> memref<128x128xf32, #tpu.memory_space<vmem_shared>>
      %dma_wait3A_36 = arith.constant 0 : i32
      %dma_wait3A_37 = tpu.memref_slice %arg10[%add3A_17, %dma_wait3A_36] : memref<10112x128xf32, #tpu.memory_space<vmem_shared>> -> memref<128x128xf32, #tpu.memory_space<vmem_shared>>
      tpu.wait_dma2 semaphore(%run_scoped3A : memref<!tpu.dma_semaphore, #tpu.memory_space<semaphore_mem>>) src(%arg8 : memref<128x128xf32, #tpu.memory_space<vmem>>) dst(%dma_wait3A_37 : memref<128x128xf32, #tpu.memory_space<vmem_shared>>)
      tpu.yield
    }) : () -> ()
    %mul3A_18 = arith.constant 632 : i32
    %mul3A_19 = arith.muli %arg1, %mul3A_18 : i32
    %add3A_20 = arith.constant 384 : i32
    %add3A_21 = arith.addi %mul3A_19, %add3A_20 : i32
    "tpu.region"() ({
      %run_scoped3A = tpu.sem_alloc : memref<!tpu.dma_semaphore, #tpu.memory_space<semaphore_mem>>
      %dma_start3A = arith.constant 0 : i32
      %dma_start3A_32 = tpu.memref_slice %arg10[%add3A_21, %dma_start3A] : memref<10112x128xf32, #tpu.memory_space<vmem_shared>> -> memref<128x128xf32, #tpu.memory_space<vmem_shared>>
      %dma_start3A_33 = arith.constant 0 : i32
      %dma_start3A_34 = tpu.memref_slice %arg10[%add3A_21, %dma_start3A_33] : memref<10112x128xf32, #tpu.memory_space<vmem_shared>> -> memref<128x128xf32, #tpu.memory_space<vmem_shared>>
      tpu.enqueue_dma source(%arg8 : memref<128x128xf32, #tpu.memory_space<vmem>>) target(%dma_start3A_34 : memref<128x128xf32, #tpu.memory_space<vmem_shared>>) target_semaphore(%run_scoped3A : memref<!tpu.dma_semaphore, #tpu.memory_space<semaphore_mem>>)
      %dma_wait3A = arith.constant 0 : i32
      %dma_wait3A_35 = tpu.memref_slice %arg10[%add3A_21, %dma_wait3A] : memref<10112x128xf32, #tpu.memory_space<vmem_shared>> -> memref<128x128xf32, #tpu.memory_space<vmem_shared>>
      %dma_wait3A_36 = arith.constant 0 : i32
      %dma_wait3A_37 = tpu.memref_slice %arg10[%add3A_21, %dma_wait3A_36] : memref<10112x128xf32, #tpu.memory_space<vmem_shared>> -> memref<128x128xf32, #tpu.memory_space<vmem_shared>>
      tpu.wait_dma2 semaphore(%run_scoped3A : memref<!tpu.dma_semaphore, #tpu.memory_space<semaphore_mem>>) src(%arg8 : memref<128x128xf32, #tpu.memory_space<vmem>>) dst(%dma_wait3A_37 : memref<128x128xf32, #tpu.memory_space<vmem_shared>>)
      tpu.yield
    }) : () -> ()
    %mul3A_22 = arith.constant 632 : i32
    %mul3A_23 = arith.muli %arg1, %mul3A_22 : i32
    %add3A_24 = arith.constant 512 : i32
    %add3A_25 = arith.addi %mul3A_23, %add3A_24 : i32
    "tpu.region"() ({
      %run_scoped3A = tpu.sem_alloc : memref<!tpu.dma_semaphore, #tpu.memory_space<semaphore_mem>>
      %dma_start3A = arith.constant 0 : i32
      %dma_start3A_32 = arith.constant 0 : i32
      %dma_start3A_33 = tpu.memref_slice %arg8[%dma_start3A, %dma_start3A_32] : memref<128x128xf32, #tpu.memory_space<vmem>> -> memref<120x128xf32, #tpu.memory_space<vmem>>
      %dma_start3A_34 = arith.constant 0 : i32
      %dma_start3A_35 = tpu.memref_slice %arg10[%add3A_25, %dma_start3A_34] : memref<10112x128xf32, #tpu.memory_space<vmem_shared>> -> memref<120x128xf32, #tpu.memory_space<vmem_shared>>
      %dma_start3A_36 = arith.constant 0 : i32
      %dma_start3A_37 = tpu.memref_slice %arg10[%add3A_25, %dma_start3A_36] : memref<10112x128xf32, #tpu.memory_space<vmem_shared>> -> memref<120x128xf32, #tpu.memory_space<vmem_shared>>
      %dma_start3A_38 = arith.constant 0 : i32
      %dma_start3A_39 = arith.constant 0 : i32
      %dma_start3A_40 = tpu.memref_slice %arg8[%dma_start3A_38, %dma_start3A_39] : memref<128x128xf32, #tpu.memory_space<vmem>> -> memref<120x128xf32, #tpu.memory_space<vmem>>
      tpu.enqueue_dma source(%dma_start3A_40 : memref<120x128xf32, #tpu.memory_space<vmem>>) target(%dma_start3A_37 : memref<120x128xf32, #tpu.memory_space<vmem_shared>>) target_semaphore(%run_scoped3A : memref<!tpu.dma_semaphore, #tpu.memory_space<semaphore_mem>>)
      %dma_wait3A = arith.constant 0 : i32
      %dma_wait3A_41 = arith.constant 0 : i32
      %dma_wait3A_42 = tpu.memref_slice %arg8[%dma_wait3A, %dma_wait3A_41] : memref<128x128xf32, #tpu.memory_space<vmem>> -> memref<120x128xf32, #tpu.memory_space<vmem>>
      %dma_wait3A_43 = arith.constant 0 : i32
      %dma_wait3A_44 = tpu.memref_slice %arg10[%add3A_25, %dma_wait3A_43] : memref<10112x128xf32, #tpu.memory_space<vmem_shared>> -> memref<120x128xf32, #tpu.memory_space<vmem_shared>>
      %dma_wait3A_45 = arith.constant 0 : i32
      %dma_wait3A_46 = tpu.memref_slice %arg10[%add3A_25, %dma_wait3A_45] : memref<10112x128xf32, #tpu.memory_space<vmem_shared>> -> memref<120x128xf32, #tpu.memory_space<vmem_shared>>
      %dma_wait3A_47 = arith.constant 0 : i32
      %dma_wait3A_48 = arith.constant 0 : i32
      %dma_wait3A_49 = tpu.memref_slice %arg8[%dma_wait3A_47, %dma_wait3A_48] : memref<128x128xf32, #tpu.memory_space<vmem>> -> memref<120x128xf32, #tpu.memory_space<vmem>>
      tpu.wait_dma2 semaphore(%run_scoped3A : memref<!tpu.dma_semaphore, #tpu.memory_space<semaphore_mem>>) src(%dma_wait3A_49 : memref<120x128xf32, #tpu.memory_space<vmem>>) dst(%dma_wait3A_46 : memref<120x128xf32, #tpu.memory_space<vmem_shared>>)
      tpu.yield
    }) : () -> ()
    %scan3A_26 = arith.constant 0 : i32
    %scan3A_27 = arith.constant 0 : i32
    %scan3A_28 = arith.constant 20 : i32
    %scan3A_29 = arith.addi %scan3A_27, %scan3A_28 : i32
    %scan3A_30 = arith.constant 1 : i32
    scf.for %scan3A_32 = %scan3A_27 to %scan3A_29 step %scan3A_30  : i32 {
      %barrier3A = arith.constant 0 : index
      tpu.barrier barrier_id(%barrier3A)
      "tpu.region"() ({
        %run_scoped3A = tpu.sem_alloc : memref<!tpu.dma_semaphore, #tpu.memory_space<semaphore_mem>>
        %dma_start3A_103 = arith.constant 0 : i32
        %dma_start3A_104 = arith.constant 0 : i32
        %dma_start3A_105 = tpu.memref_slice %arg3[%scan3A_32, %add3A, %dma_start3A_103, %dma_start3A_104] : memref<20x32x80x128xi32, #tpu.memory_space<hbm>> -> memref<1x1x40x128xi32, #tpu.memory_space<hbm>>
        %dma_start3A_106 = tpu.memref_squeeze %dma_start3A_105 : memref<1x1x40x128xi32, #tpu.memory_space<hbm>> -> memref<40x128xi32, #tpu.memory_space<hbm>>
        %dma_start3A_107 = arith.constant 0 : i32
        %dma_start3A_108 = arith.constant 0 : i32
        %dma_start3A_109 = tpu.memref_slice %arg3[%scan3A_32, %add3A, %dma_start3A_107, %dma_start3A_108] : memref<20x32x80x128xi32, #tpu.memory_space<hbm>> -> memref<1x1x40x128xi32, #tpu.memory_space<hbm>>
        %dma_start3A_110 = tpu.memref_squeeze %dma_start3A_109 : memref<1x1x40x128xi32, #tpu.memory_space<hbm>> -> memref<40x128xi32, #tpu.memory_space<hbm>>
        tpu.enqueue_dma source(%dma_start3A_110 : memref<40x128xi32, #tpu.memory_space<hbm>>) target(%arg6 : memref<40x128xi32, #tpu.memory_space<vmem>>) target_semaphore(%run_scoped3A : memref<!tpu.dma_semaphore, #tpu.memory_space<semaphore_mem>>)
        %dma_wait3A = arith.constant 0 : i32
        %dma_wait3A_111 = arith.constant 0 : i32
        %dma_wait3A_112 = tpu.memref_slice %arg3[%scan3A_32, %add3A, %dma_wait3A, %dma_wait3A_111] : memref<20x32x80x128xi32, #tpu.memory_space<hbm>> -> memref<1x1x40x128xi32, #tpu.memory_space<hbm>>
        %dma_wait3A_113 = tpu.memref_squeeze %dma_wait3A_112 : memref<1x1x40x128xi32, #tpu.memory_space<hbm>> -> memref<40x128xi32, #tpu.memory_space<hbm>>
        %dma_wait3A_114 = arith.constant 0 : i32
        %dma_wait3A_115 = arith.constant 0 : i32
        %dma_wait3A_116 = tpu.memref_slice %arg3[%scan3A_32, %add3A, %dma_wait3A_114, %dma_wait3A_115] : memref<20x32x80x128xi32, #tpu.memory_space<hbm>> -> memref<1x1x40x128xi32, #tpu.memory_space<hbm>>
        %dma_wait3A_117 = tpu.memref_squeeze %dma_wait3A_116 : memref<1x1x40x128xi32, #tpu.memory_space<hbm>> -> memref<40x128xi32, #tpu.memory_space<hbm>>
        tpu.wait_dma2 semaphore(%run_scoped3A : memref<!tpu.dma_semaphore, #tpu.memory_space<semaphore_mem>>) src(%dma_wait3A_117 : memref<40x128xi32, #tpu.memory_space<hbm>>) dst(%arg6 : memref<40x128xi32, #tpu.memory_space<vmem>>)
        tpu.yield
      }) : () -> ()
      "tpu.region"() ({
        %run_scoped3A = tpu.sem_alloc : memref<!tpu.dma_semaphore, #tpu.memory_space<semaphore_mem>>
        %dma_start3A_103 = arith.constant 0 : i32
        %dma_start3A_104 = arith.constant 0 : i32
        %dma_start3A_105 = tpu.memref_slice %arg4[%add3A, %dma_start3A_103, %dma_start3A_104] : memref<32x80x128xi32, #tpu.memory_space<hbm>> -> memref<1x40x128xi32, #tpu.memory_space<hbm>>
        %dma_start3A_106 = tpu.memref_squeeze %dma_start3A_105 : memref<1x40x128xi32, #tpu.memory_space<hbm>> -> memref<40x128xi32, #tpu.memory_space<hbm>>
        %dma_start3A_107 = arith.constant 0 : i32
        %dma_start3A_108 = arith.constant 0 : i32
        %dma_start3A_109 = tpu.memref_slice %arg4[%add3A, %dma_start3A_107, %dma_start3A_108] : memref<32x80x128xi32, #tpu.memory_space<hbm>> -> memref<1x40x128xi32, #tpu.memory_space<hbm>>
        %dma_start3A_110 = tpu.memref_squeeze %dma_start3A_109 : memref<1x40x128xi32, #tpu.memory_space<hbm>> -> memref<40x128xi32, #tpu.memory_space<hbm>>
        tpu.enqueue_dma source(%dma_start3A_110 : memref<40x128xi32, #tpu.memory_space<hbm>>) target(%arg7 : memref<40x128xi32, #tpu.memory_space<vmem>>) target_semaphore(%run_scoped3A : memref<!tpu.dma_semaphore, #tpu.memory_space<semaphore_mem>>)
        %dma_wait3A = arith.constant 0 : i32
        %dma_wait3A_111 = arith.constant 0 : i32
        %dma_wait3A_112 = tpu.memref_slice %arg4[%add3A, %dma_wait3A, %dma_wait3A_111] : memref<32x80x128xi32, #tpu.memory_space<hbm>> -> memref<1x40x128xi32, #tpu.memory_space<hbm>>
        %dma_wait3A_113 = tpu.memref_squeeze %dma_wait3A_112 : memref<1x40x128xi32, #tpu.memory_space<hbm>> -> memref<40x128xi32, #tpu.memory_space<hbm>>
        %dma_wait3A_114 = arith.constant 0 : i32
        %dma_wait3A_115 = arith.constant 0 : i32
        %dma_wait3A_116 = tpu.memref_slice %arg4[%add3A, %dma_wait3A_114, %dma_wait3A_115] : memref<32x80x128xi32, #tpu.memory_space<hbm>> -> memref<1x40x128xi32, #tpu.memory_space<hbm>>
        %dma_wait3A_117 = tpu.memref_squeeze %dma_wait3A_116 : memref<1x40x128xi32, #tpu.memory_space<hbm>> -> memref<40x128xi32, #tpu.memory_space<hbm>>
        tpu.wait_dma2 semaphore(%run_scoped3A : memref<!tpu.dma_semaphore, #tpu.memory_space<semaphore_mem>>) src(%dma_wait3A_117 : memref<40x128xi32, #tpu.memory_space<hbm>>) dst(%arg7 : memref<40x128xi32, #tpu.memory_space<vmem>>)
        tpu.yield
      }) : () -> ()
      %dma_start3A = arith.constant 0 : i32
      %dma_start3A_33 = arith.constant 0 : i32
      %dma_start3A_34 = tpu.memref_slice %arg6[%dma_start3A, %dma_start3A_33] : memref<40x128xi32, #tpu.memory_space<vmem>> -> memref<1x128xi32, #tpu.memory_space<vmem>>
      %dma_start3A_35 = tpu.memref_squeeze %dma_start3A_34 : memref<1x128xi32, #tpu.memory_space<vmem>> -> memref<128xi32, #tpu.memory_space<vmem>>
      %dma_start3A_36 = arith.constant 0 : i32
      %dma_start3A_37 = arith.constant 0 : i32
      %dma_start3A_38 = tpu.memref_slice %arg2[%dma_start3A_36, %dma_start3A_37] : memref<200000x128xf32, #tpu.memory_space<hbm>> -> memref<200000x128xf32, #tpu.memory_space<hbm>>
      tpu.enqueue_indirect_dma source(%dma_start3A_38 : memref<200000x128xf32, #tpu.memory_space<hbm>>) target(%arg8 : memref<128x128xf32, #tpu.memory_space<vmem>>) offsets(%dma_start3A_35 : memref<128xi32, #tpu.memory_space<vmem>>) semaphore(%arg11 : memref<!tpu.dma_semaphore, #tpu.memory_space<semaphore_mem>>)
      %dma_start3A_39 = arith.constant 1 : i32
      %dma_start3A_40 = arith.constant 0 : i32
      %dma_start3A_41 = tpu.memref_slice %arg6[%dma_start3A_39, %dma_start3A_40] : memref<40x128xi32, #tpu.memory_space<vmem>> -> memref<1x128xi32, #tpu.memory_space<vmem>>
      %dma_start3A_42 = tpu.memref_squeeze %dma_start3A_41 : memref<1x128xi32, #tpu.memory_space<vmem>> -> memref<128xi32, #tpu.memory_space<vmem>>
      %dma_start3A_43 = arith.constant 0 : i32
      %dma_start3A_44 = arith.constant 0 : i32
      %dma_start3A_45 = tpu.memref_slice %arg2[%dma_start3A_43, %dma_start3A_44] : memref<200000x128xf32, #tpu.memory_space<hbm>> -> memref<200000x128xf32, #tpu.memory_space<hbm>>
      tpu.enqueue_indirect_dma source(%dma_start3A_45 : memref<200000x128xf32, #tpu.memory_space<hbm>>) target(%arg9 : memref<128x128xf32, #tpu.memory_space<vmem>>) offsets(%dma_start3A_42 : memref<128xi32, #tpu.memory_space<vmem>>) semaphore(%arg12 : memref<!tpu.dma_semaphore, #tpu.memory_space<semaphore_mem>>)
      %scan3A_46 = arith.constant 0 : i32
      %scan3A_47 = arith.constant 0 : i32
      %scan3A_48 = arith.constant 20 : i32
      %scan3A_49 = arith.addi %scan3A_47, %scan3A_48 : i32
      %scan3A_50 = arith.constant 1 : i32
      scf.for %scan3A_103 = %scan3A_47 to %scan3A_49 step %scan3A_50  : i32 {
        %mul3A_104 = arith.constant 2 : i32
        %mul3A_105 = arith.muli %mul3A_104, %scan3A_103 : i32
        %add3A_106 = arith.constant 0 : i32
        %add3A_107 = arith.addi %mul3A_105, %add3A_106 : i32
        %dma_wait3A = arith.constant 0 : i32
        %dma_wait3A_108 = arith.constant 0 : i32
        %dma_wait3A_109 = tpu.memref_slice %arg2[%dma_wait3A, %dma_wait3A_108] : memref<200000x128xf32, #tpu.memory_space<hbm>> -> memref<128x128xf32, #tpu.memory_space<hbm>>
        %dma_wait3A_110 = arith.constant 0 : i32
        %dma_wait3A_111 = arith.constant 0 : i32
        %dma_wait3A_112 = tpu.memref_slice %arg2[%dma_wait3A_110, %dma_wait3A_111] : memref<200000x128xf32, #tpu.memory_space<hbm>> -> memref<128x128xf32, #tpu.memory_space<hbm>>
        tpu.wait_dma2 semaphore(%arg11 : memref<!tpu.dma_semaphore, #tpu.memory_space<semaphore_mem>>) src(%dma_wait3A_112 : memref<128x128xf32, #tpu.memory_space<hbm>>) dst(%arg8 : memref<128x128xf32, #tpu.memory_space<vmem>>)
        "tpu.region"() ({
          %run_scoped3A = tpu.sem_alloc : memref<!tpu.dma_semaphore, #tpu.memory_space<semaphore_mem>>
          %dma_start3A_130 = arith.constant 0 : i32
          %dma_start3A_131 = tpu.memref_slice %arg7[%add3A_107, %dma_start3A_130] : memref<40x128xi32, #tpu.memory_space<vmem>> -> memref<1x128xi32, #tpu.memory_space<vmem>>
          %dma_start3A_132 = tpu.memref_squeeze %dma_start3A_131 : memref<1x128xi32, #tpu.memory_space<vmem>> -> memref<128xi32, #tpu.memory_space<vmem>>
          %dma_start3A_133 = arith.constant 0 : i32
          %dma_start3A_134 = arith.constant 0 : i32
          %dma_start3A_135 = tpu.memref_slice %arg10[%dma_start3A_133, %dma_start3A_134] : memref<10112x128xf32, #tpu.memory_space<vmem_shared>> -> memref<10112x128xf32, #tpu.memory_space<vmem_shared>>
          tpu.enqueue_indirect_dma source(%arg8 : memref<128x128xf32, #tpu.memory_space<vmem>>) target(%dma_start3A_135 : memref<10112x128xf32, #tpu.memory_space<vmem_shared>>) offsets(%dma_start3A_132 : memref<128xi32, #tpu.memory_space<vmem>>) semaphore(%run_scoped3A : memref<!tpu.dma_semaphore, #tpu.memory_space<semaphore_mem>>) {add = true}
          %dma_wait3A_136 = arith.constant 0 : i32
          %dma_wait3A_137 = tpu.memref_slice %arg7[%add3A_107, %dma_wait3A_136] : memref<40x128xi32, #tpu.memory_space<vmem>> -> memref<1x128xi32, #tpu.memory_space<vmem>>
          %dma_wait3A_138 = tpu.memref_squeeze %dma_wait3A_137 : memref<1x128xi32, #tpu.memory_space<vmem>> -> memref<128xi32, #tpu.memory_space<vmem>>
          %dma_wait3A_139 = arith.constant 0 : i32
          %dma_wait3A_140 = arith.constant 0 : i32
          %dma_wait3A_141 = tpu.memref_slice %arg10[%dma_wait3A_139, %dma_wait3A_140] : memref<10112x128xf32, #tpu.memory_space<vmem_shared>> -> memref<10112x128xf32, #tpu.memory_space<vmem_shared>>
          tpu.wait_indirect_dma semaphore(%run_scoped3A : memref<!tpu.dma_semaphore, #tpu.memory_space<semaphore_mem>>) src(%arg8 : memref<128x128xf32, #tpu.memory_space<vmem>>) dst(%dma_wait3A_141 : memref<10112x128xf32, #tpu.memory_space<vmem_shared>>)
          tpu.yield
        }) : () -> ()
        %lt3A = arith.constant 19 : i32
        %lt3A_113 = arith.cmpi slt, %scan3A_103, %lt3A : i32
        %convert_element_type3A = arith.extui %lt3A_113 : i1 to i32
        %cond3A = arith.constant 0 : i32
        %cond3A_114 = arith.cmpi ne, %convert_element_type3A, %cond3A : i32
        scf.if %cond3A_114 {
          %add3A_130 = arith.constant 2 : i32
          %add3A_131 = arith.addi %add3A_107, %add3A_130 : i32
          %dma_start3A_132 = arith.constant 0 : i32
          %dma_start3A_133 = tpu.memref_slice %arg6[%add3A_131, %dma_start3A_132] : memref<40x128xi32, #tpu.memory_space<vmem>> -> memref<1x128xi32, #tpu.memory_space<vmem>>
          %dma_start3A_134 = tpu.memref_squeeze %dma_start3A_133 : memref<1x128xi32, #tpu.memory_space<vmem>> -> memref<128xi32, #tpu.memory_space<vmem>>
          %dma_start3A_135 = arith.constant 0 : i32
          %dma_start3A_136 = arith.constant 0 : i32
          %dma_start3A_137 = tpu.memref_slice %arg2[%dma_start3A_135, %dma_start3A_136] : memref<200000x128xf32, #tpu.memory_space<hbm>> -> memref<200000x128xf32, #tpu.memory_space<hbm>>
          tpu.enqueue_indirect_dma source(%dma_start3A_137 : memref<200000x128xf32, #tpu.memory_space<hbm>>) target(%arg8 : memref<128x128xf32, #tpu.memory_space<vmem>>) offsets(%dma_start3A_134 : memref<128xi32, #tpu.memory_space<vmem>>) semaphore(%arg11 : memref<!tpu.dma_semaphore, #tpu.memory_space<semaphore_mem>>)
        } else {
        }
        %mul3A_115 = arith.constant 2 : i32
        %mul3A_116 = arith.muli %mul3A_115, %scan3A_103 : i32
        %add3A_117 = arith.constant 1 : i32
        %add3A_118 = arith.addi %mul3A_116, %add3A_117 : i32
        %dma_wait3A_119 = arith.constant 0 : i32
        %dma_wait3A_120 = arith.constant 0 : i32
        %dma_wait3A_121 = tpu.memref_slice %arg2[%dma_wait3A_119, %dma_wait3A_120] : memref<200000x128xf32, #tpu.memory_space<hbm>> -> memref<128x128xf32, #tpu.memory_space<hbm>>
        %dma_wait3A_122 = arith.constant 0 : i32
        %dma_wait3A_123 = arith.constant 0 : i32
        %dma_wait3A_124 = tpu.memref_slice %arg2[%dma_wait3A_122, %dma_wait3A_123] : memref<200000x128xf32, #tpu.memory_space<hbm>> -> memref<128x128xf32, #tpu.memory_space<hbm>>
        tpu.wait_dma2 semaphore(%arg12 : memref<!tpu.dma_semaphore, #tpu.memory_space<semaphore_mem>>) src(%dma_wait3A_124 : memref<128x128xf32, #tpu.memory_space<hbm>>) dst(%arg9 : memref<128x128xf32, #tpu.memory_space<vmem>>)
        "tpu.region"() ({
          %run_scoped3A = tpu.sem_alloc : memref<!tpu.dma_semaphore, #tpu.memory_space<semaphore_mem>>
          %dma_start3A_130 = arith.constant 0 : i32
          %dma_start3A_131 = tpu.memref_slice %arg7[%add3A_118, %dma_start3A_130] : memref<40x128xi32, #tpu.memory_space<vmem>> -> memref<1x128xi32, #tpu.memory_space<vmem>>
          %dma_start3A_132 = tpu.memref_squeeze %dma_start3A_131 : memref<1x128xi32, #tpu.memory_space<vmem>> -> memref<128xi32, #tpu.memory_space<vmem>>
          %dma_start3A_133 = arith.constant 0 : i32
          %dma_start3A_134 = arith.constant 0 : i32
          %dma_start3A_135 = tpu.memref_slice %arg10[%dma_start3A_133, %dma_start3A_134] : memref<10112x128xf32, #tpu.memory_space<vmem_shared>> -> memref<10112x128xf32, #tpu.memory_space<vmem_shared>>
          tpu.enqueue_indirect_dma source(%arg9 : memref<128x128xf32, #tpu.memory_space<vmem>>) target(%dma_start3A_135 : memref<10112x128xf32, #tpu.memory_space<vmem_shared>>) offsets(%dma_start3A_132 : memref<128xi32, #tpu.memory_space<vmem>>) semaphore(%run_scoped3A : memref<!tpu.dma_semaphore, #tpu.memory_space<semaphore_mem>>) {add = true}
          %dma_wait3A_136 = arith.constant 0 : i32
          %dma_wait3A_137 = tpu.memref_slice %arg7[%add3A_118, %dma_wait3A_136] : memref<40x128xi32, #tpu.memory_space<vmem>> -> memref<1x128xi32, #tpu.memory_space<vmem>>
          %dma_wait3A_138 = tpu.memref_squeeze %dma_wait3A_137 : memref<1x128xi32, #tpu.memory_space<vmem>> -> memref<128xi32, #tpu.memory_space<vmem>>
          %dma_wait3A_139 = arith.constant 0 : i32
          %dma_wait3A_140 = arith.constant 0 : i32
          %dma_wait3A_141 = tpu.memref_slice %arg10[%dma_wait3A_139, %dma_wait3A_140] : memref<10112x128xf32, #tpu.memory_space<vmem_shared>> -> memref<10112x128xf32, #tpu.memory_space<vmem_shared>>
          tpu.wait_indirect_dma semaphore(%run_scoped3A : memref<!tpu.dma_semaphore, #tpu.memory_space<semaphore_mem>>) src(%arg9 : memref<128x128xf32, #tpu.memory_space<vmem>>) dst(%dma_wait3A_141 : memref<10112x128xf32, #tpu.memory_space<vmem_shared>>)
          tpu.yield
        }) : () -> ()
        %lt3A_125 = arith.constant 19 : i32
        %lt3A_126 = arith.cmpi slt, %scan3A_103, %lt3A_125 : i32
        %convert_element_type3A_127 = arith.extui %lt3A_126 : i1 to i32
        %cond3A_128 = arith.constant 0 : i32
        %cond3A_129 = arith.cmpi ne, %convert_element_type3A_127, %cond3A_128 : i32
        scf.if %cond3A_129 {
          %add3A_130 = arith.constant 2 : i32
          %add3A_131 = arith.addi %add3A_118, %add3A_130 : i32
          %dma_start3A_132 = arith.constant 0 : i32
          %dma_start3A_133 = tpu.memref_slice %arg6[%add3A_131, %dma_start3A_132] : memref<40x128xi32, #tpu.memory_space<vmem>> -> memref<1x128xi32, #tpu.memory_space<vmem>>
          %dma_start3A_134 = tpu.memref_squeeze %dma_start3A_133 : memref<1x128xi32, #tpu.memory_space<vmem>> -> memref<128xi32, #tpu.memory_space<vmem>>
          %dma_start3A_135 = arith.constant 0 : i32
          %dma_start3A_136 = arith.constant 0 : i32
          %dma_start3A_137 = tpu.memref_slice %arg2[%dma_start3A_135, %dma_start3A_136] : memref<200000x128xf32, #tpu.memory_space<hbm>> -> memref<200000x128xf32, #tpu.memory_space<hbm>>
          tpu.enqueue_indirect_dma source(%dma_start3A_137 : memref<200000x128xf32, #tpu.memory_space<hbm>>) target(%arg9 : memref<128x128xf32, #tpu.memory_space<vmem>>) offsets(%dma_start3A_134 : memref<128xi32, #tpu.memory_space<vmem>>) semaphore(%arg12 : memref<!tpu.dma_semaphore, #tpu.memory_space<semaphore_mem>>)
        } else {
        }
      }
      %scan3A_51 = arith.constant 20 : i32
      "tpu.region"() ({
        %run_scoped3A = tpu.sem_alloc : memref<!tpu.dma_semaphore, #tpu.memory_space<semaphore_mem>>
        %dma_start3A_103 = arith.constant 40 : i32
        %dma_start3A_104 = arith.constant 0 : i32
        %dma_start3A_105 = tpu.memref_slice %arg3[%scan3A_32, %add3A, %dma_start3A_103, %dma_start3A_104] : memref<20x32x80x128xi32, #tpu.memory_space<hbm>> -> memref<1x1x40x128xi32, #tpu.memory_space<hbm>>
        %dma_start3A_106 = tpu.memref_squeeze %dma_start3A_105 : memref<1x1x40x128xi32, #tpu.memory_space<hbm>> -> memref<40x128xi32, #tpu.memory_space<hbm>>
        %dma_start3A_107 = arith.constant 40 : i32
        %dma_start3A_108 = arith.constant 0 : i32
        %dma_start3A_109 = tpu.memref_slice %arg3[%scan3A_32, %add3A, %dma_start3A_107, %dma_start3A_108] : memref<20x32x80x128xi32, #tpu.memory_space<hbm>> -> memref<1x1x40x128xi32, #tpu.memory_space<hbm>>
        %dma_start3A_110 = tpu.memref_squeeze %dma_start3A_109 : memref<1x1x40x128xi32, #tpu.memory_space<hbm>> -> memref<40x128xi32, #tpu.memory_space<hbm>>
        tpu.enqueue_dma source(%dma_start3A_110 : memref<40x128xi32, #tpu.memory_space<hbm>>) target(%arg6 : memref<40x128xi32, #tpu.memory_space<vmem>>) target_semaphore(%run_scoped3A : memref<!tpu.dma_semaphore, #tpu.memory_space<semaphore_mem>>)
        %dma_wait3A = arith.constant 40 : i32
        %dma_wait3A_111 = arith.constant 0 : i32
        %dma_wait3A_112 = tpu.memref_slice %arg3[%scan3A_32, %add3A, %dma_wait3A, %dma_wait3A_111] : memref<20x32x80x128xi32, #tpu.memory_space<hbm>> -> memref<1x1x40x128xi32, #tpu.memory_space<hbm>>
        %dma_wait3A_113 = tpu.memref_squeeze %dma_wait3A_112 : memref<1x1x40x128xi32, #tpu.memory_space<hbm>> -> memref<40x128xi32, #tpu.memory_space<hbm>>
        %dma_wait3A_114 = arith.constant 40 : i32
        %dma_wait3A_115 = arith.constant 0 : i32
        %dma_wait3A_116 = tpu.memref_slice %arg3[%scan3A_32, %add3A, %dma_wait3A_114, %dma_wait3A_115] : memref<20x32x80x128xi32, #tpu.memory_space<hbm>> -> memref<1x1x40x128xi32, #tpu.memory_space<hbm>>
        %dma_wait3A_117 = tpu.memref_squeeze %dma_wait3A_116 : memref<1x1x40x128xi32, #tpu.memory_space<hbm>> -> memref<40x128xi32, #tpu.memory_space<hbm>>
        tpu.wait_dma2 semaphore(%run_scoped3A : memref<!tpu.dma_semaphore, #tpu.memory_space<semaphore_mem>>) src(%dma_wait3A_117 : memref<40x128xi32, #tpu.memory_space<hbm>>) dst(%arg6 : memref<40x128xi32, #tpu.memory_space<vmem>>)
        tpu.yield
      }) : () -> ()
      "tpu.region"() ({
        %run_scoped3A = tpu.sem_alloc : memref<!tpu.dma_semaphore, #tpu.memory_space<semaphore_mem>>
        %dma_start3A_103 = arith.constant 40 : i32
        %dma_start3A_104 = arith.constant 0 : i32
        %dma_start3A_105 = tpu.memref_slice %arg4[%add3A, %dma_start3A_103, %dma_start3A_104] : memref<32x80x128xi32, #tpu.memory_space<hbm>> -> memref<1x40x128xi32, #tpu.memory_space<hbm>>
        %dma_start3A_106 = tpu.memref_squeeze %dma_start3A_105 : memref<1x40x128xi32, #tpu.memory_space<hbm>> -> memref<40x128xi32, #tpu.memory_space<hbm>>
        %dma_start3A_107 = arith.constant 40 : i32
        %dma_start3A_108 = arith.constant 0 : i32
        %dma_start3A_109 = tpu.memref_slice %arg4[%add3A, %dma_start3A_107, %dma_start3A_108] : memref<32x80x128xi32, #tpu.memory_space<hbm>> -> memref<1x40x128xi32, #tpu.memory_space<hbm>>
        %dma_start3A_110 = tpu.memref_squeeze %dma_start3A_109 : memref<1x40x128xi32, #tpu.memory_space<hbm>> -> memref<40x128xi32, #tpu.memory_space<hbm>>
        tpu.enqueue_dma source(%dma_start3A_110 : memref<40x128xi32, #tpu.memory_space<hbm>>) target(%arg7 : memref<40x128xi32, #tpu.memory_space<vmem>>) target_semaphore(%run_scoped3A : memref<!tpu.dma_semaphore, #tpu.memory_space<semaphore_mem>>)
        %dma_wait3A = arith.constant 40 : i32
        %dma_wait3A_111 = arith.constant 0 : i32
        %dma_wait3A_112 = tpu.memref_slice %arg4[%add3A, %dma_wait3A, %dma_wait3A_111] : memref<32x80x128xi32, #tpu.memory_space<hbm>> -> memref<1x40x128xi32, #tpu.memory_space<hbm>>
        %dma_wait3A_113 = tpu.memref_squeeze %dma_wait3A_112 : memref<1x40x128xi32, #tpu.memory_space<hbm>> -> memref<40x128xi32, #tpu.memory_space<hbm>>
        %dma_wait3A_114 = arith.constant 40 : i32
        %dma_wait3A_115 = arith.constant 0 : i32
        %dma_wait3A_116 = tpu.memref_slice %arg4[%add3A, %dma_wait3A_114, %dma_wait3A_115] : memref<32x80x128xi32, #tpu.memory_space<hbm>> -> memref<1x40x128xi32, #tpu.memory_space<hbm>>
        %dma_wait3A_117 = tpu.memref_squeeze %dma_wait3A_116 : memref<1x40x128xi32, #tpu.memory_space<hbm>> -> memref<40x128xi32, #tpu.memory_space<hbm>>
        tpu.wait_dma2 semaphore(%run_scoped3A : memref<!tpu.dma_semaphore, #tpu.memory_space<semaphore_mem>>) src(%dma_wait3A_117 : memref<40x128xi32, #tpu.memory_space<hbm>>) dst(%arg7 : memref<40x128xi32, #tpu.memory_space<vmem>>)
        tpu.yield
      }) : () -> ()
      %dma_start3A_52 = arith.constant 0 : i32
      %dma_start3A_53 = arith.constant 0 : i32
      %dma_start3A_54 = tpu.memref_slice %arg6[%dma_start3A_52, %dma_start3A_53] : memref<40x128xi32, #tpu.memory_space<vmem>> -> memref<1x128xi32, #tpu.memory_space<vmem>>
      %dma_start3A_55 = tpu.memref_squeeze %dma_start3A_54 : memref<1x128xi32, #tpu.memory_space<vmem>> -> memref<128xi32, #tpu.memory_space<vmem>>
      %dma_start3A_56 = arith.constant 0 : i32
      %dma_start3A_57 = arith.constant 0 : i32
      %dma_start3A_58 = tpu.memref_slice %arg2[%dma_start3A_56, %dma_start3A_57] : memref<200000x128xf32, #tpu.memory_space<hbm>> -> memref<200000x128xf32, #tpu.memory_space<hbm>>
      tpu.enqueue_indirect_dma source(%dma_start3A_58 : memref<200000x128xf32, #tpu.memory_space<hbm>>) target(%arg8 : memref<128x128xf32, #tpu.memory_space<vmem>>) offsets(%dma_start3A_55 : memref<128xi32, #tpu.memory_space<vmem>>) semaphore(%arg11 : memref<!tpu.dma_semaphore, #tpu.memory_space<semaphore_mem>>)
      %dma_start3A_59 = arith.constant 1 : i32
      %dma_start3A_60 = arith.constant 0 : i32
      %dma_start3A_61 = tpu.memref_slice %arg6[%dma_start3A_59, %dma_start3A_60] : memref<40x128xi32, #tpu.memory_space<vmem>> -> memref<1x128xi32, #tpu.memory_space<vmem>>
      %dma_start3A_62 = tpu.memref_squeeze %dma_start3A_61 : memref<1x128xi32, #tpu.memory_space<vmem>> -> memref<128xi32, #tpu.memory_space<vmem>>
      %dma_start3A_63 = arith.constant 0 : i32
      %dma_start3A_64 = arith.constant 0 : i32
      %dma_start3A_65 = tpu.memref_slice %arg2[%dma_start3A_63, %dma_start3A_64] : memref<200000x128xf32, #tpu.memory_space<hbm>> -> memref<200000x128xf32, #tpu.memory_space<hbm>>
      tpu.enqueue_indirect_dma source(%dma_start3A_65 : memref<200000x128xf32, #tpu.memory_space<hbm>>) target(%arg9 : memref<128x128xf32, #tpu.memory_space<vmem>>) offsets(%dma_start3A_62 : memref<128xi32, #tpu.memory_space<vmem>>) semaphore(%arg12 : memref<!tpu.dma_semaphore, #tpu.memory_space<semaphore_mem>>)
      %scan3A_66 = arith.constant 0 : i32
      %scan3A_67 = arith.constant 0 : i32
      %scan3A_68 = arith.constant 20 : i32
      %scan3A_69 = arith.addi %scan3A_67, %scan3A_68 : i32
      %scan3A_70 = arith.constant 1 : i32
      scf.for %scan3A_103 = %scan3A_67 to %scan3A_69 step %scan3A_70  : i32 {
        %mul3A_104 = arith.constant 2 : i32
        %mul3A_105 = arith.muli %mul3A_104, %scan3A_103 : i32
        %add3A_106 = arith.constant 0 : i32
        %add3A_107 = arith.addi %mul3A_105, %add3A_106 : i32
        %dma_wait3A = arith.constant 0 : i32
        %dma_wait3A_108 = arith.constant 0 : i32
        %dma_wait3A_109 = tpu.memref_slice %arg2[%dma_wait3A, %dma_wait3A_108] : memref<200000x128xf32, #tpu.memory_space<hbm>> -> memref<128x128xf32, #tpu.memory_space<hbm>>
        %dma_wait3A_110 = arith.constant 0 : i32
        %dma_wait3A_111 = arith.constant 0 : i32
        %dma_wait3A_112 = tpu.memref_slice %arg2[%dma_wait3A_110, %dma_wait3A_111] : memref<200000x128xf32, #tpu.memory_space<hbm>> -> memref<128x128xf32, #tpu.memory_space<hbm>>
        tpu.wait_dma2 semaphore(%arg11 : memref<!tpu.dma_semaphore, #tpu.memory_space<semaphore_mem>>) src(%dma_wait3A_112 : memref<128x128xf32, #tpu.memory_space<hbm>>) dst(%arg8 : memref<128x128xf32, #tpu.memory_space<vmem>>)
        "tpu.region"() ({
          %run_scoped3A = tpu.sem_alloc : memref<!tpu.dma_semaphore, #tpu.memory_space<semaphore_mem>>
          %dma_start3A_130 = arith.constant 0 : i32
          %dma_start3A_131 = tpu.memref_slice %arg7[%add3A_107, %dma_start3A_130] : memref<40x128xi32, #tpu.memory_space<vmem>> -> memref<1x128xi32, #tpu.memory_space<vmem>>
          %dma_start3A_132 = tpu.memref_squeeze %dma_start3A_131 : memref<1x128xi32, #tpu.memory_space<vmem>> -> memref<128xi32, #tpu.memory_space<vmem>>
          %dma_start3A_133 = arith.constant 0 : i32
          %dma_start3A_134 = arith.constant 0 : i32
          %dma_start3A_135 = tpu.memref_slice %arg10[%dma_start3A_133, %dma_start3A_134] : memref<10112x128xf32, #tpu.memory_space<vmem_shared>> -> memref<10112x128xf32, #tpu.memory_space<vmem_shared>>
          tpu.enqueue_indirect_dma source(%arg8 : memref<128x128xf32, #tpu.memory_space<vmem>>) target(%dma_start3A_135 : memref<10112x128xf32, #tpu.memory_space<vmem_shared>>) offsets(%dma_start3A_132 : memref<128xi32, #tpu.memory_space<vmem>>) semaphore(%run_scoped3A : memref<!tpu.dma_semaphore, #tpu.memory_space<semaphore_mem>>) {add = true}
          %dma_wait3A_136 = arith.constant 0 : i32
          %dma_wait3A_137 = tpu.memref_slice %arg7[%add3A_107, %dma_wait3A_136] : memref<40x128xi32, #tpu.memory_space<vmem>> -> memref<1x128xi32, #tpu.memory_space<vmem>>
          %dma_wait3A_138 = tpu.memref_squeeze %dma_wait3A_137 : memref<1x128xi32, #tpu.memory_space<vmem>> -> memref<128xi32, #tpu.memory_space<vmem>>
          %dma_wait3A_139 = arith.constant 0 : i32
          %dma_wait3A_140 = arith.constant 0 : i32
          %dma_wait3A_141 = tpu.memref_slice %arg10[%dma_wait3A_139, %dma_wait3A_140] : memref<10112x128xf32, #tpu.memory_space<vmem_shared>> -> memref<10112x128xf32, #tpu.memory_space<vmem_shared>>
          tpu.wait_indirect_dma semaphore(%run_scoped3A : memref<!tpu.dma_semaphore, #tpu.memory_space<semaphore_mem>>) src(%arg8 : memref<128x128xf32, #tpu.memory_space<vmem>>) dst(%dma_wait3A_141 : memref<10112x128xf32, #tpu.memory_space<vmem_shared>>)
          tpu.yield
        }) : () -> ()
        %lt3A = arith.constant 19 : i32
        %lt3A_113 = arith.cmpi slt, %scan3A_103, %lt3A : i32
        %convert_element_type3A = arith.extui %lt3A_113 : i1 to i32
        %cond3A = arith.constant 0 : i32
        %cond3A_114 = arith.cmpi ne, %convert_element_type3A, %cond3A : i32
        scf.if %cond3A_114 {
          %add3A_130 = arith.constant 2 : i32
          %add3A_131 = arith.addi %add3A_107, %add3A_130 : i32
          %dma_start3A_132 = arith.constant 0 : i32
          %dma_start3A_133 = tpu.memref_slice %arg6[%add3A_131, %dma_start3A_132] : memref<40x128xi32, #tpu.memory_space<vmem>> -> memref<1x128xi32, #tpu.memory_space<vmem>>
          %dma_start3A_134 = tpu.memref_squeeze %dma_start3A_133 : memref<1x128xi32, #tpu.memory_space<vmem>> -> memref<128xi32, #tpu.memory_space<vmem>>
          %dma_start3A_135 = arith.constant 0 : i32
          %dma_start3A_136 = arith.constant 0 : i32
          %dma_start3A_137 = tpu.memref_slice %arg2[%dma_start3A_135, %dma_start3A_136] : memref<200000x128xf32, #tpu.memory_space<hbm>> -> memref<200000x128xf32, #tpu.memory_space<hbm>>
          tpu.enqueue_indirect_dma source(%dma_start3A_137 : memref<200000x128xf32, #tpu.memory_space<hbm>>) target(%arg8 : memref<128x128xf32, #tpu.memory_space<vmem>>) offsets(%dma_start3A_134 : memref<128xi32, #tpu.memory_space<vmem>>) semaphore(%arg11 : memref<!tpu.dma_semaphore, #tpu.memory_space<semaphore_mem>>)
        } else {
        }
        %mul3A_115 = arith.constant 2 : i32
        %mul3A_116 = arith.muli %mul3A_115, %scan3A_103 : i32
        %add3A_117 = arith.constant 1 : i32
        %add3A_118 = arith.addi %mul3A_116, %add3A_117 : i32
        %dma_wait3A_119 = arith.constant 0 : i32
        %dma_wait3A_120 = arith.constant 0 : i32
        %dma_wait3A_121 = tpu.memref_slice %arg2[%dma_wait3A_119, %dma_wait3A_120] : memref<200000x128xf32, #tpu.memory_space<hbm>> -> memref<128x128xf32, #tpu.memory_space<hbm>>
        %dma_wait3A_122 = arith.constant 0 : i32
        %dma_wait3A_123 = arith.constant 0 : i32
        %dma_wait3A_124 = tpu.memref_slice %arg2[%dma_wait3A_122, %dma_wait3A_123] : memref<200000x128xf32, #tpu.memory_space<hbm>> -> memref<128x128xf32, #tpu.memory_space<hbm>>
        tpu.wait_dma2 semaphore(%arg12 : memref<!tpu.dma_semaphore, #tpu.memory_space<semaphore_mem>>) src(%dma_wait3A_124 : memref<128x128xf32, #tpu.memory_space<hbm>>) dst(%arg9 : memref<128x128xf32, #tpu.memory_space<vmem>>)
        "tpu.region"() ({
          %run_scoped3A = tpu.sem_alloc : memref<!tpu.dma_semaphore, #tpu.memory_space<semaphore_mem>>
          %dma_start3A_130 = arith.constant 0 : i32
          %dma_start3A_131 = tpu.memref_slice %arg7[%add3A_118, %dma_start3A_130] : memref<40x128xi32, #tpu.memory_space<vmem>> -> memref<1x128xi32, #tpu.memory_space<vmem>>
          %dma_start3A_132 = tpu.memref_squeeze %dma_start3A_131 : memref<1x128xi32, #tpu.memory_space<vmem>> -> memref<128xi32, #tpu.memory_space<vmem>>
          %dma_start3A_133 = arith.constant 0 : i32
          %dma_start3A_134 = arith.constant 0 : i32
          %dma_start3A_135 = tpu.memref_slice %arg10[%dma_start3A_133, %dma_start3A_134] : memref<10112x128xf32, #tpu.memory_space<vmem_shared>> -> memref<10112x128xf32, #tpu.memory_space<vmem_shared>>
          tpu.enqueue_indirect_dma source(%arg9 : memref<128x128xf32, #tpu.memory_space<vmem>>) target(%dma_start3A_135 : memref<10112x128xf32, #tpu.memory_space<vmem_shared>>) offsets(%dma_start3A_132 : memref<128xi32, #tpu.memory_space<vmem>>) semaphore(%run_scoped3A : memref<!tpu.dma_semaphore, #tpu.memory_space<semaphore_mem>>) {add = true}
          %dma_wait3A_136 = arith.constant 0 : i32
          %dma_wait3A_137 = tpu.memref_slice %arg7[%add3A_118, %dma_wait3A_136] : memref<40x128xi32, #tpu.memory_space<vmem>> -> memref<1x128xi32, #tpu.memory_space<vmem>>
          %dma_wait3A_138 = tpu.memref_squeeze %dma_wait3A_137 : memref<1x128xi32, #tpu.memory_space<vmem>> -> memref<128xi32, #tpu.memory_space<vmem>>
          %dma_wait3A_139 = arith.constant 0 : i32
          %dma_wait3A_140 = arith.constant 0 : i32
          %dma_wait3A_141 = tpu.memref_slice %arg10[%dma_wait3A_139, %dma_wait3A_140] : memref<10112x128xf32, #tpu.memory_space<vmem_shared>> -> memref<10112x128xf32, #tpu.memory_space<vmem_shared>>
          tpu.wait_indirect_dma semaphore(%run_scoped3A : memref<!tpu.dma_semaphore, #tpu.memory_space<semaphore_mem>>) src(%arg9 : memref<128x128xf32, #tpu.memory_space<vmem>>) dst(%dma_wait3A_141 : memref<10112x128xf32, #tpu.memory_space<vmem_shared>>)
          tpu.yield
        }) : () -> ()
        %lt3A_125 = arith.constant 19 : i32
        %lt3A_126 = arith.cmpi slt, %scan3A_103, %lt3A_125 : i32
        %convert_element_type3A_127 = arith.extui %lt3A_126 : i1 to i32
        %cond3A_128 = arith.constant 0 : i32
        %cond3A_129 = arith.cmpi ne, %convert_element_type3A_127, %cond3A_128 : i32
        scf.if %cond3A_129 {
          %add3A_130 = arith.constant 2 : i32
          %add3A_131 = arith.addi %add3A_118, %add3A_130 : i32
          %dma_start3A_132 = arith.constant 0 : i32
          %dma_start3A_133 = tpu.memref_slice %arg6[%add3A_131, %dma_start3A_132] : memref<40x128xi32, #tpu.memory_space<vmem>> -> memref<1x128xi32, #tpu.memory_space<vmem>>
          %dma_start3A_134 = tpu.memref_squeeze %dma_start3A_133 : memref<1x128xi32, #tpu.memory_space<vmem>> -> memref<128xi32, #tpu.memory_space<vmem>>
          %dma_start3A_135 = arith.constant 0 : i32
          %dma_start3A_136 = arith.constant 0 : i32
          %dma_start3A_137 = tpu.memref_slice %arg2[%dma_start3A_135, %dma_start3A_136] : memref<200000x128xf32, #tpu.memory_space<hbm>> -> memref<200000x128xf32, #tpu.memory_space<hbm>>
          tpu.enqueue_indirect_dma source(%dma_start3A_137 : memref<200000x128xf32, #tpu.memory_space<hbm>>) target(%arg9 : memref<128x128xf32, #tpu.memory_space<vmem>>) offsets(%dma_start3A_134 : memref<128xi32, #tpu.memory_space<vmem>>) semaphore(%arg12 : memref<!tpu.dma_semaphore, #tpu.memory_space<semaphore_mem>>)
        } else {
        }
      }
      %scan3A_71 = arith.constant 20 : i32
      %barrier3A_72 = arith.constant 0 : index
      tpu.barrier barrier_id(%barrier3A_72)
      %mul3A_73 = arith.constant 632 : i32
      %mul3A_74 = arith.muli %arg1, %mul3A_73 : i32
      %mul3A_75 = arith.constant 632 : i32
      %mul3A_76 = arith.muli %arg1, %mul3A_75 : i32
      "tpu.region"() ({
        %run_scoped3A = tpu.sem_alloc : memref<!tpu.dma_semaphore, #tpu.memory_space<semaphore_mem>>
        %dma_start3A_103 = arith.constant 0 : i32
        %dma_start3A_104 = tpu.memref_slice %arg5[%arg0, %scan3A_32, %mul3A_76, %dma_start3A_103] : memref<2x20x10112x128xf32, #tpu.memory_space<hbm>> -> memref<1x1x632x128xf32, #tpu.memory_space<hbm>>
        %dma_start3A_105 = tpu.memref_squeeze %dma_start3A_104 : memref<1x1x632x128xf32, #tpu.memory_space<hbm>> -> memref<632x128xf32, #tpu.memory_space<hbm>>
        %dma_start3A_106 = arith.constant 0 : i32
        %dma_start3A_107 = tpu.memref_slice %arg10[%mul3A_74, %dma_start3A_106] : memref<10112x128xf32, #tpu.memory_space<vmem_shared>> -> memref<632x128xf32, #tpu.memory_space<vmem_shared>>
        tpu.enqueue_dma source(%dma_start3A_107 : memref<632x128xf32, #tpu.memory_space<vmem_shared>>) target(%dma_start3A_105 : memref<632x128xf32, #tpu.memory_space<hbm>>) target_semaphore(%run_scoped3A : memref<!tpu.dma_semaphore, #tpu.memory_space<semaphore_mem>>)
        %dma_wait3A = arith.constant 0 : i32
        %dma_wait3A_108 = tpu.memref_slice %arg5[%arg0, %scan3A_32, %mul3A_76, %dma_wait3A] : memref<2x20x10112x128xf32, #tpu.memory_space<hbm>> -> memref<1x1x632x128xf32, #tpu.memory_space<hbm>>
        %dma_wait3A_109 = tpu.memref_squeeze %dma_wait3A_108 : memref<1x1x632x128xf32, #tpu.memory_space<hbm>> -> memref<632x128xf32, #tpu.memory_space<hbm>>
        %dma_wait3A_110 = arith.constant 0 : i32
        %dma_wait3A_111 = tpu.memref_slice %arg10[%mul3A_74, %dma_wait3A_110] : memref<10112x128xf32, #tpu.memory_space<vmem_shared>> -> memref<632x128xf32, #tpu.memory_space<vmem_shared>>
        tpu.wait_dma2 semaphore(%run_scoped3A : memref<!tpu.dma_semaphore, #tpu.memory_space<semaphore_mem>>) src(%dma_wait3A_111 : memref<632x128xf32, #tpu.memory_space<vmem_shared>>) dst(%dma_wait3A_109 : memref<632x128xf32, #tpu.memory_space<hbm>>)
        tpu.yield
      }) : () -> ()
      %scan3A_77 = arith.constant 0 : i32
      %scan3A_78 = arith.constant 0 : i32
      %scan3A_79 = arith.constant 128 : i32
      %scan3A_80 = arith.addi %scan3A_78, %scan3A_79 : i32
      %scan3A_81 = arith.constant 1 : i32
      scf.for %scan3A_103 = %scan3A_78 to %scan3A_80 step %scan3A_81  : i32 {
        %scan3A_104 = arith.constant 0 : i32
        %scan3A_105 = arith.constant 8 : i32
        %scan3A_106 = arith.addi %scan3A_104, %scan3A_105 : i32
        %scan3A_107 = arith.constant 1 : i32
        scf.for %scan3A_109 = %scan3A_104 to %scan3A_106 step %scan3A_107  : i32 {
          %broadcast_in_dim3A = arith.constant 0.000000e+00 : f32
          %broadcast_in_dim3A_110 = vector.broadcast %broadcast_in_dim3A : f32 to vector<16xf32>
          %mul3A_111 = arith.constant 16 : i32
          %mul3A_112 = arith.muli %scan3A_109, %mul3A_111 : i32
          %swap3A = arith.index_cast %scan3A_103 : i32 to index
          %swap3A_113 = arith.index_cast %mul3A_112 : i32 to index
          %swap3A_114 = tpu.vector_load %arg8[%swap3A, %swap3A_113] {strides = array<i32>} : memref<128x128xf32, #tpu.memory_space<vmem>>, vector<1x16xf32>,
          %swap3A_115 = vector.shape_cast %swap3A_114 : vector<1x16xf32> to vector<16xf32>
          %swap3A_116 = vector.shape_cast %broadcast_in_dim3A_110 : vector<16xf32> to vector<1x16xf32>
          tpu.vector_store %arg8[%swap3A, %swap3A_113], %swap3A_116 {strides = array<i32>} : memref<128x128xf32, #tpu.memory_space<vmem>>, vector<1x16xf32>,
        }
        %scan3A_108 = arith.constant 8 : i32
      }
      %scan3A_82 = arith.constant 128 : i32
      %mul3A_83 = arith.constant 632 : i32
      %mul3A_84 = arith.muli %arg1, %mul3A_83 : i32
      %add3A_85 = arith.constant 0 : i32
      %add3A_86 = arith.addi %mul3A_84, %add3A_85 : i32
      "tpu.region"() ({
        %run_scoped3A = tpu.sem_alloc : memref<!tpu.dma_semaphore, #tpu.memory_space<semaphore_mem>>
        %dma_start3A_103 = arith.constant 0 : i32
        %dma_start3A_104 = tpu.memref_slice %arg10[%add3A_86, %dma_start3A_103] : memref<10112x128xf32, #tpu.memory_space<vmem_shared>> -> memref<128x128xf32, #tpu.memory_space<vmem_shared>>
        %dma_start3A_105 = arith.constant 0 : i32
        %dma_start3A_106 = tpu.memref_slice %arg10[%add3A_86, %dma_start3A_105] : memref<10112x128xf32, #tpu.memory_space<vmem_shared>> -> memref<128x128xf32, #tpu.memory_space<vmem_shared>>
        tpu.enqueue_dma source(%arg8 : memref<128x128xf32, #tpu.memory_space<vmem>>) target(%dma_start3A_106 : memref<128x128xf32, #tpu.memory_space<vmem_shared>>) target_semaphore(%run_scoped3A : memref<!tpu.dma_semaphore, #tpu.memory_space<semaphore_mem>>)
        %dma_wait3A = arith.constant 0 : i32
        %dma_wait3A_107 = tpu.memref_slice %arg10[%add3A_86, %dma_wait3A] : memref<10112x128xf32, #tpu.memory_space<vmem_shared>> -> memref<128x128xf32, #tpu.memory_space<vmem_shared>>
        %dma_wait3A_108 = arith.constant 0 : i32
        %dma_wait3A_109 = tpu.memref_slice %arg10[%add3A_86, %dma_wait3A_108] : memref<10112x128xf32, #tpu.memory_space<vmem_shared>> -> memref<128x128xf32, #tpu.memory_space<vmem_shared>>
        tpu.wait_dma2 semaphore(%run_scoped3A : memref<!tpu.dma_semaphore, #tpu.memory_space<semaphore_mem>>) src(%arg8 : memref<128x128xf32, #tpu.memory_space<vmem>>) dst(%dma_wait3A_109 : memref<128x128xf32, #tpu.memory_space<vmem_shared>>)
        tpu.yield
      }) : () -> ()
      %mul3A_87 = arith.constant 632 : i32
      %mul3A_88 = arith.muli %arg1, %mul3A_87 : i32
      %add3A_89 = arith.constant 128 : i32
      %add3A_90 = arith.addi %mul3A_88, %add3A_89 : i32
      "tpu.region"() ({
        %run_scoped3A = tpu.sem_alloc : memref<!tpu.dma_semaphore, #tpu.memory_space<semaphore_mem>>
        %dma_start3A_103 = arith.constant 0 : i32
        %dma_start3A_104 = tpu.memref_slice %arg10[%add3A_90, %dma_start3A_103] : memref<10112x128xf32, #tpu.memory_space<vmem_shared>> -> memref<128x128xf32, #tpu.memory_space<vmem_shared>>
        %dma_start3A_105 = arith.constant 0 : i32
        %dma_start3A_106 = tpu.memref_slice %arg10[%add3A_90, %dma_start3A_105] : memref<10112x128xf32, #tpu.memory_space<vmem_shared>> -> memref<128x128xf32, #tpu.memory_space<vmem_shared>>
        tpu.enqueue_dma source(%arg8 : memref<128x128xf32, #tpu.memory_space<vmem>>) target(%dma_start3A_106 : memref<128x128xf32, #tpu.memory_space<vmem_shared>>) target_semaphore(%run_scoped3A : memref<!tpu.dma_semaphore, #tpu.memory_space<semaphore_mem>>)
        %dma_wait3A = arith.constant 0 : i32
        %dma_wait3A_107 = tpu.memref_slice %arg10[%add3A_90, %dma_wait3A] : memref<10112x128xf32, #tpu.memory_space<vmem_shared>> -> memref<128x128xf32, #tpu.memory_space<vmem_shared>>
        %dma_wait3A_108 = arith.constant 0 : i32
        %dma_wait3A_109 = tpu.memref_slice %arg10[%add3A_90, %dma_wait3A_108] : memref<10112x128xf32, #tpu.memory_space<vmem_shared>> -> memref<128x128xf32, #tpu.memory_space<vmem_shared>>
        tpu.wait_dma2 semaphore(%run_scoped3A : memref<!tpu.dma_semaphore, #tpu.memory_space<semaphore_mem>>) src(%arg8 : memref<128x128xf32, #tpu.memory_space<vmem>>) dst(%dma_wait3A_109 : memref<128x128xf32, #tpu.memory_space<vmem_shared>>)
        tpu.yield
      }) : () -> ()
      %mul3A_91 = arith.constant 632 : i32
      %mul3A_92 = arith.muli %arg1, %mul3A_91 : i32
      %add3A_93 = arith.constant 256 : i32
      %add3A_94 = arith.addi %mul3A_92, %add3A_93 : i32
      "tpu.region"() ({
        %run_scoped3A = tpu.sem_alloc : memref<!tpu.dma_semaphore, #tpu.memory_space<semaphore_mem>>
        %dma_start3A_103 = arith.constant 0 : i32
        %dma_start3A_104 = tpu.memref_slice %arg10[%add3A_94, %dma_start3A_103] : memref<10112x128xf32, #tpu.memory_space<vmem_shared>> -> memref<128x128xf32, #tpu.memory_space<vmem_shared>>
        %dma_start3A_105 = arith.constant 0 : i32
        %dma_start3A_106 = tpu.memref_slice %arg10[%add3A_94, %dma_start3A_105] : memref<10112x128xf32, #tpu.memory_space<vmem_shared>> -> memref<128x128xf32, #tpu.memory_space<vmem_shared>>
        tpu.enqueue_dma source(%arg8 : memref<128x128xf32, #tpu.memory_space<vmem>>) target(%dma_start3A_106 : memref<128x128xf32, #tpu.memory_space<vmem_shared>>) target_semaphore(%run_scoped3A : memref<!tpu.dma_semaphore, #tpu.memory_space<semaphore_mem>>)
        %dma_wait3A = arith.constant 0 : i32
        %dma_wait3A_107 = tpu.memref_slice %arg10[%add3A_94, %dma_wait3A] : memref<10112x128xf32, #tpu.memory_space<vmem_shared>> -> memref<128x128xf32, #tpu.memory_space<vmem_shared>>
        %dma_wait3A_108 = arith.constant 0 : i32
        %dma_wait3A_109 = tpu.memref_slice %arg10[%add3A_94, %dma_wait3A_108] : memref<10112x128xf32, #tpu.memory_space<vmem_shared>> -> memref<128x128xf32, #tpu.memory_space<vmem_shared>>
        tpu.wait_dma2 semaphore(%run_scoped3A : memref<!tpu.dma_semaphore, #tpu.memory_space<semaphore_mem>>) src(%arg8 : memref<128x128xf32, #tpu.memory_space<vmem>>) dst(%dma_wait3A_109 : memref<128x128xf32, #tpu.memory_space<vmem_shared>>)
        tpu.yield
      }) : () -> ()
      %mul3A_95 = arith.constant 632 : i32
      %mul3A_96 = arith.muli %arg1, %mul3A_95 : i32
      %add3A_97 = arith.constant 384 : i32
      %add3A_98 = arith.addi %mul3A_96, %add3A_97 : i32
      "tpu.region"() ({
        %run_scoped3A = tpu.sem_alloc : memref<!tpu.dma_semaphore, #tpu.memory_space<semaphore_mem>>
        %dma_start3A_103 = arith.constant 0 : i32
        %dma_start3A_104 = tpu.memref_slice %arg10[%add3A_98, %dma_start3A_103] : memref<10112x128xf32, #tpu.memory_space<vmem_shared>> -> memref<128x128xf32, #tpu.memory_space<vmem_shared>>
        %dma_start3A_105 = arith.constant 0 : i32
        %dma_start3A_106 = tpu.memref_slice %arg10[%add3A_98, %dma_start3A_105] : memref<10112x128xf32, #tpu.memory_space<vmem_shared>> -> memref<128x128xf32, #tpu.memory_space<vmem_shared>>
        tpu.enqueue_dma source(%arg8 : memref<128x128xf32, #tpu.memory_space<vmem>>) target(%dma_start3A_106 : memref<128x128xf32, #tpu.memory_space<vmem_shared>>) target_semaphore(%run_scoped3A : memref<!tpu.dma_semaphore, #tpu.memory_space<semaphore_mem>>)
        %dma_wait3A = arith.constant 0 : i32
        %dma_wait3A_107 = tpu.memref_slice %arg10[%add3A_98, %dma_wait3A] : memref<10112x128xf32, #tpu.memory_space<vmem_shared>> -> memref<128x128xf32, #tpu.memory_space<vmem_shared>>
        %dma_wait3A_108 = arith.constant 0 : i32
        %dma_wait3A_109 = tpu.memref_slice %arg10[%add3A_98, %dma_wait3A_108] : memref<10112x128xf32, #tpu.memory_space<vmem_shared>> -> memref<128x128xf32, #tpu.memory_space<vmem_shared>>
        tpu.wait_dma2 semaphore(%run_scoped3A : memref<!tpu.dma_semaphore, #tpu.memory_space<semaphore_mem>>) src(%arg8 : memref<128x128xf32, #tpu.memory_space<vmem>>) dst(%dma_wait3A_109 : memref<128x128xf32, #tpu.memory_space<vmem_shared>>)
        tpu.yield
      }) : () -> ()
      %mul3A_99 = arith.constant 632 : i32
      %mul3A_100 = arith.muli %arg1, %mul3A_99 : i32
      %add3A_101 = arith.constant 512 : i32
      %add3A_102 = arith.addi %mul3A_100, %add3A_101 : i32
      "tpu.region"() ({
        %run_scoped3A = tpu.sem_alloc : memref<!tpu.dma_semaphore, #tpu.memory_space<semaphore_mem>>
        %dma_start3A_103 = arith.constant 0 : i32
        %dma_start3A_104 = arith.constant 0 : i32
        %dma_start3A_105 = tpu.memref_slice %arg8[%dma_start3A_103, %dma_start3A_104] : memref<128x128xf32, #tpu.memory_space<vmem>> -> memref<120x128xf32, #tpu.memory_space<vmem>>
        %dma_start3A_106 = arith.constant 0 : i32
        %dma_start3A_107 = tpu.memref_slice %arg10[%add3A_102, %dma_start3A_106] : memref<10112x128xf32, #tpu.memory_space<vmem_shared>> -> memref<120x128xf32, #tpu.memory_space<vmem_shared>>
        %dma_start3A_108 = arith.constant 0 : i32
        %dma_start3A_109 = tpu.memref_slice %arg10[%add3A_102, %dma_start3A_108] : memref<10112x128xf32, #tpu.memory_space<vmem_shared>> -> memref<120x128xf32, #tpu.memory_space<vmem_shared>>
        %dma_start3A_110 = arith.constant 0 : i32
        %dma_start3A_111 = arith.constant 0 : i32
        %dma_start3A_112 = tpu.memref_slice %arg8[%dma_start3A_110, %dma_start3A_111] : memref<128x128xf32, #tpu.memory_space<vmem>> -> memref<120x128xf32, #tpu.memory_space<vmem>>
        tpu.enqueue_dma source(%dma_start3A_112 : memref<120x128xf32, #tpu.memory_space<vmem>>) target(%dma_start3A_109 : memref<120x128xf32, #tpu.memory_space<vmem_shared>>) target_semaphore(%run_scoped3A : memref<!tpu.dma_semaphore, #tpu.memory_space<semaphore_mem>>)
        %dma_wait3A = arith.constant 0 : i32
        %dma_wait3A_113 = arith.constant 0 : i32
        %dma_wait3A_114 = tpu.memref_slice %arg8[%dma_wait3A, %dma_wait3A_113] : memref<128x128xf32, #tpu.memory_space<vmem>> -> memref<120x128xf32, #tpu.memory_space<vmem>>
        %dma_wait3A_115 = arith.constant 0 : i32
        %dma_wait3A_116 = tpu.memref_slice %arg10[%add3A_102, %dma_wait3A_115] : memref<10112x128xf32, #tpu.memory_space<vmem_shared>> -> memref<120x128xf32, #tpu.memory_space<vmem_shared>>
        %dma_wait3A_117 = arith.constant 0 : i32
        %dma_wait3A_118 = tpu.memref_slice %arg10[%add3A_102, %dma_wait3A_117] : memref<10112x128xf32, #tpu.memory_space<vmem_shared>> -> memref<120x128xf32, #tpu.memory_space<vmem_shared>>
        %dma_wait3A_119 = arith.constant 0 : i32
        %dma_wait3A_120 = arith.constant 0 : i32
        %dma_wait3A_121 = tpu.memref_slice %arg8[%dma_wait3A_119, %dma_wait3A_120] : memref<128x128xf32, #tpu.memory_space<vmem>> -> memref<120x128xf32, #tpu.memory_space<vmem>>
        tpu.wait_dma2 semaphore(%run_scoped3A : memref<!tpu.dma_semaphore, #tpu.memory_space<semaphore_mem>>) src(%dma_wait3A_121 : memref<120x128xf32, #tpu.memory_space<vmem>>) dst(%dma_wait3A_118 : memref<120x128xf32, #tpu.memory_space<vmem_shared>>)
        tpu.yield
      }) : () -> ()
    }
    %scan3A_31 = arith.constant 20 : i32
    return
  }
}

module attributes {stable_mosaic.version = 14 : i64} {
  func.func @_k1_body(%arg0: i32, %arg1: i32, %arg2: memref<1x1x400x128xf32, #tpu.memory_space<vmem>>, %arg3: memref<1x1x400x128xf32, #tpu.memory_space<vmem>>, %arg4: memref<1x1x400x128xf32, #tpu.memory_space<vmem>>, %arg5: memref<3x3x128x128xf32, #tpu.memory_space<vmem>>, %arg6: memref<3x128xf32, #tpu.memory_space<vmem>>, %arg7: memref<400x1xf32, #tpu.memory_space<vmem>>, %arg8: memref<1x400x128xf32, #tpu.memory_space<vmem>>, %arg9: memref<1x400x128xf32, #tpu.memory_space<vmem>>) attributes {dimension_semantics = [#tpu.dimension_semantics<arbitrary>, #tpu.dimension_semantics<arbitrary>], iteration_bounds = array<i64: 20, 25>, scalar_prefetch = 0 : i64, scratch_operands = 0 : i64, tpu.core_type = #tpu.core_type<tc>, window_params = [{transform_indices = @transform_0, window_bounds = array<i64: 1, 1, 400, 128>}, {transform_indices = @transform_1, window_bounds = array<i64: 1, 1, 400, 128>}, {transform_indices = @transform_2, window_bounds = array<i64: 1, 1, 400, 128>}, {pipeline_mode = #tpu.pipeline_mode<synchronous>, transform_indices = @transform_3, window_bounds = array<i64: 3, 3, 128, 128>}, {pipeline_mode = #tpu.pipeline_mode<synchronous>, transform_indices = @transform_4, window_bounds = array<i64: 3, 128>}, {transform_indices = @transform_5, window_bounds = array<i64: 400, 1>}, {transform_indices = @transform_6, window_bounds = array<i64: 1, 400, 128>}, {transform_indices = @transform_7, window_bounds = array<i64: 1, 400, 128>}]} {
    %get3A = arith.constant 0 : index
    %get3A_0 = arith.constant 0 : index
    %get3A_1 = arith.constant 0 : index
    %get3A_2 = arith.constant 0 : index
    %get3A_3 = vector.load %arg2[%get3A, %get3A_0, %get3A_1, %get3A_2] : memref<1x1x400x128xf32, #tpu.memory_space<vmem>>, vector<1x1x400x128xf32>
    %get3A_4 = vector.shape_cast %get3A_3 : vector<1x1x400x128xf32> to vector<400x128xf32>
    %get3A_5 = arith.constant 0 : index
    %get3A_6 = arith.constant 0 : index
    %get3A_7 = arith.constant 0 : index
    %get3A_8 = arith.constant 0 : index
    %get3A_9 = vector.load %arg3[%get3A_5, %get3A_6, %get3A_7, %get3A_8] : memref<1x1x400x128xf32, #tpu.memory_space<vmem>>, vector<1x1x400x128xf32>
    %get3A_10 = vector.shape_cast %get3A_9 : vector<1x1x400x128xf32> to vector<400x128xf32>
    %get3A_11 = arith.constant 0 : index
    %get3A_12 = arith.constant 0 : index
    %get3A_13 = arith.constant 0 : index
    %get3A_14 = arith.constant 0 : index
    %get3A_15 = vector.load %arg4[%get3A_11, %get3A_12, %get3A_13, %get3A_14] : memref<1x1x400x128xf32, #tpu.memory_space<vmem>>, vector<1x1x400x128xf32>
    %get3A_16 = vector.shape_cast %get3A_15 : vector<1x1x400x128xf32> to vector<400x128xf32>
    %broadcast_in_dim3A = arith.constant 0.000000e+00 : f32
    %broadcast_in_dim3A_17 = vector.broadcast %broadcast_in_dim3A : f32 to vector<400x128xf32>
    %get3A_18 = arith.constant 0 : index
    %get3A_19 = arith.constant 0 : index
    %get3A_20 = arith.constant 0 : index
    %get3A_21 = arith.constant 0 : index
    %get3A_22 = vector.load %arg5[%get3A_18, %get3A_19, %get3A_20, %get3A_21] : memref<3x3x128x128xf32, #tpu.memory_space<vmem>>, vector<1x1x128x128xf32>
    %get3A_23 = vector.shape_cast %get3A_22 : vector<1x1x128x128xf32> to vector<128x128xf32>
    %dot_general3A = arith.constant dense<0.000000e+00> : vector<400x128xf32>
    %dot_general3A_24 = tpu.matmul %get3A_4, %get3A_23, %dot_general3A {dimension_numbers = #tpu.dot_dimension_numbers<[1], [0], [0], [1], [0, 0, 1, 1], [], []>, transpose_lhs_hint = false} : vector<400x128xf32>, vector<128x128xf32>, vector<400x128xf32> -> vector<400x128xf32>
    %add3A = arith.addf %broadcast_in_dim3A_17, %dot_general3A_24 : vector<400x128xf32>
    %get3A_25 = arith.constant 0 : index
    %get3A_26 = arith.constant 1 : index
    %get3A_27 = arith.constant 0 : index
    %get3A_28 = arith.constant 0 : index
    %get3A_29 = vector.load %arg5[%get3A_25, %get3A_26, %get3A_27, %get3A_28] : memref<3x3x128x128xf32, #tpu.memory_space<vmem>>, vector<1x1x128x128xf32>
    %get3A_30 = vector.shape_cast %get3A_29 : vector<1x1x128x128xf32> to vector<128x128xf32>
    %dot_general3A_31 = arith.constant dense<0.000000e+00> : vector<400x128xf32>
    %dot_general3A_32 = tpu.matmul %get3A_10, %get3A_30, %dot_general3A_31 {dimension_numbers = #tpu.dot_dimension_numbers<[1], [0], [0], [1], [0, 0, 1, 1], [], []>, transpose_lhs_hint = false} : vector<400x128xf32>, vector<128x128xf32>, vector<400x128xf32> -> vector<400x128xf32>
    %add3A_33 = arith.addf %add3A, %dot_general3A_32 : vector<400x128xf32>
    %get3A_34 = arith.constant 0 : index
    %get3A_35 = arith.constant 2 : index
    %get3A_36 = arith.constant 0 : index
    %get3A_37 = arith.constant 0 : index
    %get3A_38 = vector.load %arg5[%get3A_34, %get3A_35, %get3A_36, %get3A_37] : memref<3x3x128x128xf32, #tpu.memory_space<vmem>>, vector<1x1x128x128xf32>
    %get3A_39 = vector.shape_cast %get3A_38 : vector<1x1x128x128xf32> to vector<128x128xf32>
    %dot_general3A_40 = arith.constant dense<0.000000e+00> : vector<400x128xf32>
    %dot_general3A_41 = tpu.matmul %get3A_16, %get3A_39, %dot_general3A_40 {dimension_numbers = #tpu.dot_dimension_numbers<[1], [0], [0], [1], [0, 0, 1, 1], [], []>, transpose_lhs_hint = false} : vector<400x128xf32>, vector<128x128xf32>, vector<400x128xf32> -> vector<400x128xf32>
    %add3A_42 = arith.addf %add3A_33, %dot_general3A_41 : vector<400x128xf32>
    %get3A_43 = arith.constant 0 : index
    %get3A_44 = arith.constant 0 : index
    %get3A_45 = vector.load %arg6[%get3A_43, %get3A_44] : memref<3x128xf32, #tpu.memory_space<vmem>>, vector<1x128xf32>
    %get3A_46 = vector.shape_cast %get3A_45 : vector<1x128xf32> to vector<128xf32>
    %broadcast_in_dim3A_47 = vector.shape_cast %get3A_46 : vector<128xf32> to vector<1x128xf32>
    %add3A_48 = vector.broadcast %broadcast_in_dim3A_47 : vector<1x128xf32> to vector<400x128xf32>
    %add3A_49 = arith.addf %add3A_42, %add3A_48 : vector<400x128xf32>
    %broadcast_in_dim3A_50 = arith.constant 0.000000e+00 : f32
    %broadcast_in_dim3A_51 = vector.broadcast %broadcast_in_dim3A_50 : f32 to vector<400x128xf32>
    %get3A_52 = arith.constant 1 : index
    %get3A_53 = arith.constant 0 : index
    %get3A_54 = arith.constant 0 : index
    %get3A_55 = arith.constant 0 : index
    %get3A_56 = vector.load %arg5[%get3A_52, %get3A_53, %get3A_54, %get3A_55] : memref<3x3x128x128xf32, #tpu.memory_space<vmem>>, vector<1x1x128x128xf32>
    %get3A_57 = vector.shape_cast %get3A_56 : vector<1x1x128x128xf32> to vector<128x128xf32>
    %dot_general3A_58 = arith.constant dense<0.000000e+00> : vector<400x128xf32>
    %dot_general3A_59 = tpu.matmul %get3A_4, %get3A_57, %dot_general3A_58 {dimension_numbers = #tpu.dot_dimension_numbers<[1], [0], [0], [1], [0, 0, 1, 1], [], []>, transpose_lhs_hint = false} : vector<400x128xf32>, vector<128x128xf32>, vector<400x128xf32> -> vector<400x128xf32>
    %add3A_60 = arith.addf %broadcast_in_dim3A_51, %dot_general3A_59 : vector<400x128xf32>
    %get3A_61 = arith.constant 1 : index
    %get3A_62 = arith.constant 1 : index
    %get3A_63 = arith.constant 0 : index
    %get3A_64 = arith.constant 0 : index
    %get3A_65 = vector.load %arg5[%get3A_61, %get3A_62, %get3A_63, %get3A_64] : memref<3x3x128x128xf32, #tpu.memory_space<vmem>>, vector<1x1x128x128xf32>
    %get3A_66 = vector.shape_cast %get3A_65 : vector<1x1x128x128xf32> to vector<128x128xf32>
    %dot_general3A_67 = arith.constant dense<0.000000e+00> : vector<400x128xf32>
    %dot_general3A_68 = tpu.matmul %get3A_10, %get3A_66, %dot_general3A_67 {dimension_numbers = #tpu.dot_dimension_numbers<[1], [0], [0], [1], [0, 0, 1, 1], [], []>, transpose_lhs_hint = false} : vector<400x128xf32>, vector<128x128xf32>, vector<400x128xf32> -> vector<400x128xf32>
    %add3A_69 = arith.addf %add3A_60, %dot_general3A_68 : vector<400x128xf32>
    %get3A_70 = arith.constant 1 : index
    %get3A_71 = arith.constant 2 : index
    %get3A_72 = arith.constant 0 : index
    %get3A_73 = arith.constant 0 : index
    %get3A_74 = vector.load %arg5[%get3A_70, %get3A_71, %get3A_72, %get3A_73] : memref<3x3x128x128xf32, #tpu.memory_space<vmem>>, vector<1x1x128x128xf32>
    %get3A_75 = vector.shape_cast %get3A_74 : vector<1x1x128x128xf32> to vector<128x128xf32>
    %dot_general3A_76 = arith.constant dense<0.000000e+00> : vector<400x128xf32>
    %dot_general3A_77 = tpu.matmul %get3A_16, %get3A_75, %dot_general3A_76 {dimension_numbers = #tpu.dot_dimension_numbers<[1], [0], [0], [1], [0, 0, 1, 1], [], []>, transpose_lhs_hint = false} : vector<400x128xf32>, vector<128x128xf32>, vector<400x128xf32> -> vector<400x128xf32>
    %add3A_78 = arith.addf %add3A_69, %dot_general3A_77 : vector<400x128xf32>
    %get3A_79 = arith.constant 1 : index
    %get3A_80 = arith.constant 0 : index
    %get3A_81 = vector.load %arg6[%get3A_79, %get3A_80] : memref<3x128xf32, #tpu.memory_space<vmem>>, vector<1x128xf32>
    %get3A_82 = vector.shape_cast %get3A_81 : vector<1x128xf32> to vector<128xf32>
    %broadcast_in_dim3A_83 = vector.shape_cast %get3A_82 : vector<128xf32> to vector<1x128xf32>
    %add3A_84 = vector.broadcast %broadcast_in_dim3A_83 : vector<1x128xf32> to vector<400x128xf32>
    %add3A_85 = arith.addf %add3A_78, %add3A_84 : vector<400x128xf32>
    %broadcast_in_dim3A_86 = arith.constant 0.000000e+00 : f32
    %broadcast_in_dim3A_87 = vector.broadcast %broadcast_in_dim3A_86 : f32 to vector<400x128xf32>
    %get3A_88 = arith.constant 2 : index
    %get3A_89 = arith.constant 0 : index
    %get3A_90 = arith.constant 0 : index
    %get3A_91 = arith.constant 0 : index
    %get3A_92 = vector.load %arg5[%get3A_88, %get3A_89, %get3A_90, %get3A_91] : memref<3x3x128x128xf32, #tpu.memory_space<vmem>>, vector<1x1x128x128xf32>
    %get3A_93 = vector.shape_cast %get3A_92 : vector<1x1x128x128xf32> to vector<128x128xf32>
    %dot_general3A_94 = arith.constant dense<0.000000e+00> : vector<400x128xf32>
    %dot_general3A_95 = tpu.matmul %get3A_4, %get3A_93, %dot_general3A_94 {dimension_numbers = #tpu.dot_dimension_numbers<[1], [0], [0], [1], [0, 0, 1, 1], [], []>, transpose_lhs_hint = false} : vector<400x128xf32>, vector<128x128xf32>, vector<400x128xf32> -> vector<400x128xf32>
    %add3A_96 = arith.addf %broadcast_in_dim3A_87, %dot_general3A_95 : vector<400x128xf32>
    %get3A_97 = arith.constant 2 : index
    %get3A_98 = arith.constant 1 : index
    %get3A_99 = arith.constant 0 : index
    %get3A_100 = arith.constant 0 : index
    %get3A_101 = vector.load %arg5[%get3A_97, %get3A_98, %get3A_99, %get3A_100] : memref<3x3x128x128xf32, #tpu.memory_space<vmem>>, vector<1x1x128x128xf32>
    %get3A_102 = vector.shape_cast %get3A_101 : vector<1x1x128x128xf32> to vector<128x128xf32>
    %dot_general3A_103 = arith.constant dense<0.000000e+00> : vector<400x128xf32>
    %dot_general3A_104 = tpu.matmul %get3A_10, %get3A_102, %dot_general3A_103 {dimension_numbers = #tpu.dot_dimension_numbers<[1], [0], [0], [1], [0, 0, 1, 1], [], []>, transpose_lhs_hint = false} : vector<400x128xf32>, vector<128x128xf32>, vector<400x128xf32> -> vector<400x128xf32>
    %add3A_105 = arith.addf %add3A_96, %dot_general3A_104 : vector<400x128xf32>
    %get3A_106 = arith.constant 2 : index
    %get3A_107 = arith.constant 2 : index
    %get3A_108 = arith.constant 0 : index
    %get3A_109 = arith.constant 0 : index
    %get3A_110 = vector.load %arg5[%get3A_106, %get3A_107, %get3A_108, %get3A_109] : memref<3x3x128x128xf32, #tpu.memory_space<vmem>>, vector<1x1x128x128xf32>
    %get3A_111 = vector.shape_cast %get3A_110 : vector<1x1x128x128xf32> to vector<128x128xf32>
    %dot_general3A_112 = arith.constant dense<0.000000e+00> : vector<400x128xf32>
    %dot_general3A_113 = tpu.matmul %get3A_16, %get3A_111, %dot_general3A_112 {dimension_numbers = #tpu.dot_dimension_numbers<[1], [0], [0], [1], [0, 0, 1, 1], [], []>, transpose_lhs_hint = false} : vector<400x128xf32>, vector<128x128xf32>, vector<400x128xf32> -> vector<400x128xf32>
    %add3A_114 = arith.addf %add3A_105, %dot_general3A_113 : vector<400x128xf32>
    %get3A_115 = arith.constant 2 : index
    %get3A_116 = arith.constant 0 : index
    %get3A_117 = vector.load %arg6[%get3A_115, %get3A_116] : memref<3x128xf32, #tpu.memory_space<vmem>>, vector<1x128xf32>
    %get3A_118 = vector.shape_cast %get3A_117 : vector<1x128xf32> to vector<128xf32>
    %broadcast_in_dim3A_119 = vector.shape_cast %get3A_118 : vector<128xf32> to vector<1x128xf32>
    %add3A_120 = vector.broadcast %broadcast_in_dim3A_119 : vector<1x128xf32> to vector<400x128xf32>
    %add3A_121 = arith.addf %add3A_114, %add3A_120 : vector<400x128xf32>
    %logistic3A = arith.negf %add3A_85 : vector<400x128xf32>
    %logistic3A_122 = math.exp %logistic3A : vector<400x128xf32>
    %logistic3A_123 = arith.constant 1.000000e+00 : f32
    %logistic3A_124 = vector.broadcast %logistic3A_123 : f32 to vector<400x128xf32>
    %logistic3A_125 = arith.addf %logistic3A_124, %logistic3A_122 : vector<400x128xf32>
    %logistic3A_126 = arith.divf %logistic3A_124, %logistic3A_125 : vector<400x128xf32>
    %mul3A = arith.mulf %add3A_49, %logistic3A_126 : vector<400x128xf32>
    %add3A_127 = arith.addf %mul3A, %add3A_121 : vector<400x128xf32>
    %max3A = arith.constant 0.000000e+00 : f32
    %max3A_128 = vector.broadcast %max3A : f32 to vector<400x128xf32>
    %max3A_129 = arith.maximumf %add3A_127, %max3A_128 : vector<400x128xf32>
    %get3A_130 = arith.constant 0 : index
    %get3A_131 = arith.constant 0 : index
    %get3A_132 = vector.load %arg7[%get3A_130, %get3A_131] : memref<400x1xf32, #tpu.memory_space<vmem>>, vector<400x1xf32>
    %gt3A = arith.constant 0.000000e+00 : f32
    %gt3A_133 = vector.broadcast %gt3A : f32 to vector<400x1xf32>
    %gt3A_134 = arith.cmpf ogt, %get3A_132, %gt3A_133 : vector<400x1xf32>
    %max3A_135 = arith.constant 1.000000e+00 : f32
    %max3A_136 = vector.broadcast %max3A_135 : f32 to vector<400x1xf32>
    %max3A_137 = arith.maximumf %get3A_132, %max3A_136 : vector<400x1xf32>
    %rsqrt3A = math.rsqrt %max3A_137 : vector<400x1xf32>
    %jit3A = arith.constant 0.000000e+00 : f32
    %broadcast_in_dim3A_138 = vector.broadcast %jit3A : f32 to vector<400x1xf32>
    %select_n3A = arith.select %gt3A_134, %rsqrt3A, %broadcast_in_dim3A_138 : vector<400x1xi1>, vector<400x1xf32>
    %swap3A = arith.constant 0 : index
    %swap3A_139 = arith.constant 0 : index
    %swap3A_140 = arith.constant 0 : index
    %swap3A_141 = vector.load %arg8[%swap3A, %swap3A_139, %swap3A_140] : memref<1x400x128xf32, #tpu.memory_space<vmem>>, vector<1x400x128xf32>
    %swap3A_142 = vector.shape_cast %swap3A_141 : vector<1x400x128xf32> to vector<400x128xf32>
    %swap3A_143 = vector.shape_cast %max3A_129 : vector<400x128xf32> to vector<1x400x128xf32>
    tpu.vector_store %arg8[%swap3A, %swap3A_139, %swap3A_140], %swap3A_143 {strides = array<i32>} : memref<1x400x128xf32, #tpu.memory_space<vmem>>, vector<1x400x128xf32>,
    %mul3A_144 = vector.broadcast %select_n3A : vector<400x1xf32> to vector<400x128xf32>
    %mul3A_145 = arith.mulf %max3A_129, %mul3A_144 : vector<400x128xf32>
    %swap3A_146 = arith.constant 0 : index
    %swap3A_147 = arith.constant 0 : index
    %swap3A_148 = arith.constant 0 : index
    %swap3A_149 = vector.load %arg9[%swap3A_146, %swap3A_147, %swap3A_148] : memref<1x400x128xf32, #tpu.memory_space<vmem>>, vector<1x400x128xf32>
    %swap3A_150 = vector.shape_cast %swap3A_149 : vector<1x400x128xf32> to vector<400x128xf32>
    %swap3A_151 = vector.shape_cast %mul3A_145 : vector<400x128xf32> to vector<1x400x128xf32>
    tpu.vector_store %arg9[%swap3A_146, %swap3A_147, %swap3A_148], %swap3A_151 {strides = array<i32>} : memref<1x400x128xf32, #tpu.memory_space<vmem>>, vector<1x400x128xf32>,
    return
  }
  func.func @transform_0(%arg0: i32, %arg1: i32) -> (i32, i32, i32, i32) {
    %jit3A = arith.constant 10 : i32
    %div3A = arith.divsi %arg0, %jit3A : i32
    %sign3A = arith.constant 0 : i32
    %sign3A_0 = arith.cmpi sgt, %arg0, %sign3A : i32
    %sign3A_1 = arith.extui %sign3A_0 : i1 to i32
    %sign3A_2 = arith.constant 0 : i32
    %sign3A_3 = arith.cmpi slt, %arg0, %sign3A_2 : i32
    %sign3A_4 = arith.extui %sign3A_3 : i1 to i32
    %sign3A_5 = arith.subi %sign3A_1, %sign3A_4 : i32
    %sign3A_6 = arith.constant 0 : i32
    %sign3A_7 = arith.cmpi sgt, %jit3A, %sign3A_6 : i32
    %sign3A_8 = arith.extui %sign3A_7 : i1 to i32
    %sign3A_9 = arith.constant 0 : i32
    %sign3A_10 = arith.cmpi slt, %jit3A, %sign3A_9 : i32
    %sign3A_11 = arith.extui %sign3A_10 : i1 to i32
    %sign3A_12 = arith.subi %sign3A_8, %sign3A_11 : i32
    %ne3A = arith.cmpi ne, %sign3A_5, %sign3A_12 : i32
    %rem3A = arith.remsi %arg0, %jit3A : i32
    %ne3A_13 = arith.constant 0 : i32
    %ne3A_14 = arith.cmpi ne, %rem3A, %ne3A_13 : i32
    %and3A = arith.andi %ne3A, %ne3A_14 : i1
    %sub3A = arith.constant 1 : i32
    %sub3A_15 = arith.subi %div3A, %sub3A : i32
    %select_n3A = arith.select %and3A, %sub3A_15, %div3A : i32
    %jit3A_16 = arith.constant 10 : i32
    %eq3A = arith.constant 0 : i32
    %eq3A_17 = arith.cmpi eq, %jit3A_16, %eq3A : i32
    %jit3A_18 = arith.constant 1 : i32
    %select_n3A_19 = arith.select %eq3A_17, %jit3A_18, %jit3A_16 : i32
    %rem3A_20 = arith.remsi %arg0, %select_n3A_19 : i32
    %ne3A_21 = arith.constant 0 : i32
    %ne3A_22 = arith.cmpi ne, %rem3A_20, %ne3A_21 : i32
    %lt3A = arith.constant 0 : i32
    %lt3A_23 = arith.cmpi slt, %rem3A_20, %lt3A : i32
    %lt3A_24 = arith.constant 0 : i32
    %lt3A_25 = arith.cmpi slt, %select_n3A_19, %lt3A_24 : i32
    %ne3A_26 = arith.xori %lt3A_23, %lt3A_25 : i1
    %and3A_27 = arith.andi %ne3A_26, %ne3A_22 : i1
    %add3A = arith.addi %rem3A_20, %select_n3A_19 : i32
    %select_n3A_28 = arith.select %and3A_27, %add3A, %rem3A_20 : i32
    %add3A_29 = arith.constant 0 : i32
    %add3A_30 = arith.addi %select_n3A_28, %add3A_29 : i32
    %c0_i32 = arith.constant 0 : i32
    %c0_i32_31 = arith.constant 0 : i32
    return %select_n3A, %add3A_30, %arg1, %c0_i32 : i32, i32, i32, i32
  }
  func.func @transform_1(%arg0: i32, %arg1: i32) -> (i32, i32, i32, i32) {
    %jit3A = arith.constant 10 : i32
    %div3A = arith.divsi %arg0, %jit3A : i32
    %sign3A = arith.constant 0 : i32
    %sign3A_0 = arith.cmpi sgt, %arg0, %sign3A : i32
    %sign3A_1 = arith.extui %sign3A_0 : i1 to i32
    %sign3A_2 = arith.constant 0 : i32
    %sign3A_3 = arith.cmpi slt, %arg0, %sign3A_2 : i32
    %sign3A_4 = arith.extui %sign3A_3 : i1 to i32
    %sign3A_5 = arith.subi %sign3A_1, %sign3A_4 : i32
    %sign3A_6 = arith.constant 0 : i32
    %sign3A_7 = arith.cmpi sgt, %jit3A, %sign3A_6 : i32
    %sign3A_8 = arith.extui %sign3A_7 : i1 to i32
    %sign3A_9 = arith.constant 0 : i32
    %sign3A_10 = arith.cmpi slt, %jit3A, %sign3A_9 : i32
    %sign3A_11 = arith.extui %sign3A_10 : i1 to i32
    %sign3A_12 = arith.subi %sign3A_8, %sign3A_11 : i32
    %ne3A = arith.cmpi ne, %sign3A_5, %sign3A_12 : i32
    %rem3A = arith.remsi %arg0, %jit3A : i32
    %ne3A_13 = arith.constant 0 : i32
    %ne3A_14 = arith.cmpi ne, %rem3A, %ne3A_13 : i32
    %and3A = arith.andi %ne3A, %ne3A_14 : i1
    %sub3A = arith.constant 1 : i32
    %sub3A_15 = arith.subi %div3A, %sub3A : i32
    %select_n3A = arith.select %and3A, %sub3A_15, %div3A : i32
    %jit3A_16 = arith.constant 10 : i32
    %eq3A = arith.constant 0 : i32
    %eq3A_17 = arith.cmpi eq, %jit3A_16, %eq3A : i32
    %jit3A_18 = arith.constant 1 : i32
    %select_n3A_19 = arith.select %eq3A_17, %jit3A_18, %jit3A_16 : i32
    %rem3A_20 = arith.remsi %arg0, %select_n3A_19 : i32
    %ne3A_21 = arith.constant 0 : i32
    %ne3A_22 = arith.cmpi ne, %rem3A_20, %ne3A_21 : i32
    %lt3A = arith.constant 0 : i32
    %lt3A_23 = arith.cmpi slt, %rem3A_20, %lt3A : i32
    %lt3A_24 = arith.constant 0 : i32
    %lt3A_25 = arith.cmpi slt, %select_n3A_19, %lt3A_24 : i32
    %ne3A_26 = arith.xori %lt3A_23, %lt3A_25 : i1
    %and3A_27 = arith.andi %ne3A_26, %ne3A_22 : i1
    %add3A = arith.addi %rem3A_20, %select_n3A_19 : i32
    %select_n3A_28 = arith.select %and3A_27, %add3A, %rem3A_20 : i32
    %add3A_29 = arith.constant 1 : i32
    %add3A_30 = arith.addi %select_n3A_28, %add3A_29 : i32
    %c0_i32 = arith.constant 0 : i32
    %c0_i32_31 = arith.constant 0 : i32
    return %select_n3A, %add3A_30, %arg1, %c0_i32 : i32, i32, i32, i32
  }
  func.func @transform_2(%arg0: i32, %arg1: i32) -> (i32, i32, i32, i32) {
    %jit3A = arith.constant 10 : i32
    %div3A = arith.divsi %arg0, %jit3A : i32
    %sign3A = arith.constant 0 : i32
    %sign3A_0 = arith.cmpi sgt, %arg0, %sign3A : i32
    %sign3A_1 = arith.extui %sign3A_0 : i1 to i32
    %sign3A_2 = arith.constant 0 : i32
    %sign3A_3 = arith.cmpi slt, %arg0, %sign3A_2 : i32
    %sign3A_4 = arith.extui %sign3A_3 : i1 to i32
    %sign3A_5 = arith.subi %sign3A_1, %sign3A_4 : i32
    %sign3A_6 = arith.constant 0 : i32
    %sign3A_7 = arith.cmpi sgt, %jit3A, %sign3A_6 : i32
    %sign3A_8 = arith.extui %sign3A_7 : i1 to i32
    %sign3A_9 = arith.constant 0 : i32
    %sign3A_10 = arith.cmpi slt, %jit3A, %sign3A_9 : i32
    %sign3A_11 = arith.extui %sign3A_10 : i1 to i32
    %sign3A_12 = arith.subi %sign3A_8, %sign3A_11 : i32
    %ne3A = arith.cmpi ne, %sign3A_5, %sign3A_12 : i32
    %rem3A = arith.remsi %arg0, %jit3A : i32
    %ne3A_13 = arith.constant 0 : i32
    %ne3A_14 = arith.cmpi ne, %rem3A, %ne3A_13 : i32
    %and3A = arith.andi %ne3A, %ne3A_14 : i1
    %sub3A = arith.constant 1 : i32
    %sub3A_15 = arith.subi %div3A, %sub3A : i32
    %select_n3A = arith.select %and3A, %sub3A_15, %div3A : i32
    %jit3A_16 = arith.constant 10 : i32
    %eq3A = arith.constant 0 : i32
    %eq3A_17 = arith.cmpi eq, %jit3A_16, %eq3A : i32
    %jit3A_18 = arith.constant 1 : i32
    %select_n3A_19 = arith.select %eq3A_17, %jit3A_18, %jit3A_16 : i32
    %rem3A_20 = arith.remsi %arg0, %select_n3A_19 : i32
    %ne3A_21 = arith.constant 0 : i32
    %ne3A_22 = arith.cmpi ne, %rem3A_20, %ne3A_21 : i32
    %lt3A = arith.constant 0 : i32
    %lt3A_23 = arith.cmpi slt, %rem3A_20, %lt3A : i32
    %lt3A_24 = arith.constant 0 : i32
    %lt3A_25 = arith.cmpi slt, %select_n3A_19, %lt3A_24 : i32
    %ne3A_26 = arith.xori %lt3A_23, %lt3A_25 : i1
    %and3A_27 = arith.andi %ne3A_26, %ne3A_22 : i1
    %add3A = arith.addi %rem3A_20, %select_n3A_19 : i32
    %select_n3A_28 = arith.select %and3A_27, %add3A, %rem3A_20 : i32
    %add3A_29 = arith.constant 2 : i32
    %add3A_30 = arith.addi %select_n3A_28, %add3A_29 : i32
    %c0_i32 = arith.constant 0 : i32
    %c0_i32_31 = arith.constant 0 : i32
    return %select_n3A, %add3A_30, %arg1, %c0_i32 : i32, i32, i32, i32
  }
  func.func @transform_3(%arg0: i32, %arg1: i32) -> (i32, i32, i32, i32) {
    %c0_i32 = arith.constant 0 : i32
    %c0_i32_0 = arith.constant 0 : i32
    %c0_i32_1 = arith.constant 0 : i32
    %c0_i32_2 = arith.constant 0 : i32
    %c0_i32_3 = arith.constant 0 : i32
    return %c0_i32, %c0_i32_0, %c0_i32_1, %c0_i32_2 : i32, i32, i32, i32
  }
  func.func @transform_4(%arg0: i32, %arg1: i32) -> (i32, i32) {
    %c0_i32 = arith.constant 0 : i32
    %c0_i32_0 = arith.constant 0 : i32
    %c0_i32_1 = arith.constant 0 : i32
    return %c0_i32, %c0_i32_0 : i32, i32
  }
  func.func @transform_5(%arg0: i32, %arg1: i32) -> (i32, i32) {
    %c0_i32 = arith.constant 0 : i32
    %c0_i32_0 = arith.constant 0 : i32
    return %arg1, %c0_i32 : i32, i32
  }
  func.func @transform_6(%arg0: i32, %arg1: i32) -> (i32, i32, i32) {
    %c0_i32 = arith.constant 0 : i32
    %c0_i32_0 = arith.constant 0 : i32
    return %arg0, %arg1, %c0_i32 : i32, i32, i32
  }
  func.func @transform_7(%arg0: i32, %arg1: i32) -> (i32, i32, i32) {
    %c0_i32 = arith.constant 0 : i32
    %c0_i32_0 = arith.constant 0 : i32
    return %arg0, %arg1, %c0_i32 : i32, i32, i32
  }
}

module attributes {stable_mosaic.version = 14 : i64} {
  func.func @_k2_body(%arg0: i32, %arg1: i32, %arg2: memref<1x1x400x128xf32, #tpu.memory_space<vmem>>, %arg3: memref<1x1x400x128xf32, #tpu.memory_space<vmem>>, %arg4: memref<1x400x128xf32, #tpu.memory_space<vmem>>, %arg5: memref<400x1xf32, #tpu.memory_space<vmem>>, %arg6: memref<128x128xf32, #tpu.memory_space<vmem>>, %arg7: memref<128x128xf32, #tpu.memory_space<vmem>>, %arg8: memref<1x400x128xf32, #tpu.memory_space<vmem>>, %arg9: memref<1x400x128xf32, #tpu.memory_space<vmem>>) attributes {dimension_semantics = [#tpu.dimension_semantics<arbitrary>, #tpu.dimension_semantics<arbitrary>], iteration_bounds = array<i64: 20, 25>, scalar_prefetch = 0 : i64, scratch_operands = 0 : i64, tpu.core_type = #tpu.core_type<tc>, window_params = [{transform_indices = @transform_0, window_bounds = array<i64: 1, 1, 400, 128>}, {transform_indices = @transform_1, window_bounds = array<i64: 1, 1, 400, 128>}, {transform_indices = @transform_2, window_bounds = array<i64: 1, 400, 128>}, {transform_indices = @transform_3, window_bounds = array<i64: 400, 1>}, {pipeline_mode = #tpu.pipeline_mode<synchronous>, transform_indices = @transform_4, window_bounds = array<i64: 128, 128>}, {pipeline_mode = #tpu.pipeline_mode<synchronous>, transform_indices = @transform_5, window_bounds = array<i64: 128, 128>}, {transform_indices = @transform_6, window_bounds = array<i64: 1, 400, 128>}, {transform_indices = @transform_7, window_bounds = array<i64: 1, 400, 128>}]} {
    %get3A = arith.constant 0 : index
    %get3A_0 = arith.constant 0 : index
    %get3A_1 = vector.load %arg5[%get3A, %get3A_0] : memref<400x1xf32, #tpu.memory_space<vmem>>, vector<400x1xf32>
    %gt3A = arith.constant 0.000000e+00 : f32
    %gt3A_2 = vector.broadcast %gt3A : f32 to vector<400x1xf32>
    %gt3A_3 = arith.cmpf ogt, %get3A_1, %gt3A_2 : vector<400x1xf32>
    %max3A = arith.constant 1.000000e+00 : f32
    %max3A_4 = vector.broadcast %max3A : f32 to vector<400x1xf32>
    %max3A_5 = arith.maximumf %get3A_1, %max3A_4 : vector<400x1xf32>
    %rsqrt3A = math.rsqrt %max3A_5 : vector<400x1xf32>
    %jit3A = arith.constant 0.000000e+00 : f32
    %broadcast_in_dim3A = vector.broadcast %jit3A : f32 to vector<400x1xf32>
    %select_n3A = arith.select %gt3A_3, %rsqrt3A, %broadcast_in_dim3A : vector<400x1xi1>, vector<400x1xf32>
    %get3A_6 = arith.constant 0 : index
    %get3A_7 = arith.constant 0 : index
    %get3A_8 = arith.constant 0 : index
    %get3A_9 = arith.constant 0 : index
    %get3A_10 = vector.load %arg2[%get3A_6, %get3A_7, %get3A_8, %get3A_9] : memref<1x1x400x128xf32, #tpu.memory_space<vmem>>, vector<1x1x400x128xf32>
    %get3A_11 = vector.shape_cast %get3A_10 : vector<1x1x400x128xf32> to vector<400x128xf32>
    %get3A_12 = arith.constant 0 : index
    %get3A_13 = arith.constant 0 : index
    %get3A_14 = arith.constant 0 : index
    %get3A_15 = arith.constant 0 : index
    %get3A_16 = vector.load %arg3[%get3A_12, %get3A_13, %get3A_14, %get3A_15] : memref<1x1x400x128xf32, #tpu.memory_space<vmem>>, vector<1x1x400x128xf32>
    %get3A_17 = vector.shape_cast %get3A_16 : vector<1x1x400x128xf32> to vector<400x128xf32>
    %add3A = arith.addf %get3A_11, %get3A_17 : vector<400x128xf32>
    %mul3A = vector.broadcast %select_n3A : vector<400x1xf32> to vector<400x128xf32>
    %mul3A_18 = arith.mulf %mul3A, %add3A : vector<400x128xf32>
    %neg3A = arith.constant 0.000000e+00 : f32
    %neg3A_19 = vector.broadcast %neg3A : f32 to vector<400x128xf32>
    %neg3A_20 = arith.subf %neg3A_19, %mul3A_18 : vector<400x128xf32>
    %mul3A_21 = vector.broadcast %select_n3A : vector<400x1xf32> to vector<400x128xf32>
    %mul3A_22 = arith.mulf %mul3A_21, %neg3A_20 : vector<400x128xf32>
    %swap3A = arith.constant 0 : index
    %swap3A_23 = arith.constant 0 : index
    %swap3A_24 = arith.constant 0 : index
    %swap3A_25 = vector.load %arg8[%swap3A, %swap3A_23, %swap3A_24] : memref<1x400x128xf32, #tpu.memory_space<vmem>>, vector<1x400x128xf32>
    %swap3A_26 = vector.shape_cast %swap3A_25 : vector<1x400x128xf32> to vector<400x128xf32>
    %swap3A_27 = vector.shape_cast %mul3A_22 : vector<400x128xf32> to vector<1x400x128xf32>
    tpu.vector_store %arg8[%swap3A, %swap3A_23, %swap3A_24], %swap3A_27 {strides = array<i32>} : memref<1x400x128xf32, #tpu.memory_space<vmem>>, vector<1x400x128xf32>,
    %get3A_28 = arith.constant 0 : index
    %get3A_29 = arith.constant 0 : index
    %get3A_30 = arith.constant 0 : index
    %get3A_31 = vector.load %arg4[%get3A_28, %get3A_29, %get3A_30] : memref<1x400x128xf32, #tpu.memory_space<vmem>>, vector<1x400x128xf32>
    %get3A_32 = vector.shape_cast %get3A_31 : vector<1x400x128xf32> to vector<400x128xf32>
    %get3A_33 = arith.constant 0 : index
    %get3A_34 = arith.constant 0 : index
    %get3A_35 = vector.load %arg6[%get3A_33, %get3A_34] : memref<128x128xf32, #tpu.memory_space<vmem>>, vector<128x128xf32>
    %dot_general3A = arith.constant dense<0.000000e+00> : vector<400x128xf32>
    %dot_general3A_36 = tpu.matmul %get3A_32, %get3A_35, %dot_general3A {dimension_numbers = #tpu.dot_dimension_numbers<[1], [0], [0], [1], [0, 0, 1, 1], [], []>, transpose_lhs_hint = false} : vector<400x128xf32>, vector<128x128xf32>, vector<400x128xf32> -> vector<400x128xf32>
    %get3A_37 = arith.constant 0 : index
    %get3A_38 = arith.constant 0 : index
    %get3A_39 = vector.load %arg7[%get3A_37, %get3A_38] : memref<128x128xf32, #tpu.memory_space<vmem>>, vector<128x128xf32>
    %dot_general3A_40 = arith.constant dense<0.000000e+00> : vector<400x128xf32>
    %dot_general3A_41 = tpu.matmul %neg3A_20, %get3A_39, %dot_general3A_40 {dimension_numbers = #tpu.dot_dimension_numbers<[1], [0], [0], [1], [0, 0, 1, 1], [], []>, transpose_lhs_hint = false} : vector<400x128xf32>, vector<128x128xf32>, vector<400x128xf32> -> vector<400x128xf32>
    %add3A_42 = arith.addf %dot_general3A_36, %dot_general3A_41 : vector<400x128xf32>
    %swap3A_43 = arith.constant 0 : index
    %swap3A_44 = arith.constant 0 : index
    %swap3A_45 = arith.constant 0 : index
    %swap3A_46 = vector.load %arg9[%swap3A_43, %swap3A_44, %swap3A_45] : memref<1x400x128xf32, #tpu.memory_space<vmem>>, vector<1x400x128xf32>
    %swap3A_47 = vector.shape_cast %swap3A_46 : vector<1x400x128xf32> to vector<400x128xf32>
    %swap3A_48 = vector.shape_cast %add3A_42 : vector<400x128xf32> to vector<1x400x128xf32>
    tpu.vector_store %arg9[%swap3A_43, %swap3A_44, %swap3A_45], %swap3A_48 {strides = array<i32>} : memref<1x400x128xf32, #tpu.memory_space<vmem>>, vector<1x400x128xf32>,
    return
  }
  func.func @transform_0(%arg0: i32, %arg1: i32) -> (i32, i32, i32, i32) {
    %c0_i32 = arith.constant 0 : i32
    %c0_i32_0 = arith.constant 0 : i32
    %c0_i32_1 = arith.constant 0 : i32
    return %c0_i32, %arg0, %arg1, %c0_i32_0 : i32, i32, i32, i32
  }
  func.func @transform_1(%arg0: i32, %arg1: i32) -> (i32, i32, i32, i32) {
    %c1_i32 = arith.constant 1 : i32
    %c0_i32 = arith.constant 0 : i32
    %c0_i32_0 = arith.constant 0 : i32
    return %c1_i32, %arg0, %arg1, %c0_i32 : i32, i32, i32, i32
  }
  func.func @transform_2(%arg0: i32, %arg1: i32) -> (i32, i32, i32) {
    %c0_i32 = arith.constant 0 : i32
    %c0_i32_0 = arith.constant 0 : i32
    return %arg0, %arg1, %c0_i32 : i32, i32, i32
  }
  func.func @transform_3(%arg0: i32, %arg1: i32) -> (i32, i32) {
    %c0_i32 = arith.constant 0 : i32
    %c0_i32_0 = arith.constant 0 : i32
    return %arg1, %c0_i32 : i32, i32
  }
  func.func @transform_4(%arg0: i32, %arg1: i32) -> (i32, i32) {
    %c0_i32 = arith.constant 0 : i32
    %c0_i32_0 = arith.constant 0 : i32
    %c0_i32_1 = arith.constant 0 : i32
    return %c0_i32, %c0_i32_0 : i32, i32
  }
  func.func @transform_5(%arg0: i32, %arg1: i32) -> (i32, i32) {
    %c0_i32 = arith.constant 0 : i32
    %c0_i32_0 = arith.constant 0 : i32
    %c0_i32_1 = arith.constant 0 : i32
    return %c0_i32, %c0_i32_0 : i32, i32
  }
  func.func @transform_6(%arg0: i32, %arg1: i32) -> (i32, i32, i32) {
    %c0_i32 = arith.constant 0 : i32
    %c0_i32_0 = arith.constant 0 : i32
    return %arg0, %arg1, %c0_i32 : i32, i32, i32
  }
  func.func @transform_7(%arg0: i32, %arg1: i32) -> (i32, i32, i32) {
    %c0_i32 = arith.constant 0 : i32
    %c0_i32_0 = arith.constant 0 : i32
    return %arg0, %arg1, %c0_i32 : i32, i32, i32
  }
}

module attributes {stable_mosaic.version = 14 : i64} {
  func.func @_k4_body(%arg0: i32, %arg1: i32, %arg2: memref<1x1x400x128xf32, #tpu.memory_space<vmem>>, %arg3: memref<1x1x400x128xf32, #tpu.memory_space<vmem>>, %arg4: memref<1x400x128xf32, #tpu.memory_space<vmem>>, %arg5: memref<1x400x128xf32, #tpu.memory_space<vmem>>, %arg6: memref<400x1xf32, #tpu.memory_space<vmem>>, %arg7: memref<128x128xf32, #tpu.memory_space<vmem>>, %arg8: memref<1x128xf32, #tpu.memory_space<vmem>>, %arg9: memref<1x400x128xf32, #tpu.memory_space<vmem>>) attributes {dimension_semantics = [#tpu.dimension_semantics<arbitrary>, #tpu.dimension_semantics<arbitrary>], iteration_bounds = array<i64: 20, 25>, scalar_prefetch = 0 : i64, scratch_operands = 0 : i64, tpu.core_type = #tpu.core_type<tc>, window_params = [{transform_indices = @transform_0, window_bounds = array<i64: 1, 1, 400, 128>}, {transform_indices = @transform_1, window_bounds = array<i64: 1, 1, 400, 128>}, {transform_indices = @transform_2, window_bounds = array<i64: 1, 400, 128>}, {transform_indices = @transform_3, window_bounds = array<i64: 1, 400, 128>}, {transform_indices = @transform_4, window_bounds = array<i64: 400, 1>}, {pipeline_mode = #tpu.pipeline_mode<synchronous>, transform_indices = @transform_5, window_bounds = array<i64: 128, 128>}, {pipeline_mode = #tpu.pipeline_mode<synchronous>, transform_indices = @transform_6, window_bounds = array<i64: 1, 128>}, {transform_indices = @transform_7, window_bounds = array<i64: 1, 400, 128>}]} {
    %get3A = arith.constant 0 : index
    %get3A_0 = arith.constant 0 : index
    %get3A_1 = vector.load %arg6[%get3A, %get3A_0] : memref<400x1xf32, #tpu.memory_space<vmem>>, vector<400x1xf32>
    %gt3A = arith.constant 0.000000e+00 : f32
    %gt3A_2 = vector.broadcast %gt3A : f32 to vector<400x1xf32>
    %gt3A_3 = arith.cmpf ogt, %get3A_1, %gt3A_2 : vector<400x1xf32>
    %max3A = arith.constant 1.000000e+00 : f32
    %max3A_4 = vector.broadcast %max3A : f32 to vector<400x1xf32>
    %max3A_5 = arith.maximumf %get3A_1, %max3A_4 : vector<400x1xf32>
    %rsqrt3A = math.rsqrt %max3A_5 : vector<400x1xf32>
    %jit3A = arith.constant 0.000000e+00 : f32
    %broadcast_in_dim3A = vector.broadcast %jit3A : f32 to vector<400x1xf32>
    %select_n3A = arith.select %gt3A_3, %rsqrt3A, %broadcast_in_dim3A : vector<400x1xi1>, vector<400x1xf32>
    %get3A_6 = arith.constant 0 : index
    %get3A_7 = arith.constant 0 : index
    %get3A_8 = arith.constant 0 : index
    %get3A_9 = arith.constant 0 : index
    %get3A_10 = vector.load %arg2[%get3A_6, %get3A_7, %get3A_8, %get3A_9] : memref<1x1x400x128xf32, #tpu.memory_space<vmem>>, vector<1x1x400x128xf32>
    %get3A_11 = vector.shape_cast %get3A_10 : vector<1x1x400x128xf32> to vector<400x128xf32>
    %get3A_12 = arith.constant 0 : index
    %get3A_13 = arith.constant 0 : index
    %get3A_14 = arith.constant 0 : index
    %get3A_15 = arith.constant 0 : index
    %get3A_16 = vector.load %arg3[%get3A_12, %get3A_13, %get3A_14, %get3A_15] : memref<1x1x400x128xf32, #tpu.memory_space<vmem>>, vector<1x1x400x128xf32>
    %get3A_17 = vector.shape_cast %get3A_16 : vector<1x1x400x128xf32> to vector<400x128xf32>
    %add3A = arith.addf %get3A_11, %get3A_17 : vector<400x128xf32>
    %mul3A = vector.broadcast %select_n3A : vector<400x1xf32> to vector<400x128xf32>
    %mul3A_18 = arith.mulf %mul3A, %add3A : vector<400x128xf32>
    %mul3A_19 = arith.constant -2.000000e+00 : f32
    %mul3A_20 = vector.broadcast %mul3A_19 : f32 to vector<400x128xf32>
    %mul3A_21 = arith.mulf %mul3A_20, %mul3A_18 : vector<400x128xf32>
    %get3A_22 = arith.constant 0 : index
    %get3A_23 = arith.constant 0 : index
    %get3A_24 = arith.constant 0 : index
    %get3A_25 = vector.load %arg4[%get3A_22, %get3A_23, %get3A_24] : memref<1x400x128xf32, #tpu.memory_space<vmem>>, vector<1x400x128xf32>
    %get3A_26 = vector.shape_cast %get3A_25 : vector<1x400x128xf32> to vector<400x128xf32>
    %sub3A = arith.subf %mul3A_21, %get3A_26 : vector<400x128xf32>
    %get3A_27 = arith.constant 0 : index
    %get3A_28 = arith.constant 0 : index
    %get3A_29 = arith.constant 0 : index
    %get3A_30 = vector.load %arg5[%get3A_27, %get3A_28, %get3A_29] : memref<1x400x128xf32, #tpu.memory_space<vmem>>, vector<1x400x128xf32>
    %get3A_31 = vector.shape_cast %get3A_30 : vector<1x400x128xf32> to vector<400x128xf32>
    %get3A_32 = arith.constant 0 : index
    %get3A_33 = arith.constant 0 : index
    %get3A_34 = vector.load %arg7[%get3A_32, %get3A_33] : memref<128x128xf32, #tpu.memory_space<vmem>>, vector<128x128xf32>
    %dot_general3A = arith.constant dense<0.000000e+00> : vector<400x128xf32>
    %dot_general3A_35 = tpu.matmul %sub3A, %get3A_34, %dot_general3A {dimension_numbers = #tpu.dot_dimension_numbers<[1], [0], [0], [1], [0, 0, 1, 1], [], []>, transpose_lhs_hint = false} : vector<400x128xf32>, vector<128x128xf32>, vector<400x128xf32> -> vector<400x128xf32>
    %add3A_36 = arith.addf %get3A_31, %dot_general3A_35 : vector<400x128xf32>
    %get3A_37 = arith.constant 0 : index
    %get3A_38 = arith.constant 0 : index
    %get3A_39 = vector.load %arg8[%get3A_37, %get3A_38] : memref<1x128xf32, #tpu.memory_space<vmem>>, vector<1x128xf32>
    %get3A_40 = vector.shape_cast %get3A_39 : vector<1x128xf32> to vector<128xf32>
    %broadcast_in_dim3A_41 = vector.shape_cast %get3A_40 : vector<128xf32> to vector<1x128xf32>
    %add3A_42 = vector.broadcast %broadcast_in_dim3A_41 : vector<1x128xf32> to vector<400x128xf32>
    %add3A_43 = arith.addf %add3A_36, %add3A_42 : vector<400x128xf32>
    %max3A_44 = arith.constant 0.000000e+00 : f32
    %max3A_45 = vector.broadcast %max3A_44 : f32 to vector<400x128xf32>
    %max3A_46 = arith.maximumf %add3A_43, %max3A_45 : vector<400x128xf32>
    %swap3A = arith.constant 0 : index
    %swap3A_47 = arith.constant 0 : index
    %swap3A_48 = arith.constant 0 : index
    %swap3A_49 = vector.load %arg9[%swap3A, %swap3A_47, %swap3A_48] : memref<1x400x128xf32, #tpu.memory_space<vmem>>, vector<1x400x128xf32>
    %swap3A_50 = vector.shape_cast %swap3A_49 : vector<1x400x128xf32> to vector<400x128xf32>
    %swap3A_51 = vector.shape_cast %max3A_46 : vector<400x128xf32> to vector<1x400x128xf32>
    tpu.vector_store %arg9[%swap3A, %swap3A_47, %swap3A_48], %swap3A_51 {strides = array<i32>} : memref<1x400x128xf32, #tpu.memory_space<vmem>>, vector<1x400x128xf32>,
    return
  }
  func.func @transform_0(%arg0: i32, %arg1: i32) -> (i32, i32, i32, i32) {
    %c0_i32 = arith.constant 0 : i32
    %c0_i32_0 = arith.constant 0 : i32
    %c0_i32_1 = arith.constant 0 : i32
    return %c0_i32, %arg0, %arg1, %c0_i32_0 : i32, i32, i32, i32
  }
  func.func @transform_1(%arg0: i32, %arg1: i32) -> (i32, i32, i32, i32) {
    %c1_i32 = arith.constant 1 : i32
    %c0_i32 = arith.constant 0 : i32
    %c0_i32_0 = arith.constant 0 : i32
    return %c1_i32, %arg0, %arg1, %c0_i32 : i32, i32, i32, i32
  }
  func.func @transform_2(%arg0: i32, %arg1: i32) -> (i32, i32, i32) {
    %c0_i32 = arith.constant 0 : i32
    %c0_i32_0 = arith.constant 0 : i32
    return %arg0, %arg1, %c0_i32 : i32, i32, i32
  }
  func.func @transform_3(%arg0: i32, %arg1: i32) -> (i32, i32, i32) {
    %c0_i32 = arith.constant 0 : i32
    %c0_i32_0 = arith.constant 0 : i32
    return %arg0, %arg1, %c0_i32 : i32, i32, i32
  }
  func.func @transform_4(%arg0: i32, %arg1: i32) -> (i32, i32) {
    %c0_i32 = arith.constant 0 : i32
    %c0_i32_0 = arith.constant 0 : i32
    return %arg1, %c0_i32 : i32, i32
  }
  func.func @transform_5(%arg0: i32, %arg1: i32) -> (i32, i32) {
    %c0_i32 = arith.constant 0 : i32
    %c0_i32_0 = arith.constant 0 : i32
    %c0_i32_1 = arith.constant 0 : i32
    return %c0_i32, %c0_i32_0 : i32, i32
  }
  func.func @transform_6(%arg0: i32, %arg1: i32) -> (i32, i32) {
    %c0_i32 = arith.constant 0 : i32
    %c0_i32_0 = arith.constant 0 : i32
    %c0_i32_1 = arith.constant 0 : i32
    return %c0_i32, %c0_i32_0 : i32, i32
  }
  func.func @transform_7(%arg0: i32, %arg1: i32) -> (i32, i32, i32) {
    %c0_i32 = arith.constant 0 : i32
    %c0_i32_0 = arith.constant 0 : i32
    return %arg0, %arg1, %c0_i32 : i32, i32, i32
  }
}

module attributes {stable_mosaic.version = 14 : i64} {
  func.func @_k5_body(%arg0: i32, %arg1: memref<2x10x400x128xf32, #tpu.memory_space<vmem>>, %arg2: memref<3x3x128x12xf32, #tpu.memory_space<vmem>>, %arg3: memref<3x12xf32, #tpu.memory_space<vmem>>, %arg4: memref<400x1xf32, #tpu.memory_space<vmem>>, %arg5: memref<400x1xf32, #tpu.memory_space<vmem>>, %arg6: memref<2x400x12xf32, #tpu.memory_space<vmem>>) attributes {dimension_semantics = [#tpu.dimension_semantics<arbitrary>], iteration_bounds = array<i64: 25>, scalar_prefetch = 0 : i64, scratch_operands = 0 : i64, tpu.core_type = #tpu.core_type<tc>, window_params = [{transform_indices = @transform_0, window_bounds = array<i64: 2, 10, 400, 128>}, {pipeline_mode = #tpu.pipeline_mode<synchronous>, transform_indices = @transform_1, window_bounds = array<i64: 3, 3, 128, 12>}, {pipeline_mode = #tpu.pipeline_mode<synchronous>, transform_indices = @transform_2, window_bounds = array<i64: 3, 12>}, {transform_indices = @transform_3, window_bounds = array<i64: 400, 1>}, {transform_indices = @transform_4, window_bounds = array<i64: 400, 1>}, {transform_indices = @transform_5, window_bounds = array<i64: 2, 400, 12>}]} {
    %broadcast_in_dim3A = arith.constant 0.000000e+00 : f32
    %broadcast_in_dim3A_0 = vector.broadcast %broadcast_in_dim3A : f32 to vector<400x12xf32>
    %get3A = arith.constant 0 : index
    %get3A_1 = arith.constant 0 : index
    %get3A_2 = arith.constant 0 : index
    %get3A_3 = arith.constant 0 : index
    %get3A_4 = vector.load %arg1[%get3A, %get3A_1, %get3A_2, %get3A_3] : memref<2x10x400x128xf32, #tpu.memory_space<vmem>>, vector<1x1x400x128xf32>
    %get3A_5 = vector.shape_cast %get3A_4 : vector<1x1x400x128xf32> to vector<400x128xf32>
    %get3A_6 = arith.constant 0 : index
    %get3A_7 = arith.constant 0 : index
    %get3A_8 = arith.constant 0 : index
    %get3A_9 = arith.constant 0 : index
    %get3A_10 = vector.load %arg2[%get3A_6, %get3A_7, %get3A_8, %get3A_9] : memref<3x3x128x12xf32, #tpu.memory_space<vmem>>, vector<1x1x128x12xf32>
    %get3A_11 = vector.shape_cast %get3A_10 : vector<1x1x128x12xf32> to vector<128x12xf32>
    %dot_general3A = arith.constant dense<0.000000e+00> : vector<400x12xf32>
    %dot_general3A_12 = tpu.matmul %get3A_5, %get3A_11, %dot_general3A {dimension_numbers = #tpu.dot_dimension_numbers<[1], [0], [0], [1], [0, 0, 1, 1], [], []>, transpose_lhs_hint = false} : vector<400x128xf32>, vector<128x12xf32>, vector<400x12xf32> -> vector<400x12xf32>
    %add3A = arith.addf %broadcast_in_dim3A_0, %dot_general3A_12 : vector<400x12xf32>
    %get3A_13 = arith.constant 0 : index
    %get3A_14 = arith.constant 1 : index
    %get3A_15 = arith.constant 0 : index
    %get3A_16 = arith.constant 0 : index
    %get3A_17 = vector.load %arg1[%get3A_13, %get3A_14, %get3A_15, %get3A_16] : memref<2x10x400x128xf32, #tpu.memory_space<vmem>>, vector<1x1x400x128xf32>
    %get3A_18 = vector.shape_cast %get3A_17 : vector<1x1x400x128xf32> to vector<400x128xf32>
    %get3A_19 = arith.constant 0 : index
    %get3A_20 = arith.constant 1 : index
    %get3A_21 = arith.constant 0 : index
    %get3A_22 = arith.constant 0 : index
    %get3A_23 = vector.load %arg2[%get3A_19, %get3A_20, %get3A_21, %get3A_22] : memref<3x3x128x12xf32, #tpu.memory_space<vmem>>, vector<1x1x128x12xf32>
    %get3A_24 = vector.shape_cast %get3A_23 : vector<1x1x128x12xf32> to vector<128x12xf32>
    %dot_general3A_25 = arith.constant dense<0.000000e+00> : vector<400x12xf32>
    %dot_general3A_26 = tpu.matmul %get3A_18, %get3A_24, %dot_general3A_25 {dimension_numbers = #tpu.dot_dimension_numbers<[1], [0], [0], [1], [0, 0, 1, 1], [], []>, transpose_lhs_hint = false} : vector<400x128xf32>, vector<128x12xf32>, vector<400x12xf32> -> vector<400x12xf32>
    %add3A_27 = arith.addf %add3A, %dot_general3A_26 : vector<400x12xf32>
    %get3A_28 = arith.constant 0 : index
    %get3A_29 = arith.constant 2 : index
    %get3A_30 = arith.constant 0 : index
    %get3A_31 = arith.constant 0 : index
    %get3A_32 = vector.load %arg1[%get3A_28, %get3A_29, %get3A_30, %get3A_31] : memref<2x10x400x128xf32, #tpu.memory_space<vmem>>, vector<1x1x400x128xf32>
    %get3A_33 = vector.shape_cast %get3A_32 : vector<1x1x400x128xf32> to vector<400x128xf32>
    %get3A_34 = arith.constant 0 : index
    %get3A_35 = arith.constant 2 : index
    %get3A_36 = arith.constant 0 : index
    %get3A_37 = arith.constant 0 : index
    %get3A_38 = vector.load %arg2[%get3A_34, %get3A_35, %get3A_36, %get3A_37] : memref<3x3x128x12xf32, #tpu.memory_space<vmem>>, vector<1x1x128x12xf32>
    %get3A_39 = vector.shape_cast %get3A_38 : vector<1x1x128x12xf32> to vector<128x12xf32>
    %dot_general3A_40 = arith.constant dense<0.000000e+00> : vector<400x12xf32>
    %dot_general3A_41 = tpu.matmul %get3A_33, %get3A_39, %dot_general3A_40 {dimension_numbers = #tpu.dot_dimension_numbers<[1], [0], [0], [1], [0, 0, 1, 1], [], []>, transpose_lhs_hint = false} : vector<400x128xf32>, vector<128x12xf32>, vector<400x12xf32> -> vector<400x12xf32>
    %add3A_42 = arith.addf %add3A_27, %dot_general3A_41 : vector<400x12xf32>
    %get3A_43 = arith.constant 0 : index
    %get3A_44 = arith.constant 0 : index
    %get3A_45 = vector.load %arg3[%get3A_43, %get3A_44] : memref<3x12xf32, #tpu.memory_space<vmem>>, vector<1x12xf32>
    %get3A_46 = vector.shape_cast %get3A_45 : vector<1x12xf32> to vector<12xf32>
    %broadcast_in_dim3A_47 = vector.shape_cast %get3A_46 : vector<12xf32> to vector<1x12xf32>
    %add3A_48 = vector.broadcast %broadcast_in_dim3A_47 : vector<1x12xf32> to vector<400x12xf32>
    %add3A_49 = arith.addf %add3A_42, %add3A_48 : vector<400x12xf32>
    %broadcast_in_dim3A_50 = arith.constant 0.000000e+00 : f32
    %broadcast_in_dim3A_51 = vector.broadcast %broadcast_in_dim3A_50 : f32 to vector<400x12xf32>
    %get3A_52 = arith.constant 0 : index
    %get3A_53 = arith.constant 0 : index
    %get3A_54 = arith.constant 0 : index
    %get3A_55 = arith.constant 0 : index
    %get3A_56 = vector.load %arg1[%get3A_52, %get3A_53, %get3A_54, %get3A_55] : memref<2x10x400x128xf32, #tpu.memory_space<vmem>>, vector<1x1x400x128xf32>
    %get3A_57 = vector.shape_cast %get3A_56 : vector<1x1x400x128xf32> to vector<400x128xf32>
    %get3A_58 = arith.constant 1 : index
    %get3A_59 = arith.constant 0 : index
    %get3A_60 = arith.constant 0 : index
    %get3A_61 = arith.constant 0 : index
    %get3A_62 = vector.load %arg2[%get3A_58, %get3A_59, %get3A_60, %get3A_61] : memref<3x3x128x12xf32, #tpu.memory_space<vmem>>, vector<1x1x128x12xf32>
    %get3A_63 = vector.shape_cast %get3A_62 : vector<1x1x128x12xf32> to vector<128x12xf32>
    %dot_general3A_64 = arith.constant dense<0.000000e+00> : vector<400x12xf32>
    %dot_general3A_65 = tpu.matmul %get3A_57, %get3A_63, %dot_general3A_64 {dimension_numbers = #tpu.dot_dimension_numbers<[1], [0], [0], [1], [0, 0, 1, 1], [], []>, transpose_lhs_hint = false} : vector<400x128xf32>, vector<128x12xf32>, vector<400x12xf32> -> vector<400x12xf32>
    %add3A_66 = arith.addf %broadcast_in_dim3A_51, %dot_general3A_65 : vector<400x12xf32>
    %get3A_67 = arith.constant 0 : index
    %get3A_68 = arith.constant 1 : index
    %get3A_69 = arith.constant 0 : index
    %get3A_70 = arith.constant 0 : index
    %get3A_71 = vector.load %arg1[%get3A_67, %get3A_68, %get3A_69, %get3A_70] : memref<2x10x400x128xf32, #tpu.memory_space<vmem>>, vector<1x1x400x128xf32>
    %get3A_72 = vector.shape_cast %get3A_71 : vector<1x1x400x128xf32> to vector<400x128xf32>
    %get3A_73 = arith.constant 1 : index
    %get3A_74 = arith.constant 1 : index
    %get3A_75 = arith.constant 0 : index
    %get3A_76 = arith.constant 0 : index
    %get3A_77 = vector.load %arg2[%get3A_73, %get3A_74, %get3A_75, %get3A_76] : memref<3x3x128x12xf32, #tpu.memory_space<vmem>>, vector<1x1x128x12xf32>
    %get3A_78 = vector.shape_cast %get3A_77 : vector<1x1x128x12xf32> to vector<128x12xf32>
    %dot_general3A_79 = arith.constant dense<0.000000e+00> : vector<400x12xf32>
    %dot_general3A_80 = tpu.matmul %get3A_72, %get3A_78, %dot_general3A_79 {dimension_numbers = #tpu.dot_dimension_numbers<[1], [0], [0], [1], [0, 0, 1, 1], [], []>, transpose_lhs_hint = false} : vector<400x128xf32>, vector<128x12xf32>, vector<400x12xf32> -> vector<400x12xf32>
    %add3A_81 = arith.addf %add3A_66, %dot_general3A_80 : vector<400x12xf32>
    %get3A_82 = arith.constant 0 : index
    %get3A_83 = arith.constant 2 : index
    %get3A_84 = arith.constant 0 : index
    %get3A_85 = arith.constant 0 : index
    %get3A_86 = vector.load %arg1[%get3A_82, %get3A_83, %get3A_84, %get3A_85] : memref<2x10x400x128xf32, #tpu.memory_space<vmem>>, vector<1x1x400x128xf32>
    %get3A_87 = vector.shape_cast %get3A_86 : vector<1x1x400x128xf32> to vector<400x128xf32>
    %get3A_88 = arith.constant 1 : index
    %get3A_89 = arith.constant 2 : index
    %get3A_90 = arith.constant 0 : index
    %get3A_91 = arith.constant 0 : index
    %get3A_92 = vector.load %arg2[%get3A_88, %get3A_89, %get3A_90, %get3A_91] : memref<3x3x128x12xf32, #tpu.memory_space<vmem>>, vector<1x1x128x12xf32>
    %get3A_93 = vector.shape_cast %get3A_92 : vector<1x1x128x12xf32> to vector<128x12xf32>
    %dot_general3A_94 = arith.constant dense<0.000000e+00> : vector<400x12xf32>
    %dot_general3A_95 = tpu.matmul %get3A_87, %get3A_93, %dot_general3A_94 {dimension_numbers = #tpu.dot_dimension_numbers<[1], [0], [0], [1], [0, 0, 1, 1], [], []>, transpose_lhs_hint = false} : vector<400x128xf32>, vector<128x12xf32>, vector<400x12xf32> -> vector<400x12xf32>
    %add3A_96 = arith.addf %add3A_81, %dot_general3A_95 : vector<400x12xf32>
    %get3A_97 = arith.constant 1 : index
    %get3A_98 = arith.constant 0 : index
    %get3A_99 = vector.load %arg3[%get3A_97, %get3A_98] : memref<3x12xf32, #tpu.memory_space<vmem>>, vector<1x12xf32>
    %get3A_100 = vector.shape_cast %get3A_99 : vector<1x12xf32> to vector<12xf32>
    %broadcast_in_dim3A_101 = vector.shape_cast %get3A_100 : vector<12xf32> to vector<1x12xf32>
    %add3A_102 = vector.broadcast %broadcast_in_dim3A_101 : vector<1x12xf32> to vector<400x12xf32>
    %add3A_103 = arith.addf %add3A_96, %add3A_102 : vector<400x12xf32>
    %broadcast_in_dim3A_104 = arith.constant 0.000000e+00 : f32
    %broadcast_in_dim3A_105 = vector.broadcast %broadcast_in_dim3A_104 : f32 to vector<400x12xf32>
    %get3A_106 = arith.constant 0 : index
    %get3A_107 = arith.constant 0 : index
    %get3A_108 = arith.constant 0 : index
    %get3A_109 = arith.constant 0 : index
    %get3A_110 = vector.load %arg1[%get3A_106, %get3A_107, %get3A_108, %get3A_109] : memref<2x10x400x128xf32, #tpu.memory_space<vmem>>, vector<1x1x400x128xf32>
    %get3A_111 = vector.shape_cast %get3A_110 : vector<1x1x400x128xf32> to vector<400x128xf32>
    %get3A_112 = arith.constant 2 : index
    %get3A_113 = arith.constant 0 : index
    %get3A_114 = arith.constant 0 : index
    %get3A_115 = arith.constant 0 : index
    %get3A_116 = vector.load %arg2[%get3A_112, %get3A_113, %get3A_114, %get3A_115] : memref<3x3x128x12xf32, #tpu.memory_space<vmem>>, vector<1x1x128x12xf32>
    %get3A_117 = vector.shape_cast %get3A_116 : vector<1x1x128x12xf32> to vector<128x12xf32>
    %dot_general3A_118 = arith.constant dense<0.000000e+00> : vector<400x12xf32>
    %dot_general3A_119 = tpu.matmul %get3A_111, %get3A_117, %dot_general3A_118 {dimension_numbers = #tpu.dot_dimension_numbers<[1], [0], [0], [1], [0, 0, 1, 1], [], []>, transpose_lhs_hint = false} : vector<400x128xf32>, vector<128x12xf32>, vector<400x12xf32> -> vector<400x12xf32>
    %add3A_120 = arith.addf %broadcast_in_dim3A_105, %dot_general3A_119 : vector<400x12xf32>
    %get3A_121 = arith.constant 0 : index
    %get3A_122 = arith.constant 1 : index
    %get3A_123 = arith.constant 0 : index
    %get3A_124 = arith.constant 0 : index
    %get3A_125 = vector.load %arg1[%get3A_121, %get3A_122, %get3A_123, %get3A_124] : memref<2x10x400x128xf32, #tpu.memory_space<vmem>>, vector<1x1x400x128xf32>
    %get3A_126 = vector.shape_cast %get3A_125 : vector<1x1x400x128xf32> to vector<400x128xf32>
    %get3A_127 = arith.constant 2 : index
    %get3A_128 = arith.constant 1 : index
    %get3A_129 = arith.constant 0 : index
    %get3A_130 = arith.constant 0 : index
    %get3A_131 = vector.load %arg2[%get3A_127, %get3A_128, %get3A_129, %get3A_130] : memref<3x3x128x12xf32, #tpu.memory_space<vmem>>, vector<1x1x128x12xf32>
    %get3A_132 = vector.shape_cast %get3A_131 : vector<1x1x128x12xf32> to vector<128x12xf32>
    %dot_general3A_133 = arith.constant dense<0.000000e+00> : vector<400x12xf32>
    %dot_general3A_134 = tpu.matmul %get3A_126, %get3A_132, %dot_general3A_133 {dimension_numbers = #tpu.dot_dimension_numbers<[1], [0], [0], [1], [0, 0, 1, 1], [], []>, transpose_lhs_hint = false} : vector<400x128xf32>, vector<128x12xf32>, vector<400x12xf32> -> vector<400x12xf32>
    %add3A_135 = arith.addf %add3A_120, %dot_general3A_134 : vector<400x12xf32>
    %get3A_136 = arith.constant 0 : index
    %get3A_137 = arith.constant 2 : index
    %get3A_138 = arith.constant 0 : index
    %get3A_139 = arith.constant 0 : index
    %get3A_140 = vector.load %arg1[%get3A_136, %get3A_137, %get3A_138, %get3A_139] : memref<2x10x400x128xf32, #tpu.memory_space<vmem>>, vector<1x1x400x128xf32>
    %get3A_141 = vector.shape_cast %get3A_140 : vector<1x1x400x128xf32> to vector<400x128xf32>
    %get3A_142 = arith.constant 2 : index
    %get3A_143 = arith.constant 2 : index
    %get3A_144 = arith.constant 0 : index
    %get3A_145 = arith.constant 0 : index
    %get3A_146 = vector.load %arg2[%get3A_142, %get3A_143, %get3A_144, %get3A_145] : memref<3x3x128x12xf32, #tpu.memory_space<vmem>>, vector<1x1x128x12xf32>
    %get3A_147 = vector.shape_cast %get3A_146 : vector<1x1x128x12xf32> to vector<128x12xf32>
    %dot_general3A_148 = arith.constant dense<0.000000e+00> : vector<400x12xf32>
    %dot_general3A_149 = tpu.matmul %get3A_141, %get3A_147, %dot_general3A_148 {dimension_numbers = #tpu.dot_dimension_numbers<[1], [0], [0], [1], [0, 0, 1, 1], [], []>, transpose_lhs_hint = false} : vector<400x128xf32>, vector<128x12xf32>, vector<400x12xf32> -> vector<400x12xf32>
    %add3A_150 = arith.addf %add3A_135, %dot_general3A_149 : vector<400x12xf32>
    %get3A_151 = arith.constant 2 : index
    %get3A_152 = arith.constant 0 : index
    %get3A_153 = vector.load %arg3[%get3A_151, %get3A_152] : memref<3x12xf32, #tpu.memory_space<vmem>>, vector<1x12xf32>
    %get3A_154 = vector.shape_cast %get3A_153 : vector<1x12xf32> to vector<12xf32>
    %broadcast_in_dim3A_155 = vector.shape_cast %get3A_154 : vector<12xf32> to vector<1x12xf32>
    %add3A_156 = vector.broadcast %broadcast_in_dim3A_155 : vector<1x12xf32> to vector<400x12xf32>
    %add3A_157 = arith.addf %add3A_150, %add3A_156 : vector<400x12xf32>
    %logistic3A = arith.negf %add3A_103 : vector<400x12xf32>
    %logistic3A_158 = math.exp %logistic3A : vector<400x12xf32>
    %logistic3A_159 = arith.constant 1.000000e+00 : f32
    %logistic3A_160 = vector.broadcast %logistic3A_159 : f32 to vector<400x12xf32>
    %logistic3A_161 = arith.addf %logistic3A_160, %logistic3A_158 : vector<400x12xf32>
    %logistic3A_162 = arith.divf %logistic3A_160, %logistic3A_161 : vector<400x12xf32>
    %mul3A = arith.mulf %add3A_49, %logistic3A_162 : vector<400x12xf32>
    %add3A_163 = arith.addf %mul3A, %add3A_157 : vector<400x12xf32>
    %max3A = arith.constant 0.000000e+00 : f32
    %max3A_164 = vector.broadcast %max3A : f32 to vector<400x12xf32>
    %max3A_165 = arith.maximumf %add3A_163, %max3A_164 : vector<400x12xf32>
    %broadcast_in_dim3A_166 = arith.constant 0.000000e+00 : f32
    %broadcast_in_dim3A_167 = vector.broadcast %broadcast_in_dim3A_166 : f32 to vector<400x12xf32>
    %get3A_168 = arith.constant 0 : index
    %get3A_169 = arith.constant 1 : index
    %get3A_170 = arith.constant 0 : index
    %get3A_171 = arith.constant 0 : index
    %get3A_172 = vector.load %arg1[%get3A_168, %get3A_169, %get3A_170, %get3A_171] : memref<2x10x400x128xf32, #tpu.memory_space<vmem>>, vector<1x1x400x128xf32>
    %get3A_173 = vector.shape_cast %get3A_172 : vector<1x1x400x128xf32> to vector<400x128xf32>
    %get3A_174 = arith.constant 0 : index
    %get3A_175 = arith.constant 0 : index
    %get3A_176 = arith.constant 0 : index
    %get3A_177 = arith.constant 0 : index
    %get3A_178 = vector.load %arg2[%get3A_174, %get3A_175, %get3A_176, %get3A_177] : memref<3x3x128x12xf32, #tpu.memory_space<vmem>>, vector<1x1x128x12xf32>
    %get3A_179 = vector.shape_cast %get3A_178 : vector<1x1x128x12xf32> to vector<128x12xf32>
    %dot_general3A_180 = arith.constant dense<0.000000e+00> : vector<400x12xf32>
    %dot_general3A_181 = tpu.matmul %get3A_173, %get3A_179, %dot_general3A_180 {dimension_numbers = #tpu.dot_dimension_numbers<[1], [0], [0], [1], [0, 0, 1, 1], [], []>, transpose_lhs_hint = false} : vector<400x128xf32>, vector<128x12xf32>, vector<400x12xf32> -> vector<400x12xf32>
    %add3A_182 = arith.addf %broadcast_in_dim3A_167, %dot_general3A_181 : vector<400x12xf32>
    %get3A_183 = arith.constant 0 : index
    %get3A_184 = arith.constant 2 : index
    %get3A_185 = arith.constant 0 : index
    %get3A_186 = arith.constant 0 : index
    %get3A_187 = vector.load %arg1[%get3A_183, %get3A_184, %get3A_185, %get3A_186] : memref<2x10x400x128xf32, #tpu.memory_space<vmem>>, vector<1x1x400x128xf32>
    %get3A_188 = vector.shape_cast %get3A_187 : vector<1x1x400x128xf32> to vector<400x128xf32>
    %get3A_189 = arith.constant 0 : index
    %get3A_190 = arith.constant 1 : index
    %get3A_191 = arith.constant 0 : index
    %get3A_192 = arith.constant 0 : index
    %get3A_193 = vector.load %arg2[%get3A_189, %get3A_190, %get3A_191, %get3A_192] : memref<3x3x128x12xf32, #tpu.memory_space<vmem>>, vector<1x1x128x12xf32>
    %get3A_194 = vector.shape_cast %get3A_193 : vector<1x1x128x12xf32> to vector<128x12xf32>
    %dot_general3A_195 = arith.constant dense<0.000000e+00> : vector<400x12xf32>
    %dot_general3A_196 = tpu.matmul %get3A_188, %get3A_194, %dot_general3A_195 {dimension_numbers = #tpu.dot_dimension_numbers<[1], [0], [0], [1], [0, 0, 1, 1], [], []>, transpose_lhs_hint = false} : vector<400x128xf32>, vector<128x12xf32>, vector<400x12xf32> -> vector<400x12xf32>
    %add3A_197 = arith.addf %add3A_182, %dot_general3A_196 : vector<400x12xf32>
    %get3A_198 = arith.constant 0 : index
    %get3A_199 = arith.constant 3 : index
    %get3A_200 = arith.constant 0 : index
    %get3A_201 = arith.constant 0 : index
    %get3A_202 = vector.load %arg1[%get3A_198, %get3A_199, %get3A_200, %get3A_201] : memref<2x10x400x128xf32, #tpu.memory_space<vmem>>, vector<1x1x400x128xf32>
    %get3A_203 = vector.shape_cast %get3A_202 : vector<1x1x400x128xf32> to vector<400x128xf32>
    %get3A_204 = arith.constant 0 : index
    %get3A_205 = arith.constant 2 : index
    %get3A_206 = arith.constant 0 : index
    %get3A_207 = arith.constant 0 : index
    %get3A_208 = vector.load %arg2[%get3A_204, %get3A_205, %get3A_206, %get3A_207] : memref<3x3x128x12xf32, #tpu.memory_space<vmem>>, vector<1x1x128x12xf32>
    %get3A_209 = vector.shape_cast %get3A_208 : vector<1x1x128x12xf32> to vector<128x12xf32>
    %dot_general3A_210 = arith.constant dense<0.000000e+00> : vector<400x12xf32>
    %dot_general3A_211 = tpu.matmul %get3A_203, %get3A_209, %dot_general3A_210 {dimension_numbers = #tpu.dot_dimension_numbers<[1], [0], [0], [1], [0, 0, 1, 1], [], []>, transpose_lhs_hint = false} : vector<400x128xf32>, vector<128x12xf32>, vector<400x12xf32> -> vector<400x12xf32>
    %add3A_212 = arith.addf %add3A_197, %dot_general3A_211 : vector<400x12xf32>
    %get3A_213 = arith.constant 0 : index
    %get3A_214 = arith.constant 0 : index
    %get3A_215 = vector.load %arg3[%get3A_213, %get3A_214] : memref<3x12xf32, #tpu.memory_space<vmem>>, vector<1x12xf32>
    %get3A_216 = vector.shape_cast %get3A_215 : vector<1x12xf32> to vector<12xf32>
    %broadcast_in_dim3A_217 = vector.shape_cast %get3A_216 : vector<12xf32> to vector<1x12xf32>
    %add3A_218 = vector.broadcast %broadcast_in_dim3A_217 : vector<1x12xf32> to vector<400x12xf32>
    %add3A_219 = arith.addf %add3A_212, %add3A_218 : vector<400x12xf32>
    %broadcast_in_dim3A_220 = arith.constant 0.000000e+00 : f32
    %broadcast_in_dim3A_221 = vector.broadcast %broadcast_in_dim3A_220 : f32 to vector<400x12xf32>
    %get3A_222 = arith.constant 0 : index
    %get3A_223 = arith.constant 1 : index
    %get3A_224 = arith.constant 0 : index
    %get3A_225 = arith.constant 0 : index
    %get3A_226 = vector.load %arg1[%get3A_222, %get3A_223, %get3A_224, %get3A_225] : memref<2x10x400x128xf32, #tpu.memory_space<vmem>>, vector<1x1x400x128xf32>
    %get3A_227 = vector.shape_cast %get3A_226 : vector<1x1x400x128xf32> to vector<400x128xf32>
    %get3A_228 = arith.constant 1 : index
    %get3A_229 = arith.constant 0 : index
    %get3A_230 = arith.constant 0 : index
    %get3A_231 = arith.constant 0 : index
    %get3A_232 = vector.load %arg2[%get3A_228, %get3A_229, %get3A_230, %get3A_231] : memref<3x3x128x12xf32, #tpu.memory_space<vmem>>, vector<1x1x128x12xf32>
    %get3A_233 = vector.shape_cast %get3A_232 : vector<1x1x128x12xf32> to vector<128x12xf32>
    %dot_general3A_234 = arith.constant dense<0.000000e+00> : vector<400x12xf32>
    %dot_general3A_235 = tpu.matmul %get3A_227, %get3A_233, %dot_general3A_234 {dimension_numbers = #tpu.dot_dimension_numbers<[1], [0], [0], [1], [0, 0, 1, 1], [], []>, transpose_lhs_hint = false} : vector<400x128xf32>, vector<128x12xf32>, vector<400x12xf32> -> vector<400x12xf32>
    %add3A_236 = arith.addf %broadcast_in_dim3A_221, %dot_general3A_235 : vector<400x12xf32>
    %get3A_237 = arith.constant 0 : index
    %get3A_238 = arith.constant 2 : index
    %get3A_239 = arith.constant 0 : index
    %get3A_240 = arith.constant 0 : index
    %get3A_241 = vector.load %arg1[%get3A_237, %get3A_238, %get3A_239, %get3A_240] : memref<2x10x400x128xf32, #tpu.memory_space<vmem>>, vector<1x1x400x128xf32>
    %get3A_242 = vector.shape_cast %get3A_241 : vector<1x1x400x128xf32> to vector<400x128xf32>
    %get3A_243 = arith.constant 1 : index
    %get3A_244 = arith.constant 1 : index
    %get3A_245 = arith.constant 0 : index
    %get3A_246 = arith.constant 0 : index
    %get3A_247 = vector.load %arg2[%get3A_243, %get3A_244, %get3A_245, %get3A_246] : memref<3x3x128x12xf32, #tpu.memory_space<vmem>>, vector<1x1x128x12xf32>
    %get3A_248 = vector.shape_cast %get3A_247 : vector<1x1x128x12xf32> to vector<128x12xf32>
    %dot_general3A_249 = arith.constant dense<0.000000e+00> : vector<400x12xf32>
    %dot_general3A_250 = tpu.matmul %get3A_242, %get3A_248, %dot_general3A_249 {dimension_numbers = #tpu.dot_dimension_numbers<[1], [0], [0], [1], [0, 0, 1, 1], [], []>, transpose_lhs_hint = false} : vector<400x128xf32>, vector<128x12xf32>, vector<400x12xf32> -> vector<400x12xf32>
    %add3A_251 = arith.addf %add3A_236, %dot_general3A_250 : vector<400x12xf32>
    %get3A_252 = arith.constant 0 : index
    %get3A_253 = arith.constant 3 : index
    %get3A_254 = arith.constant 0 : index
    %get3A_255 = arith.constant 0 : index
    %get3A_256 = vector.load %arg1[%get3A_252, %get3A_253, %get3A_254, %get3A_255] : memref<2x10x400x128xf32, #tpu.memory_space<vmem>>, vector<1x1x400x128xf32>
    %get3A_257 = vector.shape_cast %get3A_256 : vector<1x1x400x128xf32> to vector<400x128xf32>
    %get3A_258 = arith.constant 1 : index
    %get3A_259 = arith.constant 2 : index
    %get3A_260 = arith.constant 0 : index
    %get3A_261 = arith.constant 0 : index
    %get3A_262 = vector.load %arg2[%get3A_258, %get3A_259, %get3A_260, %get3A_261] : memref<3x3x128x12xf32, #tpu.memory_space<vmem>>, vector<1x1x128x12xf32>
    %get3A_263 = vector.shape_cast %get3A_262 : vector<1x1x128x12xf32> to vector<128x12xf32>
    %dot_general3A_264 = arith.constant dense<0.000000e+00> : vector<400x12xf32>
    %dot_general3A_265 = tpu.matmul %get3A_257, %get3A_263, %dot_general3A_264 {dimension_numbers = #tpu.dot_dimension_numbers<[1], [0], [0], [1], [0, 0, 1, 1], [], []>, transpose_lhs_hint = false} : vector<400x128xf32>, vector<128x12xf32>, vector<400x12xf32> -> vector<400x12xf32>
    %add3A_266 = arith.addf %add3A_251, %dot_general3A_265 : vector<400x12xf32>
    %get3A_267 = arith.constant 1 : index
    %get3A_268 = arith.constant 0 : index
    %get3A_269 = vector.load %arg3[%get3A_267, %get3A_268] : memref<3x12xf32, #tpu.memory_space<vmem>>, vector<1x12xf32>
    %get3A_270 = vector.shape_cast %get3A_269 : vector<1x12xf32> to vector<12xf32>
    %broadcast_in_dim3A_271 = vector.shape_cast %get3A_270 : vector<12xf32> to vector<1x12xf32>
    %add3A_272 = vector.broadcast %broadcast_in_dim3A_271 : vector<1x12xf32> to vector<400x12xf32>
    %add3A_273 = arith.addf %add3A_266, %add3A_272 : vector<400x12xf32>
    %broadcast_in_dim3A_274 = arith.constant 0.000000e+00 : f32
    %broadcast_in_dim3A_275 = vector.broadcast %broadcast_in_dim3A_274 : f32 to vector<400x12xf32>
    %get3A_276 = arith.constant 0 : index
    %get3A_277 = arith.constant 1 : index
    %get3A_278 = arith.constant 0 : index
    %get3A_279 = arith.constant 0 : index
    %get3A_280 = vector.load %arg1[%get3A_276, %get3A_277, %get3A_278, %get3A_279] : memref<2x10x400x128xf32, #tpu.memory_space<vmem>>, vector<1x1x400x128xf32>
    %get3A_281 = vector.shape_cast %get3A_280 : vector<1x1x400x128xf32> to vector<400x128xf32>
    %get3A_282 = arith.constant 2 : index
    %get3A_283 = arith.constant 0 : index
    %get3A_284 = arith.constant 0 : index
    %get3A_285 = arith.constant 0 : index
    %get3A_286 = vector.load %arg2[%get3A_282, %get3A_283, %get3A_284, %get3A_285] : memref<3x3x128x12xf32, #tpu.memory_space<vmem>>, vector<1x1x128x12xf32>
    %get3A_287 = vector.shape_cast %get3A_286 : vector<1x1x128x12xf32> to vector<128x12xf32>
    %dot_general3A_288 = arith.constant dense<0.000000e+00> : vector<400x12xf32>
    %dot_general3A_289 = tpu.matmul %get3A_281, %get3A_287, %dot_general3A_288 {dimension_numbers = #tpu.dot_dimension_numbers<[1], [0], [0], [1], [0, 0, 1, 1], [], []>, transpose_lhs_hint = false} : vector<400x128xf32>, vector<128x12xf32>, vector<400x12xf32> -> vector<400x12xf32>
    %add3A_290 = arith.addf %broadcast_in_dim3A_275, %dot_general3A_289 : vector<400x12xf32>
    %get3A_291 = arith.constant 0 : index
    %get3A_292 = arith.constant 2 : index
    %get3A_293 = arith.constant 0 : index
    %get3A_294 = arith.constant 0 : index
    %get3A_295 = vector.load %arg1[%get3A_291, %get3A_292, %get3A_293, %get3A_294] : memref<2x10x400x128xf32, #tpu.memory_space<vmem>>, vector<1x1x400x128xf32>
    %get3A_296 = vector.shape_cast %get3A_295 : vector<1x1x400x128xf32> to vector<400x128xf32>
    %get3A_297 = arith.constant 2 : index
    %get3A_298 = arith.constant 1 : index
    %get3A_299 = arith.constant 0 : index
    %get3A_300 = arith.constant 0 : index
    %get3A_301 = vector.load %arg2[%get3A_297, %get3A_298, %get3A_299, %get3A_300] : memref<3x3x128x12xf32, #tpu.memory_space<vmem>>, vector<1x1x128x12xf32>
    %get3A_302 = vector.shape_cast %get3A_301 : vector<1x1x128x12xf32> to vector<128x12xf32>
    %dot_general3A_303 = arith.constant dense<0.000000e+00> : vector<400x12xf32>
    %dot_general3A_304 = tpu.matmul %get3A_296, %get3A_302, %dot_general3A_303 {dimension_numbers = #tpu.dot_dimension_numbers<[1], [0], [0], [1], [0, 0, 1, 1], [], []>, transpose_lhs_hint = false} : vector<400x128xf32>, vector<128x12xf32>, vector<400x12xf32> -> vector<400x12xf32>
    %add3A_305 = arith.addf %add3A_290, %dot_general3A_304 : vector<400x12xf32>
    %get3A_306 = arith.constant 0 : index
    %get3A_307 = arith.constant 3 : index
    %get3A_308 = arith.constant 0 : index
    %get3A_309 = arith.constant 0 : index
    %get3A_310 = vector.load %arg1[%get3A_306, %get3A_307, %get3A_308, %get3A_309] : memref<2x10x400x128xf32, #tpu.memory_space<vmem>>, vector<1x1x400x128xf32>
    %get3A_311 = vector.shape_cast %get3A_310 : vector<1x1x400x128xf32> to vector<400x128xf32>
    %get3A_312 = arith.constant 2 : index
    %get3A_313 = arith.constant 2 : index
    %get3A_314 = arith.constant 0 : index
    %get3A_315 = arith.constant 0 : index
    %get3A_316 = vector.load %arg2[%get3A_312, %get3A_313, %get3A_314, %get3A_315] : memref<3x3x128x12xf32, #tpu.memory_space<vmem>>, vector<1x1x128x12xf32>
    %get3A_317 = vector.shape_cast %get3A_316 : vector<1x1x128x12xf32> to vector<128x12xf32>
    %dot_general3A_318 = arith.constant dense<0.000000e+00> : vector<400x12xf32>
    %dot_general3A_319 = tpu.matmul %get3A_311, %get3A_317, %dot_general3A_318 {dimension_numbers = #tpu.dot_dimension_numbers<[1], [0], [0], [1], [0, 0, 1, 1], [], []>, transpose_lhs_hint = false} : vector<400x128xf32>, vector<128x12xf32>, vector<400x12xf32> -> vector<400x12xf32>
    %add3A_320 = arith.addf %add3A_305, %dot_general3A_319 : vector<400x12xf32>
    %get3A_321 = arith.constant 2 : index
    %get3A_322 = arith.constant 0 : index
    %get3A_323 = vector.load %arg3[%get3A_321, %get3A_322] : memref<3x12xf32, #tpu.memory_space<vmem>>, vector<1x12xf32>
    %get3A_324 = vector.shape_cast %get3A_323 : vector<1x12xf32> to vector<12xf32>
    %broadcast_in_dim3A_325 = vector.shape_cast %get3A_324 : vector<12xf32> to vector<1x12xf32>
    %add3A_326 = vector.broadcast %broadcast_in_dim3A_325 : vector<1x12xf32> to vector<400x12xf32>
    %add3A_327 = arith.addf %add3A_320, %add3A_326 : vector<400x12xf32>
    %logistic3A_328 = arith.negf %add3A_273 : vector<400x12xf32>
    %logistic3A_329 = math.exp %logistic3A_328 : vector<400x12xf32>
    %logistic3A_330 = arith.constant 1.000000e+00 : f32
    %logistic3A_331 = vector.broadcast %logistic3A_330 : f32 to vector<400x12xf32>
    %logistic3A_332 = arith.addf %logistic3A_331, %logistic3A_329 : vector<400x12xf32>
    %logistic3A_333 = arith.divf %logistic3A_331, %logistic3A_332 : vector<400x12xf32>
    %mul3A_334 = arith.mulf %add3A_219, %logistic3A_333 : vector<400x12xf32>
    %add3A_335 = arith.addf %mul3A_334, %add3A_327 : vector<400x12xf32>
    %max3A_336 = arith.constant 0.000000e+00 : f32
    %max3A_337 = vector.broadcast %max3A_336 : f32 to vector<400x12xf32>
    %max3A_338 = arith.maximumf %add3A_335, %max3A_337 : vector<400x12xf32>
    %broadcast_in_dim3A_339 = arith.constant 0.000000e+00 : f32
    %broadcast_in_dim3A_340 = vector.broadcast %broadcast_in_dim3A_339 : f32 to vector<400x12xf32>
    %get3A_341 = arith.constant 0 : index
    %get3A_342 = arith.constant 2 : index
    %get3A_343 = arith.constant 0 : index
    %get3A_344 = arith.constant 0 : index
    %get3A_345 = vector.load %arg1[%get3A_341, %get3A_342, %get3A_343, %get3A_344] : memref<2x10x400x128xf32, #tpu.memory_space<vmem>>, vector<1x1x400x128xf32>
    %get3A_346 = vector.shape_cast %get3A_345 : vector<1x1x400x128xf32> to vector<400x128xf32>
    %get3A_347 = arith.constant 0 : index
    %get3A_348 = arith.constant 0 : index
    %get3A_349 = arith.constant 0 : index
    %get3A_350 = arith.constant 0 : index
    %get3A_351 = vector.load %arg2[%get3A_347, %get3A_348, %get3A_349, %get3A_350] : memref<3x3x128x12xf32, #tpu.memory_space<vmem>>, vector<1x1x128x12xf32>
    %get3A_352 = vector.shape_cast %get3A_351 : vector<1x1x128x12xf32> to vector<128x12xf32>
    %dot_general3A_353 = arith.constant dense<0.000000e+00> : vector<400x12xf32>
    %dot_general3A_354 = tpu.matmul %get3A_346, %get3A_352, %dot_general3A_353 {dimension_numbers = #tpu.dot_dimension_numbers<[1], [0], [0], [1], [0, 0, 1, 1], [], []>, transpose_lhs_hint = false} : vector<400x128xf32>, vector<128x12xf32>, vector<400x12xf32> -> vector<400x12xf32>
    %add3A_355 = arith.addf %broadcast_in_dim3A_340, %dot_general3A_354 : vector<400x12xf32>
    %get3A_356 = arith.constant 0 : index
    %get3A_357 = arith.constant 3 : index
    %get3A_358 = arith.constant 0 : index
    %get3A_359 = arith.constant 0 : index
    %get3A_360 = vector.load %arg1[%get3A_356, %get3A_357, %get3A_358, %get3A_359] : memref<2x10x400x128xf32, #tpu.memory_space<vmem>>, vector<1x1x400x128xf32>
    %get3A_361 = vector.shape_cast %get3A_360 : vector<1x1x400x128xf32> to vector<400x128xf32>
    %get3A_362 = arith.constant 0 : index
    %get3A_363 = arith.constant 1 : index
    %get3A_364 = arith.constant 0 : index
    %get3A_365 = arith.constant 0 : index
    %get3A_366 = vector.load %arg2[%get3A_362, %get3A_363, %get3A_364, %get3A_365] : memref<3x3x128x12xf32, #tpu.memory_space<vmem>>, vector<1x1x128x12xf32>
    %get3A_367 = vector.shape_cast %get3A_366 : vector<1x1x128x12xf32> to vector<128x12xf32>
    %dot_general3A_368 = arith.constant dense<0.000000e+00> : vector<400x12xf32>
    %dot_general3A_369 = tpu.matmul %get3A_361, %get3A_367, %dot_general3A_368 {dimension_numbers = #tpu.dot_dimension_numbers<[1], [0], [0], [1], [0, 0, 1, 1], [], []>, transpose_lhs_hint = false} : vector<400x128xf32>, vector<128x12xf32>, vector<400x12xf32> -> vector<400x12xf32>
    %add3A_370 = arith.addf %add3A_355, %dot_general3A_369 : vector<400x12xf32>
    %get3A_371 = arith.constant 0 : index
    %get3A_372 = arith.constant 4 : index
    %get3A_373 = arith.constant 0 : index
    %get3A_374 = arith.constant 0 : index
    %get3A_375 = vector.load %arg1[%get3A_371, %get3A_372, %get3A_373, %get3A_374] : memref<2x10x400x128xf32, #tpu.memory_space<vmem>>, vector<1x1x400x128xf32>
    %get3A_376 = vector.shape_cast %get3A_375 : vector<1x1x400x128xf32> to vector<400x128xf32>
    %get3A_377 = arith.constant 0 : index
    %get3A_378 = arith.constant 2 : index
    %get3A_379 = arith.constant 0 : index
    %get3A_380 = arith.constant 0 : index
    %get3A_381 = vector.load %arg2[%get3A_377, %get3A_378, %get3A_379, %get3A_380] : memref<3x3x128x12xf32, #tpu.memory_space<vmem>>, vector<1x1x128x12xf32>
    %get3A_382 = vector.shape_cast %get3A_381 : vector<1x1x128x12xf32> to vector<128x12xf32>
    %dot_general3A_383 = arith.constant dense<0.000000e+00> : vector<400x12xf32>
    %dot_general3A_384 = tpu.matmul %get3A_376, %get3A_382, %dot_general3A_383 {dimension_numbers = #tpu.dot_dimension_numbers<[1], [0], [0], [1], [0, 0, 1, 1], [], []>, transpose_lhs_hint = false} : vector<400x128xf32>, vector<128x12xf32>, vector<400x12xf32> -> vector<400x12xf32>
    %add3A_385 = arith.addf %add3A_370, %dot_general3A_384 : vector<400x12xf32>
    %get3A_386 = arith.constant 0 : index
    %get3A_387 = arith.constant 0 : index
    %get3A_388 = vector.load %arg3[%get3A_386, %get3A_387] : memref<3x12xf32, #tpu.memory_space<vmem>>, vector<1x12xf32>
    %get3A_389 = vector.shape_cast %get3A_388 : vector<1x12xf32> to vector<12xf32>
    %broadcast_in_dim3A_390 = vector.shape_cast %get3A_389 : vector<12xf32> to vector<1x12xf32>
    %add3A_391 = vector.broadcast %broadcast_in_dim3A_390 : vector<1x12xf32> to vector<400x12xf32>
    %add3A_392 = arith.addf %add3A_385, %add3A_391 : vector<400x12xf32>
    %broadcast_in_dim3A_393 = arith.constant 0.000000e+00 : f32
    %broadcast_in_dim3A_394 = vector.broadcast %broadcast_in_dim3A_393 : f32 to vector<400x12xf32>
    %get3A_395 = arith.constant 0 : index
    %get3A_396 = arith.constant 2 : index
    %get3A_397 = arith.constant 0 : index
    %get3A_398 = arith.constant 0 : index
    %get3A_399 = vector.load %arg1[%get3A_395, %get3A_396, %get3A_397, %get3A_398] : memref<2x10x400x128xf32, #tpu.memory_space<vmem>>, vector<1x1x400x128xf32>
    %get3A_400 = vector.shape_cast %get3A_399 : vector<1x1x400x128xf32> to vector<400x128xf32>
    %get3A_401 = arith.constant 1 : index
    %get3A_402 = arith.constant 0 : index
    %get3A_403 = arith.constant 0 : index
    %get3A_404 = arith.constant 0 : index
    %get3A_405 = vector.load %arg2[%get3A_401, %get3A_402, %get3A_403, %get3A_404] : memref<3x3x128x12xf32, #tpu.memory_space<vmem>>, vector<1x1x128x12xf32>
    %get3A_406 = vector.shape_cast %get3A_405 : vector<1x1x128x12xf32> to vector<128x12xf32>
    %dot_general3A_407 = arith.constant dense<0.000000e+00> : vector<400x12xf32>
    %dot_general3A_408 = tpu.matmul %get3A_400, %get3A_406, %dot_general3A_407 {dimension_numbers = #tpu.dot_dimension_numbers<[1], [0], [0], [1], [0, 0, 1, 1], [], []>, transpose_lhs_hint = false} : vector<400x128xf32>, vector<128x12xf32>, vector<400x12xf32> -> vector<400x12xf32>
    %add3A_409 = arith.addf %broadcast_in_dim3A_394, %dot_general3A_408 : vector<400x12xf32>
    %get3A_410 = arith.constant 0 : index
    %get3A_411 = arith.constant 3 : index
    %get3A_412 = arith.constant 0 : index
    %get3A_413 = arith.constant 0 : index
    %get3A_414 = vector.load %arg1[%get3A_410, %get3A_411, %get3A_412, %get3A_413] : memref<2x10x400x128xf32, #tpu.memory_space<vmem>>, vector<1x1x400x128xf32>
    %get3A_415 = vector.shape_cast %get3A_414 : vector<1x1x400x128xf32> to vector<400x128xf32>
    %get3A_416 = arith.constant 1 : index
    %get3A_417 = arith.constant 1 : index
    %get3A_418 = arith.constant 0 : index
    %get3A_419 = arith.constant 0 : index
    %get3A_420 = vector.load %arg2[%get3A_416, %get3A_417, %get3A_418, %get3A_419] : memref<3x3x128x12xf32, #tpu.memory_space<vmem>>, vector<1x1x128x12xf32>
    %get3A_421 = vector.shape_cast %get3A_420 : vector<1x1x128x12xf32> to vector<128x12xf32>
    %dot_general3A_422 = arith.constant dense<0.000000e+00> : vector<400x12xf32>
    %dot_general3A_423 = tpu.matmul %get3A_415, %get3A_421, %dot_general3A_422 {dimension_numbers = #tpu.dot_dimension_numbers<[1], [0], [0], [1], [0, 0, 1, 1], [], []>, transpose_lhs_hint = false} : vector<400x128xf32>, vector<128x12xf32>, vector<400x12xf32> -> vector<400x12xf32>
    %add3A_424 = arith.addf %add3A_409, %dot_general3A_423 : vector<400x12xf32>
    %get3A_425 = arith.constant 0 : index
    %get3A_426 = arith.constant 4 : index
    %get3A_427 = arith.constant 0 : index
    %get3A_428 = arith.constant 0 : index
    %get3A_429 = vector.load %arg1[%get3A_425, %get3A_426, %get3A_427, %get3A_428] : memref<2x10x400x128xf32, #tpu.memory_space<vmem>>, vector<1x1x400x128xf32>
    %get3A_430 = vector.shape_cast %get3A_429 : vector<1x1x400x128xf32> to vector<400x128xf32>
    %get3A_431 = arith.constant 1 : index
    %get3A_432 = arith.constant 2 : index
    %get3A_433 = arith.constant 0 : index
    %get3A_434 = arith.constant 0 : index
    %get3A_435 = vector.load %arg2[%get3A_431, %get3A_432, %get3A_433, %get3A_434] : memref<3x3x128x12xf32, #tpu.memory_space<vmem>>, vector<1x1x128x12xf32>
    %get3A_436 = vector.shape_cast %get3A_435 : vector<1x1x128x12xf32> to vector<128x12xf32>
    %dot_general3A_437 = arith.constant dense<0.000000e+00> : vector<400x12xf32>
    %dot_general3A_438 = tpu.matmul %get3A_430, %get3A_436, %dot_general3A_437 {dimension_numbers = #tpu.dot_dimension_numbers<[1], [0], [0], [1], [0, 0, 1, 1], [], []>, transpose_lhs_hint = false} : vector<400x128xf32>, vector<128x12xf32>, vector<400x12xf32> -> vector<400x12xf32>
    %add3A_439 = arith.addf %add3A_424, %dot_general3A_438 : vector<400x12xf32>
    %get3A_440 = arith.constant 1 : index
    %get3A_441 = arith.constant 0 : index
    %get3A_442 = vector.load %arg3[%get3A_440, %get3A_441] : memref<3x12xf32, #tpu.memory_space<vmem>>, vector<1x12xf32>
    %get3A_443 = vector.shape_cast %get3A_442 : vector<1x12xf32> to vector<12xf32>
    %broadcast_in_dim3A_444 = vector.shape_cast %get3A_443 : vector<12xf32> to vector<1x12xf32>
    %add3A_445 = vector.broadcast %broadcast_in_dim3A_444 : vector<1x12xf32> to vector<400x12xf32>
    %add3A_446 = arith.addf %add3A_439, %add3A_445 : vector<400x12xf32>
    %broadcast_in_dim3A_447 = arith.constant 0.000000e+00 : f32
    %broadcast_in_dim3A_448 = vector.broadcast %broadcast_in_dim3A_447 : f32 to vector<400x12xf32>
    %get3A_449 = arith.constant 0 : index
    %get3A_450 = arith.constant 2 : index
    %get3A_451 = arith.constant 0 : index
    %get3A_452 = arith.constant 0 : index
    %get3A_453 = vector.load %arg1[%get3A_449, %get3A_450, %get3A_451, %get3A_452] : memref<2x10x400x128xf32, #tpu.memory_space<vmem>>, vector<1x1x400x128xf32>
    %get3A_454 = vector.shape_cast %get3A_453 : vector<1x1x400x128xf32> to vector<400x128xf32>
    %get3A_455 = arith.constant 2 : index
    %get3A_456 = arith.constant 0 : index
    %get3A_457 = arith.constant 0 : index
    %get3A_458 = arith.constant 0 : index
    %get3A_459 = vector.load %arg2[%get3A_455, %get3A_456, %get3A_457, %get3A_458] : memref<3x3x128x12xf32, #tpu.memory_space<vmem>>, vector<1x1x128x12xf32>
    %get3A_460 = vector.shape_cast %get3A_459 : vector<1x1x128x12xf32> to vector<128x12xf32>
    %dot_general3A_461 = arith.constant dense<0.000000e+00> : vector<400x12xf32>
    %dot_general3A_462 = tpu.matmul %get3A_454, %get3A_460, %dot_general3A_461 {dimension_numbers = #tpu.dot_dimension_numbers<[1], [0], [0], [1], [0, 0, 1, 1], [], []>, transpose_lhs_hint = false} : vector<400x128xf32>, vector<128x12xf32>, vector<400x12xf32> -> vector<400x12xf32>
    %add3A_463 = arith.addf %broadcast_in_dim3A_448, %dot_general3A_462 : vector<400x12xf32>
    %get3A_464 = arith.constant 0 : index
    %get3A_465 = arith.constant 3 : index
    %get3A_466 = arith.constant 0 : index
    %get3A_467 = arith.constant 0 : index
    %get3A_468 = vector.load %arg1[%get3A_464, %get3A_465, %get3A_466, %get3A_467] : memref<2x10x400x128xf32, #tpu.memory_space<vmem>>, vector<1x1x400x128xf32>
    %get3A_469 = vector.shape_cast %get3A_468 : vector<1x1x400x128xf32> to vector<400x128xf32>
    %get3A_470 = arith.constant 2 : index
    %get3A_471 = arith.constant 1 : index
    %get3A_472 = arith.constant 0 : index
    %get3A_473 = arith.constant 0 : index
    %get3A_474 = vector.load %arg2[%get3A_470, %get3A_471, %get3A_472, %get3A_473] : memref<3x3x128x12xf32, #tpu.memory_space<vmem>>, vector<1x1x128x12xf32>
    %get3A_475 = vector.shape_cast %get3A_474 : vector<1x1x128x12xf32> to vector<128x12xf32>
    %dot_general3A_476 = arith.constant dense<0.000000e+00> : vector<400x12xf32>
    %dot_general3A_477 = tpu.matmul %get3A_469, %get3A_475, %dot_general3A_476 {dimension_numbers = #tpu.dot_dimension_numbers<[1], [0], [0], [1], [0, 0, 1, 1], [], []>, transpose_lhs_hint = false} : vector<400x128xf32>, vector<128x12xf32>, vector<400x12xf32> -> vector<400x12xf32>
    %add3A_478 = arith.addf %add3A_463, %dot_general3A_477 : vector<400x12xf32>
    %get3A_479 = arith.constant 0 : index
    %get3A_480 = arith.constant 4 : index
    %get3A_481 = arith.constant 0 : index
    %get3A_482 = arith.constant 0 : index
    %get3A_483 = vector.load %arg1[%get3A_479, %get3A_480, %get3A_481, %get3A_482] : memref<2x10x400x128xf32, #tpu.memory_space<vmem>>, vector<1x1x400x128xf32>
    %get3A_484 = vector.shape_cast %get3A_483 : vector<1x1x400x128xf32> to vector<400x128xf32>
    %get3A_485 = arith.constant 2 : index
    %get3A_486 = arith.constant 2 : index
    %get3A_487 = arith.constant 0 : index
    %get3A_488 = arith.constant 0 : index
    %get3A_489 = vector.load %arg2[%get3A_485, %get3A_486, %get3A_487, %get3A_488] : memref<3x3x128x12xf32, #tpu.memory_space<vmem>>, vector<1x1x128x12xf32>
    %get3A_490 = vector.shape_cast %get3A_489 : vector<1x1x128x12xf32> to vector<128x12xf32>
    %dot_general3A_491 = arith.constant dense<0.000000e+00> : vector<400x12xf32>
    %dot_general3A_492 = tpu.matmul %get3A_484, %get3A_490, %dot_general3A_491 {dimension_numbers = #tpu.dot_dimension_numbers<[1], [0], [0], [1], [0, 0, 1, 1], [], []>, transpose_lhs_hint = false} : vector<400x128xf32>, vector<128x12xf32>, vector<400x12xf32> -> vector<400x12xf32>
    %add3A_493 = arith.addf %add3A_478, %dot_general3A_492 : vector<400x12xf32>
    %get3A_494 = arith.constant 2 : index
    %get3A_495 = arith.constant 0 : index
    %get3A_496 = vector.load %arg3[%get3A_494, %get3A_495] : memref<3x12xf32, #tpu.memory_space<vmem>>, vector<1x12xf32>
    %get3A_497 = vector.shape_cast %get3A_496 : vector<1x12xf32> to vector<12xf32>
    %broadcast_in_dim3A_498 = vector.shape_cast %get3A_497 : vector<12xf32> to vector<1x12xf32>
    %add3A_499 = vector.broadcast %broadcast_in_dim3A_498 : vector<1x12xf32> to vector<400x12xf32>
    %add3A_500 = arith.addf %add3A_493, %add3A_499 : vector<400x12xf32>
    %logistic3A_501 = arith.negf %add3A_446 : vector<400x12xf32>
    %logistic3A_502 = math.exp %logistic3A_501 : vector<400x12xf32>
    %logistic3A_503 = arith.constant 1.000000e+00 : f32
    %logistic3A_504 = vector.broadcast %logistic3A_503 : f32 to vector<400x12xf32>
    %logistic3A_505 = arith.addf %logistic3A_504, %logistic3A_502 : vector<400x12xf32>
    %logistic3A_506 = arith.divf %logistic3A_504, %logistic3A_505 : vector<400x12xf32>
    %mul3A_507 = arith.mulf %add3A_392, %logistic3A_506 : vector<400x12xf32>
    %add3A_508 = arith.addf %mul3A_507, %add3A_500 : vector<400x12xf32>
    %max3A_509 = arith.constant 0.000000e+00 : f32
    %max3A_510 = vector.broadcast %max3A_509 : f32 to vector<400x12xf32>
    %max3A_511 = arith.maximumf %add3A_508, %max3A_510 : vector<400x12xf32>
    %broadcast_in_dim3A_512 = arith.constant 0.000000e+00 : f32
    %broadcast_in_dim3A_513 = vector.broadcast %broadcast_in_dim3A_512 : f32 to vector<400x12xf32>
    %get3A_514 = arith.constant 0 : index
    %get3A_515 = arith.constant 3 : index
    %get3A_516 = arith.constant 0 : index
    %get3A_517 = arith.constant 0 : index
    %get3A_518 = vector.load %arg1[%get3A_514, %get3A_515, %get3A_516, %get3A_517] : memref<2x10x400x128xf32, #tpu.memory_space<vmem>>, vector<1x1x400x128xf32>
    %get3A_519 = vector.shape_cast %get3A_518 : vector<1x1x400x128xf32> to vector<400x128xf32>
    %get3A_520 = arith.constant 0 : index
    %get3A_521 = arith.constant 0 : index
    %get3A_522 = arith.constant 0 : index
    %get3A_523 = arith.constant 0 : index
    %get3A_524 = vector.load %arg2[%get3A_520, %get3A_521, %get3A_522, %get3A_523] : memref<3x3x128x12xf32, #tpu.memory_space<vmem>>, vector<1x1x128x12xf32>
    %get3A_525 = vector.shape_cast %get3A_524 : vector<1x1x128x12xf32> to vector<128x12xf32>
    %dot_general3A_526 = arith.constant dense<0.000000e+00> : vector<400x12xf32>
    %dot_general3A_527 = tpu.matmul %get3A_519, %get3A_525, %dot_general3A_526 {dimension_numbers = #tpu.dot_dimension_numbers<[1], [0], [0], [1], [0, 0, 1, 1], [], []>, transpose_lhs_hint = false} : vector<400x128xf32>, vector<128x12xf32>, vector<400x12xf32> -> vector<400x12xf32>
    %add3A_528 = arith.addf %broadcast_in_dim3A_513, %dot_general3A_527 : vector<400x12xf32>
    %get3A_529 = arith.constant 0 : index
    %get3A_530 = arith.constant 4 : index
    %get3A_531 = arith.constant 0 : index
    %get3A_532 = arith.constant 0 : index
    %get3A_533 = vector.load %arg1[%get3A_529, %get3A_530, %get3A_531, %get3A_532] : memref<2x10x400x128xf32, #tpu.memory_space<vmem>>, vector<1x1x400x128xf32>
    %get3A_534 = vector.shape_cast %get3A_533 : vector<1x1x400x128xf32> to vector<400x128xf32>
    %get3A_535 = arith.constant 0 : index
    %get3A_536 = arith.constant 1 : index
    %get3A_537 = arith.constant 0 : index
    %get3A_538 = arith.constant 0 : index
    %get3A_539 = vector.load %arg2[%get3A_535, %get3A_536, %get3A_537, %get3A_538] : memref<3x3x128x12xf32, #tpu.memory_space<vmem>>, vector<1x1x128x12xf32>
    %get3A_540 = vector.shape_cast %get3A_539 : vector<1x1x128x12xf32> to vector<128x12xf32>
    %dot_general3A_541 = arith.constant dense<0.000000e+00> : vector<400x12xf32>
    %dot_general3A_542 = tpu.matmul %get3A_534, %get3A_540, %dot_general3A_541 {dimension_numbers = #tpu.dot_dimension_numbers<[1], [0], [0], [1], [0, 0, 1, 1], [], []>, transpose_lhs_hint = false} : vector<400x128xf32>, vector<128x12xf32>, vector<400x12xf32> -> vector<400x12xf32>
    %add3A_543 = arith.addf %add3A_528, %dot_general3A_542 : vector<400x12xf32>
    %get3A_544 = arith.constant 0 : index
    %get3A_545 = arith.constant 5 : index
    %get3A_546 = arith.constant 0 : index
    %get3A_547 = arith.constant 0 : index
    %get3A_548 = vector.load %arg1[%get3A_544, %get3A_545, %get3A_546, %get3A_547] : memref<2x10x400x128xf32, #tpu.memory_space<vmem>>, vector<1x1x400x128xf32>
    %get3A_549 = vector.shape_cast %get3A_548 : vector<1x1x400x128xf32> to vector<400x128xf32>
    %get3A_550 = arith.constant 0 : index
    %get3A_551 = arith.constant 2 : index
    %get3A_552 = arith.constant 0 : index
    %get3A_553 = arith.constant 0 : index
    %get3A_554 = vector.load %arg2[%get3A_550, %get3A_551, %get3A_552, %get3A_553] : memref<3x3x128x12xf32, #tpu.memory_space<vmem>>, vector<1x1x128x12xf32>
    %get3A_555 = vector.shape_cast %get3A_554 : vector<1x1x128x12xf32> to vector<128x12xf32>
    %dot_general3A_556 = arith.constant dense<0.000000e+00> : vector<400x12xf32>
    %dot_general3A_557 = tpu.matmul %get3A_549, %get3A_555, %dot_general3A_556 {dimension_numbers = #tpu.dot_dimension_numbers<[1], [0], [0], [1], [0, 0, 1, 1], [], []>, transpose_lhs_hint = false} : vector<400x128xf32>, vector<128x12xf32>, vector<400x12xf32> -> vector<400x12xf32>
    %add3A_558 = arith.addf %add3A_543, %dot_general3A_557 : vector<400x12xf32>
    %get3A_559 = arith.constant 0 : index
    %get3A_560 = arith.constant 0 : index
    %get3A_561 = vector.load %arg3[%get3A_559, %get3A_560] : memref<3x12xf32, #tpu.memory_space<vmem>>, vector<1x12xf32>
    %get3A_562 = vector.shape_cast %get3A_561 : vector<1x12xf32> to vector<12xf32>
    %broadcast_in_dim3A_563 = vector.shape_cast %get3A_562 : vector<12xf32> to vector<1x12xf32>
    %add3A_564 = vector.broadcast %broadcast_in_dim3A_563 : vector<1x12xf32> to vector<400x12xf32>
    %add3A_565 = arith.addf %add3A_558, %add3A_564 : vector<400x12xf32>
    %broadcast_in_dim3A_566 = arith.constant 0.000000e+00 : f32
    %broadcast_in_dim3A_567 = vector.broadcast %broadcast_in_dim3A_566 : f32 to vector<400x12xf32>
    %get3A_568 = arith.constant 0 : index
    %get3A_569 = arith.constant 3 : index
    %get3A_570 = arith.constant 0 : index
    %get3A_571 = arith.constant 0 : index
    %get3A_572 = vector.load %arg1[%get3A_568, %get3A_569, %get3A_570, %get3A_571] : memref<2x10x400x128xf32, #tpu.memory_space<vmem>>, vector<1x1x400x128xf32>
    %get3A_573 = vector.shape_cast %get3A_572 : vector<1x1x400x128xf32> to vector<400x128xf32>
    %get3A_574 = arith.constant 1 : index
    %get3A_575 = arith.constant 0 : index
    %get3A_576 = arith.constant 0 : index
    %get3A_577 = arith.constant 0 : index
    %get3A_578 = vector.load %arg2[%get3A_574, %get3A_575, %get3A_576, %get3A_577] : memref<3x3x128x12xf32, #tpu.memory_space<vmem>>, vector<1x1x128x12xf32>
    %get3A_579 = vector.shape_cast %get3A_578 : vector<1x1x128x12xf32> to vector<128x12xf32>
    %dot_general3A_580 = arith.constant dense<0.000000e+00> : vector<400x12xf32>
    %dot_general3A_581 = tpu.matmul %get3A_573, %get3A_579, %dot_general3A_580 {dimension_numbers = #tpu.dot_dimension_numbers<[1], [0], [0], [1], [0, 0, 1, 1], [], []>, transpose_lhs_hint = false} : vector<400x128xf32>, vector<128x12xf32>, vector<400x12xf32> -> vector<400x12xf32>
    %add3A_582 = arith.addf %broadcast_in_dim3A_567, %dot_general3A_581 : vector<400x12xf32>
    %get3A_583 = arith.constant 0 : index
    %get3A_584 = arith.constant 4 : index
    %get3A_585 = arith.constant 0 : index
    %get3A_586 = arith.constant 0 : index
    %get3A_587 = vector.load %arg1[%get3A_583, %get3A_584, %get3A_585, %get3A_586] : memref<2x10x400x128xf32, #tpu.memory_space<vmem>>, vector<1x1x400x128xf32>
    %get3A_588 = vector.shape_cast %get3A_587 : vector<1x1x400x128xf32> to vector<400x128xf32>
    %get3A_589 = arith.constant 1 : index
    %get3A_590 = arith.constant 1 : index
    %get3A_591 = arith.constant 0 : index
    %get3A_592 = arith.constant 0 : index
    %get3A_593 = vector.load %arg2[%get3A_589, %get3A_590, %get3A_591, %get3A_592] : memref<3x3x128x12xf32, #tpu.memory_space<vmem>>, vector<1x1x128x12xf32>
    %get3A_594 = vector.shape_cast %get3A_593 : vector<1x1x128x12xf32> to vector<128x12xf32>
    %dot_general3A_595 = arith.constant dense<0.000000e+00> : vector<400x12xf32>
    %dot_general3A_596 = tpu.matmul %get3A_588, %get3A_594, %dot_general3A_595 {dimension_numbers = #tpu.dot_dimension_numbers<[1], [0], [0], [1], [0, 0, 1, 1], [], []>, transpose_lhs_hint = false} : vector<400x128xf32>, vector<128x12xf32>, vector<400x12xf32> -> vector<400x12xf32>
    %add3A_597 = arith.addf %add3A_582, %dot_general3A_596 : vector<400x12xf32>
    %get3A_598 = arith.constant 0 : index
    %get3A_599 = arith.constant 5 : index
    %get3A_600 = arith.constant 0 : index
    %get3A_601 = arith.constant 0 : index
    %get3A_602 = vector.load %arg1[%get3A_598, %get3A_599, %get3A_600, %get3A_601] : memref<2x10x400x128xf32, #tpu.memory_space<vmem>>, vector<1x1x400x128xf32>
    %get3A_603 = vector.shape_cast %get3A_602 : vector<1x1x400x128xf32> to vector<400x128xf32>
    %get3A_604 = arith.constant 1 : index
    %get3A_605 = arith.constant 2 : index
    %get3A_606 = arith.constant 0 : index
    %get3A_607 = arith.constant 0 : index
    %get3A_608 = vector.load %arg2[%get3A_604, %get3A_605, %get3A_606, %get3A_607] : memref<3x3x128x12xf32, #tpu.memory_space<vmem>>, vector<1x1x128x12xf32>
    %get3A_609 = vector.shape_cast %get3A_608 : vector<1x1x128x12xf32> to vector<128x12xf32>
    %dot_general3A_610 = arith.constant dense<0.000000e+00> : vector<400x12xf32>
    %dot_general3A_611 = tpu.matmul %get3A_603, %get3A_609, %dot_general3A_610 {dimension_numbers = #tpu.dot_dimension_numbers<[1], [0], [0], [1], [0, 0, 1, 1], [], []>, transpose_lhs_hint = false} : vector<400x128xf32>, vector<128x12xf32>, vector<400x12xf32> -> vector<400x12xf32>
    %add3A_612 = arith.addf %add3A_597, %dot_general3A_611 : vector<400x12xf32>
    %get3A_613 = arith.constant 1 : index
    %get3A_614 = arith.constant 0 : index
    %get3A_615 = vector.load %arg3[%get3A_613, %get3A_614] : memref<3x12xf32, #tpu.memory_space<vmem>>, vector<1x12xf32>
    %get3A_616 = vector.shape_cast %get3A_615 : vector<1x12xf32> to vector<12xf32>
    %broadcast_in_dim3A_617 = vector.shape_cast %get3A_616 : vector<12xf32> to vector<1x12xf32>
    %add3A_618 = vector.broadcast %broadcast_in_dim3A_617 : vector<1x12xf32> to vector<400x12xf32>
    %add3A_619 = arith.addf %add3A_612, %add3A_618 : vector<400x12xf32>
    %broadcast_in_dim3A_620 = arith.constant 0.000000e+00 : f32
    %broadcast_in_dim3A_621 = vector.broadcast %broadcast_in_dim3A_620 : f32 to vector<400x12xf32>
    %get3A_622 = arith.constant 0 : index
    %get3A_623 = arith.constant 3 : index
    %get3A_624 = arith.constant 0 : index
    %get3A_625 = arith.constant 0 : index
    %get3A_626 = vector.load %arg1[%get3A_622, %get3A_623, %get3A_624, %get3A_625] : memref<2x10x400x128xf32, #tpu.memory_space<vmem>>, vector<1x1x400x128xf32>
    %get3A_627 = vector.shape_cast %get3A_626 : vector<1x1x400x128xf32> to vector<400x128xf32>
    %get3A_628 = arith.constant 2 : index
    %get3A_629 = arith.constant 0 : index
    %get3A_630 = arith.constant 0 : index
    %get3A_631 = arith.constant 0 : index
    %get3A_632 = vector.load %arg2[%get3A_628, %get3A_629, %get3A_630, %get3A_631] : memref<3x3x128x12xf32, #tpu.memory_space<vmem>>, vector<1x1x128x12xf32>
    %get3A_633 = vector.shape_cast %get3A_632 : vector<1x1x128x12xf32> to vector<128x12xf32>
    %dot_general3A_634 = arith.constant dense<0.000000e+00> : vector<400x12xf32>
    %dot_general3A_635 = tpu.matmul %get3A_627, %get3A_633, %dot_general3A_634 {dimension_numbers = #tpu.dot_dimension_numbers<[1], [0], [0], [1], [0, 0, 1, 1], [], []>, transpose_lhs_hint = false} : vector<400x128xf32>, vector<128x12xf32>, vector<400x12xf32> -> vector<400x12xf32>
    %add3A_636 = arith.addf %broadcast_in_dim3A_621, %dot_general3A_635 : vector<400x12xf32>
    %get3A_637 = arith.constant 0 : index
    %get3A_638 = arith.constant 4 : index
    %get3A_639 = arith.constant 0 : index
    %get3A_640 = arith.constant 0 : index
    %get3A_641 = vector.load %arg1[%get3A_637, %get3A_638, %get3A_639, %get3A_640] : memref<2x10x400x128xf32, #tpu.memory_space<vmem>>, vector<1x1x400x128xf32>
    %get3A_642 = vector.shape_cast %get3A_641 : vector<1x1x400x128xf32> to vector<400x128xf32>
    %get3A_643 = arith.constant 2 : index
    %get3A_644 = arith.constant 1 : index
    %get3A_645 = arith.constant 0 : index
    %get3A_646 = arith.constant 0 : index
    %get3A_647 = vector.load %arg2[%get3A_643, %get3A_644, %get3A_645, %get3A_646] : memref<3x3x128x12xf32, #tpu.memory_space<vmem>>, vector<1x1x128x12xf32>
    %get3A_648 = vector.shape_cast %get3A_647 : vector<1x1x128x12xf32> to vector<128x12xf32>
    %dot_general3A_649 = arith.constant dense<0.000000e+00> : vector<400x12xf32>
    %dot_general3A_650 = tpu.matmul %get3A_642, %get3A_648, %dot_general3A_649 {dimension_numbers = #tpu.dot_dimension_numbers<[1], [0], [0], [1], [0, 0, 1, 1], [], []>, transpose_lhs_hint = false} : vector<400x128xf32>, vector<128x12xf32>, vector<400x12xf32> -> vector<400x12xf32>
    %add3A_651 = arith.addf %add3A_636, %dot_general3A_650 : vector<400x12xf32>
    %get3A_652 = arith.constant 0 : index
    %get3A_653 = arith.constant 5 : index
    %get3A_654 = arith.constant 0 : index
    %get3A_655 = arith.constant 0 : index
    %get3A_656 = vector.load %arg1[%get3A_652, %get3A_653, %get3A_654, %get3A_655] : memref<2x10x400x128xf32, #tpu.memory_space<vmem>>, vector<1x1x400x128xf32>
    %get3A_657 = vector.shape_cast %get3A_656 : vector<1x1x400x128xf32> to vector<400x128xf32>
    %get3A_658 = arith.constant 2 : index
    %get3A_659 = arith.constant 2 : index
    %get3A_660 = arith.constant 0 : index
    %get3A_661 = arith.constant 0 : index
    %get3A_662 = vector.load %arg2[%get3A_658, %get3A_659, %get3A_660, %get3A_661] : memref<3x3x128x12xf32, #tpu.memory_space<vmem>>, vector<1x1x128x12xf32>
    %get3A_663 = vector.shape_cast %get3A_662 : vector<1x1x128x12xf32> to vector<128x12xf32>
    %dot_general3A_664 = arith.constant dense<0.000000e+00> : vector<400x12xf32>
    %dot_general3A_665 = tpu.matmul %get3A_657, %get3A_663, %dot_general3A_664 {dimension_numbers = #tpu.dot_dimension_numbers<[1], [0], [0], [1], [0, 0, 1, 1], [], []>, transpose_lhs_hint = false} : vector<400x128xf32>, vector<128x12xf32>, vector<400x12xf32> -> vector<400x12xf32>
    %add3A_666 = arith.addf %add3A_651, %dot_general3A_665 : vector<400x12xf32>
    %get3A_667 = arith.constant 2 : index
    %get3A_668 = arith.constant 0 : index
    %get3A_669 = vector.load %arg3[%get3A_667, %get3A_668] : memref<3x12xf32, #tpu.memory_space<vmem>>, vector<1x12xf32>
    %get3A_670 = vector.shape_cast %get3A_669 : vector<1x12xf32> to vector<12xf32>
    %broadcast_in_dim3A_671 = vector.shape_cast %get3A_670 : vector<12xf32> to vector<1x12xf32>
    %add3A_672 = vector.broadcast %broadcast_in_dim3A_671 : vector<1x12xf32> to vector<400x12xf32>
    %add3A_673 = arith.addf %add3A_666, %add3A_672 : vector<400x12xf32>
    %logistic3A_674 = arith.negf %add3A_619 : vector<400x12xf32>
    %logistic3A_675 = math.exp %logistic3A_674 : vector<400x12xf32>
    %logistic3A_676 = arith.constant 1.000000e+00 : f32
    %logistic3A_677 = vector.broadcast %logistic3A_676 : f32 to vector<400x12xf32>
    %logistic3A_678 = arith.addf %logistic3A_677, %logistic3A_675 : vector<400x12xf32>
    %logistic3A_679 = arith.divf %logistic3A_677, %logistic3A_678 : vector<400x12xf32>
    %mul3A_680 = arith.mulf %add3A_565, %logistic3A_679 : vector<400x12xf32>
    %add3A_681 = arith.addf %mul3A_680, %add3A_673 : vector<400x12xf32>
    %max3A_682 = arith.constant 0.000000e+00 : f32
    %max3A_683 = vector.broadcast %max3A_682 : f32 to vector<400x12xf32>
    %max3A_684 = arith.maximumf %add3A_681, %max3A_683 : vector<400x12xf32>
    %broadcast_in_dim3A_685 = arith.constant 0.000000e+00 : f32
    %broadcast_in_dim3A_686 = vector.broadcast %broadcast_in_dim3A_685 : f32 to vector<400x12xf32>
    %get3A_687 = arith.constant 0 : index
    %get3A_688 = arith.constant 4 : index
    %get3A_689 = arith.constant 0 : index
    %get3A_690 = arith.constant 0 : index
    %get3A_691 = vector.load %arg1[%get3A_687, %get3A_688, %get3A_689, %get3A_690] : memref<2x10x400x128xf32, #tpu.memory_space<vmem>>, vector<1x1x400x128xf32>
    %get3A_692 = vector.shape_cast %get3A_691 : vector<1x1x400x128xf32> to vector<400x128xf32>
    %get3A_693 = arith.constant 0 : index
    %get3A_694 = arith.constant 0 : index
    %get3A_695 = arith.constant 0 : index
    %get3A_696 = arith.constant 0 : index
    %get3A_697 = vector.load %arg2[%get3A_693, %get3A_694, %get3A_695, %get3A_696] : memref<3x3x128x12xf32, #tpu.memory_space<vmem>>, vector<1x1x128x12xf32>
    %get3A_698 = vector.shape_cast %get3A_697 : vector<1x1x128x12xf32> to vector<128x12xf32>
    %dot_general3A_699 = arith.constant dense<0.000000e+00> : vector<400x12xf32>
    %dot_general3A_700 = tpu.matmul %get3A_692, %get3A_698, %dot_general3A_699 {dimension_numbers = #tpu.dot_dimension_numbers<[1], [0], [0], [1], [0, 0, 1, 1], [], []>, transpose_lhs_hint = false} : vector<400x128xf32>, vector<128x12xf32>, vector<400x12xf32> -> vector<400x12xf32>
    %add3A_701 = arith.addf %broadcast_in_dim3A_686, %dot_general3A_700 : vector<400x12xf32>
    %get3A_702 = arith.constant 0 : index
    %get3A_703 = arith.constant 5 : index
    %get3A_704 = arith.constant 0 : index
    %get3A_705 = arith.constant 0 : index
    %get3A_706 = vector.load %arg1[%get3A_702, %get3A_703, %get3A_704, %get3A_705] : memref<2x10x400x128xf32, #tpu.memory_space<vmem>>, vector<1x1x400x128xf32>
    %get3A_707 = vector.shape_cast %get3A_706 : vector<1x1x400x128xf32> to vector<400x128xf32>
    %get3A_708 = arith.constant 0 : index
    %get3A_709 = arith.constant 1 : index
    %get3A_710 = arith.constant 0 : index
    %get3A_711 = arith.constant 0 : index
    %get3A_712 = vector.load %arg2[%get3A_708, %get3A_709, %get3A_710, %get3A_711] : memref<3x3x128x12xf32, #tpu.memory_space<vmem>>, vector<1x1x128x12xf32>
    %get3A_713 = vector.shape_cast %get3A_712 : vector<1x1x128x12xf32> to vector<128x12xf32>
    %dot_general3A_714 = arith.constant dense<0.000000e+00> : vector<400x12xf32>
    %dot_general3A_715 = tpu.matmul %get3A_707, %get3A_713, %dot_general3A_714 {dimension_numbers = #tpu.dot_dimension_numbers<[1], [0], [0], [1], [0, 0, 1, 1], [], []>, transpose_lhs_hint = false} : vector<400x128xf32>, vector<128x12xf32>, vector<400x12xf32> -> vector<400x12xf32>
    %add3A_716 = arith.addf %add3A_701, %dot_general3A_715 : vector<400x12xf32>
    %get3A_717 = arith.constant 0 : index
    %get3A_718 = arith.constant 6 : index
    %get3A_719 = arith.constant 0 : index
    %get3A_720 = arith.constant 0 : index
    %get3A_721 = vector.load %arg1[%get3A_717, %get3A_718, %get3A_719, %get3A_720] : memref<2x10x400x128xf32, #tpu.memory_space<vmem>>, vector<1x1x400x128xf32>
    %get3A_722 = vector.shape_cast %get3A_721 : vector<1x1x400x128xf32> to vector<400x128xf32>
    %get3A_723 = arith.constant 0 : index
    %get3A_724 = arith.constant 2 : index
    %get3A_725 = arith.constant 0 : index
    %get3A_726 = arith.constant 0 : index
    %get3A_727 = vector.load %arg2[%get3A_723, %get3A_724, %get3A_725, %get3A_726] : memref<3x3x128x12xf32, #tpu.memory_space<vmem>>, vector<1x1x128x12xf32>
    %get3A_728 = vector.shape_cast %get3A_727 : vector<1x1x128x12xf32> to vector<128x12xf32>
    %dot_general3A_729 = arith.constant dense<0.000000e+00> : vector<400x12xf32>
    %dot_general3A_730 = tpu.matmul %get3A_722, %get3A_728, %dot_general3A_729 {dimension_numbers = #tpu.dot_dimension_numbers<[1], [0], [0], [1], [0, 0, 1, 1], [], []>, transpose_lhs_hint = false} : vector<400x128xf32>, vector<128x12xf32>, vector<400x12xf32> -> vector<400x12xf32>
    %add3A_731 = arith.addf %add3A_716, %dot_general3A_730 : vector<400x12xf32>
    %get3A_732 = arith.constant 0 : index
    %get3A_733 = arith.constant 0 : index
    %get3A_734 = vector.load %arg3[%get3A_732, %get3A_733] : memref<3x12xf32, #tpu.memory_space<vmem>>, vector<1x12xf32>
    %get3A_735 = vector.shape_cast %get3A_734 : vector<1x12xf32> to vector<12xf32>
    %broadcast_in_dim3A_736 = vector.shape_cast %get3A_735 : vector<12xf32> to vector<1x12xf32>
    %add3A_737 = vector.broadcast %broadcast_in_dim3A_736 : vector<1x12xf32> to vector<400x12xf32>
    %add3A_738 = arith.addf %add3A_731, %add3A_737 : vector<400x12xf32>
    %broadcast_in_dim3A_739 = arith.constant 0.000000e+00 : f32
    %broadcast_in_dim3A_740 = vector.broadcast %broadcast_in_dim3A_739 : f32 to vector<400x12xf32>
    %get3A_741 = arith.constant 0 : index
    %get3A_742 = arith.constant 4 : index
    %get3A_743 = arith.constant 0 : index
    %get3A_744 = arith.constant 0 : index
    %get3A_745 = vector.load %arg1[%get3A_741, %get3A_742, %get3A_743, %get3A_744] : memref<2x10x400x128xf32, #tpu.memory_space<vmem>>, vector<1x1x400x128xf32>
    %get3A_746 = vector.shape_cast %get3A_745 : vector<1x1x400x128xf32> to vector<400x128xf32>
    %get3A_747 = arith.constant 1 : index
    %get3A_748 = arith.constant 0 : index
    %get3A_749 = arith.constant 0 : index
    %get3A_750 = arith.constant 0 : index
    %get3A_751 = vector.load %arg2[%get3A_747, %get3A_748, %get3A_749, %get3A_750] : memref<3x3x128x12xf32, #tpu.memory_space<vmem>>, vector<1x1x128x12xf32>
    %get3A_752 = vector.shape_cast %get3A_751 : vector<1x1x128x12xf32> to vector<128x12xf32>
    %dot_general3A_753 = arith.constant dense<0.000000e+00> : vector<400x12xf32>
    %dot_general3A_754 = tpu.matmul %get3A_746, %get3A_752, %dot_general3A_753 {dimension_numbers = #tpu.dot_dimension_numbers<[1], [0], [0], [1], [0, 0, 1, 1], [], []>, transpose_lhs_hint = false} : vector<400x128xf32>, vector<128x12xf32>, vector<400x12xf32> -> vector<400x12xf32>
    %add3A_755 = arith.addf %broadcast_in_dim3A_740, %dot_general3A_754 : vector<400x12xf32>
    %get3A_756 = arith.constant 0 : index
    %get3A_757 = arith.constant 5 : index
    %get3A_758 = arith.constant 0 : index
    %get3A_759 = arith.constant 0 : index
    %get3A_760 = vector.load %arg1[%get3A_756, %get3A_757, %get3A_758, %get3A_759] : memref<2x10x400x128xf32, #tpu.memory_space<vmem>>, vector<1x1x400x128xf32>
    %get3A_761 = vector.shape_cast %get3A_760 : vector<1x1x400x128xf32> to vector<400x128xf32>
    %get3A_762 = arith.constant 1 : index
    %get3A_763 = arith.constant 1 : index
    %get3A_764 = arith.constant 0 : index
    %get3A_765 = arith.constant 0 : index
    %get3A_766 = vector.load %arg2[%get3A_762, %get3A_763, %get3A_764, %get3A_765] : memref<3x3x128x12xf32, #tpu.memory_space<vmem>>, vector<1x1x128x12xf32>
    %get3A_767 = vector.shape_cast %get3A_766 : vector<1x1x128x12xf32> to vector<128x12xf32>
    %dot_general3A_768 = arith.constant dense<0.000000e+00> : vector<400x12xf32>
    %dot_general3A_769 = tpu.matmul %get3A_761, %get3A_767, %dot_general3A_768 {dimension_numbers = #tpu.dot_dimension_numbers<[1], [0], [0], [1], [0, 0, 1, 1], [], []>, transpose_lhs_hint = false} : vector<400x128xf32>, vector<128x12xf32>, vector<400x12xf32> -> vector<400x12xf32>
    %add3A_770 = arith.addf %add3A_755, %dot_general3A_769 : vector<400x12xf32>
    %get3A_771 = arith.constant 0 : index
    %get3A_772 = arith.constant 6 : index
    %get3A_773 = arith.constant 0 : index
    %get3A_774 = arith.constant 0 : index
    %get3A_775 = vector.load %arg1[%get3A_771, %get3A_772, %get3A_773, %get3A_774] : memref<2x10x400x128xf32, #tpu.memory_space<vmem>>, vector<1x1x400x128xf32>
    %get3A_776 = vector.shape_cast %get3A_775 : vector<1x1x400x128xf32> to vector<400x128xf32>
    %get3A_777 = arith.constant 1 : index
    %get3A_778 = arith.constant 2 : index
    %get3A_779 = arith.constant 0 : index
    %get3A_780 = arith.constant 0 : index
    %get3A_781 = vector.load %arg2[%get3A_777, %get3A_778, %get3A_779, %get3A_780] : memref<3x3x128x12xf32, #tpu.memory_space<vmem>>, vector<1x1x128x12xf32>
    %get3A_782 = vector.shape_cast %get3A_781 : vector<1x1x128x12xf32> to vector<128x12xf32>
    %dot_general3A_783 = arith.constant dense<0.000000e+00> : vector<400x12xf32>
    %dot_general3A_784 = tpu.matmul %get3A_776, %get3A_782, %dot_general3A_783 {dimension_numbers = #tpu.dot_dimension_numbers<[1], [0], [0], [1], [0, 0, 1, 1], [], []>, transpose_lhs_hint = false} : vector<400x128xf32>, vector<128x12xf32>, vector<400x12xf32> -> vector<400x12xf32>
    %add3A_785 = arith.addf %add3A_770, %dot_general3A_784 : vector<400x12xf32>
    %get3A_786 = arith.constant 1 : index
    %get3A_787 = arith.constant 0 : index
    %get3A_788 = vector.load %arg3[%get3A_786, %get3A_787] : memref<3x12xf32, #tpu.memory_space<vmem>>, vector<1x12xf32>
    %get3A_789 = vector.shape_cast %get3A_788 : vector<1x12xf32> to vector<12xf32>
    %broadcast_in_dim3A_790 = vector.shape_cast %get3A_789 : vector<12xf32> to vector<1x12xf32>
    %add3A_791 = vector.broadcast %broadcast_in_dim3A_790 : vector<1x12xf32> to vector<400x12xf32>
    %add3A_792 = arith.addf %add3A_785, %add3A_791 : vector<400x12xf32>
    %broadcast_in_dim3A_793 = arith.constant 0.000000e+00 : f32
    %broadcast_in_dim3A_794 = vector.broadcast %broadcast_in_dim3A_793 : f32 to vector<400x12xf32>
    %get3A_795 = arith.constant 0 : index
    %get3A_796 = arith.constant 4 : index
    %get3A_797 = arith.constant 0 : index
    %get3A_798 = arith.constant 0 : index
    %get3A_799 = vector.load %arg1[%get3A_795, %get3A_796, %get3A_797, %get3A_798] : memref<2x10x400x128xf32, #tpu.memory_space<vmem>>, vector<1x1x400x128xf32>
    %get3A_800 = vector.shape_cast %get3A_799 : vector<1x1x400x128xf32> to vector<400x128xf32>
    %get3A_801 = arith.constant 2 : index
    %get3A_802 = arith.constant 0 : index
    %get3A_803 = arith.constant 0 : index
    %get3A_804 = arith.constant 0 : index
    %get3A_805 = vector.load %arg2[%get3A_801, %get3A_802, %get3A_803, %get3A_804] : memref<3x3x128x12xf32, #tpu.memory_space<vmem>>, vector<1x1x128x12xf32>
    %get3A_806 = vector.shape_cast %get3A_805 : vector<1x1x128x12xf32> to vector<128x12xf32>
    %dot_general3A_807 = arith.constant dense<0.000000e+00> : vector<400x12xf32>
    %dot_general3A_808 = tpu.matmul %get3A_800, %get3A_806, %dot_general3A_807 {dimension_numbers = #tpu.dot_dimension_numbers<[1], [0], [0], [1], [0, 0, 1, 1], [], []>, transpose_lhs_hint = false} : vector<400x128xf32>, vector<128x12xf32>, vector<400x12xf32> -> vector<400x12xf32>
    %add3A_809 = arith.addf %broadcast_in_dim3A_794, %dot_general3A_808 : vector<400x12xf32>
    %get3A_810 = arith.constant 0 : index
    %get3A_811 = arith.constant 5 : index
    %get3A_812 = arith.constant 0 : index
    %get3A_813 = arith.constant 0 : index
    %get3A_814 = vector.load %arg1[%get3A_810, %get3A_811, %get3A_812, %get3A_813] : memref<2x10x400x128xf32, #tpu.memory_space<vmem>>, vector<1x1x400x128xf32>
    %get3A_815 = vector.shape_cast %get3A_814 : vector<1x1x400x128xf32> to vector<400x128xf32>
    %get3A_816 = arith.constant 2 : index
    %get3A_817 = arith.constant 1 : index
    %get3A_818 = arith.constant 0 : index
    %get3A_819 = arith.constant 0 : index
    %get3A_820 = vector.load %arg2[%get3A_816, %get3A_817, %get3A_818, %get3A_819] : memref<3x3x128x12xf32, #tpu.memory_space<vmem>>, vector<1x1x128x12xf32>
    %get3A_821 = vector.shape_cast %get3A_820 : vector<1x1x128x12xf32> to vector<128x12xf32>
    %dot_general3A_822 = arith.constant dense<0.000000e+00> : vector<400x12xf32>
    %dot_general3A_823 = tpu.matmul %get3A_815, %get3A_821, %dot_general3A_822 {dimension_numbers = #tpu.dot_dimension_numbers<[1], [0], [0], [1], [0, 0, 1, 1], [], []>, transpose_lhs_hint = false} : vector<400x128xf32>, vector<128x12xf32>, vector<400x12xf32> -> vector<400x12xf32>
    %add3A_824 = arith.addf %add3A_809, %dot_general3A_823 : vector<400x12xf32>
    %get3A_825 = arith.constant 0 : index
    %get3A_826 = arith.constant 6 : index
    %get3A_827 = arith.constant 0 : index
    %get3A_828 = arith.constant 0 : index
    %get3A_829 = vector.load %arg1[%get3A_825, %get3A_826, %get3A_827, %get3A_828] : memref<2x10x400x128xf32, #tpu.memory_space<vmem>>, vector<1x1x400x128xf32>
    %get3A_830 = vector.shape_cast %get3A_829 : vector<1x1x400x128xf32> to vector<400x128xf32>
    %get3A_831 = arith.constant 2 : index
    %get3A_832 = arith.constant 2 : index
    %get3A_833 = arith.constant 0 : index
    %get3A_834 = arith.constant 0 : index
    %get3A_835 = vector.load %arg2[%get3A_831, %get3A_832, %get3A_833, %get3A_834] : memref<3x3x128x12xf32, #tpu.memory_space<vmem>>, vector<1x1x128x12xf32>
    %get3A_836 = vector.shape_cast %get3A_835 : vector<1x1x128x12xf32> to vector<128x12xf32>
    %dot_general3A_837 = arith.constant dense<0.000000e+00> : vector<400x12xf32>
    %dot_general3A_838 = tpu.matmul %get3A_830, %get3A_836, %dot_general3A_837 {dimension_numbers = #tpu.dot_dimension_numbers<[1], [0], [0], [1], [0, 0, 1, 1], [], []>, transpose_lhs_hint = false} : vector<400x128xf32>, vector<128x12xf32>, vector<400x12xf32> -> vector<400x12xf32>
    %add3A_839 = arith.addf %add3A_824, %dot_general3A_838 : vector<400x12xf32>
    %get3A_840 = arith.constant 2 : index
    %get3A_841 = arith.constant 0 : index
    %get3A_842 = vector.load %arg3[%get3A_840, %get3A_841] : memref<3x12xf32, #tpu.memory_space<vmem>>, vector<1x12xf32>
    %get3A_843 = vector.shape_cast %get3A_842 : vector<1x12xf32> to vector<12xf32>
    %broadcast_in_dim3A_844 = vector.shape_cast %get3A_843 : vector<12xf32> to vector<1x12xf32>
    %add3A_845 = vector.broadcast %broadcast_in_dim3A_844 : vector<1x12xf32> to vector<400x12xf32>
    %add3A_846 = arith.addf %add3A_839, %add3A_845 : vector<400x12xf32>
    %logistic3A_847 = arith.negf %add3A_792 : vector<400x12xf32>
    %logistic3A_848 = math.exp %logistic3A_847 : vector<400x12xf32>
    %logistic3A_849 = arith.constant 1.000000e+00 : f32
    %logistic3A_850 = vector.broadcast %logistic3A_849 : f32 to vector<400x12xf32>
    %logistic3A_851 = arith.addf %logistic3A_850, %logistic3A_848 : vector<400x12xf32>
    %logistic3A_852 = arith.divf %logistic3A_850, %logistic3A_851 : vector<400x12xf32>
    %mul3A_853 = arith.mulf %add3A_738, %logistic3A_852 : vector<400x12xf32>
    %add3A_854 = arith.addf %mul3A_853, %add3A_846 : vector<400x12xf32>
    %max3A_855 = arith.constant 0.000000e+00 : f32
    %max3A_856 = vector.broadcast %max3A_855 : f32 to vector<400x12xf32>
    %max3A_857 = arith.maximumf %add3A_854, %max3A_856 : vector<400x12xf32>
    %broadcast_in_dim3A_858 = arith.constant 0.000000e+00 : f32
    %broadcast_in_dim3A_859 = vector.broadcast %broadcast_in_dim3A_858 : f32 to vector<400x12xf32>
    %get3A_860 = arith.constant 0 : index
    %get3A_861 = arith.constant 5 : index
    %get3A_862 = arith.constant 0 : index
    %get3A_863 = arith.constant 0 : index
    %get3A_864 = vector.load %arg1[%get3A_860, %get3A_861, %get3A_862, %get3A_863] : memref<2x10x400x128xf32, #tpu.memory_space<vmem>>, vector<1x1x400x128xf32>
    %get3A_865 = vector.shape_cast %get3A_864 : vector<1x1x400x128xf32> to vector<400x128xf32>
    %get3A_866 = arith.constant 0 : index
    %get3A_867 = arith.constant 0 : index
    %get3A_868 = arith.constant 0 : index
    %get3A_869 = arith.constant 0 : index
    %get3A_870 = vector.load %arg2[%get3A_866, %get3A_867, %get3A_868, %get3A_869] : memref<3x3x128x12xf32, #tpu.memory_space<vmem>>, vector<1x1x128x12xf32>
    %get3A_871 = vector.shape_cast %get3A_870 : vector<1x1x128x12xf32> to vector<128x12xf32>
    %dot_general3A_872 = arith.constant dense<0.000000e+00> : vector<400x12xf32>
    %dot_general3A_873 = tpu.matmul %get3A_865, %get3A_871, %dot_general3A_872 {dimension_numbers = #tpu.dot_dimension_numbers<[1], [0], [0], [1], [0, 0, 1, 1], [], []>, transpose_lhs_hint = false} : vector<400x128xf32>, vector<128x12xf32>, vector<400x12xf32> -> vector<400x12xf32>
    %add3A_874 = arith.addf %broadcast_in_dim3A_859, %dot_general3A_873 : vector<400x12xf32>
    %get3A_875 = arith.constant 0 : index
    %get3A_876 = arith.constant 6 : index
    %get3A_877 = arith.constant 0 : index
    %get3A_878 = arith.constant 0 : index
    %get3A_879 = vector.load %arg1[%get3A_875, %get3A_876, %get3A_877, %get3A_878] : memref<2x10x400x128xf32, #tpu.memory_space<vmem>>, vector<1x1x400x128xf32>
    %get3A_880 = vector.shape_cast %get3A_879 : vector<1x1x400x128xf32> to vector<400x128xf32>
    %get3A_881 = arith.constant 0 : index
    %get3A_882 = arith.constant 1 : index
    %get3A_883 = arith.constant 0 : index
    %get3A_884 = arith.constant 0 : index
    %get3A_885 = vector.load %arg2[%get3A_881, %get3A_882, %get3A_883, %get3A_884] : memref<3x3x128x12xf32, #tpu.memory_space<vmem>>, vector<1x1x128x12xf32>
    %get3A_886 = vector.shape_cast %get3A_885 : vector<1x1x128x12xf32> to vector<128x12xf32>
    %dot_general3A_887 = arith.constant dense<0.000000e+00> : vector<400x12xf32>
    %dot_general3A_888 = tpu.matmul %get3A_880, %get3A_886, %dot_general3A_887 {dimension_numbers = #tpu.dot_dimension_numbers<[1], [0], [0], [1], [0, 0, 1, 1], [], []>, transpose_lhs_hint = false} : vector<400x128xf32>, vector<128x12xf32>, vector<400x12xf32> -> vector<400x12xf32>
    %add3A_889 = arith.addf %add3A_874, %dot_general3A_888 : vector<400x12xf32>
    %get3A_890 = arith.constant 0 : index
    %get3A_891 = arith.constant 7 : index
    %get3A_892 = arith.constant 0 : index
    %get3A_893 = arith.constant 0 : index
    %get3A_894 = vector.load %arg1[%get3A_890, %get3A_891, %get3A_892, %get3A_893] : memref<2x10x400x128xf32, #tpu.memory_space<vmem>>, vector<1x1x400x128xf32>
    %get3A_895 = vector.shape_cast %get3A_894 : vector<1x1x400x128xf32> to vector<400x128xf32>
    %get3A_896 = arith.constant 0 : index
    %get3A_897 = arith.constant 2 : index
    %get3A_898 = arith.constant 0 : index
    %get3A_899 = arith.constant 0 : index
    %get3A_900 = vector.load %arg2[%get3A_896, %get3A_897, %get3A_898, %get3A_899] : memref<3x3x128x12xf32, #tpu.memory_space<vmem>>, vector<1x1x128x12xf32>
    %get3A_901 = vector.shape_cast %get3A_900 : vector<1x1x128x12xf32> to vector<128x12xf32>
    %dot_general3A_902 = arith.constant dense<0.000000e+00> : vector<400x12xf32>
    %dot_general3A_903 = tpu.matmul %get3A_895, %get3A_901, %dot_general3A_902 {dimension_numbers = #tpu.dot_dimension_numbers<[1], [0], [0], [1], [0, 0, 1, 1], [], []>, transpose_lhs_hint = false} : vector<400x128xf32>, vector<128x12xf32>, vector<400x12xf32> -> vector<400x12xf32>
    %add3A_904 = arith.addf %add3A_889, %dot_general3A_903 : vector<400x12xf32>
    %get3A_905 = arith.constant 0 : index
    %get3A_906 = arith.constant 0 : index
    %get3A_907 = vector.load %arg3[%get3A_905, %get3A_906] : memref<3x12xf32, #tpu.memory_space<vmem>>, vector<1x12xf32>
    %get3A_908 = vector.shape_cast %get3A_907 : vector<1x12xf32> to vector<12xf32>
    %broadcast_in_dim3A_909 = vector.shape_cast %get3A_908 : vector<12xf32> to vector<1x12xf32>
    %add3A_910 = vector.broadcast %broadcast_in_dim3A_909 : vector<1x12xf32> to vector<400x12xf32>
    %add3A_911 = arith.addf %add3A_904, %add3A_910 : vector<400x12xf32>
    %broadcast_in_dim3A_912 = arith.constant 0.000000e+00 : f32
    %broadcast_in_dim3A_913 = vector.broadcast %broadcast_in_dim3A_912 : f32 to vector<400x12xf32>
    %get3A_914 = arith.constant 0 : index
    %get3A_915 = arith.constant 5 : index
    %get3A_916 = arith.constant 0 : index
    %get3A_917 = arith.constant 0 : index
    %get3A_918 = vector.load %arg1[%get3A_914, %get3A_915, %get3A_916, %get3A_917] : memref<2x10x400x128xf32, #tpu.memory_space<vmem>>, vector<1x1x400x128xf32>
    %get3A_919 = vector.shape_cast %get3A_918 : vector<1x1x400x128xf32> to vector<400x128xf32>
    %get3A_920 = arith.constant 1 : index
    %get3A_921 = arith.constant 0 : index
    %get3A_922 = arith.constant 0 : index
    %get3A_923 = arith.constant 0 : index
    %get3A_924 = vector.load %arg2[%get3A_920, %get3A_921, %get3A_922, %get3A_923] : memref<3x3x128x12xf32, #tpu.memory_space<vmem>>, vector<1x1x128x12xf32>
    %get3A_925 = vector.shape_cast %get3A_924 : vector<1x1x128x12xf32> to vector<128x12xf32>
    %dot_general3A_926 = arith.constant dense<0.000000e+00> : vector<400x12xf32>
    %dot_general3A_927 = tpu.matmul %get3A_919, %get3A_925, %dot_general3A_926 {dimension_numbers = #tpu.dot_dimension_numbers<[1], [0], [0], [1], [0, 0, 1, 1], [], []>, transpose_lhs_hint = false} : vector<400x128xf32>, vector<128x12xf32>, vector<400x12xf32> -> vector<400x12xf32>
    %add3A_928 = arith.addf %broadcast_in_dim3A_913, %dot_general3A_927 : vector<400x12xf32>
    %get3A_929 = arith.constant 0 : index
    %get3A_930 = arith.constant 6 : index
    %get3A_931 = arith.constant 0 : index
    %get3A_932 = arith.constant 0 : index
    %get3A_933 = vector.load %arg1[%get3A_929, %get3A_930, %get3A_931, %get3A_932] : memref<2x10x400x128xf32, #tpu.memory_space<vmem>>, vector<1x1x400x128xf32>
    %get3A_934 = vector.shape_cast %get3A_933 : vector<1x1x400x128xf32> to vector<400x128xf32>
    %get3A_935 = arith.constant 1 : index
    %get3A_936 = arith.constant 1 : index
    %get3A_937 = arith.constant 0 : index
    %get3A_938 = arith.constant 0 : index
    %get3A_939 = vector.load %arg2[%get3A_935, %get3A_936, %get3A_937, %get3A_938] : memref<3x3x128x12xf32, #tpu.memory_space<vmem>>, vector<1x1x128x12xf32>
    %get3A_940 = vector.shape_cast %get3A_939 : vector<1x1x128x12xf32> to vector<128x12xf32>
    %dot_general3A_941 = arith.constant dense<0.000000e+00> : vector<400x12xf32>
    %dot_general3A_942 = tpu.matmul %get3A_934, %get3A_940, %dot_general3A_941 {dimension_numbers = #tpu.dot_dimension_numbers<[1], [0], [0], [1], [0, 0, 1, 1], [], []>, transpose_lhs_hint = false} : vector<400x128xf32>, vector<128x12xf32>, vector<400x12xf32> -> vector<400x12xf32>
    %add3A_943 = arith.addf %add3A_928, %dot_general3A_942 : vector<400x12xf32>
    %get3A_944 = arith.constant 0 : index
    %get3A_945 = arith.constant 7 : index
    %get3A_946 = arith.constant 0 : index
    %get3A_947 = arith.constant 0 : index
    %get3A_948 = vector.load %arg1[%get3A_944, %get3A_945, %get3A_946, %get3A_947] : memref<2x10x400x128xf32, #tpu.memory_space<vmem>>, vector<1x1x400x128xf32>
    %get3A_949 = vector.shape_cast %get3A_948 : vector<1x1x400x128xf32> to vector<400x128xf32>
    %get3A_950 = arith.constant 1 : index
    %get3A_951 = arith.constant 2 : index
    %get3A_952 = arith.constant 0 : index
    %get3A_953 = arith.constant 0 : index
    %get3A_954 = vector.load %arg2[%get3A_950, %get3A_951, %get3A_952, %get3A_953] : memref<3x3x128x12xf32, #tpu.memory_space<vmem>>, vector<1x1x128x12xf32>
    %get3A_955 = vector.shape_cast %get3A_954 : vector<1x1x128x12xf32> to vector<128x12xf32>
    %dot_general3A_956 = arith.constant dense<0.000000e+00> : vector<400x12xf32>
    %dot_general3A_957 = tpu.matmul %get3A_949, %get3A_955, %dot_general3A_956 {dimension_numbers = #tpu.dot_dimension_numbers<[1], [0], [0], [1], [0, 0, 1, 1], [], []>, transpose_lhs_hint = false} : vector<400x128xf32>, vector<128x12xf32>, vector<400x12xf32> -> vector<400x12xf32>
    %add3A_958 = arith.addf %add3A_943, %dot_general3A_957 : vector<400x12xf32>
    %get3A_959 = arith.constant 1 : index
    %get3A_960 = arith.constant 0 : index
    %get3A_961 = vector.load %arg3[%get3A_959, %get3A_960] : memref<3x12xf32, #tpu.memory_space<vmem>>, vector<1x12xf32>
    %get3A_962 = vector.shape_cast %get3A_961 : vector<1x12xf32> to vector<12xf32>
    %broadcast_in_dim3A_963 = vector.shape_cast %get3A_962 : vector<12xf32> to vector<1x12xf32>
    %add3A_964 = vector.broadcast %broadcast_in_dim3A_963 : vector<1x12xf32> to vector<400x12xf32>
    %add3A_965 = arith.addf %add3A_958, %add3A_964 : vector<400x12xf32>
    %broadcast_in_dim3A_966 = arith.constant 0.000000e+00 : f32
    %broadcast_in_dim3A_967 = vector.broadcast %broadcast_in_dim3A_966 : f32 to vector<400x12xf32>
    %get3A_968 = arith.constant 0 : index
    %get3A_969 = arith.constant 5 : index
    %get3A_970 = arith.constant 0 : index
    %get3A_971 = arith.constant 0 : index
    %get3A_972 = vector.load %arg1[%get3A_968, %get3A_969, %get3A_970, %get3A_971] : memref<2x10x400x128xf32, #tpu.memory_space<vmem>>, vector<1x1x400x128xf32>
    %get3A_973 = vector.shape_cast %get3A_972 : vector<1x1x400x128xf32> to vector<400x128xf32>
    %get3A_974 = arith.constant 2 : index
    %get3A_975 = arith.constant 0 : index
    %get3A_976 = arith.constant 0 : index
    %get3A_977 = arith.constant 0 : index
    %get3A_978 = vector.load %arg2[%get3A_974, %get3A_975, %get3A_976, %get3A_977] : memref<3x3x128x12xf32, #tpu.memory_space<vmem>>, vector<1x1x128x12xf32>
    %get3A_979 = vector.shape_cast %get3A_978 : vector<1x1x128x12xf32> to vector<128x12xf32>
    %dot_general3A_980 = arith.constant dense<0.000000e+00> : vector<400x12xf32>
    %dot_general3A_981 = tpu.matmul %get3A_973, %get3A_979, %dot_general3A_980 {dimension_numbers = #tpu.dot_dimension_numbers<[1], [0], [0], [1], [0, 0, 1, 1], [], []>, transpose_lhs_hint = false} : vector<400x128xf32>, vector<128x12xf32>, vector<400x12xf32> -> vector<400x12xf32>
    %add3A_982 = arith.addf %broadcast_in_dim3A_967, %dot_general3A_981 : vector<400x12xf32>
    %get3A_983 = arith.constant 0 : index
    %get3A_984 = arith.constant 6 : index
    %get3A_985 = arith.constant 0 : index
    %get3A_986 = arith.constant 0 : index
    %get3A_987 = vector.load %arg1[%get3A_983, %get3A_984, %get3A_985, %get3A_986] : memref<2x10x400x128xf32, #tpu.memory_space<vmem>>, vector<1x1x400x128xf32>
    %get3A_988 = vector.shape_cast %get3A_987 : vector<1x1x400x128xf32> to vector<400x128xf32>
    %get3A_989 = arith.constant 2 : index
    %get3A_990 = arith.constant 1 : index
    %get3A_991 = arith.constant 0 : index
    %get3A_992 = arith.constant 0 : index
    %get3A_993 = vector.load %arg2[%get3A_989, %get3A_990, %get3A_991, %get3A_992] : memref<3x3x128x12xf32, #tpu.memory_space<vmem>>, vector<1x1x128x12xf32>
    %get3A_994 = vector.shape_cast %get3A_993 : vector<1x1x128x12xf32> to vector<128x12xf32>
    %dot_general3A_995 = arith.constant dense<0.000000e+00> : vector<400x12xf32>
    %dot_general3A_996 = tpu.matmul %get3A_988, %get3A_994, %dot_general3A_995 {dimension_numbers = #tpu.dot_dimension_numbers<[1], [0], [0], [1], [0, 0, 1, 1], [], []>, transpose_lhs_hint = false} : vector<400x128xf32>, vector<128x12xf32>, vector<400x12xf32> -> vector<400x12xf32>
    %add3A_997 = arith.addf %add3A_982, %dot_general3A_996 : vector<400x12xf32>
    %get3A_998 = arith.constant 0 : index
    %get3A_999 = arith.constant 7 : index
    %get3A_1000 = arith.constant 0 : index
    %get3A_1001 = arith.constant 0 : index
    %get3A_1002 = vector.load %arg1[%get3A_998, %get3A_999, %get3A_1000, %get3A_1001] : memref<2x10x400x128xf32, #tpu.memory_space<vmem>>, vector<1x1x400x128xf32>
    %get3A_1003 = vector.shape_cast %get3A_1002 : vector<1x1x400x128xf32> to vector<400x128xf32>
    %get3A_1004 = arith.constant 2 : index
    %get3A_1005 = arith.constant 2 : index
    %get3A_1006 = arith.constant 0 : index
    %get3A_1007 = arith.constant 0 : index
    %get3A_1008 = vector.load %arg2[%get3A_1004, %get3A_1005, %get3A_1006, %get3A_1007] : memref<3x3x128x12xf32, #tpu.memory_space<vmem>>, vector<1x1x128x12xf32>
    %get3A_1009 = vector.shape_cast %get3A_1008 : vector<1x1x128x12xf32> to vector<128x12xf32>
    %dot_general3A_1010 = arith.constant dense<0.000000e+00> : vector<400x12xf32>
    %dot_general3A_1011 = tpu.matmul %get3A_1003, %get3A_1009, %dot_general3A_1010 {dimension_numbers = #tpu.dot_dimension_numbers<[1], [0], [0], [1], [0, 0, 1, 1], [], []>, transpose_lhs_hint = false} : vector<400x128xf32>, vector<128x12xf32>, vector<400x12xf32> -> vector<400x12xf32>
    %add3A_1012 = arith.addf %add3A_997, %dot_general3A_1011 : vector<400x12xf32>
    %get3A_1013 = arith.constant 2 : index
    %get3A_1014 = arith.constant 0 : index
    %get3A_1015 = vector.load %arg3[%get3A_1013, %get3A_1014] : memref<3x12xf32, #tpu.memory_space<vmem>>, vector<1x12xf32>
    %get3A_1016 = vector.shape_cast %get3A_1015 : vector<1x12xf32> to vector<12xf32>
    %broadcast_in_dim3A_1017 = vector.shape_cast %get3A_1016 : vector<12xf32> to vector<1x12xf32>
    %add3A_1018 = vector.broadcast %broadcast_in_dim3A_1017 : vector<1x12xf32> to vector<400x12xf32>
    %add3A_1019 = arith.addf %add3A_1012, %add3A_1018 : vector<400x12xf32>
    %logistic3A_1020 = arith.negf %add3A_965 : vector<400x12xf32>
    %logistic3A_1021 = math.exp %logistic3A_1020 : vector<400x12xf32>
    %logistic3A_1022 = arith.constant 1.000000e+00 : f32
    %logistic3A_1023 = vector.broadcast %logistic3A_1022 : f32 to vector<400x12xf32>
    %logistic3A_1024 = arith.addf %logistic3A_1023, %logistic3A_1021 : vector<400x12xf32>
    %logistic3A_1025 = arith.divf %logistic3A_1023, %logistic3A_1024 : vector<400x12xf32>
    %mul3A_1026 = arith.mulf %add3A_911, %logistic3A_1025 : vector<400x12xf32>
    %add3A_1027 = arith.addf %mul3A_1026, %add3A_1019 : vector<400x12xf32>
    %max3A_1028 = arith.constant 0.000000e+00 : f32
    %max3A_1029 = vector.broadcast %max3A_1028 : f32 to vector<400x12xf32>
    %max3A_1030 = arith.maximumf %add3A_1027, %max3A_1029 : vector<400x12xf32>
    %broadcast_in_dim3A_1031 = arith.constant 0.000000e+00 : f32
    %broadcast_in_dim3A_1032 = vector.broadcast %broadcast_in_dim3A_1031 : f32 to vector<400x12xf32>
    %get3A_1033 = arith.constant 0 : index
    %get3A_1034 = arith.constant 6 : index
    %get3A_1035 = arith.constant 0 : index
    %get3A_1036 = arith.constant 0 : index
    %get3A_1037 = vector.load %arg1[%get3A_1033, %get3A_1034, %get3A_1035, %get3A_1036] : memref<2x10x400x128xf32, #tpu.memory_space<vmem>>, vector<1x1x400x128xf32>
    %get3A_1038 = vector.shape_cast %get3A_1037 : vector<1x1x400x128xf32> to vector<400x128xf32>
    %get3A_1039 = arith.constant 0 : index
    %get3A_1040 = arith.constant 0 : index
    %get3A_1041 = arith.constant 0 : index
    %get3A_1042 = arith.constant 0 : index
    %get3A_1043 = vector.load %arg2[%get3A_1039, %get3A_1040, %get3A_1041, %get3A_1042] : memref<3x3x128x12xf32, #tpu.memory_space<vmem>>, vector<1x1x128x12xf32>
    %get3A_1044 = vector.shape_cast %get3A_1043 : vector<1x1x128x12xf32> to vector<128x12xf32>
    %dot_general3A_1045 = arith.constant dense<0.000000e+00> : vector<400x12xf32>
    %dot_general3A_1046 = tpu.matmul %get3A_1038, %get3A_1044, %dot_general3A_1045 {dimension_numbers = #tpu.dot_dimension_numbers<[1], [0], [0], [1], [0, 0, 1, 1], [], []>, transpose_lhs_hint = false} : vector<400x128xf32>, vector<128x12xf32>, vector<400x12xf32> -> vector<400x12xf32>
    %add3A_1047 = arith.addf %broadcast_in_dim3A_1032, %dot_general3A_1046 : vector<400x12xf32>
    %get3A_1048 = arith.constant 0 : index
    %get3A_1049 = arith.constant 7 : index
    %get3A_1050 = arith.constant 0 : index
    %get3A_1051 = arith.constant 0 : index
    %get3A_1052 = vector.load %arg1[%get3A_1048, %get3A_1049, %get3A_1050, %get3A_1051] : memref<2x10x400x128xf32, #tpu.memory_space<vmem>>, vector<1x1x400x128xf32>
    %get3A_1053 = vector.shape_cast %get3A_1052 : vector<1x1x400x128xf32> to vector<400x128xf32>
    %get3A_1054 = arith.constant 0 : index
    %get3A_1055 = arith.constant 1 : index
    %get3A_1056 = arith.constant 0 : index
    %get3A_1057 = arith.constant 0 : index
    %get3A_1058 = vector.load %arg2[%get3A_1054, %get3A_1055, %get3A_1056, %get3A_1057] : memref<3x3x128x12xf32, #tpu.memory_space<vmem>>, vector<1x1x128x12xf32>
    %get3A_1059 = vector.shape_cast %get3A_1058 : vector<1x1x128x12xf32> to vector<128x12xf32>
    %dot_general3A_1060 = arith.constant dense<0.000000e+00> : vector<400x12xf32>
    %dot_general3A_1061 = tpu.matmul %get3A_1053, %get3A_1059, %dot_general3A_1060 {dimension_numbers = #tpu.dot_dimension_numbers<[1], [0], [0], [1], [0, 0, 1, 1], [], []>, transpose_lhs_hint = false} : vector<400x128xf32>, vector<128x12xf32>, vector<400x12xf32> -> vector<400x12xf32>
    %add3A_1062 = arith.addf %add3A_1047, %dot_general3A_1061 : vector<400x12xf32>
    %get3A_1063 = arith.constant 0 : index
    %get3A_1064 = arith.constant 8 : index
    %get3A_1065 = arith.constant 0 : index
    %get3A_1066 = arith.constant 0 : index
    %get3A_1067 = vector.load %arg1[%get3A_1063, %get3A_1064, %get3A_1065, %get3A_1066] : memref<2x10x400x128xf32, #tpu.memory_space<vmem>>, vector<1x1x400x128xf32>
    %get3A_1068 = vector.shape_cast %get3A_1067 : vector<1x1x400x128xf32> to vector<400x128xf32>
    %get3A_1069 = arith.constant 0 : index
    %get3A_1070 = arith.constant 2 : index
    %get3A_1071 = arith.constant 0 : index
    %get3A_1072 = arith.constant 0 : index
    %get3A_1073 = vector.load %arg2[%get3A_1069, %get3A_1070, %get3A_1071, %get3A_1072] : memref<3x3x128x12xf32, #tpu.memory_space<vmem>>, vector<1x1x128x12xf32>
    %get3A_1074 = vector.shape_cast %get3A_1073 : vector<1x1x128x12xf32> to vector<128x12xf32>
    %dot_general3A_1075 = arith.constant dense<0.000000e+00> : vector<400x12xf32>
    %dot_general3A_1076 = tpu.matmul %get3A_1068, %get3A_1074, %dot_general3A_1075 {dimension_numbers = #tpu.dot_dimension_numbers<[1], [0], [0], [1], [0, 0, 1, 1], [], []>, transpose_lhs_hint = false} : vector<400x128xf32>, vector<128x12xf32>, vector<400x12xf32> -> vector<400x12xf32>
    %add3A_1077 = arith.addf %add3A_1062, %dot_general3A_1076 : vector<400x12xf32>
    %get3A_1078 = arith.constant 0 : index
    %get3A_1079 = arith.constant 0 : index
    %get3A_1080 = vector.load %arg3[%get3A_1078, %get3A_1079] : memref<3x12xf32, #tpu.memory_space<vmem>>, vector<1x12xf32>
    %get3A_1081 = vector.shape_cast %get3A_1080 : vector<1x12xf32> to vector<12xf32>
    %broadcast_in_dim3A_1082 = vector.shape_cast %get3A_1081 : vector<12xf32> to vector<1x12xf32>
    %add3A_1083 = vector.broadcast %broadcast_in_dim3A_1082 : vector<1x12xf32> to vector<400x12xf32>
    %add3A_1084 = arith.addf %add3A_1077, %add3A_1083 : vector<400x12xf32>
    %broadcast_in_dim3A_1085 = arith.constant 0.000000e+00 : f32
    %broadcast_in_dim3A_1086 = vector.broadcast %broadcast_in_dim3A_1085 : f32 to vector<400x12xf32>
    %get3A_1087 = arith.constant 0 : index
    %get3A_1088 = arith.constant 6 : index
    %get3A_1089 = arith.constant 0 : index
    %get3A_1090 = arith.constant 0 : index
    %get3A_1091 = vector.load %arg1[%get3A_1087, %get3A_1088, %get3A_1089, %get3A_1090] : memref<2x10x400x128xf32, #tpu.memory_space<vmem>>, vector<1x1x400x128xf32>
    %get3A_1092 = vector.shape_cast %get3A_1091 : vector<1x1x400x128xf32> to vector<400x128xf32>
    %get3A_1093 = arith.constant 1 : index
    %get3A_1094 = arith.constant 0 : index
    %get3A_1095 = arith.constant 0 : index
    %get3A_1096 = arith.constant 0 : index
    %get3A_1097 = vector.load %arg2[%get3A_1093, %get3A_1094, %get3A_1095, %get3A_1096] : memref<3x3x128x12xf32, #tpu.memory_space<vmem>>, vector<1x1x128x12xf32>
    %get3A_1098 = vector.shape_cast %get3A_1097 : vector<1x1x128x12xf32> to vector<128x12xf32>
    %dot_general3A_1099 = arith.constant dense<0.000000e+00> : vector<400x12xf32>
    %dot_general3A_1100 = tpu.matmul %get3A_1092, %get3A_1098, %dot_general3A_1099 {dimension_numbers = #tpu.dot_dimension_numbers<[1], [0], [0], [1], [0, 0, 1, 1], [], []>, transpose_lhs_hint = false} : vector<400x128xf32>, vector<128x12xf32>, vector<400x12xf32> -> vector<400x12xf32>
    %add3A_1101 = arith.addf %broadcast_in_dim3A_1086, %dot_general3A_1100 : vector<400x12xf32>
    %get3A_1102 = arith.constant 0 : index
    %get3A_1103 = arith.constant 7 : index
    %get3A_1104 = arith.constant 0 : index
    %get3A_1105 = arith.constant 0 : index
    %get3A_1106 = vector.load %arg1[%get3A_1102, %get3A_1103, %get3A_1104, %get3A_1105] : memref<2x10x400x128xf32, #tpu.memory_space<vmem>>, vector<1x1x400x128xf32>
    %get3A_1107 = vector.shape_cast %get3A_1106 : vector<1x1x400x128xf32> to vector<400x128xf32>
    %get3A_1108 = arith.constant 1 : index
    %get3A_1109 = arith.constant 1 : index
    %get3A_1110 = arith.constant 0 : index
    %get3A_1111 = arith.constant 0 : index
    %get3A_1112 = vector.load %arg2[%get3A_1108, %get3A_1109, %get3A_1110, %get3A_1111] : memref<3x3x128x12xf32, #tpu.memory_space<vmem>>, vector<1x1x128x12xf32>
    %get3A_1113 = vector.shape_cast %get3A_1112 : vector<1x1x128x12xf32> to vector<128x12xf32>
    %dot_general3A_1114 = arith.constant dense<0.000000e+00> : vector<400x12xf32>
    %dot_general3A_1115 = tpu.matmul %get3A_1107, %get3A_1113, %dot_general3A_1114 {dimension_numbers = #tpu.dot_dimension_numbers<[1], [0], [0], [1], [0, 0, 1, 1], [], []>, transpose_lhs_hint = false} : vector<400x128xf32>, vector<128x12xf32>, vector<400x12xf32> -> vector<400x12xf32>
    %add3A_1116 = arith.addf %add3A_1101, %dot_general3A_1115 : vector<400x12xf32>
    %get3A_1117 = arith.constant 0 : index
    %get3A_1118 = arith.constant 8 : index
    %get3A_1119 = arith.constant 0 : index
    %get3A_1120 = arith.constant 0 : index
    %get3A_1121 = vector.load %arg1[%get3A_1117, %get3A_1118, %get3A_1119, %get3A_1120] : memref<2x10x400x128xf32, #tpu.memory_space<vmem>>, vector<1x1x400x128xf32>
    %get3A_1122 = vector.shape_cast %get3A_1121 : vector<1x1x400x128xf32> to vector<400x128xf32>
    %get3A_1123 = arith.constant 1 : index
    %get3A_1124 = arith.constant 2 : index
    %get3A_1125 = arith.constant 0 : index
    %get3A_1126 = arith.constant 0 : index
    %get3A_1127 = vector.load %arg2[%get3A_1123, %get3A_1124, %get3A_1125, %get3A_1126] : memref<3x3x128x12xf32, #tpu.memory_space<vmem>>, vector<1x1x128x12xf32>
    %get3A_1128 = vector.shape_cast %get3A_1127 : vector<1x1x128x12xf32> to vector<128x12xf32>
    %dot_general3A_1129 = arith.constant dense<0.000000e+00> : vector<400x12xf32>
    %dot_general3A_1130 = tpu.matmul %get3A_1122, %get3A_1128, %dot_general3A_1129 {dimension_numbers = #tpu.dot_dimension_numbers<[1], [0], [0], [1], [0, 0, 1, 1], [], []>, transpose_lhs_hint = false} : vector<400x128xf32>, vector<128x12xf32>, vector<400x12xf32> -> vector<400x12xf32>
    %add3A_1131 = arith.addf %add3A_1116, %dot_general3A_1130 : vector<400x12xf32>
    %get3A_1132 = arith.constant 1 : index
    %get3A_1133 = arith.constant 0 : index
    %get3A_1134 = vector.load %arg3[%get3A_1132, %get3A_1133] : memref<3x12xf32, #tpu.memory_space<vmem>>, vector<1x12xf32>
    %get3A_1135 = vector.shape_cast %get3A_1134 : vector<1x12xf32> to vector<12xf32>
    %broadcast_in_dim3A_1136 = vector.shape_cast %get3A_1135 : vector<12xf32> to vector<1x12xf32>
    %add3A_1137 = vector.broadcast %broadcast_in_dim3A_1136 : vector<1x12xf32> to vector<400x12xf32>
    %add3A_1138 = arith.addf %add3A_1131, %add3A_1137 : vector<400x12xf32>
    %broadcast_in_dim3A_1139 = arith.constant 0.000000e+00 : f32
    %broadcast_in_dim3A_1140 = vector.broadcast %broadcast_in_dim3A_1139 : f32 to vector<400x12xf32>
    %get3A_1141 = arith.constant 0 : index
    %get3A_1142 = arith.constant 6 : index
    %get3A_1143 = arith.constant 0 : index
    %get3A_1144 = arith.constant 0 : index
    %get3A_1145 = vector.load %arg1[%get3A_1141, %get3A_1142, %get3A_1143, %get3A_1144] : memref<2x10x400x128xf32, #tpu.memory_space<vmem>>, vector<1x1x400x128xf32>
    %get3A_1146 = vector.shape_cast %get3A_1145 : vector<1x1x400x128xf32> to vector<400x128xf32>
    %get3A_1147 = arith.constant 2 : index
    %get3A_1148 = arith.constant 0 : index
    %get3A_1149 = arith.constant 0 : index
    %get3A_1150 = arith.constant 0 : index
    %get3A_1151 = vector.load %arg2[%get3A_1147, %get3A_1148, %get3A_1149, %get3A_1150] : memref<3x3x128x12xf32, #tpu.memory_space<vmem>>, vector<1x1x128x12xf32>
    %get3A_1152 = vector.shape_cast %get3A_1151 : vector<1x1x128x12xf32> to vector<128x12xf32>
    %dot_general3A_1153 = arith.constant dense<0.000000e+00> : vector<400x12xf32>
    %dot_general3A_1154 = tpu.matmul %get3A_1146, %get3A_1152, %dot_general3A_1153 {dimension_numbers = #tpu.dot_dimension_numbers<[1], [0], [0], [1], [0, 0, 1, 1], [], []>, transpose_lhs_hint = false} : vector<400x128xf32>, vector<128x12xf32>, vector<400x12xf32> -> vector<400x12xf32>
    %add3A_1155 = arith.addf %broadcast_in_dim3A_1140, %dot_general3A_1154 : vector<400x12xf32>
    %get3A_1156 = arith.constant 0 : index
    %get3A_1157 = arith.constant 7 : index
    %get3A_1158 = arith.constant 0 : index
    %get3A_1159 = arith.constant 0 : index
    %get3A_1160 = vector.load %arg1[%get3A_1156, %get3A_1157, %get3A_1158, %get3A_1159] : memref<2x10x400x128xf32, #tpu.memory_space<vmem>>, vector<1x1x400x128xf32>
    %get3A_1161 = vector.shape_cast %get3A_1160 : vector<1x1x400x128xf32> to vector<400x128xf32>
    %get3A_1162 = arith.constant 2 : index
    %get3A_1163 = arith.constant 1 : index
    %get3A_1164 = arith.constant 0 : index
    %get3A_1165 = arith.constant 0 : index
    %get3A_1166 = vector.load %arg2[%get3A_1162, %get3A_1163, %get3A_1164, %get3A_1165] : memref<3x3x128x12xf32, #tpu.memory_space<vmem>>, vector<1x1x128x12xf32>
    %get3A_1167 = vector.shape_cast %get3A_1166 : vector<1x1x128x12xf32> to vector<128x12xf32>
    %dot_general3A_1168 = arith.constant dense<0.000000e+00> : vector<400x12xf32>
    %dot_general3A_1169 = tpu.matmul %get3A_1161, %get3A_1167, %dot_general3A_1168 {dimension_numbers = #tpu.dot_dimension_numbers<[1], [0], [0], [1], [0, 0, 1, 1], [], []>, transpose_lhs_hint = false} : vector<400x128xf32>, vector<128x12xf32>, vector<400x12xf32> -> vector<400x12xf32>
    %add3A_1170 = arith.addf %add3A_1155, %dot_general3A_1169 : vector<400x12xf32>
    %get3A_1171 = arith.constant 0 : index
    %get3A_1172 = arith.constant 8 : index
    %get3A_1173 = arith.constant 0 : index
    %get3A_1174 = arith.constant 0 : index
    %get3A_1175 = vector.load %arg1[%get3A_1171, %get3A_1172, %get3A_1173, %get3A_1174] : memref<2x10x400x128xf32, #tpu.memory_space<vmem>>, vector<1x1x400x128xf32>
    %get3A_1176 = vector.shape_cast %get3A_1175 : vector<1x1x400x128xf32> to vector<400x128xf32>
    %get3A_1177 = arith.constant 2 : index
    %get3A_1178 = arith.constant 2 : index
    %get3A_1179 = arith.constant 0 : index
    %get3A_1180 = arith.constant 0 : index
    %get3A_1181 = vector.load %arg2[%get3A_1177, %get3A_1178, %get3A_1179, %get3A_1180] : memref<3x3x128x12xf32, #tpu.memory_space<vmem>>, vector<1x1x128x12xf32>
    %get3A_1182 = vector.shape_cast %get3A_1181 : vector<1x1x128x12xf32> to vector<128x12xf32>
    %dot_general3A_1183 = arith.constant dense<0.000000e+00> : vector<400x12xf32>
    %dot_general3A_1184 = tpu.matmul %get3A_1176, %get3A_1182, %dot_general3A_1183 {dimension_numbers = #tpu.dot_dimension_numbers<[1], [0], [0], [1], [0, 0, 1, 1], [], []>, transpose_lhs_hint = false} : vector<400x128xf32>, vector<128x12xf32>, vector<400x12xf32> -> vector<400x12xf32>
    %add3A_1185 = arith.addf %add3A_1170, %dot_general3A_1184 : vector<400x12xf32>
    %get3A_1186 = arith.constant 2 : index
    %get3A_1187 = arith.constant 0 : index
    %get3A_1188 = vector.load %arg3[%get3A_1186, %get3A_1187] : memref<3x12xf32, #tpu.memory_space<vmem>>, vector<1x12xf32>
    %get3A_1189 = vector.shape_cast %get3A_1188 : vector<1x12xf32> to vector<12xf32>
    %broadcast_in_dim3A_1190 = vector.shape_cast %get3A_1189 : vector<12xf32> to vector<1x12xf32>
    %add3A_1191 = vector.broadcast %broadcast_in_dim3A_1190 : vector<1x12xf32> to vector<400x12xf32>
    %add3A_1192 = arith.addf %add3A_1185, %add3A_1191 : vector<400x12xf32>
    %logistic3A_1193 = arith.negf %add3A_1138 : vector<400x12xf32>
    %logistic3A_1194 = math.exp %logistic3A_1193 : vector<400x12xf32>
    %logistic3A_1195 = arith.constant 1.000000e+00 : f32
    %logistic3A_1196 = vector.broadcast %logistic3A_1195 : f32 to vector<400x12xf32>
    %logistic3A_1197 = arith.addf %logistic3A_1196, %logistic3A_1194 : vector<400x12xf32>
    %logistic3A_1198 = arith.divf %logistic3A_1196, %logistic3A_1197 : vector<400x12xf32>
    %mul3A_1199 = arith.mulf %add3A_1084, %logistic3A_1198 : vector<400x12xf32>
    %add3A_1200 = arith.addf %mul3A_1199, %add3A_1192 : vector<400x12xf32>
    %max3A_1201 = arith.constant 0.000000e+00 : f32
    %max3A_1202 = vector.broadcast %max3A_1201 : f32 to vector<400x12xf32>
    %max3A_1203 = arith.maximumf %add3A_1200, %max3A_1202 : vector<400x12xf32>
    %broadcast_in_dim3A_1204 = arith.constant 0.000000e+00 : f32
    %broadcast_in_dim3A_1205 = vector.broadcast %broadcast_in_dim3A_1204 : f32 to vector<400x12xf32>
    %get3A_1206 = arith.constant 0 : index
    %get3A_1207 = arith.constant 7 : index
    %get3A_1208 = arith.constant 0 : index
    %get3A_1209 = arith.constant 0 : index
    %get3A_1210 = vector.load %arg1[%get3A_1206, %get3A_1207, %get3A_1208, %get3A_1209] : memref<2x10x400x128xf32, #tpu.memory_space<vmem>>, vector<1x1x400x128xf32>
    %get3A_1211 = vector.shape_cast %get3A_1210 : vector<1x1x400x128xf32> to vector<400x128xf32>
    %get3A_1212 = arith.constant 0 : index
    %get3A_1213 = arith.constant 0 : index
    %get3A_1214 = arith.constant 0 : index
    %get3A_1215 = arith.constant 0 : index
    %get3A_1216 = vector.load %arg2[%get3A_1212, %get3A_1213, %get3A_1214, %get3A_1215] : memref<3x3x128x12xf32, #tpu.memory_space<vmem>>, vector<1x1x128x12xf32>
    %get3A_1217 = vector.shape_cast %get3A_1216 : vector<1x1x128x12xf32> to vector<128x12xf32>
    %dot_general3A_1218 = arith.constant dense<0.000000e+00> : vector<400x12xf32>
    %dot_general3A_1219 = tpu.matmul %get3A_1211, %get3A_1217, %dot_general3A_1218 {dimension_numbers = #tpu.dot_dimension_numbers<[1], [0], [0], [1], [0, 0, 1, 1], [], []>, transpose_lhs_hint = false} : vector<400x128xf32>, vector<128x12xf32>, vector<400x12xf32> -> vector<400x12xf32>
    %add3A_1220 = arith.addf %broadcast_in_dim3A_1205, %dot_general3A_1219 : vector<400x12xf32>
    %get3A_1221 = arith.constant 0 : index
    %get3A_1222 = arith.constant 8 : index
    %get3A_1223 = arith.constant 0 : index
    %get3A_1224 = arith.constant 0 : index
    %get3A_1225 = vector.load %arg1[%get3A_1221, %get3A_1222, %get3A_1223, %get3A_1224] : memref<2x10x400x128xf32, #tpu.memory_space<vmem>>, vector<1x1x400x128xf32>
    %get3A_1226 = vector.shape_cast %get3A_1225 : vector<1x1x400x128xf32> to vector<400x128xf32>
    %get3A_1227 = arith.constant 0 : index
    %get3A_1228 = arith.constant 1 : index
    %get3A_1229 = arith.constant 0 : index
    %get3A_1230 = arith.constant 0 : index
    %get3A_1231 = vector.load %arg2[%get3A_1227, %get3A_1228, %get3A_1229, %get3A_1230] : memref<3x3x128x12xf32, #tpu.memory_space<vmem>>, vector<1x1x128x12xf32>
    %get3A_1232 = vector.shape_cast %get3A_1231 : vector<1x1x128x12xf32> to vector<128x12xf32>
    %dot_general3A_1233 = arith.constant dense<0.000000e+00> : vector<400x12xf32>
    %dot_general3A_1234 = tpu.matmul %get3A_1226, %get3A_1232, %dot_general3A_1233 {dimension_numbers = #tpu.dot_dimension_numbers<[1], [0], [0], [1], [0, 0, 1, 1], [], []>, transpose_lhs_hint = false} : vector<400x128xf32>, vector<128x12xf32>, vector<400x12xf32> -> vector<400x12xf32>
    %add3A_1235 = arith.addf %add3A_1220, %dot_general3A_1234 : vector<400x12xf32>
    %get3A_1236 = arith.constant 0 : index
    %get3A_1237 = arith.constant 9 : index
    %get3A_1238 = arith.constant 0 : index
    %get3A_1239 = arith.constant 0 : index
    %get3A_1240 = vector.load %arg1[%get3A_1236, %get3A_1237, %get3A_1238, %get3A_1239] : memref<2x10x400x128xf32, #tpu.memory_space<vmem>>, vector<1x1x400x128xf32>
    %get3A_1241 = vector.shape_cast %get3A_1240 : vector<1x1x400x128xf32> to vector<400x128xf32>
    %get3A_1242 = arith.constant 0 : index
    %get3A_1243 = arith.constant 2 : index
    %get3A_1244 = arith.constant 0 : index
    %get3A_1245 = arith.constant 0 : index
    %get3A_1246 = vector.load %arg2[%get3A_1242, %get3A_1243, %get3A_1244, %get3A_1245] : memref<3x3x128x12xf32, #tpu.memory_space<vmem>>, vector<1x1x128x12xf32>
    %get3A_1247 = vector.shape_cast %get3A_1246 : vector<1x1x128x12xf32> to vector<128x12xf32>
    %dot_general3A_1248 = arith.constant dense<0.000000e+00> : vector<400x12xf32>
    %dot_general3A_1249 = tpu.matmul %get3A_1241, %get3A_1247, %dot_general3A_1248 {dimension_numbers = #tpu.dot_dimension_numbers<[1], [0], [0], [1], [0, 0, 1, 1], [], []>, transpose_lhs_hint = false} : vector<400x128xf32>, vector<128x12xf32>, vector<400x12xf32> -> vector<400x12xf32>
    %add3A_1250 = arith.addf %add3A_1235, %dot_general3A_1249 : vector<400x12xf32>
    %get3A_1251 = arith.constant 0 : index
    %get3A_1252 = arith.constant 0 : index
    %get3A_1253 = vector.load %arg3[%get3A_1251, %get3A_1252] : memref<3x12xf32, #tpu.memory_space<vmem>>, vector<1x12xf32>
    %get3A_1254 = vector.shape_cast %get3A_1253 : vector<1x12xf32> to vector<12xf32>
    %broadcast_in_dim3A_1255 = vector.shape_cast %get3A_1254 : vector<12xf32> to vector<1x12xf32>
    %add3A_1256 = vector.broadcast %broadcast_in_dim3A_1255 : vector<1x12xf32> to vector<400x12xf32>
    %add3A_1257 = arith.addf %add3A_1250, %add3A_1256 : vector<400x12xf32>
    %broadcast_in_dim3A_1258 = arith.constant 0.000000e+00 : f32
    %broadcast_in_dim3A_1259 = vector.broadcast %broadcast_in_dim3A_1258 : f32 to vector<400x12xf32>
    %get3A_1260 = arith.constant 0 : index
    %get3A_1261 = arith.constant 7 : index
    %get3A_1262 = arith.constant 0 : index
    %get3A_1263 = arith.constant 0 : index
    %get3A_1264 = vector.load %arg1[%get3A_1260, %get3A_1261, %get3A_1262, %get3A_1263] : memref<2x10x400x128xf32, #tpu.memory_space<vmem>>, vector<1x1x400x128xf32>
    %get3A_1265 = vector.shape_cast %get3A_1264 : vector<1x1x400x128xf32> to vector<400x128xf32>
    %get3A_1266 = arith.constant 1 : index
    %get3A_1267 = arith.constant 0 : index
    %get3A_1268 = arith.constant 0 : index
    %get3A_1269 = arith.constant 0 : index
    %get3A_1270 = vector.load %arg2[%get3A_1266, %get3A_1267, %get3A_1268, %get3A_1269] : memref<3x3x128x12xf32, #tpu.memory_space<vmem>>, vector<1x1x128x12xf32>
    %get3A_1271 = vector.shape_cast %get3A_1270 : vector<1x1x128x12xf32> to vector<128x12xf32>
    %dot_general3A_1272 = arith.constant dense<0.000000e+00> : vector<400x12xf32>
    %dot_general3A_1273 = tpu.matmul %get3A_1265, %get3A_1271, %dot_general3A_1272 {dimension_numbers = #tpu.dot_dimension_numbers<[1], [0], [0], [1], [0, 0, 1, 1], [], []>, transpose_lhs_hint = false} : vector<400x128xf32>, vector<128x12xf32>, vector<400x12xf32> -> vector<400x12xf32>
    %add3A_1274 = arith.addf %broadcast_in_dim3A_1259, %dot_general3A_1273 : vector<400x12xf32>
    %get3A_1275 = arith.constant 0 : index
    %get3A_1276 = arith.constant 8 : index
    %get3A_1277 = arith.constant 0 : index
    %get3A_1278 = arith.constant 0 : index
    %get3A_1279 = vector.load %arg1[%get3A_1275, %get3A_1276, %get3A_1277, %get3A_1278] : memref<2x10x400x128xf32, #tpu.memory_space<vmem>>, vector<1x1x400x128xf32>
    %get3A_1280 = vector.shape_cast %get3A_1279 : vector<1x1x400x128xf32> to vector<400x128xf32>
    %get3A_1281 = arith.constant 1 : index
    %get3A_1282 = arith.constant 1 : index
    %get3A_1283 = arith.constant 0 : index
    %get3A_1284 = arith.constant 0 : index
    %get3A_1285 = vector.load %arg2[%get3A_1281, %get3A_1282, %get3A_1283, %get3A_1284] : memref<3x3x128x12xf32, #tpu.memory_space<vmem>>, vector<1x1x128x12xf32>
    %get3A_1286 = vector.shape_cast %get3A_1285 : vector<1x1x128x12xf32> to vector<128x12xf32>
    %dot_general3A_1287 = arith.constant dense<0.000000e+00> : vector<400x12xf32>
    %dot_general3A_1288 = tpu.matmul %get3A_1280, %get3A_1286, %dot_general3A_1287 {dimension_numbers = #tpu.dot_dimension_numbers<[1], [0], [0], [1], [0, 0, 1, 1], [], []>, transpose_lhs_hint = false} : vector<400x128xf32>, vector<128x12xf32>, vector<400x12xf32> -> vector<400x12xf32>
    %add3A_1289 = arith.addf %add3A_1274, %dot_general3A_1288 : vector<400x12xf32>
    %get3A_1290 = arith.constant 0 : index
    %get3A_1291 = arith.constant 9 : index
    %get3A_1292 = arith.constant 0 : index
    %get3A_1293 = arith.constant 0 : index
    %get3A_1294 = vector.load %arg1[%get3A_1290, %get3A_1291, %get3A_1292, %get3A_1293] : memref<2x10x400x128xf32, #tpu.memory_space<vmem>>, vector<1x1x400x128xf32>
    %get3A_1295 = vector.shape_cast %get3A_1294 : vector<1x1x400x128xf32> to vector<400x128xf32>
    %get3A_1296 = arith.constant 1 : index
    %get3A_1297 = arith.constant 2 : index
    %get3A_1298 = arith.constant 0 : index
    %get3A_1299 = arith.constant 0 : index
    %get3A_1300 = vector.load %arg2[%get3A_1296, %get3A_1297, %get3A_1298, %get3A_1299] : memref<3x3x128x12xf32, #tpu.memory_space<vmem>>, vector<1x1x128x12xf32>
    %get3A_1301 = vector.shape_cast %get3A_1300 : vector<1x1x128x12xf32> to vector<128x12xf32>
    %dot_general3A_1302 = arith.constant dense<0.000000e+00> : vector<400x12xf32>
    %dot_general3A_1303 = tpu.matmul %get3A_1295, %get3A_1301, %dot_general3A_1302 {dimension_numbers = #tpu.dot_dimension_numbers<[1], [0], [0], [1], [0, 0, 1, 1], [], []>, transpose_lhs_hint = false} : vector<400x128xf32>, vector<128x12xf32>, vector<400x12xf32> -> vector<400x12xf32>
    %add3A_1304 = arith.addf %add3A_1289, %dot_general3A_1303 : vector<400x12xf32>
    %get3A_1305 = arith.constant 1 : index
    %get3A_1306 = arith.constant 0 : index
    %get3A_1307 = vector.load %arg3[%get3A_1305, %get3A_1306] : memref<3x12xf32, #tpu.memory_space<vmem>>, vector<1x12xf32>
    %get3A_1308 = vector.shape_cast %get3A_1307 : vector<1x12xf32> to vector<12xf32>
    %broadcast_in_dim3A_1309 = vector.shape_cast %get3A_1308 : vector<12xf32> to vector<1x12xf32>
    %add3A_1310 = vector.broadcast %broadcast_in_dim3A_1309 : vector<1x12xf32> to vector<400x12xf32>
    %add3A_1311 = arith.addf %add3A_1304, %add3A_1310 : vector<400x12xf32>
    %broadcast_in_dim3A_1312 = arith.constant 0.000000e+00 : f32
    %broadcast_in_dim3A_1313 = vector.broadcast %broadcast_in_dim3A_1312 : f32 to vector<400x12xf32>
    %get3A_1314 = arith.constant 0 : index
    %get3A_1315 = arith.constant 7 : index
    %get3A_1316 = arith.constant 0 : index
    %get3A_1317 = arith.constant 0 : index
    %get3A_1318 = vector.load %arg1[%get3A_1314, %get3A_1315, %get3A_1316, %get3A_1317] : memref<2x10x400x128xf32, #tpu.memory_space<vmem>>, vector<1x1x400x128xf32>
    %get3A_1319 = vector.shape_cast %get3A_1318 : vector<1x1x400x128xf32> to vector<400x128xf32>
    %get3A_1320 = arith.constant 2 : index
    %get3A_1321 = arith.constant 0 : index
    %get3A_1322 = arith.constant 0 : index
    %get3A_1323 = arith.constant 0 : index
    %get3A_1324 = vector.load %arg2[%get3A_1320, %get3A_1321, %get3A_1322, %get3A_1323] : memref<3x3x128x12xf32, #tpu.memory_space<vmem>>, vector<1x1x128x12xf32>
    %get3A_1325 = vector.shape_cast %get3A_1324 : vector<1x1x128x12xf32> to vector<128x12xf32>
    %dot_general3A_1326 = arith.constant dense<0.000000e+00> : vector<400x12xf32>
    %dot_general3A_1327 = tpu.matmul %get3A_1319, %get3A_1325, %dot_general3A_1326 {dimension_numbers = #tpu.dot_dimension_numbers<[1], [0], [0], [1], [0, 0, 1, 1], [], []>, transpose_lhs_hint = false} : vector<400x128xf32>, vector<128x12xf32>, vector<400x12xf32> -> vector<400x12xf32>
    %add3A_1328 = arith.addf %broadcast_in_dim3A_1313, %dot_general3A_1327 : vector<400x12xf32>
    %get3A_1329 = arith.constant 0 : index
    %get3A_1330 = arith.constant 8 : index
    %get3A_1331 = arith.constant 0 : index
    %get3A_1332 = arith.constant 0 : index
    %get3A_1333 = vector.load %arg1[%get3A_1329, %get3A_1330, %get3A_1331, %get3A_1332] : memref<2x10x400x128xf32, #tpu.memory_space<vmem>>, vector<1x1x400x128xf32>
    %get3A_1334 = vector.shape_cast %get3A_1333 : vector<1x1x400x128xf32> to vector<400x128xf32>
    %get3A_1335 = arith.constant 2 : index
    %get3A_1336 = arith.constant 1 : index
    %get3A_1337 = arith.constant 0 : index
    %get3A_1338 = arith.constant 0 : index
    %get3A_1339 = vector.load %arg2[%get3A_1335, %get3A_1336, %get3A_1337, %get3A_1338] : memref<3x3x128x12xf32, #tpu.memory_space<vmem>>, vector<1x1x128x12xf32>
    %get3A_1340 = vector.shape_cast %get3A_1339 : vector<1x1x128x12xf32> to vector<128x12xf32>
    %dot_general3A_1341 = arith.constant dense<0.000000e+00> : vector<400x12xf32>
    %dot_general3A_1342 = tpu.matmul %get3A_1334, %get3A_1340, %dot_general3A_1341 {dimension_numbers = #tpu.dot_dimension_numbers<[1], [0], [0], [1], [0, 0, 1, 1], [], []>, transpose_lhs_hint = false} : vector<400x128xf32>, vector<128x12xf32>, vector<400x12xf32> -> vector<400x12xf32>
    %add3A_1343 = arith.addf %add3A_1328, %dot_general3A_1342 : vector<400x12xf32>
    %get3A_1344 = arith.constant 0 : index
    %get3A_1345 = arith.constant 9 : index
    %get3A_1346 = arith.constant 0 : index
    %get3A_1347 = arith.constant 0 : index
    %get3A_1348 = vector.load %arg1[%get3A_1344, %get3A_1345, %get3A_1346, %get3A_1347] : memref<2x10x400x128xf32, #tpu.memory_space<vmem>>, vector<1x1x400x128xf32>
    %get3A_1349 = vector.shape_cast %get3A_1348 : vector<1x1x400x128xf32> to vector<400x128xf32>
    %get3A_1350 = arith.constant 2 : index
    %get3A_1351 = arith.constant 2 : index
    %get3A_1352 = arith.constant 0 : index
    %get3A_1353 = arith.constant 0 : index
    %get3A_1354 = vector.load %arg2[%get3A_1350, %get3A_1351, %get3A_1352, %get3A_1353] : memref<3x3x128x12xf32, #tpu.memory_space<vmem>>, vector<1x1x128x12xf32>
    %get3A_1355 = vector.shape_cast %get3A_1354 : vector<1x1x128x12xf32> to vector<128x12xf32>
    %dot_general3A_1356 = arith.constant dense<0.000000e+00> : vector<400x12xf32>
    %dot_general3A_1357 = tpu.matmul %get3A_1349, %get3A_1355, %dot_general3A_1356 {dimension_numbers = #tpu.dot_dimension_numbers<[1], [0], [0], [1], [0, 0, 1, 1], [], []>, transpose_lhs_hint = false} : vector<400x128xf32>, vector<128x12xf32>, vector<400x12xf32> -> vector<400x12xf32>
    %add3A_1358 = arith.addf %add3A_1343, %dot_general3A_1357 : vector<400x12xf32>
    %get3A_1359 = arith.constant 2 : index
    %get3A_1360 = arith.constant 0 : index
    %get3A_1361 = vector.load %arg3[%get3A_1359, %get3A_1360] : memref<3x12xf32, #tpu.memory_space<vmem>>, vector<1x12xf32>
    %get3A_1362 = vector.shape_cast %get3A_1361 : vector<1x12xf32> to vector<12xf32>
    %broadcast_in_dim3A_1363 = vector.shape_cast %get3A_1362 : vector<12xf32> to vector<1x12xf32>
    %add3A_1364 = vector.broadcast %broadcast_in_dim3A_1363 : vector<1x12xf32> to vector<400x12xf32>
    %add3A_1365 = arith.addf %add3A_1358, %add3A_1364 : vector<400x12xf32>
    %logistic3A_1366 = arith.negf %add3A_1311 : vector<400x12xf32>
    %logistic3A_1367 = math.exp %logistic3A_1366 : vector<400x12xf32>
    %logistic3A_1368 = arith.constant 1.000000e+00 : f32
    %logistic3A_1369 = vector.broadcast %logistic3A_1368 : f32 to vector<400x12xf32>
    %logistic3A_1370 = arith.addf %logistic3A_1369, %logistic3A_1367 : vector<400x12xf32>
    %logistic3A_1371 = arith.divf %logistic3A_1369, %logistic3A_1370 : vector<400x12xf32>
    %mul3A_1372 = arith.mulf %add3A_1257, %logistic3A_1371 : vector<400x12xf32>
    %add3A_1373 = arith.addf %mul3A_1372, %add3A_1365 : vector<400x12xf32>
    %max3A_1374 = arith.constant 0.000000e+00 : f32
    %max3A_1375 = vector.broadcast %max3A_1374 : f32 to vector<400x12xf32>
    %max3A_1376 = arith.maximumf %add3A_1373, %max3A_1375 : vector<400x12xf32>
    %broadcast_in_dim3A_1377 = arith.constant 0.000000e+00 : f32
    %broadcast_in_dim3A_1378 = vector.broadcast %broadcast_in_dim3A_1377 : f32 to vector<400x12xf32>
    %get3A_1379 = arith.constant 1 : index
    %get3A_1380 = arith.constant 0 : index
    %get3A_1381 = arith.constant 0 : index
    %get3A_1382 = arith.constant 0 : index
    %get3A_1383 = vector.load %arg1[%get3A_1379, %get3A_1380, %get3A_1381, %get3A_1382] : memref<2x10x400x128xf32, #tpu.memory_space<vmem>>, vector<1x1x400x128xf32>
    %get3A_1384 = vector.shape_cast %get3A_1383 : vector<1x1x400x128xf32> to vector<400x128xf32>
    %get3A_1385 = arith.constant 0 : index
    %get3A_1386 = arith.constant 0 : index
    %get3A_1387 = arith.constant 0 : index
    %get3A_1388 = arith.constant 0 : index
    %get3A_1389 = vector.load %arg2[%get3A_1385, %get3A_1386, %get3A_1387, %get3A_1388] : memref<3x3x128x12xf32, #tpu.memory_space<vmem>>, vector<1x1x128x12xf32>
    %get3A_1390 = vector.shape_cast %get3A_1389 : vector<1x1x128x12xf32> to vector<128x12xf32>
    %dot_general3A_1391 = arith.constant dense<0.000000e+00> : vector<400x12xf32>
    %dot_general3A_1392 = tpu.matmul %get3A_1384, %get3A_1390, %dot_general3A_1391 {dimension_numbers = #tpu.dot_dimension_numbers<[1], [0], [0], [1], [0, 0, 1, 1], [], []>, transpose_lhs_hint = false} : vector<400x128xf32>, vector<128x12xf32>, vector<400x12xf32> -> vector<400x12xf32>
    %add3A_1393 = arith.addf %broadcast_in_dim3A_1378, %dot_general3A_1392 : vector<400x12xf32>
    %get3A_1394 = arith.constant 1 : index
    %get3A_1395 = arith.constant 1 : index
    %get3A_1396 = arith.constant 0 : index
    %get3A_1397 = arith.constant 0 : index
    %get3A_1398 = vector.load %arg1[%get3A_1394, %get3A_1395, %get3A_1396, %get3A_1397] : memref<2x10x400x128xf32, #tpu.memory_space<vmem>>, vector<1x1x400x128xf32>
    %get3A_1399 = vector.shape_cast %get3A_1398 : vector<1x1x400x128xf32> to vector<400x128xf32>
    %get3A_1400 = arith.constant 0 : index
    %get3A_1401 = arith.constant 1 : index
    %get3A_1402 = arith.constant 0 : index
    %get3A_1403 = arith.constant 0 : index
    %get3A_1404 = vector.load %arg2[%get3A_1400, %get3A_1401, %get3A_1402, %get3A_1403] : memref<3x3x128x12xf32, #tpu.memory_space<vmem>>, vector<1x1x128x12xf32>
    %get3A_1405 = vector.shape_cast %get3A_1404 : vector<1x1x128x12xf32> to vector<128x12xf32>
    %dot_general3A_1406 = arith.constant dense<0.000000e+00> : vector<400x12xf32>
    %dot_general3A_1407 = tpu.matmul %get3A_1399, %get3A_1405, %dot_general3A_1406 {dimension_numbers = #tpu.dot_dimension_numbers<[1], [0], [0], [1], [0, 0, 1, 1], [], []>, transpose_lhs_hint = false} : vector<400x128xf32>, vector<128x12xf32>, vector<400x12xf32> -> vector<400x12xf32>
    %add3A_1408 = arith.addf %add3A_1393, %dot_general3A_1407 : vector<400x12xf32>
    %get3A_1409 = arith.constant 1 : index
    %get3A_1410 = arith.constant 2 : index
    %get3A_1411 = arith.constant 0 : index
    %get3A_1412 = arith.constant 0 : index
    %get3A_1413 = vector.load %arg1[%get3A_1409, %get3A_1410, %get3A_1411, %get3A_1412] : memref<2x10x400x128xf32, #tpu.memory_space<vmem>>, vector<1x1x400x128xf32>
    %get3A_1414 = vector.shape_cast %get3A_1413 : vector<1x1x400x128xf32> to vector<400x128xf32>
    %get3A_1415 = arith.constant 0 : index
    %get3A_1416 = arith.constant 2 : index
    %get3A_1417 = arith.constant 0 : index
    %get3A_1418 = arith.constant 0 : index
    %get3A_1419 = vector.load %arg2[%get3A_1415, %get3A_1416, %get3A_1417, %get3A_1418] : memref<3x3x128x12xf32, #tpu.memory_space<vmem>>, vector<1x1x128x12xf32>
    %get3A_1420 = vector.shape_cast %get3A_1419 : vector<1x1x128x12xf32> to vector<128x12xf32>
    %dot_general3A_1421 = arith.constant dense<0.000000e+00> : vector<400x12xf32>
    %dot_general3A_1422 = tpu.matmul %get3A_1414, %get3A_1420, %dot_general3A_1421 {dimension_numbers = #tpu.dot_dimension_numbers<[1], [0], [0], [1], [0, 0, 1, 1], [], []>, transpose_lhs_hint = false} : vector<400x128xf32>, vector<128x12xf32>, vector<400x12xf32> -> vector<400x12xf32>
    %add3A_1423 = arith.addf %add3A_1408, %dot_general3A_1422 : vector<400x12xf32>
    %get3A_1424 = arith.constant 0 : index
    %get3A_1425 = arith.constant 0 : index
    %get3A_1426 = vector.load %arg3[%get3A_1424, %get3A_1425] : memref<3x12xf32, #tpu.memory_space<vmem>>, vector<1x12xf32>
    %get3A_1427 = vector.shape_cast %get3A_1426 : vector<1x12xf32> to vector<12xf32>
    %broadcast_in_dim3A_1428 = vector.shape_cast %get3A_1427 : vector<12xf32> to vector<1x12xf32>
    %add3A_1429 = vector.broadcast %broadcast_in_dim3A_1428 : vector<1x12xf32> to vector<400x12xf32>
    %add3A_1430 = arith.addf %add3A_1423, %add3A_1429 : vector<400x12xf32>
    %broadcast_in_dim3A_1431 = arith.constant 0.000000e+00 : f32
    %broadcast_in_dim3A_1432 = vector.broadcast %broadcast_in_dim3A_1431 : f32 to vector<400x12xf32>
    %get3A_1433 = arith.constant 1 : index
    %get3A_1434 = arith.constant 0 : index
    %get3A_1435 = arith.constant 0 : index
    %get3A_1436 = arith.constant 0 : index
    %get3A_1437 = vector.load %arg1[%get3A_1433, %get3A_1434, %get3A_1435, %get3A_1436] : memref<2x10x400x128xf32, #tpu.memory_space<vmem>>, vector<1x1x400x128xf32>
    %get3A_1438 = vector.shape_cast %get3A_1437 : vector<1x1x400x128xf32> to vector<400x128xf32>
    %get3A_1439 = arith.constant 1 : index
    %get3A_1440 = arith.constant 0 : index
    %get3A_1441 = arith.constant 0 : index
    %get3A_1442 = arith.constant 0 : index
    %get3A_1443 = vector.load %arg2[%get3A_1439, %get3A_1440, %get3A_1441, %get3A_1442] : memref<3x3x128x12xf32, #tpu.memory_space<vmem>>, vector<1x1x128x12xf32>
    %get3A_1444 = vector.shape_cast %get3A_1443 : vector<1x1x128x12xf32> to vector<128x12xf32>
    %dot_general3A_1445 = arith.constant dense<0.000000e+00> : vector<400x12xf32>
    %dot_general3A_1446 = tpu.matmul %get3A_1438, %get3A_1444, %dot_general3A_1445 {dimension_numbers = #tpu.dot_dimension_numbers<[1], [0], [0], [1], [0, 0, 1, 1], [], []>, transpose_lhs_hint = false} : vector<400x128xf32>, vector<128x12xf32>, vector<400x12xf32> -> vector<400x12xf32>
    %add3A_1447 = arith.addf %broadcast_in_dim3A_1432, %dot_general3A_1446 : vector<400x12xf32>
    %get3A_1448 = arith.constant 1 : index
    %get3A_1449 = arith.constant 1 : index
    %get3A_1450 = arith.constant 0 : index
    %get3A_1451 = arith.constant 0 : index
    %get3A_1452 = vector.load %arg1[%get3A_1448, %get3A_1449, %get3A_1450, %get3A_1451] : memref<2x10x400x128xf32, #tpu.memory_space<vmem>>, vector<1x1x400x128xf32>
    %get3A_1453 = vector.shape_cast %get3A_1452 : vector<1x1x400x128xf32> to vector<400x128xf32>
    %get3A_1454 = arith.constant 1 : index
    %get3A_1455 = arith.constant 1 : index
    %get3A_1456 = arith.constant 0 : index
    %get3A_1457 = arith.constant 0 : index
    %get3A_1458 = vector.load %arg2[%get3A_1454, %get3A_1455, %get3A_1456, %get3A_1457] : memref<3x3x128x12xf32, #tpu.memory_space<vmem>>, vector<1x1x128x12xf32>
    %get3A_1459 = vector.shape_cast %get3A_1458 : vector<1x1x128x12xf32> to vector<128x12xf32>
    %dot_general3A_1460 = arith.constant dense<0.000000e+00> : vector<400x12xf32>
    %dot_general3A_1461 = tpu.matmul %get3A_1453, %get3A_1459, %dot_general3A_1460 {dimension_numbers = #tpu.dot_dimension_numbers<[1], [0], [0], [1], [0, 0, 1, 1], [], []>, transpose_lhs_hint = false} : vector<400x128xf32>, vector<128x12xf32>, vector<400x12xf32> -> vector<400x12xf32>
    %add3A_1462 = arith.addf %add3A_1447, %dot_general3A_1461 : vector<400x12xf32>
    %get3A_1463 = arith.constant 1 : index
    %get3A_1464 = arith.constant 2 : index
    %get3A_1465 = arith.constant 0 : index
    %get3A_1466 = arith.constant 0 : index
    %get3A_1467 = vector.load %arg1[%get3A_1463, %get3A_1464, %get3A_1465, %get3A_1466] : memref<2x10x400x128xf32, #tpu.memory_space<vmem>>, vector<1x1x400x128xf32>
    %get3A_1468 = vector.shape_cast %get3A_1467 : vector<1x1x400x128xf32> to vector<400x128xf32>
    %get3A_1469 = arith.constant 1 : index
    %get3A_1470 = arith.constant 2 : index
    %get3A_1471 = arith.constant 0 : index
    %get3A_1472 = arith.constant 0 : index
    %get3A_1473 = vector.load %arg2[%get3A_1469, %get3A_1470, %get3A_1471, %get3A_1472] : memref<3x3x128x12xf32, #tpu.memory_space<vmem>>, vector<1x1x128x12xf32>
    %get3A_1474 = vector.shape_cast %get3A_1473 : vector<1x1x128x12xf32> to vector<128x12xf32>
    %dot_general3A_1475 = arith.constant dense<0.000000e+00> : vector<400x12xf32>
    %dot_general3A_1476 = tpu.matmul %get3A_1468, %get3A_1474, %dot_general3A_1475 {dimension_numbers = #tpu.dot_dimension_numbers<[1], [0], [0], [1], [0, 0, 1, 1], [], []>, transpose_lhs_hint = false} : vector<400x128xf32>, vector<128x12xf32>, vector<400x12xf32> -> vector<400x12xf32>
    %add3A_1477 = arith.addf %add3A_1462, %dot_general3A_1476 : vector<400x12xf32>
    %get3A_1478 = arith.constant 1 : index
    %get3A_1479 = arith.constant 0 : index
    %get3A_1480 = vector.load %arg3[%get3A_1478, %get3A_1479] : memref<3x12xf32, #tpu.memory_space<vmem>>, vector<1x12xf32>
    %get3A_1481 = vector.shape_cast %get3A_1480 : vector<1x12xf32> to vector<12xf32>
    %broadcast_in_dim3A_1482 = vector.shape_cast %get3A_1481 : vector<12xf32> to vector<1x12xf32>
    %add3A_1483 = vector.broadcast %broadcast_in_dim3A_1482 : vector<1x12xf32> to vector<400x12xf32>
    %add3A_1484 = arith.addf %add3A_1477, %add3A_1483 : vector<400x12xf32>
    %broadcast_in_dim3A_1485 = arith.constant 0.000000e+00 : f32
    %broadcast_in_dim3A_1486 = vector.broadcast %broadcast_in_dim3A_1485 : f32 to vector<400x12xf32>
    %get3A_1487 = arith.constant 1 : index
    %get3A_1488 = arith.constant 0 : index
    %get3A_1489 = arith.constant 0 : index
    %get3A_1490 = arith.constant 0 : index
    %get3A_1491 = vector.load %arg1[%get3A_1487, %get3A_1488, %get3A_1489, %get3A_1490] : memref<2x10x400x128xf32, #tpu.memory_space<vmem>>, vector<1x1x400x128xf32>
    %get3A_1492 = vector.shape_cast %get3A_1491 : vector<1x1x400x128xf32> to vector<400x128xf32>
    %get3A_1493 = arith.constant 2 : index
    %get3A_1494 = arith.constant 0 : index
    %get3A_1495 = arith.constant 0 : index
    %get3A_1496 = arith.constant 0 : index
    %get3A_1497 = vector.load %arg2[%get3A_1493, %get3A_1494, %get3A_1495, %get3A_1496] : memref<3x3x128x12xf32, #tpu.memory_space<vmem>>, vector<1x1x128x12xf32>
    %get3A_1498 = vector.shape_cast %get3A_1497 : vector<1x1x128x12xf32> to vector<128x12xf32>
    %dot_general3A_1499 = arith.constant dense<0.000000e+00> : vector<400x12xf32>
    %dot_general3A_1500 = tpu.matmul %get3A_1492, %get3A_1498, %dot_general3A_1499 {dimension_numbers = #tpu.dot_dimension_numbers<[1], [0], [0], [1], [0, 0, 1, 1], [], []>, transpose_lhs_hint = false} : vector<400x128xf32>, vector<128x12xf32>, vector<400x12xf32> -> vector<400x12xf32>
    %add3A_1501 = arith.addf %broadcast_in_dim3A_1486, %dot_general3A_1500 : vector<400x12xf32>
    %get3A_1502 = arith.constant 1 : index
    %get3A_1503 = arith.constant 1 : index
    %get3A_1504 = arith.constant 0 : index
    %get3A_1505 = arith.constant 0 : index
    %get3A_1506 = vector.load %arg1[%get3A_1502, %get3A_1503, %get3A_1504, %get3A_1505] : memref<2x10x400x128xf32, #tpu.memory_space<vmem>>, vector<1x1x400x128xf32>
    %get3A_1507 = vector.shape_cast %get3A_1506 : vector<1x1x400x128xf32> to vector<400x128xf32>
    %get3A_1508 = arith.constant 2 : index
    %get3A_1509 = arith.constant 1 : index
    %get3A_1510 = arith.constant 0 : index
    %get3A_1511 = arith.constant 0 : index
    %get3A_1512 = vector.load %arg2[%get3A_1508, %get3A_1509, %get3A_1510, %get3A_1511] : memref<3x3x128x12xf32, #tpu.memory_space<vmem>>, vector<1x1x128x12xf32>
    %get3A_1513 = vector.shape_cast %get3A_1512 : vector<1x1x128x12xf32> to vector<128x12xf32>
    %dot_general3A_1514 = arith.constant dense<0.000000e+00> : vector<400x12xf32>
    %dot_general3A_1515 = tpu.matmul %get3A_1507, %get3A_1513, %dot_general3A_1514 {dimension_numbers = #tpu.dot_dimension_numbers<[1], [0], [0], [1], [0, 0, 1, 1], [], []>, transpose_lhs_hint = false} : vector<400x128xf32>, vector<128x12xf32>, vector<400x12xf32> -> vector<400x12xf32>
    %add3A_1516 = arith.addf %add3A_1501, %dot_general3A_1515 : vector<400x12xf32>
    %get3A_1517 = arith.constant 1 : index
    %get3A_1518 = arith.constant 2 : index
    %get3A_1519 = arith.constant 0 : index
    %get3A_1520 = arith.constant 0 : index
    %get3A_1521 = vector.load %arg1[%get3A_1517, %get3A_1518, %get3A_1519, %get3A_1520] : memref<2x10x400x128xf32, #tpu.memory_space<vmem>>, vector<1x1x400x128xf32>
    %get3A_1522 = vector.shape_cast %get3A_1521 : vector<1x1x400x128xf32> to vector<400x128xf32>
    %get3A_1523 = arith.constant 2 : index
    %get3A_1524 = arith.constant 2 : index
    %get3A_1525 = arith.constant 0 : index
    %get3A_1526 = arith.constant 0 : index
    %get3A_1527 = vector.load %arg2[%get3A_1523, %get3A_1524, %get3A_1525, %get3A_1526] : memref<3x3x128x12xf32, #tpu.memory_space<vmem>>, vector<1x1x128x12xf32>
    %get3A_1528 = vector.shape_cast %get3A_1527 : vector<1x1x128x12xf32> to vector<128x12xf32>
    %dot_general3A_1529 = arith.constant dense<0.000000e+00> : vector<400x12xf32>
    %dot_general3A_1530 = tpu.matmul %get3A_1522, %get3A_1528, %dot_general3A_1529 {dimension_numbers = #tpu.dot_dimension_numbers<[1], [0], [0], [1], [0, 0, 1, 1], [], []>, transpose_lhs_hint = false} : vector<400x128xf32>, vector<128x12xf32>, vector<400x12xf32> -> vector<400x12xf32>
    %add3A_1531 = arith.addf %add3A_1516, %dot_general3A_1530 : vector<400x12xf32>
    %get3A_1532 = arith.constant 2 : index
    %get3A_1533 = arith.constant 0 : index
    %get3A_1534 = vector.load %arg3[%get3A_1532, %get3A_1533] : memref<3x12xf32, #tpu.memory_space<vmem>>, vector<1x12xf32>
    %get3A_1535 = vector.shape_cast %get3A_1534 : vector<1x12xf32> to vector<12xf32>
    %broadcast_in_dim3A_1536 = vector.shape_cast %get3A_1535 : vector<12xf32> to vector<1x12xf32>
    %add3A_1537 = vector.broadcast %broadcast_in_dim3A_1536 : vector<1x12xf32> to vector<400x12xf32>
    %add3A_1538 = arith.addf %add3A_1531, %add3A_1537 : vector<400x12xf32>
    %logistic3A_1539 = arith.negf %add3A_1484 : vector<400x12xf32>
    %logistic3A_1540 = math.exp %logistic3A_1539 : vector<400x12xf32>
    %logistic3A_1541 = arith.constant 1.000000e+00 : f32
    %logistic3A_1542 = vector.broadcast %logistic3A_1541 : f32 to vector<400x12xf32>
    %logistic3A_1543 = arith.addf %logistic3A_1542, %logistic3A_1540 : vector<400x12xf32>
    %logistic3A_1544 = arith.divf %logistic3A_1542, %logistic3A_1543 : vector<400x12xf32>
    %mul3A_1545 = arith.mulf %add3A_1430, %logistic3A_1544 : vector<400x12xf32>
    %add3A_1546 = arith.addf %mul3A_1545, %add3A_1538 : vector<400x12xf32>
    %max3A_1547 = arith.constant 0.000000e+00 : f32
    %max3A_1548 = vector.broadcast %max3A_1547 : f32 to vector<400x12xf32>
    %max3A_1549 = arith.maximumf %add3A_1546, %max3A_1548 : vector<400x12xf32>
    %broadcast_in_dim3A_1550 = arith.constant 0.000000e+00 : f32
    %broadcast_in_dim3A_1551 = vector.broadcast %broadcast_in_dim3A_1550 : f32 to vector<400x12xf32>
    %get3A_1552 = arith.constant 1 : index
    %get3A_1553 = arith.constant 1 : index
    %get3A_1554 = arith.constant 0 : index
    %get3A_1555 = arith.constant 0 : index
    %get3A_1556 = vector.load %arg1[%get3A_1552, %get3A_1553, %get3A_1554, %get3A_1555] : memref<2x10x400x128xf32, #tpu.memory_space<vmem>>, vector<1x1x400x128xf32>
    %get3A_1557 = vector.shape_cast %get3A_1556 : vector<1x1x400x128xf32> to vector<400x128xf32>
    %get3A_1558 = arith.constant 0 : index
    %get3A_1559 = arith.constant 0 : index
    %get3A_1560 = arith.constant 0 : index
    %get3A_1561 = arith.constant 0 : index
    %get3A_1562 = vector.load %arg2[%get3A_1558, %get3A_1559, %get3A_1560, %get3A_1561] : memref<3x3x128x12xf32, #tpu.memory_space<vmem>>, vector<1x1x128x12xf32>
    %get3A_1563 = vector.shape_cast %get3A_1562 : vector<1x1x128x12xf32> to vector<128x12xf32>
    %dot_general3A_1564 = arith.constant dense<0.000000e+00> : vector<400x12xf32>
    %dot_general3A_1565 = tpu.matmul %get3A_1557, %get3A_1563, %dot_general3A_1564 {dimension_numbers = #tpu.dot_dimension_numbers<[1], [0], [0], [1], [0, 0, 1, 1], [], []>, transpose_lhs_hint = false} : vector<400x128xf32>, vector<128x12xf32>, vector<400x12xf32> -> vector<400x12xf32>
    %add3A_1566 = arith.addf %broadcast_in_dim3A_1551, %dot_general3A_1565 : vector<400x12xf32>
    %get3A_1567 = arith.constant 1 : index
    %get3A_1568 = arith.constant 2 : index
    %get3A_1569 = arith.constant 0 : index
    %get3A_1570 = arith.constant 0 : index
    %get3A_1571 = vector.load %arg1[%get3A_1567, %get3A_1568, %get3A_1569, %get3A_1570] : memref<2x10x400x128xf32, #tpu.memory_space<vmem>>, vector<1x1x400x128xf32>
    %get3A_1572 = vector.shape_cast %get3A_1571 : vector<1x1x400x128xf32> to vector<400x128xf32>
    %get3A_1573 = arith.constant 0 : index
    %get3A_1574 = arith.constant 1 : index
    %get3A_1575 = arith.constant 0 : index
    %get3A_1576 = arith.constant 0 : index
    %get3A_1577 = vector.load %arg2[%get3A_1573, %get3A_1574, %get3A_1575, %get3A_1576] : memref<3x3x128x12xf32, #tpu.memory_space<vmem>>, vector<1x1x128x12xf32>
    %get3A_1578 = vector.shape_cast %get3A_1577 : vector<1x1x128x12xf32> to vector<128x12xf32>
    %dot_general3A_1579 = arith.constant dense<0.000000e+00> : vector<400x12xf32>
    %dot_general3A_1580 = tpu.matmul %get3A_1572, %get3A_1578, %dot_general3A_1579 {dimension_numbers = #tpu.dot_dimension_numbers<[1], [0], [0], [1], [0, 0, 1, 1], [], []>, transpose_lhs_hint = false} : vector<400x128xf32>, vector<128x12xf32>, vector<400x12xf32> -> vector<400x12xf32>
    %add3A_1581 = arith.addf %add3A_1566, %dot_general3A_1580 : vector<400x12xf32>
    %get3A_1582 = arith.constant 1 : index
    %get3A_1583 = arith.constant 3 : index
    %get3A_1584 = arith.constant 0 : index
    %get3A_1585 = arith.constant 0 : index
    %get3A_1586 = vector.load %arg1[%get3A_1582, %get3A_1583, %get3A_1584, %get3A_1585] : memref<2x10x400x128xf32, #tpu.memory_space<vmem>>, vector<1x1x400x128xf32>
    %get3A_1587 = vector.shape_cast %get3A_1586 : vector<1x1x400x128xf32> to vector<400x128xf32>
    %get3A_1588 = arith.constant 0 : index
    %get3A_1589 = arith.constant 2 : index
    %get3A_1590 = arith.constant 0 : index
    %get3A_1591 = arith.constant 0 : index
    %get3A_1592 = vector.load %arg2[%get3A_1588, %get3A_1589, %get3A_1590, %get3A_1591] : memref<3x3x128x12xf32, #tpu.memory_space<vmem>>, vector<1x1x128x12xf32>
    %get3A_1593 = vector.shape_cast %get3A_1592 : vector<1x1x128x12xf32> to vector<128x12xf32>
    %dot_general3A_1594 = arith.constant dense<0.000000e+00> : vector<400x12xf32>
    %dot_general3A_1595 = tpu.matmul %get3A_1587, %get3A_1593, %dot_general3A_1594 {dimension_numbers = #tpu.dot_dimension_numbers<[1], [0], [0], [1], [0, 0, 1, 1], [], []>, transpose_lhs_hint = false} : vector<400x128xf32>, vector<128x12xf32>, vector<400x12xf32> -> vector<400x12xf32>
    %add3A_1596 = arith.addf %add3A_1581, %dot_general3A_1595 : vector<400x12xf32>
    %get3A_1597 = arith.constant 0 : index
    %get3A_1598 = arith.constant 0 : index
    %get3A_1599 = vector.load %arg3[%get3A_1597, %get3A_1598] : memref<3x12xf32, #tpu.memory_space<vmem>>, vector<1x12xf32>
    %get3A_1600 = vector.shape_cast %get3A_1599 : vector<1x12xf32> to vector<12xf32>
    %broadcast_in_dim3A_1601 = vector.shape_cast %get3A_1600 : vector<12xf32> to vector<1x12xf32>
    %add3A_1602 = vector.broadcast %broadcast_in_dim3A_1601 : vector<1x12xf32> to vector<400x12xf32>
    %add3A_1603 = arith.addf %add3A_1596, %add3A_1602 : vector<400x12xf32>
    %broadcast_in_dim3A_1604 = arith.constant 0.000000e+00 : f32
    %broadcast_in_dim3A_1605 = vector.broadcast %broadcast_in_dim3A_1604 : f32 to vector<400x12xf32>
    %get3A_1606 = arith.constant 1 : index
    %get3A_1607 = arith.constant 1 : index
    %get3A_1608 = arith.constant 0 : index
    %get3A_1609 = arith.constant 0 : index
    %get3A_1610 = vector.load %arg1[%get3A_1606, %get3A_1607, %get3A_1608, %get3A_1609] : memref<2x10x400x128xf32, #tpu.memory_space<vmem>>, vector<1x1x400x128xf32>
    %get3A_1611 = vector.shape_cast %get3A_1610 : vector<1x1x400x128xf32> to vector<400x128xf32>
    %get3A_1612 = arith.constant 1 : index
    %get3A_1613 = arith.constant 0 : index
    %get3A_1614 = arith.constant 0 : index
    %get3A_1615 = arith.constant 0 : index
    %get3A_1616 = vector.load %arg2[%get3A_1612, %get3A_1613, %get3A_1614, %get3A_1615] : memref<3x3x128x12xf32, #tpu.memory_space<vmem>>, vector<1x1x128x12xf32>
    %get3A_1617 = vector.shape_cast %get3A_1616 : vector<1x1x128x12xf32> to vector<128x12xf32>
    %dot_general3A_1618 = arith.constant dense<0.000000e+00> : vector<400x12xf32>
    %dot_general3A_1619 = tpu.matmul %get3A_1611, %get3A_1617, %dot_general3A_1618 {dimension_numbers = #tpu.dot_dimension_numbers<[1], [0], [0], [1], [0, 0, 1, 1], [], []>, transpose_lhs_hint = false} : vector<400x128xf32>, vector<128x12xf32>, vector<400x12xf32> -> vector<400x12xf32>
    %add3A_1620 = arith.addf %broadcast_in_dim3A_1605, %dot_general3A_1619 : vector<400x12xf32>
    %get3A_1621 = arith.constant 1 : index
    %get3A_1622 = arith.constant 2 : index
    %get3A_1623 = arith.constant 0 : index
    %get3A_1624 = arith.constant 0 : index
    %get3A_1625 = vector.load %arg1[%get3A_1621, %get3A_1622, %get3A_1623, %get3A_1624] : memref<2x10x400x128xf32, #tpu.memory_space<vmem>>, vector<1x1x400x128xf32>
    %get3A_1626 = vector.shape_cast %get3A_1625 : vector<1x1x400x128xf32> to vector<400x128xf32>
    %get3A_1627 = arith.constant 1 : index
    %get3A_1628 = arith.constant 1 : index
    %get3A_1629 = arith.constant 0 : index
    %get3A_1630 = arith.constant 0 : index
    %get3A_1631 = vector.load %arg2[%get3A_1627, %get3A_1628, %get3A_1629, %get3A_1630] : memref<3x3x128x12xf32, #tpu.memory_space<vmem>>, vector<1x1x128x12xf32>
    %get3A_1632 = vector.shape_cast %get3A_1631 : vector<1x1x128x12xf32> to vector<128x12xf32>
    %dot_general3A_1633 = arith.constant dense<0.000000e+00> : vector<400x12xf32>
    %dot_general3A_1634 = tpu.matmul %get3A_1626, %get3A_1632, %dot_general3A_1633 {dimension_numbers = #tpu.dot_dimension_numbers<[1], [0], [0], [1], [0, 0, 1, 1], [], []>, transpose_lhs_hint = false} : vector<400x128xf32>, vector<128x12xf32>, vector<400x12xf32> -> vector<400x12xf32>
    %add3A_1635 = arith.addf %add3A_1620, %dot_general3A_1634 : vector<400x12xf32>
    %get3A_1636 = arith.constant 1 : index
    %get3A_1637 = arith.constant 3 : index
    %get3A_1638 = arith.constant 0 : index
    %get3A_1639 = arith.constant 0 : index
    %get3A_1640 = vector.load %arg1[%get3A_1636, %get3A_1637, %get3A_1638, %get3A_1639] : memref<2x10x400x128xf32, #tpu.memory_space<vmem>>, vector<1x1x400x128xf32>
    %get3A_1641 = vector.shape_cast %get3A_1640 : vector<1x1x400x128xf32> to vector<400x128xf32>
    %get3A_1642 = arith.constant 1 : index
    %get3A_1643 = arith.constant 2 : index
    %get3A_1644 = arith.constant 0 : index
    %get3A_1645 = arith.constant 0 : index
    %get3A_1646 = vector.load %arg2[%get3A_1642, %get3A_1643, %get3A_1644, %get3A_1645] : memref<3x3x128x12xf32, #tpu.memory_space<vmem>>, vector<1x1x128x12xf32>
    %get3A_1647 = vector.shape_cast %get3A_1646 : vector<1x1x128x12xf32> to vector<128x12xf32>
    %dot_general3A_1648 = arith.constant dense<0.000000e+00> : vector<400x12xf32>
    %dot_general3A_1649 = tpu.matmul %get3A_1641, %get3A_1647, %dot_general3A_1648 {dimension_numbers = #tpu.dot_dimension_numbers<[1], [0], [0], [1], [0, 0, 1, 1], [], []>, transpose_lhs_hint = false} : vector<400x128xf32>, vector<128x12xf32>, vector<400x12xf32> -> vector<400x12xf32>
    %add3A_1650 = arith.addf %add3A_1635, %dot_general3A_1649 : vector<400x12xf32>
    %get3A_1651 = arith.constant 1 : index
    %get3A_1652 = arith.constant 0 : index
    %get3A_1653 = vector.load %arg3[%get3A_1651, %get3A_1652] : memref<3x12xf32, #tpu.memory_space<vmem>>, vector<1x12xf32>
    %get3A_1654 = vector.shape_cast %get3A_1653 : vector<1x12xf32> to vector<12xf32>
    %broadcast_in_dim3A_1655 = vector.shape_cast %get3A_1654 : vector<12xf32> to vector<1x12xf32>
    %add3A_1656 = vector.broadcast %broadcast_in_dim3A_1655 : vector<1x12xf32> to vector<400x12xf32>
    %add3A_1657 = arith.addf %add3A_1650, %add3A_1656 : vector<400x12xf32>
    %broadcast_in_dim3A_1658 = arith.constant 0.000000e+00 : f32
    %broadcast_in_dim3A_1659 = vector.broadcast %broadcast_in_dim3A_1658 : f32 to vector<400x12xf32>
    %get3A_1660 = arith.constant 1 : index
    %get3A_1661 = arith.constant 1 : index
    %get3A_1662 = arith.constant 0 : index
    %get3A_1663 = arith.constant 0 : index
    %get3A_1664 = vector.load %arg1[%get3A_1660, %get3A_1661, %get3A_1662, %get3A_1663] : memref<2x10x400x128xf32, #tpu.memory_space<vmem>>, vector<1x1x400x128xf32>
    %get3A_1665 = vector.shape_cast %get3A_1664 : vector<1x1x400x128xf32> to vector<400x128xf32>
    %get3A_1666 = arith.constant 2 : index
    %get3A_1667 = arith.constant 0 : index
    %get3A_1668 = arith.constant 0 : index
    %get3A_1669 = arith.constant 0 : index
    %get3A_1670 = vector.load %arg2[%get3A_1666, %get3A_1667, %get3A_1668, %get3A_1669] : memref<3x3x128x12xf32, #tpu.memory_space<vmem>>, vector<1x1x128x12xf32>
    %get3A_1671 = vector.shape_cast %get3A_1670 : vector<1x1x128x12xf32> to vector<128x12xf32>
    %dot_general3A_1672 = arith.constant dense<0.000000e+00> : vector<400x12xf32>
    %dot_general3A_1673 = tpu.matmul %get3A_1665, %get3A_1671, %dot_general3A_1672 {dimension_numbers = #tpu.dot_dimension_numbers<[1], [0], [0], [1], [0, 0, 1, 1], [], []>, transpose_lhs_hint = false} : vector<400x128xf32>, vector<128x12xf32>, vector<400x12xf32> -> vector<400x12xf32>
    %add3A_1674 = arith.addf %broadcast_in_dim3A_1659, %dot_general3A_1673 : vector<400x12xf32>
    %get3A_1675 = arith.constant 1 : index
    %get3A_1676 = arith.constant 2 : index
    %get3A_1677 = arith.constant 0 : index
    %get3A_1678 = arith.constant 0 : index
    %get3A_1679 = vector.load %arg1[%get3A_1675, %get3A_1676, %get3A_1677, %get3A_1678] : memref<2x10x400x128xf32, #tpu.memory_space<vmem>>, vector<1x1x400x128xf32>
    %get3A_1680 = vector.shape_cast %get3A_1679 : vector<1x1x400x128xf32> to vector<400x128xf32>
    %get3A_1681 = arith.constant 2 : index
    %get3A_1682 = arith.constant 1 : index
    %get3A_1683 = arith.constant 0 : index
    %get3A_1684 = arith.constant 0 : index
    %get3A_1685 = vector.load %arg2[%get3A_1681, %get3A_1682, %get3A_1683, %get3A_1684] : memref<3x3x128x12xf32, #tpu.memory_space<vmem>>, vector<1x1x128x12xf32>
    %get3A_1686 = vector.shape_cast %get3A_1685 : vector<1x1x128x12xf32> to vector<128x12xf32>
    %dot_general3A_1687 = arith.constant dense<0.000000e+00> : vector<400x12xf32>
    %dot_general3A_1688 = tpu.matmul %get3A_1680, %get3A_1686, %dot_general3A_1687 {dimension_numbers = #tpu.dot_dimension_numbers<[1], [0], [0], [1], [0, 0, 1, 1], [], []>, transpose_lhs_hint = false} : vector<400x128xf32>, vector<128x12xf32>, vector<400x12xf32> -> vector<400x12xf32>
    %add3A_1689 = arith.addf %add3A_1674, %dot_general3A_1688 : vector<400x12xf32>
    %get3A_1690 = arith.constant 1 : index
    %get3A_1691 = arith.constant 3 : index
    %get3A_1692 = arith.constant 0 : index
    %get3A_1693 = arith.constant 0 : index
    %get3A_1694 = vector.load %arg1[%get3A_1690, %get3A_1691, %get3A_1692, %get3A_1693] : memref<2x10x400x128xf32, #tpu.memory_space<vmem>>, vector<1x1x400x128xf32>
    %get3A_1695 = vector.shape_cast %get3A_1694 : vector<1x1x400x128xf32> to vector<400x128xf32>
    %get3A_1696 = arith.constant 2 : index
    %get3A_1697 = arith.constant 2 : index
    %get3A_1698 = arith.constant 0 : index
    %get3A_1699 = arith.constant 0 : index
    %get3A_1700 = vector.load %arg2[%get3A_1696, %get3A_1697, %get3A_1698, %get3A_1699] : memref<3x3x128x12xf32, #tpu.memory_space<vmem>>, vector<1x1x128x12xf32>
    %get3A_1701 = vector.shape_cast %get3A_1700 : vector<1x1x128x12xf32> to vector<128x12xf32>
    %dot_general3A_1702 = arith.constant dense<0.000000e+00> : vector<400x12xf32>
    %dot_general3A_1703 = tpu.matmul %get3A_1695, %get3A_1701, %dot_general3A_1702 {dimension_numbers = #tpu.dot_dimension_numbers<[1], [0], [0], [1], [0, 0, 1, 1], [], []>, transpose_lhs_hint = false} : vector<400x128xf32>, vector<128x12xf32>, vector<400x12xf32> -> vector<400x12xf32>
    %add3A_1704 = arith.addf %add3A_1689, %dot_general3A_1703 : vector<400x12xf32>
    %get3A_1705 = arith.constant 2 : index
    %get3A_1706 = arith.constant 0 : index
    %get3A_1707 = vector.load %arg3[%get3A_1705, %get3A_1706] : memref<3x12xf32, #tpu.memory_space<vmem>>, vector<1x12xf32>
    %get3A_1708 = vector.shape_cast %get3A_1707 : vector<1x12xf32> to vector<12xf32>
    %broadcast_in_dim3A_1709 = vector.shape_cast %get3A_1708 : vector<12xf32> to vector<1x12xf32>
    %add3A_1710 = vector.broadcast %broadcast_in_dim3A_1709 : vector<1x12xf32> to vector<400x12xf32>
    %add3A_1711 = arith.addf %add3A_1704, %add3A_1710 : vector<400x12xf32>
    %logistic3A_1712 = arith.negf %add3A_1657 : vector<400x12xf32>
    %logistic3A_1713 = math.exp %logistic3A_1712 : vector<400x12xf32>
    %logistic3A_1714 = arith.constant 1.000000e+00 : f32
    %logistic3A_1715 = vector.broadcast %logistic3A_1714 : f32 to vector<400x12xf32>
    %logistic3A_1716 = arith.addf %logistic3A_1715, %logistic3A_1713 : vector<400x12xf32>
    %logistic3A_1717 = arith.divf %logistic3A_1715, %logistic3A_1716 : vector<400x12xf32>
    %mul3A_1718 = arith.mulf %add3A_1603, %logistic3A_1717 : vector<400x12xf32>
    %add3A_1719 = arith.addf %mul3A_1718, %add3A_1711 : vector<400x12xf32>
    %max3A_1720 = arith.constant 0.000000e+00 : f32
    %max3A_1721 = vector.broadcast %max3A_1720 : f32 to vector<400x12xf32>
    %max3A_1722 = arith.maximumf %add3A_1719, %max3A_1721 : vector<400x12xf32>
    %broadcast_in_dim3A_1723 = arith.constant 0.000000e+00 : f32
    %broadcast_in_dim3A_1724 = vector.broadcast %broadcast_in_dim3A_1723 : f32 to vector<400x12xf32>
    %get3A_1725 = arith.constant 1 : index
    %get3A_1726 = arith.constant 2 : index
    %get3A_1727 = arith.constant 0 : index
    %get3A_1728 = arith.constant 0 : index
    %get3A_1729 = vector.load %arg1[%get3A_1725, %get3A_1726, %get3A_1727, %get3A_1728] : memref<2x10x400x128xf32, #tpu.memory_space<vmem>>, vector<1x1x400x128xf32>
    %get3A_1730 = vector.shape_cast %get3A_1729 : vector<1x1x400x128xf32> to vector<400x128xf32>
    %get3A_1731 = arith.constant 0 : index
    %get3A_1732 = arith.constant 0 : index
    %get3A_1733 = arith.constant 0 : index
    %get3A_1734 = arith.constant 0 : index
    %get3A_1735 = vector.load %arg2[%get3A_1731, %get3A_1732, %get3A_1733, %get3A_1734] : memref<3x3x128x12xf32, #tpu.memory_space<vmem>>, vector<1x1x128x12xf32>
    %get3A_1736 = vector.shape_cast %get3A_1735 : vector<1x1x128x12xf32> to vector<128x12xf32>
    %dot_general3A_1737 = arith.constant dense<0.000000e+00> : vector<400x12xf32>
    %dot_general3A_1738 = tpu.matmul %get3A_1730, %get3A_1736, %dot_general3A_1737 {dimension_numbers = #tpu.dot_dimension_numbers<[1], [0], [0], [1], [0, 0, 1, 1], [], []>, transpose_lhs_hint = false} : vector<400x128xf32>, vector<128x12xf32>, vector<400x12xf32> -> vector<400x12xf32>
    %add3A_1739 = arith.addf %broadcast_in_dim3A_1724, %dot_general3A_1738 : vector<400x12xf32>
    %get3A_1740 = arith.constant 1 : index
    %get3A_1741 = arith.constant 3 : index
    %get3A_1742 = arith.constant 0 : index
    %get3A_1743 = arith.constant 0 : index
    %get3A_1744 = vector.load %arg1[%get3A_1740, %get3A_1741, %get3A_1742, %get3A_1743] : memref<2x10x400x128xf32, #tpu.memory_space<vmem>>, vector<1x1x400x128xf32>
    %get3A_1745 = vector.shape_cast %get3A_1744 : vector<1x1x400x128xf32> to vector<400x128xf32>
    %get3A_1746 = arith.constant 0 : index
    %get3A_1747 = arith.constant 1 : index
    %get3A_1748 = arith.constant 0 : index
    %get3A_1749 = arith.constant 0 : index
    %get3A_1750 = vector.load %arg2[%get3A_1746, %get3A_1747, %get3A_1748, %get3A_1749] : memref<3x3x128x12xf32, #tpu.memory_space<vmem>>, vector<1x1x128x12xf32>
    %get3A_1751 = vector.shape_cast %get3A_1750 : vector<1x1x128x12xf32> to vector<128x12xf32>
    %dot_general3A_1752 = arith.constant dense<0.000000e+00> : vector<400x12xf32>
    %dot_general3A_1753 = tpu.matmul %get3A_1745, %get3A_1751, %dot_general3A_1752 {dimension_numbers = #tpu.dot_dimension_numbers<[1], [0], [0], [1], [0, 0, 1, 1], [], []>, transpose_lhs_hint = false} : vector<400x128xf32>, vector<128x12xf32>, vector<400x12xf32> -> vector<400x12xf32>
    %add3A_1754 = arith.addf %add3A_1739, %dot_general3A_1753 : vector<400x12xf32>
    %get3A_1755 = arith.constant 1 : index
    %get3A_1756 = arith.constant 4 : index
    %get3A_1757 = arith.constant 0 : index
    %get3A_1758 = arith.constant 0 : index
    %get3A_1759 = vector.load %arg1[%get3A_1755, %get3A_1756, %get3A_1757, %get3A_1758] : memref<2x10x400x128xf32, #tpu.memory_space<vmem>>, vector<1x1x400x128xf32>
    %get3A_1760 = vector.shape_cast %get3A_1759 : vector<1x1x400x128xf32> to vector<400x128xf32>
    %get3A_1761 = arith.constant 0 : index
    %get3A_1762 = arith.constant 2 : index
    %get3A_1763 = arith.constant 0 : index
    %get3A_1764 = arith.constant 0 : index
    %get3A_1765 = vector.load %arg2[%get3A_1761, %get3A_1762, %get3A_1763, %get3A_1764] : memref<3x3x128x12xf32, #tpu.memory_space<vmem>>, vector<1x1x128x12xf32>
    %get3A_1766 = vector.shape_cast %get3A_1765 : vector<1x1x128x12xf32> to vector<128x12xf32>
    %dot_general3A_1767 = arith.constant dense<0.000000e+00> : vector<400x12xf32>
    %dot_general3A_1768 = tpu.matmul %get3A_1760, %get3A_1766, %dot_general3A_1767 {dimension_numbers = #tpu.dot_dimension_numbers<[1], [0], [0], [1], [0, 0, 1, 1], [], []>, transpose_lhs_hint = false} : vector<400x128xf32>, vector<128x12xf32>, vector<400x12xf32> -> vector<400x12xf32>
    %add3A_1769 = arith.addf %add3A_1754, %dot_general3A_1768 : vector<400x12xf32>
    %get3A_1770 = arith.constant 0 : index
    %get3A_1771 = arith.constant 0 : index
    %get3A_1772 = vector.load %arg3[%get3A_1770, %get3A_1771] : memref<3x12xf32, #tpu.memory_space<vmem>>, vector<1x12xf32>
    %get3A_1773 = vector.shape_cast %get3A_1772 : vector<1x12xf32> to vector<12xf32>
    %broadcast_in_dim3A_1774 = vector.shape_cast %get3A_1773 : vector<12xf32> to vector<1x12xf32>
    %add3A_1775 = vector.broadcast %broadcast_in_dim3A_1774 : vector<1x12xf32> to vector<400x12xf32>
    %add3A_1776 = arith.addf %add3A_1769, %add3A_1775 : vector<400x12xf32>
    %broadcast_in_dim3A_1777 = arith.constant 0.000000e+00 : f32
    %broadcast_in_dim3A_1778 = vector.broadcast %broadcast_in_dim3A_1777 : f32 to vector<400x12xf32>
    %get3A_1779 = arith.constant 1 : index
    %get3A_1780 = arith.constant 2 : index
    %get3A_1781 = arith.constant 0 : index
    %get3A_1782 = arith.constant 0 : index
    %get3A_1783 = vector.load %arg1[%get3A_1779, %get3A_1780, %get3A_1781, %get3A_1782] : memref<2x10x400x128xf32, #tpu.memory_space<vmem>>, vector<1x1x400x128xf32>
    %get3A_1784 = vector.shape_cast %get3A_1783 : vector<1x1x400x128xf32> to vector<400x128xf32>
    %get3A_1785 = arith.constant 1 : index
    %get3A_1786 = arith.constant 0 : index
    %get3A_1787 = arith.constant 0 : index
    %get3A_1788 = arith.constant 0 : index
    %get3A_1789 = vector.load %arg2[%get3A_1785, %get3A_1786, %get3A_1787, %get3A_1788] : memref<3x3x128x12xf32, #tpu.memory_space<vmem>>, vector<1x1x128x12xf32>
    %get3A_1790 = vector.shape_cast %get3A_1789 : vector<1x1x128x12xf32> to vector<128x12xf32>
    %dot_general3A_1791 = arith.constant dense<0.000000e+00> : vector<400x12xf32>
    %dot_general3A_1792 = tpu.matmul %get3A_1784, %get3A_1790, %dot_general3A_1791 {dimension_numbers = #tpu.dot_dimension_numbers<[1], [0], [0], [1], [0, 0, 1, 1], [], []>, transpose_lhs_hint = false} : vector<400x128xf32>, vector<128x12xf32>, vector<400x12xf32> -> vector<400x12xf32>
    %add3A_1793 = arith.addf %broadcast_in_dim3A_1778, %dot_general3A_1792 : vector<400x12xf32>
    %get3A_1794 = arith.constant 1 : index
    %get3A_1795 = arith.constant 3 : index
    %get3A_1796 = arith.constant 0 : index
    %get3A_1797 = arith.constant 0 : index
    %get3A_1798 = vector.load %arg1[%get3A_1794, %get3A_1795, %get3A_1796, %get3A_1797] : memref<2x10x400x128xf32, #tpu.memory_space<vmem>>, vector<1x1x400x128xf32>
    %get3A_1799 = vector.shape_cast %get3A_1798 : vector<1x1x400x128xf32> to vector<400x128xf32>
    %get3A_1800 = arith.constant 1 : index
    %get3A_1801 = arith.constant 1 : index
    %get3A_1802 = arith.constant 0 : index
    %get3A_1803 = arith.constant 0 : index
    %get3A_1804 = vector.load %arg2[%get3A_1800, %get3A_1801, %get3A_1802, %get3A_1803] : memref<3x3x128x12xf32, #tpu.memory_space<vmem>>, vector<1x1x128x12xf32>
    %get3A_1805 = vector.shape_cast %get3A_1804 : vector<1x1x128x12xf32> to vector<128x12xf32>
    %dot_general3A_1806 = arith.constant dense<0.000000e+00> : vector<400x12xf32>
    %dot_general3A_1807 = tpu.matmul %get3A_1799, %get3A_1805, %dot_general3A_1806 {dimension_numbers = #tpu.dot_dimension_numbers<[1], [0], [0], [1], [0, 0, 1, 1], [], []>, transpose_lhs_hint = false} : vector<400x128xf32>, vector<128x12xf32>, vector<400x12xf32> -> vector<400x12xf32>
    %add3A_1808 = arith.addf %add3A_1793, %dot_general3A_1807 : vector<400x12xf32>
    %get3A_1809 = arith.constant 1 : index
    %get3A_1810 = arith.constant 4 : index
    %get3A_1811 = arith.constant 0 : index
    %get3A_1812 = arith.constant 0 : index
    %get3A_1813 = vector.load %arg1[%get3A_1809, %get3A_1810, %get3A_1811, %get3A_1812] : memref<2x10x400x128xf32, #tpu.memory_space<vmem>>, vector<1x1x400x128xf32>
    %get3A_1814 = vector.shape_cast %get3A_1813 : vector<1x1x400x128xf32> to vector<400x128xf32>
    %get3A_1815 = arith.constant 1 : index
    %get3A_1816 = arith.constant 2 : index
    %get3A_1817 = arith.constant 0 : index
    %get3A_1818 = arith.constant 0 : index
    %get3A_1819 = vector.load %arg2[%get3A_1815, %get3A_1816, %get3A_1817, %get3A_1818] : memref<3x3x128x12xf32, #tpu.memory_space<vmem>>, vector<1x1x128x12xf32>
    %get3A_1820 = vector.shape_cast %get3A_1819 : vector<1x1x128x12xf32> to vector<128x12xf32>
    %dot_general3A_1821 = arith.constant dense<0.000000e+00> : vector<400x12xf32>
    %dot_general3A_1822 = tpu.matmul %get3A_1814, %get3A_1820, %dot_general3A_1821 {dimension_numbers = #tpu.dot_dimension_numbers<[1], [0], [0], [1], [0, 0, 1, 1], [], []>, transpose_lhs_hint = false} : vector<400x128xf32>, vector<128x12xf32>, vector<400x12xf32> -> vector<400x12xf32>
    %add3A_1823 = arith.addf %add3A_1808, %dot_general3A_1822 : vector<400x12xf32>
    %get3A_1824 = arith.constant 1 : index
    %get3A_1825 = arith.constant 0 : index
    %get3A_1826 = vector.load %arg3[%get3A_1824, %get3A_1825] : memref<3x12xf32, #tpu.memory_space<vmem>>, vector<1x12xf32>
    %get3A_1827 = vector.shape_cast %get3A_1826 : vector<1x12xf32> to vector<12xf32>
    %broadcast_in_dim3A_1828 = vector.shape_cast %get3A_1827 : vector<12xf32> to vector<1x12xf32>
    %add3A_1829 = vector.broadcast %broadcast_in_dim3A_1828 : vector<1x12xf32> to vector<400x12xf32>
    %add3A_1830 = arith.addf %add3A_1823, %add3A_1829 : vector<400x12xf32>
    %broadcast_in_dim3A_1831 = arith.constant 0.000000e+00 : f32
    %broadcast_in_dim3A_1832 = vector.broadcast %broadcast_in_dim3A_1831 : f32 to vector<400x12xf32>
    %get3A_1833 = arith.constant 1 : index
    %get3A_1834 = arith.constant 2 : index
    %get3A_1835 = arith.constant 0 : index
    %get3A_1836 = arith.constant 0 : index
    %get3A_1837 = vector.load %arg1[%get3A_1833, %get3A_1834, %get3A_1835, %get3A_1836] : memref<2x10x400x128xf32, #tpu.memory_space<vmem>>, vector<1x1x400x128xf32>
    %get3A_1838 = vector.shape_cast %get3A_1837 : vector<1x1x400x128xf32> to vector<400x128xf32>
    %get3A_1839 = arith.constant 2 : index
    %get3A_1840 = arith.constant 0 : index
    %get3A_1841 = arith.constant 0 : index
    %get3A_1842 = arith.constant 0 : index
    %get3A_1843 = vector.load %arg2[%get3A_1839, %get3A_1840, %get3A_1841, %get3A_1842] : memref<3x3x128x12xf32, #tpu.memory_space<vmem>>, vector<1x1x128x12xf32>
    %get3A_1844 = vector.shape_cast %get3A_1843 : vector<1x1x128x12xf32> to vector<128x12xf32>
    %dot_general3A_1845 = arith.constant dense<0.000000e+00> : vector<400x12xf32>
    %dot_general3A_1846 = tpu.matmul %get3A_1838, %get3A_1844, %dot_general3A_1845 {dimension_numbers = #tpu.dot_dimension_numbers<[1], [0], [0], [1], [0, 0, 1, 1], [], []>, transpose_lhs_hint = false} : vector<400x128xf32>, vector<128x12xf32>, vector<400x12xf32> -> vector<400x12xf32>
    %add3A_1847 = arith.addf %broadcast_in_dim3A_1832, %dot_general3A_1846 : vector<400x12xf32>
    %get3A_1848 = arith.constant 1 : index
    %get3A_1849 = arith.constant 3 : index
    %get3A_1850 = arith.constant 0 : index
    %get3A_1851 = arith.constant 0 : index
    %get3A_1852 = vector.load %arg1[%get3A_1848, %get3A_1849, %get3A_1850, %get3A_1851] : memref<2x10x400x128xf32, #tpu.memory_space<vmem>>, vector<1x1x400x128xf32>
    %get3A_1853 = vector.shape_cast %get3A_1852 : vector<1x1x400x128xf32> to vector<400x128xf32>
    %get3A_1854 = arith.constant 2 : index
    %get3A_1855 = arith.constant 1 : index
    %get3A_1856 = arith.constant 0 : index
    %get3A_1857 = arith.constant 0 : index
    %get3A_1858 = vector.load %arg2[%get3A_1854, %get3A_1855, %get3A_1856, %get3A_1857] : memref<3x3x128x12xf32, #tpu.memory_space<vmem>>, vector<1x1x128x12xf32>
    %get3A_1859 = vector.shape_cast %get3A_1858 : vector<1x1x128x12xf32> to vector<128x12xf32>
    %dot_general3A_1860 = arith.constant dense<0.000000e+00> : vector<400x12xf32>
    %dot_general3A_1861 = tpu.matmul %get3A_1853, %get3A_1859, %dot_general3A_1860 {dimension_numbers = #tpu.dot_dimension_numbers<[1], [0], [0], [1], [0, 0, 1, 1], [], []>, transpose_lhs_hint = false} : vector<400x128xf32>, vector<128x12xf32>, vector<400x12xf32> -> vector<400x12xf32>
    %add3A_1862 = arith.addf %add3A_1847, %dot_general3A_1861 : vector<400x12xf32>
    %get3A_1863 = arith.constant 1 : index
    %get3A_1864 = arith.constant 4 : index
    %get3A_1865 = arith.constant 0 : index
    %get3A_1866 = arith.constant 0 : index
    %get3A_1867 = vector.load %arg1[%get3A_1863, %get3A_1864, %get3A_1865, %get3A_1866] : memref<2x10x400x128xf32, #tpu.memory_space<vmem>>, vector<1x1x400x128xf32>
    %get3A_1868 = vector.shape_cast %get3A_1867 : vector<1x1x400x128xf32> to vector<400x128xf32>
    %get3A_1869 = arith.constant 2 : index
    %get3A_1870 = arith.constant 2 : index
    %get3A_1871 = arith.constant 0 : index
    %get3A_1872 = arith.constant 0 : index
    %get3A_1873 = vector.load %arg2[%get3A_1869, %get3A_1870, %get3A_1871, %get3A_1872] : memref<3x3x128x12xf32, #tpu.memory_space<vmem>>, vector<1x1x128x12xf32>
    %get3A_1874 = vector.shape_cast %get3A_1873 : vector<1x1x128x12xf32> to vector<128x12xf32>
    %dot_general3A_1875 = arith.constant dense<0.000000e+00> : vector<400x12xf32>
    %dot_general3A_1876 = tpu.matmul %get3A_1868, %get3A_1874, %dot_general3A_1875 {dimension_numbers = #tpu.dot_dimension_numbers<[1], [0], [0], [1], [0, 0, 1, 1], [], []>, transpose_lhs_hint = false} : vector<400x128xf32>, vector<128x12xf32>, vector<400x12xf32> -> vector<400x12xf32>
    %add3A_1877 = arith.addf %add3A_1862, %dot_general3A_1876 : vector<400x12xf32>
    %get3A_1878 = arith.constant 2 : index
    %get3A_1879 = arith.constant 0 : index
    %get3A_1880 = vector.load %arg3[%get3A_1878, %get3A_1879] : memref<3x12xf32, #tpu.memory_space<vmem>>, vector<1x12xf32>
    %get3A_1881 = vector.shape_cast %get3A_1880 : vector<1x12xf32> to vector<12xf32>
    %broadcast_in_dim3A_1882 = vector.shape_cast %get3A_1881 : vector<12xf32> to vector<1x12xf32>
    %add3A_1883 = vector.broadcast %broadcast_in_dim3A_1882 : vector<1x12xf32> to vector<400x12xf32>
    %add3A_1884 = arith.addf %add3A_1877, %add3A_1883 : vector<400x12xf32>
    %logistic3A_1885 = arith.negf %add3A_1830 : vector<400x12xf32>
    %logistic3A_1886 = math.exp %logistic3A_1885 : vector<400x12xf32>
    %logistic3A_1887 = arith.constant 1.000000e+00 : f32
    %logistic3A_1888 = vector.broadcast %logistic3A_1887 : f32 to vector<400x12xf32>
    %logistic3A_1889 = arith.addf %logistic3A_1888, %logistic3A_1886 : vector<400x12xf32>
    %logistic3A_1890 = arith.divf %logistic3A_1888, %logistic3A_1889 : vector<400x12xf32>
    %mul3A_1891 = arith.mulf %add3A_1776, %logistic3A_1890 : vector<400x12xf32>
    %add3A_1892 = arith.addf %mul3A_1891, %add3A_1884 : vector<400x12xf32>
    %max3A_1893 = arith.constant 0.000000e+00 : f32
    %max3A_1894 = vector.broadcast %max3A_1893 : f32 to vector<400x12xf32>
    %max3A_1895 = arith.maximumf %add3A_1892, %max3A_1894 : vector<400x12xf32>
    %broadcast_in_dim3A_1896 = arith.constant 0.000000e+00 : f32
    %broadcast_in_dim3A_1897 = vector.broadcast %broadcast_in_dim3A_1896 : f32 to vector<400x12xf32>
    %get3A_1898 = arith.constant 1 : index
    %get3A_1899 = arith.constant 3 : index
    %get3A_1900 = arith.constant 0 : index
    %get3A_1901 = arith.constant 0 : index
    %get3A_1902 = vector.load %arg1[%get3A_1898, %get3A_1899, %get3A_1900, %get3A_1901] : memref<2x10x400x128xf32, #tpu.memory_space<vmem>>, vector<1x1x400x128xf32>
    %get3A_1903 = vector.shape_cast %get3A_1902 : vector<1x1x400x128xf32> to vector<400x128xf32>
    %get3A_1904 = arith.constant 0 : index
    %get3A_1905 = arith.constant 0 : index
    %get3A_1906 = arith.constant 0 : index
    %get3A_1907 = arith.constant 0 : index
    %get3A_1908 = vector.load %arg2[%get3A_1904, %get3A_1905, %get3A_1906, %get3A_1907] : memref<3x3x128x12xf32, #tpu.memory_space<vmem>>, vector<1x1x128x12xf32>
    %get3A_1909 = vector.shape_cast %get3A_1908 : vector<1x1x128x12xf32> to vector<128x12xf32>
    %dot_general3A_1910 = arith.constant dense<0.000000e+00> : vector<400x12xf32>
    %dot_general3A_1911 = tpu.matmul %get3A_1903, %get3A_1909, %dot_general3A_1910 {dimension_numbers = #tpu.dot_dimension_numbers<[1], [0], [0], [1], [0, 0, 1, 1], [], []>, transpose_lhs_hint = false} : vector<400x128xf32>, vector<128x12xf32>, vector<400x12xf32> -> vector<400x12xf32>
    %add3A_1912 = arith.addf %broadcast_in_dim3A_1897, %dot_general3A_1911 : vector<400x12xf32>
    %get3A_1913 = arith.constant 1 : index
    %get3A_1914 = arith.constant 4 : index
    %get3A_1915 = arith.constant 0 : index
    %get3A_1916 = arith.constant 0 : index
    %get3A_1917 = vector.load %arg1[%get3A_1913, %get3A_1914, %get3A_1915, %get3A_1916] : memref<2x10x400x128xf32, #tpu.memory_space<vmem>>, vector<1x1x400x128xf32>
    %get3A_1918 = vector.shape_cast %get3A_1917 : vector<1x1x400x128xf32> to vector<400x128xf32>
    %get3A_1919 = arith.constant 0 : index
    %get3A_1920 = arith.constant 1 : index
    %get3A_1921 = arith.constant 0 : index
    %get3A_1922 = arith.constant 0 : index
    %get3A_1923 = vector.load %arg2[%get3A_1919, %get3A_1920, %get3A_1921, %get3A_1922] : memref<3x3x128x12xf32, #tpu.memory_space<vmem>>, vector<1x1x128x12xf32>
    %get3A_1924 = vector.shape_cast %get3A_1923 : vector<1x1x128x12xf32> to vector<128x12xf32>
    %dot_general3A_1925 = arith.constant dense<0.000000e+00> : vector<400x12xf32>
    %dot_general3A_1926 = tpu.matmul %get3A_1918, %get3A_1924, %dot_general3A_1925 {dimension_numbers = #tpu.dot_dimension_numbers<[1], [0], [0], [1], [0, 0, 1, 1], [], []>, transpose_lhs_hint = false} : vector<400x128xf32>, vector<128x12xf32>, vector<400x12xf32> -> vector<400x12xf32>
    %add3A_1927 = arith.addf %add3A_1912, %dot_general3A_1926 : vector<400x12xf32>
    %get3A_1928 = arith.constant 1 : index
    %get3A_1929 = arith.constant 5 : index
    %get3A_1930 = arith.constant 0 : index
    %get3A_1931 = arith.constant 0 : index
    %get3A_1932 = vector.load %arg1[%get3A_1928, %get3A_1929, %get3A_1930, %get3A_1931] : memref<2x10x400x128xf32, #tpu.memory_space<vmem>>, vector<1x1x400x128xf32>
    %get3A_1933 = vector.shape_cast %get3A_1932 : vector<1x1x400x128xf32> to vector<400x128xf32>
    %get3A_1934 = arith.constant 0 : index
    %get3A_1935 = arith.constant 2 : index
    %get3A_1936 = arith.constant 0 : index
    %get3A_1937 = arith.constant 0 : index
    %get3A_1938 = vector.load %arg2[%get3A_1934, %get3A_1935, %get3A_1936, %get3A_1937] : memref<3x3x128x12xf32, #tpu.memory_space<vmem>>, vector<1x1x128x12xf32>
    %get3A_1939 = vector.shape_cast %get3A_1938 : vector<1x1x128x12xf32> to vector<128x12xf32>
    %dot_general3A_1940 = arith.constant dense<0.000000e+00> : vector<400x12xf32>
    %dot_general3A_1941 = tpu.matmul %get3A_1933, %get3A_1939, %dot_general3A_1940 {dimension_numbers = #tpu.dot_dimension_numbers<[1], [0], [0], [1], [0, 0, 1, 1], [], []>, transpose_lhs_hint = false} : vector<400x128xf32>, vector<128x12xf32>, vector<400x12xf32> -> vector<400x12xf32>
    %add3A_1942 = arith.addf %add3A_1927, %dot_general3A_1941 : vector<400x12xf32>
    %get3A_1943 = arith.constant 0 : index
    %get3A_1944 = arith.constant 0 : index
    %get3A_1945 = vector.load %arg3[%get3A_1943, %get3A_1944] : memref<3x12xf32, #tpu.memory_space<vmem>>, vector<1x12xf32>
    %get3A_1946 = vector.shape_cast %get3A_1945 : vector<1x12xf32> to vector<12xf32>
    %broadcast_in_dim3A_1947 = vector.shape_cast %get3A_1946 : vector<12xf32> to vector<1x12xf32>
    %add3A_1948 = vector.broadcast %broadcast_in_dim3A_1947 : vector<1x12xf32> to vector<400x12xf32>
    %add3A_1949 = arith.addf %add3A_1942, %add3A_1948 : vector<400x12xf32>
    %broadcast_in_dim3A_1950 = arith.constant 0.000000e+00 : f32
    %broadcast_in_dim3A_1951 = vector.broadcast %broadcast_in_dim3A_1950 : f32 to vector<400x12xf32>
    %get3A_1952 = arith.constant 1 : index
    %get3A_1953 = arith.constant 3 : index
    %get3A_1954 = arith.constant 0 : index
    %get3A_1955 = arith.constant 0 : index
    %get3A_1956 = vector.load %arg1[%get3A_1952, %get3A_1953, %get3A_1954, %get3A_1955] : memref<2x10x400x128xf32, #tpu.memory_space<vmem>>, vector<1x1x400x128xf32>
    %get3A_1957 = vector.shape_cast %get3A_1956 : vector<1x1x400x128xf32> to vector<400x128xf32>
    %get3A_1958 = arith.constant 1 : index
    %get3A_1959 = arith.constant 0 : index
    %get3A_1960 = arith.constant 0 : index
    %get3A_1961 = arith.constant 0 : index
    %get3A_1962 = vector.load %arg2[%get3A_1958, %get3A_1959, %get3A_1960, %get3A_1961] : memref<3x3x128x12xf32, #tpu.memory_space<vmem>>, vector<1x1x128x12xf32>
    %get3A_1963 = vector.shape_cast %get3A_1962 : vector<1x1x128x12xf32> to vector<128x12xf32>
    %dot_general3A_1964 = arith.constant dense<0.000000e+00> : vector<400x12xf32>
    %dot_general3A_1965 = tpu.matmul %get3A_1957, %get3A_1963, %dot_general3A_1964 {dimension_numbers = #tpu.dot_dimension_numbers<[1], [0], [0], [1], [0, 0, 1, 1], [], []>, transpose_lhs_hint = false} : vector<400x128xf32>, vector<128x12xf32>, vector<400x12xf32> -> vector<400x12xf32>
    %add3A_1966 = arith.addf %broadcast_in_dim3A_1951, %dot_general3A_1965 : vector<400x12xf32>
    %get3A_1967 = arith.constant 1 : index
    %get3A_1968 = arith.constant 4 : index
    %get3A_1969 = arith.constant 0 : index
    %get3A_1970 = arith.constant 0 : index
    %get3A_1971 = vector.load %arg1[%get3A_1967, %get3A_1968, %get3A_1969, %get3A_1970] : memref<2x10x400x128xf32, #tpu.memory_space<vmem>>, vector<1x1x400x128xf32>
    %get3A_1972 = vector.shape_cast %get3A_1971 : vector<1x1x400x128xf32> to vector<400x128xf32>
    %get3A_1973 = arith.constant 1 : index
    %get3A_1974 = arith.constant 1 : index
    %get3A_1975 = arith.constant 0 : index
    %get3A_1976 = arith.constant 0 : index
    %get3A_1977 = vector.load %arg2[%get3A_1973, %get3A_1974, %get3A_1975, %get3A_1976] : memref<3x3x128x12xf32, #tpu.memory_space<vmem>>, vector<1x1x128x12xf32>
    %get3A_1978 = vector.shape_cast %get3A_1977 : vector<1x1x128x12xf32> to vector<128x12xf32>
    %dot_general3A_1979 = arith.constant dense<0.000000e+00> : vector<400x12xf32>
    %dot_general3A_1980 = tpu.matmul %get3A_1972, %get3A_1978, %dot_general3A_1979 {dimension_numbers = #tpu.dot_dimension_numbers<[1], [0], [0], [1], [0, 0, 1, 1], [], []>, transpose_lhs_hint = false} : vector<400x128xf32>, vector<128x12xf32>, vector<400x12xf32> -> vector<400x12xf32>
    %add3A_1981 = arith.addf %add3A_1966, %dot_general3A_1980 : vector<400x12xf32>
    %get3A_1982 = arith.constant 1 : index
    %get3A_1983 = arith.constant 5 : index
    %get3A_1984 = arith.constant 0 : index
    %get3A_1985 = arith.constant 0 : index
    %get3A_1986 = vector.load %arg1[%get3A_1982, %get3A_1983, %get3A_1984, %get3A_1985] : memref<2x10x400x128xf32, #tpu.memory_space<vmem>>, vector<1x1x400x128xf32>
    %get3A_1987 = vector.shape_cast %get3A_1986 : vector<1x1x400x128xf32> to vector<400x128xf32>
    %get3A_1988 = arith.constant 1 : index
    %get3A_1989 = arith.constant 2 : index
    %get3A_1990 = arith.constant 0 : index
    %get3A_1991 = arith.constant 0 : index
    %get3A_1992 = vector.load %arg2[%get3A_1988, %get3A_1989, %get3A_1990, %get3A_1991] : memref<3x3x128x12xf32, #tpu.memory_space<vmem>>, vector<1x1x128x12xf32>
    %get3A_1993 = vector.shape_cast %get3A_1992 : vector<1x1x128x12xf32> to vector<128x12xf32>
    %dot_general3A_1994 = arith.constant dense<0.000000e+00> : vector<400x12xf32>
    %dot_general3A_1995 = tpu.matmul %get3A_1987, %get3A_1993, %dot_general3A_1994 {dimension_numbers = #tpu.dot_dimension_numbers<[1], [0], [0], [1], [0, 0, 1, 1], [], []>, transpose_lhs_hint = false} : vector<400x128xf32>, vector<128x12xf32>, vector<400x12xf32> -> vector<400x12xf32>
    %add3A_1996 = arith.addf %add3A_1981, %dot_general3A_1995 : vector<400x12xf32>
    %get3A_1997 = arith.constant 1 : index
    %get3A_1998 = arith.constant 0 : index
    %get3A_1999 = vector.load %arg3[%get3A_1997, %get3A_1998] : memref<3x12xf32, #tpu.memory_space<vmem>>, vector<1x12xf32>
    %get3A_2000 = vector.shape_cast %get3A_1999 : vector<1x12xf32> to vector<12xf32>
    %broadcast_in_dim3A_2001 = vector.shape_cast %get3A_2000 : vector<12xf32> to vector<1x12xf32>
    %add3A_2002 = vector.broadcast %broadcast_in_dim3A_2001 : vector<1x12xf32> to vector<400x12xf32>
    %add3A_2003 = arith.addf %add3A_1996, %add3A_2002 : vector<400x12xf32>
    %broadcast_in_dim3A_2004 = arith.constant 0.000000e+00 : f32
    %broadcast_in_dim3A_2005 = vector.broadcast %broadcast_in_dim3A_2004 : f32 to vector<400x12xf32>
    %get3A_2006 = arith.constant 1 : index
    %get3A_2007 = arith.constant 3 : index
    %get3A_2008 = arith.constant 0 : index
    %get3A_2009 = arith.constant 0 : index
    %get3A_2010 = vector.load %arg1[%get3A_2006, %get3A_2007, %get3A_2008, %get3A_2009] : memref<2x10x400x128xf32, #tpu.memory_space<vmem>>, vector<1x1x400x128xf32>
    %get3A_2011 = vector.shape_cast %get3A_2010 : vector<1x1x400x128xf32> to vector<400x128xf32>
    %get3A_2012 = arith.constant 2 : index
    %get3A_2013 = arith.constant 0 : index
    %get3A_2014 = arith.constant 0 : index
    %get3A_2015 = arith.constant 0 : index
    %get3A_2016 = vector.load %arg2[%get3A_2012, %get3A_2013, %get3A_2014, %get3A_2015] : memref<3x3x128x12xf32, #tpu.memory_space<vmem>>, vector<1x1x128x12xf32>
    %get3A_2017 = vector.shape_cast %get3A_2016 : vector<1x1x128x12xf32> to vector<128x12xf32>
    %dot_general3A_2018 = arith.constant dense<0.000000e+00> : vector<400x12xf32>
    %dot_general3A_2019 = tpu.matmul %get3A_2011, %get3A_2017, %dot_general3A_2018 {dimension_numbers = #tpu.dot_dimension_numbers<[1], [0], [0], [1], [0, 0, 1, 1], [], []>, transpose_lhs_hint = false} : vector<400x128xf32>, vector<128x12xf32>, vector<400x12xf32> -> vector<400x12xf32>
    %add3A_2020 = arith.addf %broadcast_in_dim3A_2005, %dot_general3A_2019 : vector<400x12xf32>
    %get3A_2021 = arith.constant 1 : index
    %get3A_2022 = arith.constant 4 : index
    %get3A_2023 = arith.constant 0 : index
    %get3A_2024 = arith.constant 0 : index
    %get3A_2025 = vector.load %arg1[%get3A_2021, %get3A_2022, %get3A_2023, %get3A_2024] : memref<2x10x400x128xf32, #tpu.memory_space<vmem>>, vector<1x1x400x128xf32>
    %get3A_2026 = vector.shape_cast %get3A_2025 : vector<1x1x400x128xf32> to vector<400x128xf32>
    %get3A_2027 = arith.constant 2 : index
    %get3A_2028 = arith.constant 1 : index
    %get3A_2029 = arith.constant 0 : index
    %get3A_2030 = arith.constant 0 : index
    %get3A_2031 = vector.load %arg2[%get3A_2027, %get3A_2028, %get3A_2029, %get3A_2030] : memref<3x3x128x12xf32, #tpu.memory_space<vmem>>, vector<1x1x128x12xf32>
    %get3A_2032 = vector.shape_cast %get3A_2031 : vector<1x1x128x12xf32> to vector<128x12xf32>
    %dot_general3A_2033 = arith.constant dense<0.000000e+00> : vector<400x12xf32>
    %dot_general3A_2034 = tpu.matmul %get3A_2026, %get3A_2032, %dot_general3A_2033 {dimension_numbers = #tpu.dot_dimension_numbers<[1], [0], [0], [1], [0, 0, 1, 1], [], []>, transpose_lhs_hint = false} : vector<400x128xf32>, vector<128x12xf32>, vector<400x12xf32> -> vector<400x12xf32>
    %add3A_2035 = arith.addf %add3A_2020, %dot_general3A_2034 : vector<400x12xf32>
    %get3A_2036 = arith.constant 1 : index
    %get3A_2037 = arith.constant 5 : index
    %get3A_2038 = arith.constant 0 : index
    %get3A_2039 = arith.constant 0 : index
    %get3A_2040 = vector.load %arg1[%get3A_2036, %get3A_2037, %get3A_2038, %get3A_2039] : memref<2x10x400x128xf32, #tpu.memory_space<vmem>>, vector<1x1x400x128xf32>
    %get3A_2041 = vector.shape_cast %get3A_2040 : vector<1x1x400x128xf32> to vector<400x128xf32>
    %get3A_2042 = arith.constant 2 : index
    %get3A_2043 = arith.constant 2 : index
    %get3A_2044 = arith.constant 0 : index
    %get3A_2045 = arith.constant 0 : index
    %get3A_2046 = vector.load %arg2[%get3A_2042, %get3A_2043, %get3A_2044, %get3A_2045] : memref<3x3x128x12xf32, #tpu.memory_space<vmem>>, vector<1x1x128x12xf32>
    %get3A_2047 = vector.shape_cast %get3A_2046 : vector<1x1x128x12xf32> to vector<128x12xf32>
    %dot_general3A_2048 = arith.constant dense<0.000000e+00> : vector<400x12xf32>
    %dot_general3A_2049 = tpu.matmul %get3A_2041, %get3A_2047, %dot_general3A_2048 {dimension_numbers = #tpu.dot_dimension_numbers<[1], [0], [0], [1], [0, 0, 1, 1], [], []>, transpose_lhs_hint = false} : vector<400x128xf32>, vector<128x12xf32>, vector<400x12xf32> -> vector<400x12xf32>
    %add3A_2050 = arith.addf %add3A_2035, %dot_general3A_2049 : vector<400x12xf32>
    %get3A_2051 = arith.constant 2 : index
    %get3A_2052 = arith.constant 0 : index
    %get3A_2053 = vector.load %arg3[%get3A_2051, %get3A_2052] : memref<3x12xf32, #tpu.memory_space<vmem>>, vector<1x12xf32>
    %get3A_2054 = vector.shape_cast %get3A_2053 : vector<1x12xf32> to vector<12xf32>
    %broadcast_in_dim3A_2055 = vector.shape_cast %get3A_2054 : vector<12xf32> to vector<1x12xf32>
    %add3A_2056 = vector.broadcast %broadcast_in_dim3A_2055 : vector<1x12xf32> to vector<400x12xf32>
    %add3A_2057 = arith.addf %add3A_2050, %add3A_2056 : vector<400x12xf32>
    %logistic3A_2058 = arith.negf %add3A_2003 : vector<400x12xf32>
    %logistic3A_2059 = math.exp %logistic3A_2058 : vector<400x12xf32>
    %logistic3A_2060 = arith.constant 1.000000e+00 : f32
    %logistic3A_2061 = vector.broadcast %logistic3A_2060 : f32 to vector<400x12xf32>
    %logistic3A_2062 = arith.addf %logistic3A_2061, %logistic3A_2059 : vector<400x12xf32>
    %logistic3A_2063 = arith.divf %logistic3A_2061, %logistic3A_2062 : vector<400x12xf32>
    %mul3A_2064 = arith.mulf %add3A_1949, %logistic3A_2063 : vector<400x12xf32>
    %add3A_2065 = arith.addf %mul3A_2064, %add3A_2057 : vector<400x12xf32>
    %max3A_2066 = arith.constant 0.000000e+00 : f32
    %max3A_2067 = vector.broadcast %max3A_2066 : f32 to vector<400x12xf32>
    %max3A_2068 = arith.maximumf %add3A_2065, %max3A_2067 : vector<400x12xf32>
    %broadcast_in_dim3A_2069 = arith.constant 0.000000e+00 : f32
    %broadcast_in_dim3A_2070 = vector.broadcast %broadcast_in_dim3A_2069 : f32 to vector<400x12xf32>
    %get3A_2071 = arith.constant 1 : index
    %get3A_2072 = arith.constant 4 : index
    %get3A_2073 = arith.constant 0 : index
    %get3A_2074 = arith.constant 0 : index
    %get3A_2075 = vector.load %arg1[%get3A_2071, %get3A_2072, %get3A_2073, %get3A_2074] : memref<2x10x400x128xf32, #tpu.memory_space<vmem>>, vector<1x1x400x128xf32>
    %get3A_2076 = vector.shape_cast %get3A_2075 : vector<1x1x400x128xf32> to vector<400x128xf32>
    %get3A_2077 = arith.constant 0 : index
    %get3A_2078 = arith.constant 0 : index
    %get3A_2079 = arith.constant 0 : index
    %get3A_2080 = arith.constant 0 : index
    %get3A_2081 = vector.load %arg2[%get3A_2077, %get3A_2078, %get3A_2079, %get3A_2080] : memref<3x3x128x12xf32, #tpu.memory_space<vmem>>, vector<1x1x128x12xf32>
    %get3A_2082 = vector.shape_cast %get3A_2081 : vector<1x1x128x12xf32> to vector<128x12xf32>
    %dot_general3A_2083 = arith.constant dense<0.000000e+00> : vector<400x12xf32>
    %dot_general3A_2084 = tpu.matmul %get3A_2076, %get3A_2082, %dot_general3A_2083 {dimension_numbers = #tpu.dot_dimension_numbers<[1], [0], [0], [1], [0, 0, 1, 1], [], []>, transpose_lhs_hint = false} : vector<400x128xf32>, vector<128x12xf32>, vector<400x12xf32> -> vector<400x12xf32>
    %add3A_2085 = arith.addf %broadcast_in_dim3A_2070, %dot_general3A_2084 : vector<400x12xf32>
    %get3A_2086 = arith.constant 1 : index
    %get3A_2087 = arith.constant 5 : index
    %get3A_2088 = arith.constant 0 : index
    %get3A_2089 = arith.constant 0 : index
    %get3A_2090 = vector.load %arg1[%get3A_2086, %get3A_2087, %get3A_2088, %get3A_2089] : memref<2x10x400x128xf32, #tpu.memory_space<vmem>>, vector<1x1x400x128xf32>
    %get3A_2091 = vector.shape_cast %get3A_2090 : vector<1x1x400x128xf32> to vector<400x128xf32>
    %get3A_2092 = arith.constant 0 : index
    %get3A_2093 = arith.constant 1 : index
    %get3A_2094 = arith.constant 0 : index
    %get3A_2095 = arith.constant 0 : index
    %get3A_2096 = vector.load %arg2[%get3A_2092, %get3A_2093, %get3A_2094, %get3A_2095] : memref<3x3x128x12xf32, #tpu.memory_space<vmem>>, vector<1x1x128x12xf32>
    %get3A_2097 = vector.shape_cast %get3A_2096 : vector<1x1x128x12xf32> to vector<128x12xf32>
    %dot_general3A_2098 = arith.constant dense<0.000000e+00> : vector<400x12xf32>
    %dot_general3A_2099 = tpu.matmul %get3A_2091, %get3A_2097, %dot_general3A_2098 {dimension_numbers = #tpu.dot_dimension_numbers<[1], [0], [0], [1], [0, 0, 1, 1], [], []>, transpose_lhs_hint = false} : vector<400x128xf32>, vector<128x12xf32>, vector<400x12xf32> -> vector<400x12xf32>
    %add3A_2100 = arith.addf %add3A_2085, %dot_general3A_2099 : vector<400x12xf32>
    %get3A_2101 = arith.constant 1 : index
    %get3A_2102 = arith.constant 6 : index
    %get3A_2103 = arith.constant 0 : index
    %get3A_2104 = arith.constant 0 : index
    %get3A_2105 = vector.load %arg1[%get3A_2101, %get3A_2102, %get3A_2103, %get3A_2104] : memref<2x10x400x128xf32, #tpu.memory_space<vmem>>, vector<1x1x400x128xf32>
    %get3A_2106 = vector.shape_cast %get3A_2105 : vector<1x1x400x128xf32> to vector<400x128xf32>
    %get3A_2107 = arith.constant 0 : index
    %get3A_2108 = arith.constant 2 : index
    %get3A_2109 = arith.constant 0 : index
    %get3A_2110 = arith.constant 0 : index
    %get3A_2111 = vector.load %arg2[%get3A_2107, %get3A_2108, %get3A_2109, %get3A_2110] : memref<3x3x128x12xf32, #tpu.memory_space<vmem>>, vector<1x1x128x12xf32>
    %get3A_2112 = vector.shape_cast %get3A_2111 : vector<1x1x128x12xf32> to vector<128x12xf32>
    %dot_general3A_2113 = arith.constant dense<0.000000e+00> : vector<400x12xf32>
    %dot_general3A_2114 = tpu.matmul %get3A_2106, %get3A_2112, %dot_general3A_2113 {dimension_numbers = #tpu.dot_dimension_numbers<[1], [0], [0], [1], [0, 0, 1, 1], [], []>, transpose_lhs_hint = false} : vector<400x128xf32>, vector<128x12xf32>, vector<400x12xf32> -> vector<400x12xf32>
    %add3A_2115 = arith.addf %add3A_2100, %dot_general3A_2114 : vector<400x12xf32>
    %get3A_2116 = arith.constant 0 : index
    %get3A_2117 = arith.constant 0 : index
    %get3A_2118 = vector.load %arg3[%get3A_2116, %get3A_2117] : memref<3x12xf32, #tpu.memory_space<vmem>>, vector<1x12xf32>
    %get3A_2119 = vector.shape_cast %get3A_2118 : vector<1x12xf32> to vector<12xf32>
    %broadcast_in_dim3A_2120 = vector.shape_cast %get3A_2119 : vector<12xf32> to vector<1x12xf32>
    %add3A_2121 = vector.broadcast %broadcast_in_dim3A_2120 : vector<1x12xf32> to vector<400x12xf32>
    %add3A_2122 = arith.addf %add3A_2115, %add3A_2121 : vector<400x12xf32>
    %broadcast_in_dim3A_2123 = arith.constant 0.000000e+00 : f32
    %broadcast_in_dim3A_2124 = vector.broadcast %broadcast_in_dim3A_2123 : f32 to vector<400x12xf32>
    %get3A_2125 = arith.constant 1 : index
    %get3A_2126 = arith.constant 4 : index
    %get3A_2127 = arith.constant 0 : index
    %get3A_2128 = arith.constant 0 : index
    %get3A_2129 = vector.load %arg1[%get3A_2125, %get3A_2126, %get3A_2127, %get3A_2128] : memref<2x10x400x128xf32, #tpu.memory_space<vmem>>, vector<1x1x400x128xf32>
    %get3A_2130 = vector.shape_cast %get3A_2129 : vector<1x1x400x128xf32> to vector<400x128xf32>
    %get3A_2131 = arith.constant 1 : index
    %get3A_2132 = arith.constant 0 : index
    %get3A_2133 = arith.constant 0 : index
    %get3A_2134 = arith.constant 0 : index
    %get3A_2135 = vector.load %arg2[%get3A_2131, %get3A_2132, %get3A_2133, %get3A_2134] : memref<3x3x128x12xf32, #tpu.memory_space<vmem>>, vector<1x1x128x12xf32>
    %get3A_2136 = vector.shape_cast %get3A_2135 : vector<1x1x128x12xf32> to vector<128x12xf32>
    %dot_general3A_2137 = arith.constant dense<0.000000e+00> : vector<400x12xf32>
    %dot_general3A_2138 = tpu.matmul %get3A_2130, %get3A_2136, %dot_general3A_2137 {dimension_numbers = #tpu.dot_dimension_numbers<[1], [0], [0], [1], [0, 0, 1, 1], [], []>, transpose_lhs_hint = false} : vector<400x128xf32>, vector<128x12xf32>, vector<400x12xf32> -> vector<400x12xf32>
    %add3A_2139 = arith.addf %broadcast_in_dim3A_2124, %dot_general3A_2138 : vector<400x12xf32>
    %get3A_2140 = arith.constant 1 : index
    %get3A_2141 = arith.constant 5 : index
    %get3A_2142 = arith.constant 0 : index
    %get3A_2143 = arith.constant 0 : index
    %get3A_2144 = vector.load %arg1[%get3A_2140, %get3A_2141, %get3A_2142, %get3A_2143] : memref<2x10x400x128xf32, #tpu.memory_space<vmem>>, vector<1x1x400x128xf32>
    %get3A_2145 = vector.shape_cast %get3A_2144 : vector<1x1x400x128xf32> to vector<400x128xf32>
    %get3A_2146 = arith.constant 1 : index
    %get3A_2147 = arith.constant 1 : index
    %get3A_2148 = arith.constant 0 : index
    %get3A_2149 = arith.constant 0 : index
    %get3A_2150 = vector.load %arg2[%get3A_2146, %get3A_2147, %get3A_2148, %get3A_2149] : memref<3x3x128x12xf32, #tpu.memory_space<vmem>>, vector<1x1x128x12xf32>
    %get3A_2151 = vector.shape_cast %get3A_2150 : vector<1x1x128x12xf32> to vector<128x12xf32>
    %dot_general3A_2152 = arith.constant dense<0.000000e+00> : vector<400x12xf32>
    %dot_general3A_2153 = tpu.matmul %get3A_2145, %get3A_2151, %dot_general3A_2152 {dimension_numbers = #tpu.dot_dimension_numbers<[1], [0], [0], [1], [0, 0, 1, 1], [], []>, transpose_lhs_hint = false} : vector<400x128xf32>, vector<128x12xf32>, vector<400x12xf32> -> vector<400x12xf32>
    %add3A_2154 = arith.addf %add3A_2139, %dot_general3A_2153 : vector<400x12xf32>
    %get3A_2155 = arith.constant 1 : index
    %get3A_2156 = arith.constant 6 : index
    %get3A_2157 = arith.constant 0 : index
    %get3A_2158 = arith.constant 0 : index
    %get3A_2159 = vector.load %arg1[%get3A_2155, %get3A_2156, %get3A_2157, %get3A_2158] : memref<2x10x400x128xf32, #tpu.memory_space<vmem>>, vector<1x1x400x128xf32>
    %get3A_2160 = vector.shape_cast %get3A_2159 : vector<1x1x400x128xf32> to vector<400x128xf32>
    %get3A_2161 = arith.constant 1 : index
    %get3A_2162 = arith.constant 2 : index
    %get3A_2163 = arith.constant 0 : index
    %get3A_2164 = arith.constant 0 : index
    %get3A_2165 = vector.load %arg2[%get3A_2161, %get3A_2162, %get3A_2163, %get3A_2164] : memref<3x3x128x12xf32, #tpu.memory_space<vmem>>, vector<1x1x128x12xf32>
    %get3A_2166 = vector.shape_cast %get3A_2165 : vector<1x1x128x12xf32> to vector<128x12xf32>
    %dot_general3A_2167 = arith.constant dense<0.000000e+00> : vector<400x12xf32>
    %dot_general3A_2168 = tpu.matmul %get3A_2160, %get3A_2166, %dot_general3A_2167 {dimension_numbers = #tpu.dot_dimension_numbers<[1], [0], [0], [1], [0, 0, 1, 1], [], []>, transpose_lhs_hint = false} : vector<400x128xf32>, vector<128x12xf32>, vector<400x12xf32> -> vector<400x12xf32>
    %add3A_2169 = arith.addf %add3A_2154, %dot_general3A_2168 : vector<400x12xf32>
    %get3A_2170 = arith.constant 1 : index
    %get3A_2171 = arith.constant 0 : index
    %get3A_2172 = vector.load %arg3[%get3A_2170, %get3A_2171] : memref<3x12xf32, #tpu.memory_space<vmem>>, vector<1x12xf32>
    %get3A_2173 = vector.shape_cast %get3A_2172 : vector<1x12xf32> to vector<12xf32>
    %broadcast_in_dim3A_2174 = vector.shape_cast %get3A_2173 : vector<12xf32> to vector<1x12xf32>
    %add3A_2175 = vector.broadcast %broadcast_in_dim3A_2174 : vector<1x12xf32> to vector<400x12xf32>
    %add3A_2176 = arith.addf %add3A_2169, %add3A_2175 : vector<400x12xf32>
    %broadcast_in_dim3A_2177 = arith.constant 0.000000e+00 : f32
    %broadcast_in_dim3A_2178 = vector.broadcast %broadcast_in_dim3A_2177 : f32 to vector<400x12xf32>
    %get3A_2179 = arith.constant 1 : index
    %get3A_2180 = arith.constant 4 : index
    %get3A_2181 = arith.constant 0 : index
    %get3A_2182 = arith.constant 0 : index
    %get3A_2183 = vector.load %arg1[%get3A_2179, %get3A_2180, %get3A_2181, %get3A_2182] : memref<2x10x400x128xf32, #tpu.memory_space<vmem>>, vector<1x1x400x128xf32>
    %get3A_2184 = vector.shape_cast %get3A_2183 : vector<1x1x400x128xf32> to vector<400x128xf32>
    %get3A_2185 = arith.constant 2 : index
    %get3A_2186 = arith.constant 0 : index
    %get3A_2187 = arith.constant 0 : index
    %get3A_2188 = arith.constant 0 : index
    %get3A_2189 = vector.load %arg2[%get3A_2185, %get3A_2186, %get3A_2187, %get3A_2188] : memref<3x3x128x12xf32, #tpu.memory_space<vmem>>, vector<1x1x128x12xf32>
    %get3A_2190 = vector.shape_cast %get3A_2189 : vector<1x1x128x12xf32> to vector<128x12xf32>
    %dot_general3A_2191 = arith.constant dense<0.000000e+00> : vector<400x12xf32>
    %dot_general3A_2192 = tpu.matmul %get3A_2184, %get3A_2190, %dot_general3A_2191 {dimension_numbers = #tpu.dot_dimension_numbers<[1], [0], [0], [1], [0, 0, 1, 1], [], []>, transpose_lhs_hint = false} : vector<400x128xf32>, vector<128x12xf32>, vector<400x12xf32> -> vector<400x12xf32>
    %add3A_2193 = arith.addf %broadcast_in_dim3A_2178, %dot_general3A_2192 : vector<400x12xf32>
    %get3A_2194 = arith.constant 1 : index
    %get3A_2195 = arith.constant 5 : index
    %get3A_2196 = arith.constant 0 : index
    %get3A_2197 = arith.constant 0 : index
    %get3A_2198 = vector.load %arg1[%get3A_2194, %get3A_2195, %get3A_2196, %get3A_2197] : memref<2x10x400x128xf32, #tpu.memory_space<vmem>>, vector<1x1x400x128xf32>
    %get3A_2199 = vector.shape_cast %get3A_2198 : vector<1x1x400x128xf32> to vector<400x128xf32>
    %get3A_2200 = arith.constant 2 : index
    %get3A_2201 = arith.constant 1 : index
    %get3A_2202 = arith.constant 0 : index
    %get3A_2203 = arith.constant 0 : index
    %get3A_2204 = vector.load %arg2[%get3A_2200, %get3A_2201, %get3A_2202, %get3A_2203] : memref<3x3x128x12xf32, #tpu.memory_space<vmem>>, vector<1x1x128x12xf32>
    %get3A_2205 = vector.shape_cast %get3A_2204 : vector<1x1x128x12xf32> to vector<128x12xf32>
    %dot_general3A_2206 = arith.constant dense<0.000000e+00> : vector<400x12xf32>
    %dot_general3A_2207 = tpu.matmul %get3A_2199, %get3A_2205, %dot_general3A_2206 {dimension_numbers = #tpu.dot_dimension_numbers<[1], [0], [0], [1], [0, 0, 1, 1], [], []>, transpose_lhs_hint = false} : vector<400x128xf32>, vector<128x12xf32>, vector<400x12xf32> -> vector<400x12xf32>
    %add3A_2208 = arith.addf %add3A_2193, %dot_general3A_2207 : vector<400x12xf32>
    %get3A_2209 = arith.constant 1 : index
    %get3A_2210 = arith.constant 6 : index
    %get3A_2211 = arith.constant 0 : index
    %get3A_2212 = arith.constant 0 : index
    %get3A_2213 = vector.load %arg1[%get3A_2209, %get3A_2210, %get3A_2211, %get3A_2212] : memref<2x10x400x128xf32, #tpu.memory_space<vmem>>, vector<1x1x400x128xf32>
    %get3A_2214 = vector.shape_cast %get3A_2213 : vector<1x1x400x128xf32> to vector<400x128xf32>
    %get3A_2215 = arith.constant 2 : index
    %get3A_2216 = arith.constant 2 : index
    %get3A_2217 = arith.constant 0 : index
    %get3A_2218 = arith.constant 0 : index
    %get3A_2219 = vector.load %arg2[%get3A_2215, %get3A_2216, %get3A_2217, %get3A_2218] : memref<3x3x128x12xf32, #tpu.memory_space<vmem>>, vector<1x1x128x12xf32>
    %get3A_2220 = vector.shape_cast %get3A_2219 : vector<1x1x128x12xf32> to vector<128x12xf32>
    %dot_general3A_2221 = arith.constant dense<0.000000e+00> : vector<400x12xf32>
    %dot_general3A_2222 = tpu.matmul %get3A_2214, %get3A_2220, %dot_general3A_2221 {dimension_numbers = #tpu.dot_dimension_numbers<[1], [0], [0], [1], [0, 0, 1, 1], [], []>, transpose_lhs_hint = false} : vector<400x128xf32>, vector<128x12xf32>, vector<400x12xf32> -> vector<400x12xf32>
    %add3A_2223 = arith.addf %add3A_2208, %dot_general3A_2222 : vector<400x12xf32>
    %get3A_2224 = arith.constant 2 : index
    %get3A_2225 = arith.constant 0 : index
    %get3A_2226 = vector.load %arg3[%get3A_2224, %get3A_2225] : memref<3x12xf32, #tpu.memory_space<vmem>>, vector<1x12xf32>
    %get3A_2227 = vector.shape_cast %get3A_2226 : vector<1x12xf32> to vector<12xf32>
    %broadcast_in_dim3A_2228 = vector.shape_cast %get3A_2227 : vector<12xf32> to vector<1x12xf32>
    %add3A_2229 = vector.broadcast %broadcast_in_dim3A_2228 : vector<1x12xf32> to vector<400x12xf32>
    %add3A_2230 = arith.addf %add3A_2223, %add3A_2229 : vector<400x12xf32>
    %logistic3A_2231 = arith.negf %add3A_2176 : vector<400x12xf32>
    %logistic3A_2232 = math.exp %logistic3A_2231 : vector<400x12xf32>
    %logistic3A_2233 = arith.constant 1.000000e+00 : f32
    %logistic3A_2234 = vector.broadcast %logistic3A_2233 : f32 to vector<400x12xf32>
    %logistic3A_2235 = arith.addf %logistic3A_2234, %logistic3A_2232 : vector<400x12xf32>
    %logistic3A_2236 = arith.divf %logistic3A_2234, %logistic3A_2235 : vector<400x12xf32>
    %mul3A_2237 = arith.mulf %add3A_2122, %logistic3A_2236 : vector<400x12xf32>
    %add3A_2238 = arith.addf %mul3A_2237, %add3A_2230 : vector<400x12xf32>
    %max3A_2239 = arith.constant 0.000000e+00 : f32
    %max3A_2240 = vector.broadcast %max3A_2239 : f32 to vector<400x12xf32>
    %max3A_2241 = arith.maximumf %add3A_2238, %max3A_2240 : vector<400x12xf32>
    %broadcast_in_dim3A_2242 = arith.constant 0.000000e+00 : f32
    %broadcast_in_dim3A_2243 = vector.broadcast %broadcast_in_dim3A_2242 : f32 to vector<400x12xf32>
    %get3A_2244 = arith.constant 1 : index
    %get3A_2245 = arith.constant 5 : index
    %get3A_2246 = arith.constant 0 : index
    %get3A_2247 = arith.constant 0 : index
    %get3A_2248 = vector.load %arg1[%get3A_2244, %get3A_2245, %get3A_2246, %get3A_2247] : memref<2x10x400x128xf32, #tpu.memory_space<vmem>>, vector<1x1x400x128xf32>
    %get3A_2249 = vector.shape_cast %get3A_2248 : vector<1x1x400x128xf32> to vector<400x128xf32>
    %get3A_2250 = arith.constant 0 : index
    %get3A_2251 = arith.constant 0 : index
    %get3A_2252 = arith.constant 0 : index
    %get3A_2253 = arith.constant 0 : index
    %get3A_2254 = vector.load %arg2[%get3A_2250, %get3A_2251, %get3A_2252, %get3A_2253] : memref<3x3x128x12xf32, #tpu.memory_space<vmem>>, vector<1x1x128x12xf32>
    %get3A_2255 = vector.shape_cast %get3A_2254 : vector<1x1x128x12xf32> to vector<128x12xf32>
    %dot_general3A_2256 = arith.constant dense<0.000000e+00> : vector<400x12xf32>
    %dot_general3A_2257 = tpu.matmul %get3A_2249, %get3A_2255, %dot_general3A_2256 {dimension_numbers = #tpu.dot_dimension_numbers<[1], [0], [0], [1], [0, 0, 1, 1], [], []>, transpose_lhs_hint = false} : vector<400x128xf32>, vector<128x12xf32>, vector<400x12xf32> -> vector<400x12xf32>
    %add3A_2258 = arith.addf %broadcast_in_dim3A_2243, %dot_general3A_2257 : vector<400x12xf32>
    %get3A_2259 = arith.constant 1 : index
    %get3A_2260 = arith.constant 6 : index
    %get3A_2261 = arith.constant 0 : index
    %get3A_2262 = arith.constant 0 : index
    %get3A_2263 = vector.load %arg1[%get3A_2259, %get3A_2260, %get3A_2261, %get3A_2262] : memref<2x10x400x128xf32, #tpu.memory_space<vmem>>, vector<1x1x400x128xf32>
    %get3A_2264 = vector.shape_cast %get3A_2263 : vector<1x1x400x128xf32> to vector<400x128xf32>
    %get3A_2265 = arith.constant 0 : index
    %get3A_2266 = arith.constant 1 : index
    %get3A_2267 = arith.constant 0 : index
    %get3A_2268 = arith.constant 0 : index
    %get3A_2269 = vector.load %arg2[%get3A_2265, %get3A_2266, %get3A_2267, %get3A_2268] : memref<3x3x128x12xf32, #tpu.memory_space<vmem>>, vector<1x1x128x12xf32>
    %get3A_2270 = vector.shape_cast %get3A_2269 : vector<1x1x128x12xf32> to vector<128x12xf32>
    %dot_general3A_2271 = arith.constant dense<0.000000e+00> : vector<400x12xf32>
    %dot_general3A_2272 = tpu.matmul %get3A_2264, %get3A_2270, %dot_general3A_2271 {dimension_numbers = #tpu.dot_dimension_numbers<[1], [0], [0], [1], [0, 0, 1, 1], [], []>, transpose_lhs_hint = false} : vector<400x128xf32>, vector<128x12xf32>, vector<400x12xf32> -> vector<400x12xf32>
    %add3A_2273 = arith.addf %add3A_2258, %dot_general3A_2272 : vector<400x12xf32>
    %get3A_2274 = arith.constant 1 : index
    %get3A_2275 = arith.constant 7 : index
    %get3A_2276 = arith.constant 0 : index
    %get3A_2277 = arith.constant 0 : index
    %get3A_2278 = vector.load %arg1[%get3A_2274, %get3A_2275, %get3A_2276, %get3A_2277] : memref<2x10x400x128xf32, #tpu.memory_space<vmem>>, vector<1x1x400x128xf32>
    %get3A_2279 = vector.shape_cast %get3A_2278 : vector<1x1x400x128xf32> to vector<400x128xf32>
    %get3A_2280 = arith.constant 0 : index
    %get3A_2281 = arith.constant 2 : index
    %get3A_2282 = arith.constant 0 : index
    %get3A_2283 = arith.constant 0 : index
    %get3A_2284 = vector.load %arg2[%get3A_2280, %get3A_2281, %get3A_2282, %get3A_2283] : memref<3x3x128x12xf32, #tpu.memory_space<vmem>>, vector<1x1x128x12xf32>
    %get3A_2285 = vector.shape_cast %get3A_2284 : vector<1x1x128x12xf32> to vector<128x12xf32>
    %dot_general3A_2286 = arith.constant dense<0.000000e+00> : vector<400x12xf32>
    %dot_general3A_2287 = tpu.matmul %get3A_2279, %get3A_2285, %dot_general3A_2286 {dimension_numbers = #tpu.dot_dimension_numbers<[1], [0], [0], [1], [0, 0, 1, 1], [], []>, transpose_lhs_hint = false} : vector<400x128xf32>, vector<128x12xf32>, vector<400x12xf32> -> vector<400x12xf32>
    %add3A_2288 = arith.addf %add3A_2273, %dot_general3A_2287 : vector<400x12xf32>
    %get3A_2289 = arith.constant 0 : index
    %get3A_2290 = arith.constant 0 : index
    %get3A_2291 = vector.load %arg3[%get3A_2289, %get3A_2290] : memref<3x12xf32, #tpu.memory_space<vmem>>, vector<1x12xf32>
    %get3A_2292 = vector.shape_cast %get3A_2291 : vector<1x12xf32> to vector<12xf32>
    %broadcast_in_dim3A_2293 = vector.shape_cast %get3A_2292 : vector<12xf32> to vector<1x12xf32>
    %add3A_2294 = vector.broadcast %broadcast_in_dim3A_2293 : vector<1x12xf32> to vector<400x12xf32>
    %add3A_2295 = arith.addf %add3A_2288, %add3A_2294 : vector<400x12xf32>
    %broadcast_in_dim3A_2296 = arith.constant 0.000000e+00 : f32
    %broadcast_in_dim3A_2297 = vector.broadcast %broadcast_in_dim3A_2296 : f32 to vector<400x12xf32>
    %get3A_2298 = arith.constant 1 : index
    %get3A_2299 = arith.constant 5 : index
    %get3A_2300 = arith.constant 0 : index
    %get3A_2301 = arith.constant 0 : index
    %get3A_2302 = vector.load %arg1[%get3A_2298, %get3A_2299, %get3A_2300, %get3A_2301] : memref<2x10x400x128xf32, #tpu.memory_space<vmem>>, vector<1x1x400x128xf32>
    %get3A_2303 = vector.shape_cast %get3A_2302 : vector<1x1x400x128xf32> to vector<400x128xf32>
    %get3A_2304 = arith.constant 1 : index
    %get3A_2305 = arith.constant 0 : index
    %get3A_2306 = arith.constant 0 : index
    %get3A_2307 = arith.constant 0 : index
    %get3A_2308 = vector.load %arg2[%get3A_2304, %get3A_2305, %get3A_2306, %get3A_2307] : memref<3x3x128x12xf32, #tpu.memory_space<vmem>>, vector<1x1x128x12xf32>
    %get3A_2309 = vector.shape_cast %get3A_2308 : vector<1x1x128x12xf32> to vector<128x12xf32>
    %dot_general3A_2310 = arith.constant dense<0.000000e+00> : vector<400x12xf32>
    %dot_general3A_2311 = tpu.matmul %get3A_2303, %get3A_2309, %dot_general3A_2310 {dimension_numbers = #tpu.dot_dimension_numbers<[1], [0], [0], [1], [0, 0, 1, 1], [], []>, transpose_lhs_hint = false} : vector<400x128xf32>, vector<128x12xf32>, vector<400x12xf32> -> vector<400x12xf32>
    %add3A_2312 = arith.addf %broadcast_in_dim3A_2297, %dot_general3A_2311 : vector<400x12xf32>
    %get3A_2313 = arith.constant 1 : index
    %get3A_2314 = arith.constant 6 : index
    %get3A_2315 = arith.constant 0 : index
    %get3A_2316 = arith.constant 0 : index
    %get3A_2317 = vector.load %arg1[%get3A_2313, %get3A_2314, %get3A_2315, %get3A_2316] : memref<2x10x400x128xf32, #tpu.memory_space<vmem>>, vector<1x1x400x128xf32>
    %get3A_2318 = vector.shape_cast %get3A_2317 : vector<1x1x400x128xf32> to vector<400x128xf32>
    %get3A_2319 = arith.constant 1 : index
    %get3A_2320 = arith.constant 1 : index
    %get3A_2321 = arith.constant 0 : index
    %get3A_2322 = arith.constant 0 : index
    %get3A_2323 = vector.load %arg2[%get3A_2319, %get3A_2320, %get3A_2321, %get3A_2322] : memref<3x3x128x12xf32, #tpu.memory_space<vmem>>, vector<1x1x128x12xf32>
    %get3A_2324 = vector.shape_cast %get3A_2323 : vector<1x1x128x12xf32> to vector<128x12xf32>
    %dot_general3A_2325 = arith.constant dense<0.000000e+00> : vector<400x12xf32>
    %dot_general3A_2326 = tpu.matmul %get3A_2318, %get3A_2324, %dot_general3A_2325 {dimension_numbers = #tpu.dot_dimension_numbers<[1], [0], [0], [1], [0, 0, 1, 1], [], []>, transpose_lhs_hint = false} : vector<400x128xf32>, vector<128x12xf32>, vector<400x12xf32> -> vector<400x12xf32>
    %add3A_2327 = arith.addf %add3A_2312, %dot_general3A_2326 : vector<400x12xf32>
    %get3A_2328 = arith.constant 1 : index
    %get3A_2329 = arith.constant 7 : index
    %get3A_2330 = arith.constant 0 : index
    %get3A_2331 = arith.constant 0 : index
    %get3A_2332 = vector.load %arg1[%get3A_2328, %get3A_2329, %get3A_2330, %get3A_2331] : memref<2x10x400x128xf32, #tpu.memory_space<vmem>>, vector<1x1x400x128xf32>
    %get3A_2333 = vector.shape_cast %get3A_2332 : vector<1x1x400x128xf32> to vector<400x128xf32>
    %get3A_2334 = arith.constant 1 : index
    %get3A_2335 = arith.constant 2 : index
    %get3A_2336 = arith.constant 0 : index
    %get3A_2337 = arith.constant 0 : index
    %get3A_2338 = vector.load %arg2[%get3A_2334, %get3A_2335, %get3A_2336, %get3A_2337] : memref<3x3x128x12xf32, #tpu.memory_space<vmem>>, vector<1x1x128x12xf32>
    %get3A_2339 = vector.shape_cast %get3A_2338 : vector<1x1x128x12xf32> to vector<128x12xf32>
    %dot_general3A_2340 = arith.constant dense<0.000000e+00> : vector<400x12xf32>
    %dot_general3A_2341 = tpu.matmul %get3A_2333, %get3A_2339, %dot_general3A_2340 {dimension_numbers = #tpu.dot_dimension_numbers<[1], [0], [0], [1], [0, 0, 1, 1], [], []>, transpose_lhs_hint = false} : vector<400x128xf32>, vector<128x12xf32>, vector<400x12xf32> -> vector<400x12xf32>
    %add3A_2342 = arith.addf %add3A_2327, %dot_general3A_2341 : vector<400x12xf32>
    %get3A_2343 = arith.constant 1 : index
    %get3A_2344 = arith.constant 0 : index
    %get3A_2345 = vector.load %arg3[%get3A_2343, %get3A_2344] : memref<3x12xf32, #tpu.memory_space<vmem>>, vector<1x12xf32>
    %get3A_2346 = vector.shape_cast %get3A_2345 : vector<1x12xf32> to vector<12xf32>
    %broadcast_in_dim3A_2347 = vector.shape_cast %get3A_2346 : vector<12xf32> to vector<1x12xf32>
    %add3A_2348 = vector.broadcast %broadcast_in_dim3A_2347 : vector<1x12xf32> to vector<400x12xf32>
    %add3A_2349 = arith.addf %add3A_2342, %add3A_2348 : vector<400x12xf32>
    %broadcast_in_dim3A_2350 = arith.constant 0.000000e+00 : f32
    %broadcast_in_dim3A_2351 = vector.broadcast %broadcast_in_dim3A_2350 : f32 to vector<400x12xf32>
    %get3A_2352 = arith.constant 1 : index
    %get3A_2353 = arith.constant 5 : index
    %get3A_2354 = arith.constant 0 : index
    %get3A_2355 = arith.constant 0 : index
    %get3A_2356 = vector.load %arg1[%get3A_2352, %get3A_2353, %get3A_2354, %get3A_2355] : memref<2x10x400x128xf32, #tpu.memory_space<vmem>>, vector<1x1x400x128xf32>
    %get3A_2357 = vector.shape_cast %get3A_2356 : vector<1x1x400x128xf32> to vector<400x128xf32>
    %get3A_2358 = arith.constant 2 : index
    %get3A_2359 = arith.constant 0 : index
    %get3A_2360 = arith.constant 0 : index
    %get3A_2361 = arith.constant 0 : index
    %get3A_2362 = vector.load %arg2[%get3A_2358, %get3A_2359, %get3A_2360, %get3A_2361] : memref<3x3x128x12xf32, #tpu.memory_space<vmem>>, vector<1x1x128x12xf32>
    %get3A_2363 = vector.shape_cast %get3A_2362 : vector<1x1x128x12xf32> to vector<128x12xf32>
    %dot_general3A_2364 = arith.constant dense<0.000000e+00> : vector<400x12xf32>
    %dot_general3A_2365 = tpu.matmul %get3A_2357, %get3A_2363, %dot_general3A_2364 {dimension_numbers = #tpu.dot_dimension_numbers<[1], [0], [0], [1], [0, 0, 1, 1], [], []>, transpose_lhs_hint = false} : vector<400x128xf32>, vector<128x12xf32>, vector<400x12xf32> -> vector<400x12xf32>
    %add3A_2366 = arith.addf %broadcast_in_dim3A_2351, %dot_general3A_2365 : vector<400x12xf32>
    %get3A_2367 = arith.constant 1 : index
    %get3A_2368 = arith.constant 6 : index
    %get3A_2369 = arith.constant 0 : index
    %get3A_2370 = arith.constant 0 : index
    %get3A_2371 = vector.load %arg1[%get3A_2367, %get3A_2368, %get3A_2369, %get3A_2370] : memref<2x10x400x128xf32, #tpu.memory_space<vmem>>, vector<1x1x400x128xf32>
    %get3A_2372 = vector.shape_cast %get3A_2371 : vector<1x1x400x128xf32> to vector<400x128xf32>
    %get3A_2373 = arith.constant 2 : index
    %get3A_2374 = arith.constant 1 : index
    %get3A_2375 = arith.constant 0 : index
    %get3A_2376 = arith.constant 0 : index
    %get3A_2377 = vector.load %arg2[%get3A_2373, %get3A_2374, %get3A_2375, %get3A_2376] : memref<3x3x128x12xf32, #tpu.memory_space<vmem>>, vector<1x1x128x12xf32>
    %get3A_2378 = vector.shape_cast %get3A_2377 : vector<1x1x128x12xf32> to vector<128x12xf32>
    %dot_general3A_2379 = arith.constant dense<0.000000e+00> : vector<400x12xf32>
    %dot_general3A_2380 = tpu.matmul %get3A_2372, %get3A_2378, %dot_general3A_2379 {dimension_numbers = #tpu.dot_dimension_numbers<[1], [0], [0], [1], [0, 0, 1, 1], [], []>, transpose_lhs_hint = false} : vector<400x128xf32>, vector<128x12xf32>, vector<400x12xf32> -> vector<400x12xf32>
    %add3A_2381 = arith.addf %add3A_2366, %dot_general3A_2380 : vector<400x12xf32>
    %get3A_2382 = arith.constant 1 : index
    %get3A_2383 = arith.constant 7 : index
    %get3A_2384 = arith.constant 0 : index
    %get3A_2385 = arith.constant 0 : index
    %get3A_2386 = vector.load %arg1[%get3A_2382, %get3A_2383, %get3A_2384, %get3A_2385] : memref<2x10x400x128xf32, #tpu.memory_space<vmem>>, vector<1x1x400x128xf32>
    %get3A_2387 = vector.shape_cast %get3A_2386 : vector<1x1x400x128xf32> to vector<400x128xf32>
    %get3A_2388 = arith.constant 2 : index
    %get3A_2389 = arith.constant 2 : index
    %get3A_2390 = arith.constant 0 : index
    %get3A_2391 = arith.constant 0 : index
    %get3A_2392 = vector.load %arg2[%get3A_2388, %get3A_2389, %get3A_2390, %get3A_2391] : memref<3x3x128x12xf32, #tpu.memory_space<vmem>>, vector<1x1x128x12xf32>
    %get3A_2393 = vector.shape_cast %get3A_2392 : vector<1x1x128x12xf32> to vector<128x12xf32>
    %dot_general3A_2394 = arith.constant dense<0.000000e+00> : vector<400x12xf32>
    %dot_general3A_2395 = tpu.matmul %get3A_2387, %get3A_2393, %dot_general3A_2394 {dimension_numbers = #tpu.dot_dimension_numbers<[1], [0], [0], [1], [0, 0, 1, 1], [], []>, transpose_lhs_hint = false} : vector<400x128xf32>, vector<128x12xf32>, vector<400x12xf32> -> vector<400x12xf32>
    %add3A_2396 = arith.addf %add3A_2381, %dot_general3A_2395 : vector<400x12xf32>
    %get3A_2397 = arith.constant 2 : index
    %get3A_2398 = arith.constant 0 : index
    %get3A_2399 = vector.load %arg3[%get3A_2397, %get3A_2398] : memref<3x12xf32, #tpu.memory_space<vmem>>, vector<1x12xf32>
    %get3A_2400 = vector.shape_cast %get3A_2399 : vector<1x12xf32> to vector<12xf32>
    %broadcast_in_dim3A_2401 = vector.shape_cast %get3A_2400 : vector<12xf32> to vector<1x12xf32>
    %add3A_2402 = vector.broadcast %broadcast_in_dim3A_2401 : vector<1x12xf32> to vector<400x12xf32>
    %add3A_2403 = arith.addf %add3A_2396, %add3A_2402 : vector<400x12xf32>
    %logistic3A_2404 = arith.negf %add3A_2349 : vector<400x12xf32>
    %logistic3A_2405 = math.exp %logistic3A_2404 : vector<400x12xf32>
    %logistic3A_2406 = arith.constant 1.000000e+00 : f32
    %logistic3A_2407 = vector.broadcast %logistic3A_2406 : f32 to vector<400x12xf32>
    %logistic3A_2408 = arith.addf %logistic3A_2407, %logistic3A_2405 : vector<400x12xf32>
    %logistic3A_2409 = arith.divf %logistic3A_2407, %logistic3A_2408 : vector<400x12xf32>
    %mul3A_2410 = arith.mulf %add3A_2295, %logistic3A_2409 : vector<400x12xf32>
    %add3A_2411 = arith.addf %mul3A_2410, %add3A_2403 : vector<400x12xf32>
    %max3A_2412 = arith.constant 0.000000e+00 : f32
    %max3A_2413 = vector.broadcast %max3A_2412 : f32 to vector<400x12xf32>
    %max3A_2414 = arith.maximumf %add3A_2411, %max3A_2413 : vector<400x12xf32>
    %broadcast_in_dim3A_2415 = arith.constant 0.000000e+00 : f32
    %broadcast_in_dim3A_2416 = vector.broadcast %broadcast_in_dim3A_2415 : f32 to vector<400x12xf32>
    %get3A_2417 = arith.constant 1 : index
    %get3A_2418 = arith.constant 6 : index
    %get3A_2419 = arith.constant 0 : index
    %get3A_2420 = arith.constant 0 : index
    %get3A_2421 = vector.load %arg1[%get3A_2417, %get3A_2418, %get3A_2419, %get3A_2420] : memref<2x10x400x128xf32, #tpu.memory_space<vmem>>, vector<1x1x400x128xf32>
    %get3A_2422 = vector.shape_cast %get3A_2421 : vector<1x1x400x128xf32> to vector<400x128xf32>
    %get3A_2423 = arith.constant 0 : index
    %get3A_2424 = arith.constant 0 : index
    %get3A_2425 = arith.constant 0 : index
    %get3A_2426 = arith.constant 0 : index
    %get3A_2427 = vector.load %arg2[%get3A_2423, %get3A_2424, %get3A_2425, %get3A_2426] : memref<3x3x128x12xf32, #tpu.memory_space<vmem>>, vector<1x1x128x12xf32>
    %get3A_2428 = vector.shape_cast %get3A_2427 : vector<1x1x128x12xf32> to vector<128x12xf32>
    %dot_general3A_2429 = arith.constant dense<0.000000e+00> : vector<400x12xf32>
    %dot_general3A_2430 = tpu.matmul %get3A_2422, %get3A_2428, %dot_general3A_2429 {dimension_numbers = #tpu.dot_dimension_numbers<[1], [0], [0], [1], [0, 0, 1, 1], [], []>, transpose_lhs_hint = false} : vector<400x128xf32>, vector<128x12xf32>, vector<400x12xf32> -> vector<400x12xf32>
    %add3A_2431 = arith.addf %broadcast_in_dim3A_2416, %dot_general3A_2430 : vector<400x12xf32>
    %get3A_2432 = arith.constant 1 : index
    %get3A_2433 = arith.constant 7 : index
    %get3A_2434 = arith.constant 0 : index
    %get3A_2435 = arith.constant 0 : index
    %get3A_2436 = vector.load %arg1[%get3A_2432, %get3A_2433, %get3A_2434, %get3A_2435] : memref<2x10x400x128xf32, #tpu.memory_space<vmem>>, vector<1x1x400x128xf32>
    %get3A_2437 = vector.shape_cast %get3A_2436 : vector<1x1x400x128xf32> to vector<400x128xf32>
    %get3A_2438 = arith.constant 0 : index
    %get3A_2439 = arith.constant 1 : index
    %get3A_2440 = arith.constant 0 : index
    %get3A_2441 = arith.constant 0 : index
    %get3A_2442 = vector.load %arg2[%get3A_2438, %get3A_2439, %get3A_2440, %get3A_2441] : memref<3x3x128x12xf32, #tpu.memory_space<vmem>>, vector<1x1x128x12xf32>
    %get3A_2443 = vector.shape_cast %get3A_2442 : vector<1x1x128x12xf32> to vector<128x12xf32>
    %dot_general3A_2444 = arith.constant dense<0.000000e+00> : vector<400x12xf32>
    %dot_general3A_2445 = tpu.matmul %get3A_2437, %get3A_2443, %dot_general3A_2444 {dimension_numbers = #tpu.dot_dimension_numbers<[1], [0], [0], [1], [0, 0, 1, 1], [], []>, transpose_lhs_hint = false} : vector<400x128xf32>, vector<128x12xf32>, vector<400x12xf32> -> vector<400x12xf32>
    %add3A_2446 = arith.addf %add3A_2431, %dot_general3A_2445 : vector<400x12xf32>
    %get3A_2447 = arith.constant 1 : index
    %get3A_2448 = arith.constant 8 : index
    %get3A_2449 = arith.constant 0 : index
    %get3A_2450 = arith.constant 0 : index
    %get3A_2451 = vector.load %arg1[%get3A_2447, %get3A_2448, %get3A_2449, %get3A_2450] : memref<2x10x400x128xf32, #tpu.memory_space<vmem>>, vector<1x1x400x128xf32>
    %get3A_2452 = vector.shape_cast %get3A_2451 : vector<1x1x400x128xf32> to vector<400x128xf32>
    %get3A_2453 = arith.constant 0 : index
    %get3A_2454 = arith.constant 2 : index
    %get3A_2455 = arith.constant 0 : index
    %get3A_2456 = arith.constant 0 : index
    %get3A_2457 = vector.load %arg2[%get3A_2453, %get3A_2454, %get3A_2455, %get3A_2456] : memref<3x3x128x12xf32, #tpu.memory_space<vmem>>, vector<1x1x128x12xf32>
    %get3A_2458 = vector.shape_cast %get3A_2457 : vector<1x1x128x12xf32> to vector<128x12xf32>
    %dot_general3A_2459 = arith.constant dense<0.000000e+00> : vector<400x12xf32>
    %dot_general3A_2460 = tpu.matmul %get3A_2452, %get3A_2458, %dot_general3A_2459 {dimension_numbers = #tpu.dot_dimension_numbers<[1], [0], [0], [1], [0, 0, 1, 1], [], []>, transpose_lhs_hint = false} : vector<400x128xf32>, vector<128x12xf32>, vector<400x12xf32> -> vector<400x12xf32>
    %add3A_2461 = arith.addf %add3A_2446, %dot_general3A_2460 : vector<400x12xf32>
    %get3A_2462 = arith.constant 0 : index
    %get3A_2463 = arith.constant 0 : index
    %get3A_2464 = vector.load %arg3[%get3A_2462, %get3A_2463] : memref<3x12xf32, #tpu.memory_space<vmem>>, vector<1x12xf32>
    %get3A_2465 = vector.shape_cast %get3A_2464 : vector<1x12xf32> to vector<12xf32>
    %broadcast_in_dim3A_2466 = vector.shape_cast %get3A_2465 : vector<12xf32> to vector<1x12xf32>
    %add3A_2467 = vector.broadcast %broadcast_in_dim3A_2466 : vector<1x12xf32> to vector<400x12xf32>
    %add3A_2468 = arith.addf %add3A_2461, %add3A_2467 : vector<400x12xf32>
    %broadcast_in_dim3A_2469 = arith.constant 0.000000e+00 : f32
    %broadcast_in_dim3A_2470 = vector.broadcast %broadcast_in_dim3A_2469 : f32 to vector<400x12xf32>
    %get3A_2471 = arith.constant 1 : index
    %get3A_2472 = arith.constant 6 : index
    %get3A_2473 = arith.constant 0 : index
    %get3A_2474 = arith.constant 0 : index
    %get3A_2475 = vector.load %arg1[%get3A_2471, %get3A_2472, %get3A_2473, %get3A_2474] : memref<2x10x400x128xf32, #tpu.memory_space<vmem>>, vector<1x1x400x128xf32>
    %get3A_2476 = vector.shape_cast %get3A_2475 : vector<1x1x400x128xf32> to vector<400x128xf32>
    %get3A_2477 = arith.constant 1 : index
    %get3A_2478 = arith.constant 0 : index
    %get3A_2479 = arith.constant 0 : index
    %get3A_2480 = arith.constant 0 : index
    %get3A_2481 = vector.load %arg2[%get3A_2477, %get3A_2478, %get3A_2479, %get3A_2480] : memref<3x3x128x12xf32, #tpu.memory_space<vmem>>, vector<1x1x128x12xf32>
    %get3A_2482 = vector.shape_cast %get3A_2481 : vector<1x1x128x12xf32> to vector<128x12xf32>
    %dot_general3A_2483 = arith.constant dense<0.000000e+00> : vector<400x12xf32>
    %dot_general3A_2484 = tpu.matmul %get3A_2476, %get3A_2482, %dot_general3A_2483 {dimension_numbers = #tpu.dot_dimension_numbers<[1], [0], [0], [1], [0, 0, 1, 1], [], []>, transpose_lhs_hint = false} : vector<400x128xf32>, vector<128x12xf32>, vector<400x12xf32> -> vector<400x12xf32>
    %add3A_2485 = arith.addf %broadcast_in_dim3A_2470, %dot_general3A_2484 : vector<400x12xf32>
    %get3A_2486 = arith.constant 1 : index
    %get3A_2487 = arith.constant 7 : index
    %get3A_2488 = arith.constant 0 : index
    %get3A_2489 = arith.constant 0 : index
    %get3A_2490 = vector.load %arg1[%get3A_2486, %get3A_2487, %get3A_2488, %get3A_2489] : memref<2x10x400x128xf32, #tpu.memory_space<vmem>>, vector<1x1x400x128xf32>
    %get3A_2491 = vector.shape_cast %get3A_2490 : vector<1x1x400x128xf32> to vector<400x128xf32>
    %get3A_2492 = arith.constant 1 : index
    %get3A_2493 = arith.constant 1 : index
    %get3A_2494 = arith.constant 0 : index
    %get3A_2495 = arith.constant 0 : index
    %get3A_2496 = vector.load %arg2[%get3A_2492, %get3A_2493, %get3A_2494, %get3A_2495] : memref<3x3x128x12xf32, #tpu.memory_space<vmem>>, vector<1x1x128x12xf32>
    %get3A_2497 = vector.shape_cast %get3A_2496 : vector<1x1x128x12xf32> to vector<128x12xf32>
    %dot_general3A_2498 = arith.constant dense<0.000000e+00> : vector<400x12xf32>
    %dot_general3A_2499 = tpu.matmul %get3A_2491, %get3A_2497, %dot_general3A_2498 {dimension_numbers = #tpu.dot_dimension_numbers<[1], [0], [0], [1], [0, 0, 1, 1], [], []>, transpose_lhs_hint = false} : vector<400x128xf32>, vector<128x12xf32>, vector<400x12xf32> -> vector<400x12xf32>
    %add3A_2500 = arith.addf %add3A_2485, %dot_general3A_2499 : vector<400x12xf32>
    %get3A_2501 = arith.constant 1 : index
    %get3A_2502 = arith.constant 8 : index
    %get3A_2503 = arith.constant 0 : index
    %get3A_2504 = arith.constant 0 : index
    %get3A_2505 = vector.load %arg1[%get3A_2501, %get3A_2502, %get3A_2503, %get3A_2504] : memref<2x10x400x128xf32, #tpu.memory_space<vmem>>, vector<1x1x400x128xf32>
    %get3A_2506 = vector.shape_cast %get3A_2505 : vector<1x1x400x128xf32> to vector<400x128xf32>
    %get3A_2507 = arith.constant 1 : index
    %get3A_2508 = arith.constant 2 : index
    %get3A_2509 = arith.constant 0 : index
    %get3A_2510 = arith.constant 0 : index
    %get3A_2511 = vector.load %arg2[%get3A_2507, %get3A_2508, %get3A_2509, %get3A_2510] : memref<3x3x128x12xf32, #tpu.memory_space<vmem>>, vector<1x1x128x12xf32>
    %get3A_2512 = vector.shape_cast %get3A_2511 : vector<1x1x128x12xf32> to vector<128x12xf32>
    %dot_general3A_2513 = arith.constant dense<0.000000e+00> : vector<400x12xf32>
    %dot_general3A_2514 = tpu.matmul %get3A_2506, %get3A_2512, %dot_general3A_2513 {dimension_numbers = #tpu.dot_dimension_numbers<[1], [0], [0], [1], [0, 0, 1, 1], [], []>, transpose_lhs_hint = false} : vector<400x128xf32>, vector<128x12xf32>, vector<400x12xf32> -> vector<400x12xf32>
    %add3A_2515 = arith.addf %add3A_2500, %dot_general3A_2514 : vector<400x12xf32>
    %get3A_2516 = arith.constant 1 : index
    %get3A_2517 = arith.constant 0 : index
    %get3A_2518 = vector.load %arg3[%get3A_2516, %get3A_2517] : memref<3x12xf32, #tpu.memory_space<vmem>>, vector<1x12xf32>
    %get3A_2519 = vector.shape_cast %get3A_2518 : vector<1x12xf32> to vector<12xf32>
    %broadcast_in_dim3A_2520 = vector.shape_cast %get3A_2519 : vector<12xf32> to vector<1x12xf32>
    %add3A_2521 = vector.broadcast %broadcast_in_dim3A_2520 : vector<1x12xf32> to vector<400x12xf32>
    %add3A_2522 = arith.addf %add3A_2515, %add3A_2521 : vector<400x12xf32>
    %broadcast_in_dim3A_2523 = arith.constant 0.000000e+00 : f32
    %broadcast_in_dim3A_2524 = vector.broadcast %broadcast_in_dim3A_2523 : f32 to vector<400x12xf32>
    %get3A_2525 = arith.constant 1 : index
    %get3A_2526 = arith.constant 6 : index
    %get3A_2527 = arith.constant 0 : index
    %get3A_2528 = arith.constant 0 : index
    %get3A_2529 = vector.load %arg1[%get3A_2525, %get3A_2526, %get3A_2527, %get3A_2528] : memref<2x10x400x128xf32, #tpu.memory_space<vmem>>, vector<1x1x400x128xf32>
    %get3A_2530 = vector.shape_cast %get3A_2529 : vector<1x1x400x128xf32> to vector<400x128xf32>
    %get3A_2531 = arith.constant 2 : index
    %get3A_2532 = arith.constant 0 : index
    %get3A_2533 = arith.constant 0 : index
    %get3A_2534 = arith.constant 0 : index
    %get3A_2535 = vector.load %arg2[%get3A_2531, %get3A_2532, %get3A_2533, %get3A_2534] : memref<3x3x128x12xf32, #tpu.memory_space<vmem>>, vector<1x1x128x12xf32>
    %get3A_2536 = vector.shape_cast %get3A_2535 : vector<1x1x128x12xf32> to vector<128x12xf32>
    %dot_general3A_2537 = arith.constant dense<0.000000e+00> : vector<400x12xf32>
    %dot_general3A_2538 = tpu.matmul %get3A_2530, %get3A_2536, %dot_general3A_2537 {dimension_numbers = #tpu.dot_dimension_numbers<[1], [0], [0], [1], [0, 0, 1, 1], [], []>, transpose_lhs_hint = false} : vector<400x128xf32>, vector<128x12xf32>, vector<400x12xf32> -> vector<400x12xf32>
    %add3A_2539 = arith.addf %broadcast_in_dim3A_2524, %dot_general3A_2538 : vector<400x12xf32>
    %get3A_2540 = arith.constant 1 : index
    %get3A_2541 = arith.constant 7 : index
    %get3A_2542 = arith.constant 0 : index
    %get3A_2543 = arith.constant 0 : index
    %get3A_2544 = vector.load %arg1[%get3A_2540, %get3A_2541, %get3A_2542, %get3A_2543] : memref<2x10x400x128xf32, #tpu.memory_space<vmem>>, vector<1x1x400x128xf32>
    %get3A_2545 = vector.shape_cast %get3A_2544 : vector<1x1x400x128xf32> to vector<400x128xf32>
    %get3A_2546 = arith.constant 2 : index
    %get3A_2547 = arith.constant 1 : index
    %get3A_2548 = arith.constant 0 : index
    %get3A_2549 = arith.constant 0 : index
    %get3A_2550 = vector.load %arg2[%get3A_2546, %get3A_2547, %get3A_2548, %get3A_2549] : memref<3x3x128x12xf32, #tpu.memory_space<vmem>>, vector<1x1x128x12xf32>
    %get3A_2551 = vector.shape_cast %get3A_2550 : vector<1x1x128x12xf32> to vector<128x12xf32>
    %dot_general3A_2552 = arith.constant dense<0.000000e+00> : vector<400x12xf32>
    %dot_general3A_2553 = tpu.matmul %get3A_2545, %get3A_2551, %dot_general3A_2552 {dimension_numbers = #tpu.dot_dimension_numbers<[1], [0], [0], [1], [0, 0, 1, 1], [], []>, transpose_lhs_hint = false} : vector<400x128xf32>, vector<128x12xf32>, vector<400x12xf32> -> vector<400x12xf32>
    %add3A_2554 = arith.addf %add3A_2539, %dot_general3A_2553 : vector<400x12xf32>
    %get3A_2555 = arith.constant 1 : index
    %get3A_2556 = arith.constant 8 : index
    %get3A_2557 = arith.constant 0 : index
    %get3A_2558 = arith.constant 0 : index
    %get3A_2559 = vector.load %arg1[%get3A_2555, %get3A_2556, %get3A_2557, %get3A_2558] : memref<2x10x400x128xf32, #tpu.memory_space<vmem>>, vector<1x1x400x128xf32>
    %get3A_2560 = vector.shape_cast %get3A_2559 : vector<1x1x400x128xf32> to vector<400x128xf32>
    %get3A_2561 = arith.constant 2 : index
    %get3A_2562 = arith.constant 2 : index
    %get3A_2563 = arith.constant 0 : index
    %get3A_2564 = arith.constant 0 : index
    %get3A_2565 = vector.load %arg2[%get3A_2561, %get3A_2562, %get3A_2563, %get3A_2564] : memref<3x3x128x12xf32, #tpu.memory_space<vmem>>, vector<1x1x128x12xf32>
    %get3A_2566 = vector.shape_cast %get3A_2565 : vector<1x1x128x12xf32> to vector<128x12xf32>
    %dot_general3A_2567 = arith.constant dense<0.000000e+00> : vector<400x12xf32>
    %dot_general3A_2568 = tpu.matmul %get3A_2560, %get3A_2566, %dot_general3A_2567 {dimension_numbers = #tpu.dot_dimension_numbers<[1], [0], [0], [1], [0, 0, 1, 1], [], []>, transpose_lhs_hint = false} : vector<400x128xf32>, vector<128x12xf32>, vector<400x12xf32> -> vector<400x12xf32>
    %add3A_2569 = arith.addf %add3A_2554, %dot_general3A_2568 : vector<400x12xf32>
    %get3A_2570 = arith.constant 2 : index
    %get3A_2571 = arith.constant 0 : index
    %get3A_2572 = vector.load %arg3[%get3A_2570, %get3A_2571] : memref<3x12xf32, #tpu.memory_space<vmem>>, vector<1x12xf32>
    %get3A_2573 = vector.shape_cast %get3A_2572 : vector<1x12xf32> to vector<12xf32>
    %broadcast_in_dim3A_2574 = vector.shape_cast %get3A_2573 : vector<12xf32> to vector<1x12xf32>
    %add3A_2575 = vector.broadcast %broadcast_in_dim3A_2574 : vector<1x12xf32> to vector<400x12xf32>
    %add3A_2576 = arith.addf %add3A_2569, %add3A_2575 : vector<400x12xf32>
    %logistic3A_2577 = arith.negf %add3A_2522 : vector<400x12xf32>
    %logistic3A_2578 = math.exp %logistic3A_2577 : vector<400x12xf32>
    %logistic3A_2579 = arith.constant 1.000000e+00 : f32
    %logistic3A_2580 = vector.broadcast %logistic3A_2579 : f32 to vector<400x12xf32>
    %logistic3A_2581 = arith.addf %logistic3A_2580, %logistic3A_2578 : vector<400x12xf32>
    %logistic3A_2582 = arith.divf %logistic3A_2580, %logistic3A_2581 : vector<400x12xf32>
    %mul3A_2583 = arith.mulf %add3A_2468, %logistic3A_2582 : vector<400x12xf32>
    %add3A_2584 = arith.addf %mul3A_2583, %add3A_2576 : vector<400x12xf32>
    %max3A_2585 = arith.constant 0.000000e+00 : f32
    %max3A_2586 = vector.broadcast %max3A_2585 : f32 to vector<400x12xf32>
    %max3A_2587 = arith.maximumf %add3A_2584, %max3A_2586 : vector<400x12xf32>
    %broadcast_in_dim3A_2588 = arith.constant 0.000000e+00 : f32
    %broadcast_in_dim3A_2589 = vector.broadcast %broadcast_in_dim3A_2588 : f32 to vector<400x12xf32>
    %get3A_2590 = arith.constant 1 : index
    %get3A_2591 = arith.constant 7 : index
    %get3A_2592 = arith.constant 0 : index
    %get3A_2593 = arith.constant 0 : index
    %get3A_2594 = vector.load %arg1[%get3A_2590, %get3A_2591, %get3A_2592, %get3A_2593] : memref<2x10x400x128xf32, #tpu.memory_space<vmem>>, vector<1x1x400x128xf32>
    %get3A_2595 = vector.shape_cast %get3A_2594 : vector<1x1x400x128xf32> to vector<400x128xf32>
    %get3A_2596 = arith.constant 0 : index
    %get3A_2597 = arith.constant 0 : index
    %get3A_2598 = arith.constant 0 : index
    %get3A_2599 = arith.constant 0 : index
    %get3A_2600 = vector.load %arg2[%get3A_2596, %get3A_2597, %get3A_2598, %get3A_2599] : memref<3x3x128x12xf32, #tpu.memory_space<vmem>>, vector<1x1x128x12xf32>
    %get3A_2601 = vector.shape_cast %get3A_2600 : vector<1x1x128x12xf32> to vector<128x12xf32>
    %dot_general3A_2602 = arith.constant dense<0.000000e+00> : vector<400x12xf32>
    %dot_general3A_2603 = tpu.matmul %get3A_2595, %get3A_2601, %dot_general3A_2602 {dimension_numbers = #tpu.dot_dimension_numbers<[1], [0], [0], [1], [0, 0, 1, 1], [], []>, transpose_lhs_hint = false} : vector<400x128xf32>, vector<128x12xf32>, vector<400x12xf32> -> vector<400x12xf32>
    %add3A_2604 = arith.addf %broadcast_in_dim3A_2589, %dot_general3A_2603 : vector<400x12xf32>
    %get3A_2605 = arith.constant 1 : index
    %get3A_2606 = arith.constant 8 : index
    %get3A_2607 = arith.constant 0 : index
    %get3A_2608 = arith.constant 0 : index
    %get3A_2609 = vector.load %arg1[%get3A_2605, %get3A_2606, %get3A_2607, %get3A_2608] : memref<2x10x400x128xf32, #tpu.memory_space<vmem>>, vector<1x1x400x128xf32>
    %get3A_2610 = vector.shape_cast %get3A_2609 : vector<1x1x400x128xf32> to vector<400x128xf32>
    %get3A_2611 = arith.constant 0 : index
    %get3A_2612 = arith.constant 1 : index
    %get3A_2613 = arith.constant 0 : index
    %get3A_2614 = arith.constant 0 : index
    %get3A_2615 = vector.load %arg2[%get3A_2611, %get3A_2612, %get3A_2613, %get3A_2614] : memref<3x3x128x12xf32, #tpu.memory_space<vmem>>, vector<1x1x128x12xf32>
    %get3A_2616 = vector.shape_cast %get3A_2615 : vector<1x1x128x12xf32> to vector<128x12xf32>
    %dot_general3A_2617 = arith.constant dense<0.000000e+00> : vector<400x12xf32>
    %dot_general3A_2618 = tpu.matmul %get3A_2610, %get3A_2616, %dot_general3A_2617 {dimension_numbers = #tpu.dot_dimension_numbers<[1], [0], [0], [1], [0, 0, 1, 1], [], []>, transpose_lhs_hint = false} : vector<400x128xf32>, vector<128x12xf32>, vector<400x12xf32> -> vector<400x12xf32>
    %add3A_2619 = arith.addf %add3A_2604, %dot_general3A_2618 : vector<400x12xf32>
    %get3A_2620 = arith.constant 1 : index
    %get3A_2621 = arith.constant 9 : index
    %get3A_2622 = arith.constant 0 : index
    %get3A_2623 = arith.constant 0 : index
    %get3A_2624 = vector.load %arg1[%get3A_2620, %get3A_2621, %get3A_2622, %get3A_2623] : memref<2x10x400x128xf32, #tpu.memory_space<vmem>>, vector<1x1x400x128xf32>
    %get3A_2625 = vector.shape_cast %get3A_2624 : vector<1x1x400x128xf32> to vector<400x128xf32>
    %get3A_2626 = arith.constant 0 : index
    %get3A_2627 = arith.constant 2 : index
    %get3A_2628 = arith.constant 0 : index
    %get3A_2629 = arith.constant 0 : index
    %get3A_2630 = vector.load %arg2[%get3A_2626, %get3A_2627, %get3A_2628, %get3A_2629] : memref<3x3x128x12xf32, #tpu.memory_space<vmem>>, vector<1x1x128x12xf32>
    %get3A_2631 = vector.shape_cast %get3A_2630 : vector<1x1x128x12xf32> to vector<128x12xf32>
    %dot_general3A_2632 = arith.constant dense<0.000000e+00> : vector<400x12xf32>
    %dot_general3A_2633 = tpu.matmul %get3A_2625, %get3A_2631, %dot_general3A_2632 {dimension_numbers = #tpu.dot_dimension_numbers<[1], [0], [0], [1], [0, 0, 1, 1], [], []>, transpose_lhs_hint = false} : vector<400x128xf32>, vector<128x12xf32>, vector<400x12xf32> -> vector<400x12xf32>
    %add3A_2634 = arith.addf %add3A_2619, %dot_general3A_2633 : vector<400x12xf32>
    %get3A_2635 = arith.constant 0 : index
    %get3A_2636 = arith.constant 0 : index
    %get3A_2637 = vector.load %arg3[%get3A_2635, %get3A_2636] : memref<3x12xf32, #tpu.memory_space<vmem>>, vector<1x12xf32>
    %get3A_2638 = vector.shape_cast %get3A_2637 : vector<1x12xf32> to vector<12xf32>
    %broadcast_in_dim3A_2639 = vector.shape_cast %get3A_2638 : vector<12xf32> to vector<1x12xf32>
    %add3A_2640 = vector.broadcast %broadcast_in_dim3A_2639 : vector<1x12xf32> to vector<400x12xf32>
    %add3A_2641 = arith.addf %add3A_2634, %add3A_2640 : vector<400x12xf32>
    %broadcast_in_dim3A_2642 = arith.constant 0.000000e+00 : f32
    %broadcast_in_dim3A_2643 = vector.broadcast %broadcast_in_dim3A_2642 : f32 to vector<400x12xf32>
    %get3A_2644 = arith.constant 1 : index
    %get3A_2645 = arith.constant 7 : index
    %get3A_2646 = arith.constant 0 : index
    %get3A_2647 = arith.constant 0 : index
    %get3A_2648 = vector.load %arg1[%get3A_2644, %get3A_2645, %get3A_2646, %get3A_2647] : memref<2x10x400x128xf32, #tpu.memory_space<vmem>>, vector<1x1x400x128xf32>
    %get3A_2649 = vector.shape_cast %get3A_2648 : vector<1x1x400x128xf32> to vector<400x128xf32>
    %get3A_2650 = arith.constant 1 : index
    %get3A_2651 = arith.constant 0 : index
    %get3A_2652 = arith.constant 0 : index
    %get3A_2653 = arith.constant 0 : index
    %get3A_2654 = vector.load %arg2[%get3A_2650, %get3A_2651, %get3A_2652, %get3A_2653] : memref<3x3x128x12xf32, #tpu.memory_space<vmem>>, vector<1x1x128x12xf32>
    %get3A_2655 = vector.shape_cast %get3A_2654 : vector<1x1x128x12xf32> to vector<128x12xf32>
    %dot_general3A_2656 = arith.constant dense<0.000000e+00> : vector<400x12xf32>
    %dot_general3A_2657 = tpu.matmul %get3A_2649, %get3A_2655, %dot_general3A_2656 {dimension_numbers = #tpu.dot_dimension_numbers<[1], [0], [0], [1], [0, 0, 1, 1], [], []>, transpose_lhs_hint = false} : vector<400x128xf32>, vector<128x12xf32>, vector<400x12xf32> -> vector<400x12xf32>
    %add3A_2658 = arith.addf %broadcast_in_dim3A_2643, %dot_general3A_2657 : vector<400x12xf32>
    %get3A_2659 = arith.constant 1 : index
    %get3A_2660 = arith.constant 8 : index
    %get3A_2661 = arith.constant 0 : index
    %get3A_2662 = arith.constant 0 : index
    %get3A_2663 = vector.load %arg1[%get3A_2659, %get3A_2660, %get3A_2661, %get3A_2662] : memref<2x10x400x128xf32, #tpu.memory_space<vmem>>, vector<1x1x400x128xf32>
    %get3A_2664 = vector.shape_cast %get3A_2663 : vector<1x1x400x128xf32> to vector<400x128xf32>
    %get3A_2665 = arith.constant 1 : index
    %get3A_2666 = arith.constant 1 : index
    %get3A_2667 = arith.constant 0 : index
    %get3A_2668 = arith.constant 0 : index
    %get3A_2669 = vector.load %arg2[%get3A_2665, %get3A_2666, %get3A_2667, %get3A_2668] : memref<3x3x128x12xf32, #tpu.memory_space<vmem>>, vector<1x1x128x12xf32>
    %get3A_2670 = vector.shape_cast %get3A_2669 : vector<1x1x128x12xf32> to vector<128x12xf32>
    %dot_general3A_2671 = arith.constant dense<0.000000e+00> : vector<400x12xf32>
    %dot_general3A_2672 = tpu.matmul %get3A_2664, %get3A_2670, %dot_general3A_2671 {dimension_numbers = #tpu.dot_dimension_numbers<[1], [0], [0], [1], [0, 0, 1, 1], [], []>, transpose_lhs_hint = false} : vector<400x128xf32>, vector<128x12xf32>, vector<400x12xf32> -> vector<400x12xf32>
    %add3A_2673 = arith.addf %add3A_2658, %dot_general3A_2672 : vector<400x12xf32>
    %get3A_2674 = arith.constant 1 : index
    %get3A_2675 = arith.constant 9 : index
    %get3A_2676 = arith.constant 0 : index
    %get3A_2677 = arith.constant 0 : index
    %get3A_2678 = vector.load %arg1[%get3A_2674, %get3A_2675, %get3A_2676, %get3A_2677] : memref<2x10x400x128xf32, #tpu.memory_space<vmem>>, vector<1x1x400x128xf32>
    %get3A_2679 = vector.shape_cast %get3A_2678 : vector<1x1x400x128xf32> to vector<400x128xf32>
    %get3A_2680 = arith.constant 1 : index
    %get3A_2681 = arith.constant 2 : index
    %get3A_2682 = arith.constant 0 : index
    %get3A_2683 = arith.constant 0 : index
    %get3A_2684 = vector.load %arg2[%get3A_2680, %get3A_2681, %get3A_2682, %get3A_2683] : memref<3x3x128x12xf32, #tpu.memory_space<vmem>>, vector<1x1x128x12xf32>
    %get3A_2685 = vector.shape_cast %get3A_2684 : vector<1x1x128x12xf32> to vector<128x12xf32>
    %dot_general3A_2686 = arith.constant dense<0.000000e+00> : vector<400x12xf32>
    %dot_general3A_2687 = tpu.matmul %get3A_2679, %get3A_2685, %dot_general3A_2686 {dimension_numbers = #tpu.dot_dimension_numbers<[1], [0], [0], [1], [0, 0, 1, 1], [], []>, transpose_lhs_hint = false} : vector<400x128xf32>, vector<128x12xf32>, vector<400x12xf32> -> vector<400x12xf32>
    %add3A_2688 = arith.addf %add3A_2673, %dot_general3A_2687 : vector<400x12xf32>
    %get3A_2689 = arith.constant 1 : index
    %get3A_2690 = arith.constant 0 : index
    %get3A_2691 = vector.load %arg3[%get3A_2689, %get3A_2690] : memref<3x12xf32, #tpu.memory_space<vmem>>, vector<1x12xf32>
    %get3A_2692 = vector.shape_cast %get3A_2691 : vector<1x12xf32> to vector<12xf32>
    %broadcast_in_dim3A_2693 = vector.shape_cast %get3A_2692 : vector<12xf32> to vector<1x12xf32>
    %add3A_2694 = vector.broadcast %broadcast_in_dim3A_2693 : vector<1x12xf32> to vector<400x12xf32>
    %add3A_2695 = arith.addf %add3A_2688, %add3A_2694 : vector<400x12xf32>
    %broadcast_in_dim3A_2696 = arith.constant 0.000000e+00 : f32
    %broadcast_in_dim3A_2697 = vector.broadcast %broadcast_in_dim3A_2696 : f32 to vector<400x12xf32>
    %get3A_2698 = arith.constant 1 : index
    %get3A_2699 = arith.constant 7 : index
    %get3A_2700 = arith.constant 0 : index
    %get3A_2701 = arith.constant 0 : index
    %get3A_2702 = vector.load %arg1[%get3A_2698, %get3A_2699, %get3A_2700, %get3A_2701] : memref<2x10x400x128xf32, #tpu.memory_space<vmem>>, vector<1x1x400x128xf32>
    %get3A_2703 = vector.shape_cast %get3A_2702 : vector<1x1x400x128xf32> to vector<400x128xf32>
    %get3A_2704 = arith.constant 2 : index
    %get3A_2705 = arith.constant 0 : index
    %get3A_2706 = arith.constant 0 : index
    %get3A_2707 = arith.constant 0 : index
    %get3A_2708 = vector.load %arg2[%get3A_2704, %get3A_2705, %get3A_2706, %get3A_2707] : memref<3x3x128x12xf32, #tpu.memory_space<vmem>>, vector<1x1x128x12xf32>
    %get3A_2709 = vector.shape_cast %get3A_2708 : vector<1x1x128x12xf32> to vector<128x12xf32>
    %dot_general3A_2710 = arith.constant dense<0.000000e+00> : vector<400x12xf32>
    %dot_general3A_2711 = tpu.matmul %get3A_2703, %get3A_2709, %dot_general3A_2710 {dimension_numbers = #tpu.dot_dimension_numbers<[1], [0], [0], [1], [0, 0, 1, 1], [], []>, transpose_lhs_hint = false} : vector<400x128xf32>, vector<128x12xf32>, vector<400x12xf32> -> vector<400x12xf32>
    %add3A_2712 = arith.addf %broadcast_in_dim3A_2697, %dot_general3A_2711 : vector<400x12xf32>
    %get3A_2713 = arith.constant 1 : index
    %get3A_2714 = arith.constant 8 : index
    %get3A_2715 = arith.constant 0 : index
    %get3A_2716 = arith.constant 0 : index
    %get3A_2717 = vector.load %arg1[%get3A_2713, %get3A_2714, %get3A_2715, %get3A_2716] : memref<2x10x400x128xf32, #tpu.memory_space<vmem>>, vector<1x1x400x128xf32>
    %get3A_2718 = vector.shape_cast %get3A_2717 : vector<1x1x400x128xf32> to vector<400x128xf32>
    %get3A_2719 = arith.constant 2 : index
    %get3A_2720 = arith.constant 1 : index
    %get3A_2721 = arith.constant 0 : index
    %get3A_2722 = arith.constant 0 : index
    %get3A_2723 = vector.load %arg2[%get3A_2719, %get3A_2720, %get3A_2721, %get3A_2722] : memref<3x3x128x12xf32, #tpu.memory_space<vmem>>, vector<1x1x128x12xf32>
    %get3A_2724 = vector.shape_cast %get3A_2723 : vector<1x1x128x12xf32> to vector<128x12xf32>
    %dot_general3A_2725 = arith.constant dense<0.000000e+00> : vector<400x12xf32>
    %dot_general3A_2726 = tpu.matmul %get3A_2718, %get3A_2724, %dot_general3A_2725 {dimension_numbers = #tpu.dot_dimension_numbers<[1], [0], [0], [1], [0, 0, 1, 1], [], []>, transpose_lhs_hint = false} : vector<400x128xf32>, vector<128x12xf32>, vector<400x12xf32> -> vector<400x12xf32>
    %add3A_2727 = arith.addf %add3A_2712, %dot_general3A_2726 : vector<400x12xf32>
    %get3A_2728 = arith.constant 1 : index
    %get3A_2729 = arith.constant 9 : index
    %get3A_2730 = arith.constant 0 : index
    %get3A_2731 = arith.constant 0 : index
    %get3A_2732 = vector.load %arg1[%get3A_2728, %get3A_2729, %get3A_2730, %get3A_2731] : memref<2x10x400x128xf32, #tpu.memory_space<vmem>>, vector<1x1x400x128xf32>
    %get3A_2733 = vector.shape_cast %get3A_2732 : vector<1x1x400x128xf32> to vector<400x128xf32>
    %get3A_2734 = arith.constant 2 : index
    %get3A_2735 = arith.constant 2 : index
    %get3A_2736 = arith.constant 0 : index
    %get3A_2737 = arith.constant 0 : index
    %get3A_2738 = vector.load %arg2[%get3A_2734, %get3A_2735, %get3A_2736, %get3A_2737] : memref<3x3x128x12xf32, #tpu.memory_space<vmem>>, vector<1x1x128x12xf32>
    %get3A_2739 = vector.shape_cast %get3A_2738 : vector<1x1x128x12xf32> to vector<128x12xf32>
    %dot_general3A_2740 = arith.constant dense<0.000000e+00> : vector<400x12xf32>
    %dot_general3A_2741 = tpu.matmul %get3A_2733, %get3A_2739, %dot_general3A_2740 {dimension_numbers = #tpu.dot_dimension_numbers<[1], [0], [0], [1], [0, 0, 1, 1], [], []>, transpose_lhs_hint = false} : vector<400x128xf32>, vector<128x12xf32>, vector<400x12xf32> -> vector<400x12xf32>
    %add3A_2742 = arith.addf %add3A_2727, %dot_general3A_2741 : vector<400x12xf32>
    %get3A_2743 = arith.constant 2 : index
    %get3A_2744 = arith.constant 0 : index
    %get3A_2745 = vector.load %arg3[%get3A_2743, %get3A_2744] : memref<3x12xf32, #tpu.memory_space<vmem>>, vector<1x12xf32>
    %get3A_2746 = vector.shape_cast %get3A_2745 : vector<1x12xf32> to vector<12xf32>
    %broadcast_in_dim3A_2747 = vector.shape_cast %get3A_2746 : vector<12xf32> to vector<1x12xf32>
    %add3A_2748 = vector.broadcast %broadcast_in_dim3A_2747 : vector<1x12xf32> to vector<400x12xf32>
    %add3A_2749 = arith.addf %add3A_2742, %add3A_2748 : vector<400x12xf32>
    %logistic3A_2750 = arith.negf %add3A_2695 : vector<400x12xf32>
    %logistic3A_2751 = math.exp %logistic3A_2750 : vector<400x12xf32>
    %logistic3A_2752 = arith.constant 1.000000e+00 : f32
    %logistic3A_2753 = vector.broadcast %logistic3A_2752 : f32 to vector<400x12xf32>
    %logistic3A_2754 = arith.addf %logistic3A_2753, %logistic3A_2751 : vector<400x12xf32>
    %logistic3A_2755 = arith.divf %logistic3A_2753, %logistic3A_2754 : vector<400x12xf32>
    %mul3A_2756 = arith.mulf %add3A_2641, %logistic3A_2755 : vector<400x12xf32>
    %add3A_2757 = arith.addf %mul3A_2756, %add3A_2749 : vector<400x12xf32>
    %max3A_2758 = arith.constant 0.000000e+00 : f32
    %max3A_2759 = vector.broadcast %max3A_2758 : f32 to vector<400x12xf32>
    %max3A_2760 = arith.maximumf %add3A_2757, %max3A_2759 : vector<400x12xf32>
    %stack3A = vector.shape_cast %max3A_165 : vector<400x12xf32> to vector<1x400x12xf32>
    %stack3A_2761 = vector.shape_cast %max3A_338 : vector<400x12xf32> to vector<1x400x12xf32>
    %stack3A_2762 = vector.shape_cast %max3A_511 : vector<400x12xf32> to vector<1x400x12xf32>
    %stack3A_2763 = vector.shape_cast %max3A_684 : vector<400x12xf32> to vector<1x400x12xf32>
    %stack3A_2764 = vector.shape_cast %max3A_857 : vector<400x12xf32> to vector<1x400x12xf32>
    %stack3A_2765 = vector.shape_cast %max3A_1030 : vector<400x12xf32> to vector<1x400x12xf32>
    %stack3A_2766 = vector.shape_cast %max3A_1203 : vector<400x12xf32> to vector<1x400x12xf32>
    %stack3A_2767 = vector.shape_cast %max3A_1376 : vector<400x12xf32> to vector<1x400x12xf32>
    %stack3A_2768 = vector.shape_cast %max3A_1549 : vector<400x12xf32> to vector<1x400x12xf32>
    %stack3A_2769 = vector.shape_cast %max3A_1722 : vector<400x12xf32> to vector<1x400x12xf32>
    %stack3A_2770 = vector.shape_cast %max3A_1895 : vector<400x12xf32> to vector<1x400x12xf32>
    %stack3A_2771 = vector.shape_cast %max3A_2068 : vector<400x12xf32> to vector<1x400x12xf32>
    %stack3A_2772 = vector.shape_cast %max3A_2241 : vector<400x12xf32> to vector<1x400x12xf32>
    %stack3A_2773 = vector.shape_cast %max3A_2414 : vector<400x12xf32> to vector<1x400x12xf32>
    %stack3A_2774 = vector.shape_cast %max3A_2587 : vector<400x12xf32> to vector<1x400x12xf32>
    %stack3A_2775 = vector.shape_cast %max3A_2760 : vector<400x12xf32> to vector<1x400x12xf32>
    %stack3A_2776 = tpu.concatenate %stack3A, %stack3A_2761, %stack3A_2762, %stack3A_2763, %stack3A_2764, %stack3A_2765, %stack3A_2766, %stack3A_2767, %stack3A_2768, %stack3A_2769, %stack3A_2770, %stack3A_2771, %stack3A_2772, %stack3A_2773, %stack3A_2774, %stack3A_2775 in 0 : vector<1x400x12xf32>, vector<1x400x12xf32>, vector<1x400x12xf32>, vector<1x400x12xf32>, vector<1x400x12xf32>, vector<1x400x12xf32>, vector<1x400x12xf32>, vector<1x400x12xf32>, vector<1x400x12xf32>, vector<1x400x12xf32>, vector<1x400x12xf32>, vector<1x400x12xf32>, vector<1x400x12xf32>, vector<1x400x12xf32>, vector<1x400x12xf32>, vector<1x400x12xf32> -> vector<16x400x12xf32>
    %reduce_sum3A = arith.constant dense<0.000000e+00> : vector<400x12xf32>
    %reduce_sum3A_2777 = vector.multi_reduction <add>, %stack3A_2776, %reduce_sum3A [0] : vector<16x400x12xf32> to vector<400x12xf32>
    %reduce_sum3A_2778 = arith.constant dense<0.000000e+00> : vector<400xf32>
    %reduce_sum3A_2779 = vector.multi_reduction <add>, %reduce_sum3A_2777, %reduce_sum3A_2778 [1] : vector<400x12xf32> to vector<400xf32>
    %div3A = arith.constant 1.920000e+02 : f32
    %div3A_2780 = vector.broadcast %div3A : f32 to vector<400xf32>
    %div3A_2781 = arith.divf %reduce_sum3A_2779, %div3A_2780 : vector<400xf32>
    %mul3A_2782 = arith.mulf %stack3A_2776, %stack3A_2776 : vector<16x400x12xf32>
    %reduce_sum3A_2783 = arith.constant dense<0.000000e+00> : vector<400x12xf32>
    %reduce_sum3A_2784 = vector.multi_reduction <add>, %mul3A_2782, %reduce_sum3A_2783 [0] : vector<16x400x12xf32> to vector<400x12xf32>
    %reduce_sum3A_2785 = arith.constant dense<0.000000e+00> : vector<400xf32>
    %reduce_sum3A_2786 = vector.multi_reduction <add>, %reduce_sum3A_2784, %reduce_sum3A_2785 [1] : vector<400x12xf32> to vector<400xf32>
    %div3A_2787 = arith.constant 1.920000e+02 : f32
    %div3A_2788 = vector.broadcast %div3A_2787 : f32 to vector<400xf32>
    %div3A_2789 = arith.divf %reduce_sum3A_2786, %div3A_2788 : vector<400xf32>
    %mul3A_2790 = arith.mulf %div3A_2781, %div3A_2781 : vector<400xf32>
    %sub3A = arith.subf %div3A_2789, %mul3A_2790 : vector<400xf32>
    %add3A_2791 = arith.constant 9.99999974E-6 : f32
    %add3A_2792 = vector.broadcast %add3A_2791 : f32 to vector<400xf32>
    %add3A_2793 = arith.addf %sub3A, %add3A_2792 : vector<400xf32>
    %rsqrt3A = math.rsqrt %add3A_2793 : vector<400xf32>
    %get3A_2794 = arith.constant 0 : index
    %get3A_2795 = arith.constant 0 : index
    %get3A_2796 = vector.load %arg4[%get3A_2794, %get3A_2795] : memref<400x1xf32, #tpu.memory_space<vmem>>, vector<400x1xf32>
    %get3A_2797 = vector.shape_cast %get3A_2796 : vector<400x1xf32> to vector<400xf32>
    %mul3A_2798 = arith.mulf %rsqrt3A, %get3A_2797 : vector<400xf32>
    %get3A_2799 = arith.constant 0 : index
    %get3A_2800 = arith.constant 0 : index
    %get3A_2801 = vector.load %arg5[%get3A_2799, %get3A_2800] : memref<400x1xf32, #tpu.memory_space<vmem>>, vector<400x1xf32>
    %get3A_2802 = vector.shape_cast %get3A_2801 : vector<400x1xf32> to vector<400xf32>
    %stack3A_2803 = vector.shape_cast %max3A_1376 : vector<400x12xf32> to vector<1x400x12xf32>
    %stack3A_2804 = vector.shape_cast %max3A_2760 : vector<400x12xf32> to vector<1x400x12xf32>
    %stack3A_2805 = tpu.concatenate %stack3A_2803, %stack3A_2804 in 0 : vector<1x400x12xf32>, vector<1x400x12xf32> -> vector<2x400x12xf32>
    %broadcast_in_dim3A_2806 = vector.shape_cast %div3A_2781 : vector<400xf32> to vector<1x400x1xf32>
    %sub3A_2807 = vector.broadcast %broadcast_in_dim3A_2806 : vector<1x400x1xf32> to vector<2x400x12xf32>
    %sub3A_2808 = arith.subf %stack3A_2805, %sub3A_2807 : vector<2x400x12xf32>
    %broadcast_in_dim3A_2809 = vector.shape_cast %mul3A_2798 : vector<400xf32> to vector<1x400x1xf32>
    %mul3A_2810 = vector.broadcast %broadcast_in_dim3A_2809 : vector<1x400x1xf32> to vector<2x400x12xf32>
    %mul3A_2811 = arith.mulf %sub3A_2808, %mul3A_2810 : vector<2x400x12xf32>
    %broadcast_in_dim3A_2812 = vector.shape_cast %get3A_2802 : vector<400xf32> to vector<1x400x1xf32>
    %add3A_2813 = vector.broadcast %broadcast_in_dim3A_2812 : vector<1x400x1xf32> to vector<2x400x12xf32>
    %add3A_2814 = arith.addf %mul3A_2811, %add3A_2813 : vector<2x400x12xf32>
    %swap3A = arith.constant 0 : index
    %swap3A_2815 = arith.constant 0 : index
    %swap3A_2816 = arith.constant 0 : index
    %swap3A_2817 = vector.load %arg6[%swap3A, %swap3A_2815, %swap3A_2816] : memref<2x400x12xf32, #tpu.memory_space<vmem>>, vector<2x400x12xf32>
    tpu.vector_store %arg6[%swap3A, %swap3A_2815, %swap3A_2816], %add3A_2814 {strides = array<i32>} : memref<2x400x12xf32, #tpu.memory_space<vmem>>, vector<2x400x12xf32>,
    return
  }
  func.func @transform_0(%arg0: i32) -> (i32, i32, i32, i32) {
    %c0_i32 = arith.constant 0 : i32
    %c0_i32_0 = arith.constant 0 : i32
    %c0_i32_1 = arith.constant 0 : i32
    %c0_i32_2 = arith.constant 0 : i32
    return %c0_i32, %c0_i32_0, %arg0, %c0_i32_1 : i32, i32, i32, i32
  }
  func.func @transform_1(%arg0: i32) -> (i32, i32, i32, i32) {
    %c0_i32 = arith.constant 0 : i32
    %c0_i32_0 = arith.constant 0 : i32
    %c0_i32_1 = arith.constant 0 : i32
    %c0_i32_2 = arith.constant 0 : i32
    %c0_i32_3 = arith.constant 0 : i32
    return %c0_i32, %c0_i32_0, %c0_i32_1, %c0_i32_2 : i32, i32, i32, i32
  }
  func.func @transform_2(%arg0: i32) -> (i32, i32) {
    %c0_i32 = arith.constant 0 : i32
    %c0_i32_0 = arith.constant 0 : i32
    %c0_i32_1 = arith.constant 0 : i32
    return %c0_i32, %c0_i32_0 : i32, i32
  }
  func.func @transform_3(%arg0: i32) -> (i32, i32) {
    %c0_i32 = arith.constant 0 : i32
    %c0_i32_0 = arith.constant 0 : i32
    return %arg0, %c0_i32 : i32, i32
  }
  func.func @transform_4(%arg0: i32) -> (i32, i32) {
    %c0_i32 = arith.constant 0 : i32
    %c0_i32_0 = arith.constant 0 : i32
    return %arg0, %c0_i32 : i32, i32
  }
  func.func @transform_5(%arg0: i32) -> (i32, i32, i32) {
    %c0_i32 = arith.constant 0 : i32
    %c0_i32_0 = arith.constant 0 : i32
    %c0_i32_1 = arith.constant 0 : i32
    return %c0_i32, %arg0, %c0_i32_0 : i32, i32, i32
  }
}

</mosaic_0001>

<sc_bundles>
// kernel: kernel.12.cloned.1.call-start
scs
__scs_entry_jumppad:
0x0: {  	(pc) =	sbr.rel $0x88, $3  }
0x1: {  	(tag) =	ssettag $0x0;
	lr =	simm.s32 $0x1  }
0x2: {  	[smem:$0x3F8F] =	sst lr;
	_ =	strace $0xD0000000  }
0x3: {  	_ = 	snop  }
0x4: {  	_ = 	snop  }
0x5: {  	_ = 	snop  }
0x6: {  	_ = 	snop  }
0x7: {  	_ = 	snop  }
__scs_overlays_trampoline_lowered:
0x8: {  	[smem:$0x3F9E] =	sst s0  }
0x9: {  	[smem:$0x3F9F] =	sst s1  }
0xa: {  	[smem:$0x3FA0] =	sst s2  }
0xb: {  	[smem:$0x3FA1] =	sst s3  }
0xc: {  	[smem:$0x3FA2] =	sst s4  }
0xd: {  	[smem:$0x3FA3] =	sst s5  }
0xe: {  	[smem:$0x3FA4] =	sst s6  }
0xf: {  	[smem:$0x3FA5] =	sst s7  }
0x10: {  	[smem:$0x3FA6] =	sst s8  }
0x11: {  	[smem:$0x3FA7] =	sst s9;
	s0 =	simm.s32 @!p0 $0x0  }
0x12: {  	s1 =	sld [smem:$0x3F8D];
	s0 =	simm.s32 @p0 $0x1  }
0x13: {  	[smem:$0x3FA8] =	sst s0;
	s0 =	simm.s32 @!p1 $0x0  }
0x14: {  	s2 =	sld [smem:$0x3F8C];
	s0 =	simm.s32 @p1 $0x1  }
0x15: {  	[smem:$0x3FA9] =	sst s0;
	s0 =	simm.s32 @!p2 $0x0  }
0x16: {  	s3 =	sld [smem:$0x3FDB];
	s0 =	simm.s32 @p2 $0x1  }
0x17: {  	s4 =	simm.s32 $0x1BF5;
	[smem:$0x3FAB] =	sst s0  }
0x18: {  	s0 =	sld [smem:$0x3F8E];
	_ =	swait.ge [sflag:s4], $0x0  }
0x19: {  	s7 =	sld [smem:$0x3F8F]  }
0x1a: {  	s8 =	sadd.s32 $0xFFFFE003, lr  }
0x1b: {  	s9 =	sadd.s32 $0xFFFFFEF7, lr;
	s5 =	simm.s32 $0xFFFFFFFF;
	p2 =	slt.u32 s8, $0xFFFFF086  }
0x1c: {  	p1 =	slt.u32 s9, $0xF7A;
	s5 =	simm.s32 @!p2 $0x0  }
0x1d: {  	s5 =	simm.s32 @p1 $0x1;
	p0 =	seq.s32 s7, s2  }
0x1e: {  	s7 =	smul.u32 @!p0 $0xF7A, s2;
	p2 =	seq.s32 @!p0 s5, $0x0  }
0x1f: {  	s9 =	smul.u32 $0xF7A, s1;
	s8 =	simm.s32 @!p0 $0x1BF5;
	p2 =	por !p2, p0  }
0x20: {  	[sflag:s8] =	ssyncset.s32 @!p0 $0xFFFFF086;
	s6 =	sadd.s32 @!p0 s3, s7;
	s7 =	simm.s32 @!p0 $0x108  }
0x21: {  	s3 =	sadd.s32 s3, s9;
	s6 =	sadd.s32 @!p0 $0x88, s6;
	s7 =	simm.s32 @p2 $0x1082  }
0x22: {  	[simem:s7], [sflag:s8] =	dma.local @!p0 [hbm:s6], $0xF7A  }
0x23: {  	s9 =	sor.u32 $0xD0000000, s2;
	s6 =	simm.s32 $0x108;
	_ =	swait.ge @!p0 [sflag:s8], $0x0  }
0x24: {  	s3 =	sadd.s32 $0x88, s3;
	s6 =	simm.s32 @!p1 $0x1082;
	[sflag:s4] =	ssyncset.s32 $0xFFFFF086  }
0x25: {  	[simem:s6], [sflag:s4] =	dma.local [hbm:s3], $0xF7A  }
0x26: {  	[smem:$0x3F8F] =	sst s1;
	(tag) =	ssettag s2;
	_ =	strace s9  }
0x27: {  	s1 =	sld [smem:$0x3F9F]  }
0x28: {  	s2 =	sld [smem:$0x3FA0]  }
0x29: {  	s4 =	sld [smem:$0x3FA2]  }
0x2a: {  	p0 =	seq.s32 s5, $0x0;
	s5 =	sld [smem:$0x3FA3]  }
0x2b: {  	s6 =	sld [smem:$0x3FA4]  }
0x2c: {  	s7 =	sld [smem:$0x3FA5]  }
0x2d: {  	s3 =	simm.s32 $0x108;
	s8 =	sld [smem:$0x3FA6]  }
0x2e: {  	s3 =	simm.s32 @!p0 $0x1082;
	s9 =	sld [smem:$0x3FA7]  }
0x2f: {  	lr =	sadd.s32 s0, s3;
	s0 =	sld [smem:$0x3F9E]  }
0x30: {  	s3 =	sld [smem:$0x3FA1]  }
0x31: {  	[smem:$0x3FAA] =	sst s10  }
0x32: {  	s10 =	sld [smem:$0x3FA8];
	_ =	sdelay $0x3  }
0x33: {  	p0 =	seq.s32 s10, $0x1;
	s10 =	sld [smem:$0x3FAA];
	_ =	sdelay $0x3  }
0x34: {  	[smem:$0x3FAA] =	sst s10  }
0x35: {  	s10 =	sld [smem:$0x3FA9];
	_ =	sdelay $0x3  }
0x36: {  	p1 =	seq.s32 s10, $0x1;
	s10 =	sld [smem:$0x3FAA];
	_ =	sdelay $0x3  }
0x37: {  	[smem:$0x3FAA] =	sst s10  }
0x38: {  	s10 =	sld [smem:$0x3FAB]  }
0x39: {  	_ = 	snop;
	(pc) =	sbr.ind lr, $3  }
0x3a: {  	_ = 	snop  }
0x3b: {  	_ = 	snop  }
0x3c: {  	p2 =	seq.s32 s10, $0x1;
	s10 =	sld [smem:$0x3FAA]  }
0x3d: {  	_ =	shalt  }
0x3e: {  	_ =	shalt  }
0x3f: {  	_ =	shalt  }
0x40: {  	_ =	shalt  }
0x41: {  	_ =	shalt  }
0x42: {  	_ =	shalt  }
0x43: {  	_ =	shalt  }
0x44: {  	_ =	shalt  }
0x45: {  	_ =	shalt  }
0x46: {  	_ =	shalt  }
0x47: {  	_ =	shalt  }
0x48: {  	_ =	shalt  }
0x49: {  	_ =	shalt  }
0x4a: {  	_ =	shalt  }
0x4b: {  	_ =	shalt  }
0x4c: {  	_ =	shalt  }
0x4d: {  	_ =	shalt  }
0x4e: {  	_ =	shalt  }
0x4f: {  	_ =	shalt  }
0x50: {  	_ =	shalt  }
0x51: {  	_ =	shalt  }
0x52: {  	_ =	shalt  }
0x53: {  	_ =	shalt  }
0x54: {  	_ =	shalt  }
0x55: {  	_ =	shalt  }
0x56: {  	_ =	shalt  }
0x57: {  	_ =	shalt  }
0x58: {  	_ =	shalt  }
0x59: {  	_ =	shalt  }
0x5a: {  	_ =	shalt  }
0x5b: {  	_ =	shalt  }
0x5c: {  	_ =	shalt  }
0x5d: {  	_ =	shalt  }
0x5e: {  	_ =	shalt  }
0x5f: {  	_ =	shalt  }
0x60: {  	_ =	shalt  }
0x61: {  	_ =	shalt  }
0x62: {  	_ =	shalt  }
0x63: {  	_ =	shalt  }
0x64: {  	_ =	shalt  }
0x65: {  	_ =	shalt  }
0x66: {  	_ =	shalt  }
0x67: {  	_ =	shalt  }
0x68: {  	_ =	shalt  }
0x69: {  	_ =	shalt  }
0x6a: {  	_ =	shalt  }
0x6b: {  	_ =	shalt  }
0x6c: {  	_ =	shalt  }
0x6d: {  	_ =	shalt  }
0x6e: {  	_ =	shalt  }
0x6f: {  	_ =	shalt  }
0x70: {  	_ =	shalt  }
0x71: {  	_ =	shalt  }
0x72: {  	_ =	shalt  }
0x73: {  	_ =	shalt  }
0x74: {  	_ =	shalt  }
0x75: {  	_ =	shalt  }
0x76: {  	_ =	shalt  }
0x77: {  	_ =	shalt  }
0x78: {  	_ =	shalt  }
0x79: {  	_ =	shalt  }
0x7a: {  	_ =	shalt  }
0x7b: {  	_ =	shalt  }
0x7c: {  	_ =	shalt  }
0x7d: {  	_ =	shalt  }
0x7e: {  	_ =	shalt  }
0x7f: {  	_ =	shalt  }
0x80: {  	_ =	shalt  }
0x81: {  	_ =	shalt  }
0x82: {  	_ =	shalt  }
0x83: {  	_ =	shalt  }
0x84: {  	_ =	shalt  }
0x85: {  	_ =	shalt  }
0x86: {  	_ =	shalt  }
0x87: {  	_ =	shalt  }
.Lfunc_end0:
.L_simem_size_0:
called_computation.1_lowered:
.L_overlay_start_0:
0x88: {  	s2 =	sld [smem:$0x3FD9]  }
0x89: {  	s3 =	sld [smem:$0x3FFE];
	_ =	sdelay $0x1  }
0x8a: {  	s1 =	srdreg.scid  }
0x8b: {  	s0 =	sand.u32 $0x1, s1  }
0x8c: {  	s16 =	sshll.u32 s0, $0xA;
	s2 =	sadd.s32 s3, s2  }
0x8d: {  	s2 =	sadd.s32 s2, s16  }
0x8e: {  	[smem:$0x3FB6] =	sst s2  }
0x8f: {  	_ = 	snop  }
0x90: {  	(tm) =	ssettm $0x1  }
0x91: {  	s17 =	sld [smem:$0x3FFB];
	_ =	sdelay $0x3  }
0x92: {  	_ =	strace s17  }
0x93: {  	s2 =	sld [smem:$0x3FFC];
	_ =	sdelay $0x3  }
0x94: {  	_ =	strace s2  }
0x95: {  	s2 =	sld [smem:$0x3FFD];
	_ =	sdelay $0x3  }
0x96: {  	_ =	strace s2  }
0x97: {  	_ =	strace $0x8FFFFFFF  }
0x98: {  	s18 =	sld [smem:$0x3FDB];
	_ =	sdelay $0x1  }
0x99: {  	s19 =	simm.s32 $_scs_section_size  }
0x9a: {  	s4 =	simm.s32 $_size__tile_overlayer_lowered;
	s5 =	simm.s32 $_tile_overlayer_lowered  }
0x9b: {  	s22 =	simm.s32 $0x1BFF;
	s21 =	sshll.u32 s5, $0x1;
	s2 =	sadd.s32 s19, s18  }
0x9c: {  	s6 =	simm.s32 $0x0;
	s20 =	sshll.u32 s4, $0x1;
	s4 =	sadd.s32 s21, s2  }
0x9d: {  	[timem:s6], [sflag:s22] =	dma.local [hbm:s4], s20  }
0x9e: {  	_ =	swait.ge [sflag:s22], s20  }
0x9f: {  	s3 =	ssub.s32 $0x0, s20;
	[sflag:s22] =	ssyncset.done $0x0  }
0xa0: {  	[sflag:s22] =	ssyncadd.s32 s3;
	_ =	sdelay $0x1  }
0xa1: {  	s23 =	simm.s32 $0x1B8B  }
0xa2: {  	_ =	swait.ge [sflag:s23], $0x1  }
0xa3: {  	[sflag:s23] =	ssyncset.done $0x0  }
0xa4: {  	s25 =	simm.s32 $0x1B8E;
	s24 =	sld [smem:$0x3FFE];
	[sflag:s23] =	ssyncadd.s32 $0xFFFFFFFF  }
0xa5: {  	s26 =	simm.s32 $execute0_lowered;
	[smem:$0x3FD2] =	sst s25  }
0xa6: {  	s4 =	sshll.u32 s26, $0x1;
	_ =	strace $0x80000049;
	[dreg:$0x1] =	wrdreg $0xFFFFFFFF  }
0xa7: {  	s28 =	simm.s32 $_size_execute0_lowered;
	s2 =	sadd.s32 s2, s4;
	[dreg:$0x0] =	wrdreg $0x0  }
0xa8: {  	s4 =	sshll.u32 s28, $0x1;
	[dreg:$0x2] =	wrdreg s2  }
0xa9: {  	[dreg:$0x3] =	wrdreg s4  }
0xaa: {  	[dreg:$0x4] =	wrdreg $0xC0  }
0xab: {  	_ =	task [dreg:s6], $0x5FFFF  }
0xac: {  	[dreg:$0x1] =	wrdreg $0xFFFFFFFF  }
0xad: {  	[dreg:$0x0] =	wrdreg $0x60  }
0xae: {  	[dreg:$0x2] =	wrdreg s24  }
0xaf: {  	[dreg:$0x3] =	wrdreg $0xA8000  }
0xb0: {  	[dreg:$0x4] =	wrdreg $0x9  }
0xb1: {  	_ =	task.clear_ibuf [dreg:s6], $0x5FFFF;
	_ =	strace $0x90000049  }
0xb2: {  	s29 =	simm.s32 $0x9;
	_ =	strace $0x8000004B  }
0xb3: {  	_ =	swait.ge [sflag:s29], $0x1  }
0xb4: {  	[sflag:s29] =	ssyncadd.s32 $0xFFFFFFFF  }
0xb5: {  	_ =	strace $0x9000004B  }
0xb6: {  	_ =	sfence  }
0xb7: {  	s30 =	sld [smem:$0x0];
	_ =	sdelay $0x2  }
0xb8: {  	s31 =	sshll.u32 s1, $0xD;
	s1 =	sshrl.u32 s1, $0x2  }
0xb9: {  	s3 =	sand.u32 $0x4000, s31;
	s1 =	sadd.s32 s1, s30  }
0xba: {  	s0 =	sor.u32 s3, s0;
	s1 =	sshll.u32 s1, $0x11  }
0xbb: {  	s0 =	sor.u32 s1, s0  }
0xbc: {  	s0 =	sadd.s32 $0x8F2B, s0  }
0xbd: {  	[sflag:s0] =	ssyncadd.remote.s32 $0x1  }
0xbe: {  	_ =	sfence.sel $0xFFFF  }
0xbf: {  	[dreg:$0x0] =	wrdreg $0xFFFFFFFF;
	(pc) =	sbr.abs _section_cstart, $3  }
0xc0: {  	[dreg:$0x1] =	wrdreg $0xFFFFFFFF  }
0xc1: {  	_ =	task.clear_ibuf [dreg:s6], $0x2FFFF;
	_ =	strace $0x9FFFFFFF  }
0xc2: {  	(tm) =	ssettm $0x7FFFFFFF  }
0xc3: {  	_ =	shalt  }
tec
execute0_lowered:
.L_overlay_start_1:
0x0: {  	(tag) =	ssettag $0x1  }
0x1: {  	s0 =	srdreg.scid;
	s7 =	rddreg [dreg:$0x0]  }
0x2: {  	s2 =	rddreg [dreg:$0x1];
	s1 =	stileid.u32;
	s3 =	simm.s32 $0x0  }
0x3: {  	s18 =	simm.s32 $0x3;
	s19 =	simm.s32 $0x1400;
	s20 =	simm.s32 $0x80  }
0x4: {  	s21 =	simm.s32 $0x6800;
	s22 =	simm.s32 $0x1;
	s23 =	simm.s32 $0x2  }
0x5: {  	s24 =	simm.s32 $0x2700;
	s25 =	simm.s32 $0x2780;
	s9 =	sand.u32 $0x1, s0  }
0x6: {  	[smem:$0x7FF] =	sst s3;
	s5 =	sadd.s32 $0x12F400, s7;
	s10 =	smul.u32 $0x4F000, s1  }
0x7: {  	s6 =	sadd.s32 $0x67400, s7;
	s17 =	smul.u32 $0x13C00, s1;
	s4 =	sshll.u32 s9, $0x4  }
0x8: {  	s31 =	ssub.s32 $0x2, s9;
	s15 =	smul.u32 $0x18B0000, s9;
	s4 =	sor.u32 s1, s4  }
0x9: {  	_ =	strace $0x8000004A;
	s11 =	sshrl.u32 s31, $0x1;
	s4 =	smul.u32 $0x2800, s4  }
0xa: {  	s10 =	sshrl.u32 s10, $0x2;
	s16 =	ssub.s32 s31, s11;
	s15 =	sadd.s32 s15, s17  }
0xb: {  	s17 =	simm.s32 $0x2800;
	s16 =	smax.u32 s16, $0x1;
	s8 =	sshrl.u32 s4, $0x3  }
0xc: {  	s14 =	sadd.s32 s8, s7;
	s7 =	sadd.s32 $0x749C00, s7;
	s8 =	sadd.s32 s10, s2  }
0xd: {  	s9 =	sadd.s32 $0x4000, s8;
	s10 =	sadd.s32 $0x8000, s8;
	s11 =	sadd.s32 $0xC000, s8  }
0xe: {  	v0 =	vimm.f32 $0.0e+00;
	s12 =	sadd.s32 $0x10000, s8;
	s13 =	sadd.s32 $0xE400, s14;
	s14 =	sadd.s32 $0xE680, s14  }
.LBB2_1:
0xf: {  	s26 =	simm.s32 $0x0;
	s28 =	simm.s32 $0x200  }
.LBB2_2:
0x10: {  	p0 =	sne.s32 s28, $0xFE00;
	[tilespmem:s26+$0x2870] =	vst v0  }
0x11: {  	[tilespmem:s26+$0x2800] =	vst v0  }
0x12: {  	[tilespmem:s26+$0x2810] =	vst v0  }
.Ltmp0:
0x13: {  	[tilespmem:s26+$0x2820] =	vst v0;
	(pc) =	sbr.rel @p0 .LBB2_2-.Ltmp0, $4  }
0x14: {  	[tilespmem:s26+$0x2830] =	vst v0  }
0x15: {  	[tilespmem:s26+$0x2840] =	vst v0  }
0x16: {  	[tilespmem:s26+$0x2850] =	vst v0  }
0x17: {  	[tilespmem:s26+$0x2860] =	vst v0;
	s26 =	sshra.s32 s28, $0x2;
	s28 =	sadd.s32 $0x200, s28  }
0x18: {  	[tilespmem:s26+$0x2870] =	vst v0  }
0x19: {  	[tilespmem:s26+$0x2800] =	vst v0  }
0x1a: {  	[tilespmem:s26+$0x2810] =	vst v0  }
0x1b: {  	[tilespmem:s26+$0x2820] =	vst v0  }
0x1c: {  	[tilespmem:s26+$0x2830] =	vst v0  }
0x1d: {  	[tilespmem:s26+$0x2840] =	vst v0  }
0x1e: {  	[tilespmem:s26+$0x2850] =	vst v0  }
0x1f: {  	[tilespmem:s26+$0x2860] =	vst v0  }
0x20: {  	[spmem:s8] =	stream.linear.scatter [tilespmem:s17], [sflag:$0x3], $0x4000, $0x38;
	[tilespmem:$0x1E400] =	vst v63  }
0x21: {  	_ =	swait.ge [sflag:s18], $0x4000  }
0x22: {  	[sflag:s18] =	ssyncset.done $0x0  }
0x23: {  	[sflag:s18] =	ssyncadd.s32 $0xFFFFC000  }
0x24: {  	[spmem:s9] =	stream.linear.scatter [tilespmem:s17], [sflag:$0x3], $0x4000, $0x38;
	[tilespmem:$0x1E400] =	vst v63  }
0x25: {  	_ =	swait.ge [sflag:s18], $0x4000  }
0x26: {  	[sflag:s18] =	ssyncset.done $0x0  }
0x27: {  	[sflag:s18] =	ssyncadd.s32 $0xFFFFC000  }
0x28: {  	[spmem:s10] =	stream.linear.scatter [tilespmem:s17], [sflag:$0x3], $0x4000, $0x38;
	[tilespmem:$0x1E400] =	vst v63  }
0x29: {  	_ =	swait.ge [sflag:s18], $0x4000  }
0x2a: {  	[sflag:s18] =	ssyncset.done $0x0  }
0x2b: {  	[sflag:s18] =	ssyncadd.s32 $0xFFFFC000  }
0x2c: {  	[spmem:s11] =	stream.linear.scatter [tilespmem:s17], [sflag:$0x3], $0x4000, $0x38;
	[tilespmem:$0x1E400] =	vst v63  }
0x2d: {  	_ =	swait.ge [sflag:s18], $0x4000  }
0x2e: {  	[sflag:s18] =	ssyncset.done $0x0  }
0x2f: {  	[sflag:s18] =	ssyncadd.s32 $0xFFFFC000  }
0x30: {  	[spmem:s12] =	stream.linear.scatter [tilespmem:s17], [sflag:$0x3], $0x3C00, $0x38;
	[tilespmem:$0x1E400] =	vst v63  }
0x31: {  	_ =	swait.ge [sflag:s18], $0x3C00  }
0x32: {  	[sflag:s18] =	ssyncset.done $0x0  }
0x33: {  	s26 =	simm.s32 $0x0;
	s28 =	simm.s32 $0x0;
	[sflag:s18] =	ssyncadd.s32 $0xFFFFC400  }
.LBB2_4:
0x34: {  	s29 =	smul.u32 $0x50000, s28;
	_ =	sdelay $0x1  }
0x35: {  	s29 =	sadd.s32 s4, s29  }
0x36: {  	s29 =	sshrl.u32 s29, $0x3  }
0x37: {  	[bflag:$0x0] =	sbarrier.arrive $0xFFFF;
	s29 =	sadd.s32 s6, s29  }
0x38: {  	[tilespmem:s26], [sflag:$0x3] =	stream.linear.gather [hbm4b:s29+s26], $0x1400, $0x38;
	[tilespmem:$0x1E400] =	vst v63  }
0x39: {  	_ =	swait.ge [sflag:s18], $0x1400  }
0x3a: {  	[sflag:s18] =	ssyncset.done $0x0  }
0x3b: {  	[sflag:s18] =	ssyncadd.s32 $0xFFFFEC00  }
0x3c: {  	[tilespmem:s19], [sflag:$0x3] =	stream.linear.gather [hbm4b:s13+s26], $0x1400, $0x38;
	[tilespmem:$0x1E400] =	vst v63  }
0x3d: {  	_ =	swait.ge [sflag:s18], $0x1400  }
0x3e: {  	[sflag:s18] =	ssyncset.done $0x0  }
0x3f: {  	[sflag:s18] =	ssyncadd.s32 $0xFFFFEC00  }
0x40: {  	[tilespmem:s17], [sflag:$0x1] =	stream.indirect.gather [hbm4b:s5+s20], $0x80, s26, s20, $0xb8;
	[tilespmem:$0x1E400] =	vst v63  }
0x41: {  	_ = 	snop  }
0x42: {  	[tilespmem:s21], [sflag:$0x2] =	stream.indirect.gather [hbm4b:s5+s20], $0x80, s20, s20, $0xb8;
	[tilespmem:$0x1E400] =	vst v63  }
0x43: {  	_ =	swait.ge [sflag:s22], $0x4000  }
0x44: {  	[sflag:s22] =	ssyncset.done $0x0  }
0x45: {  	s30 =	simm.s32 $0x1400;
	[sflag:s22] =	ssyncadd.s32 $0xFFFFC000  }
0x46: {  	[spmem:s2] =	stream.indirect.scatter.add.f32 [tilespmem:s17], [sflag:$0x3], $0x80, s30, s20, $0xb8;
	[tilespmem:$0x1E400] =	vst v63  }
0x47: {  	_ =	swait.ge [sflag:s18], $0x4000  }
0x48: {  	[sflag:s18] =	ssyncset.done $0x0  }
0x49: {  	s30 =	simm.s32 $0x100;
	[sflag:s18] =	ssyncadd.s32 $0xFFFFC000  }
0x4a: {  	[tilespmem:s17], [sflag:$0x1] =	stream.indirect.gather [hbm4b:s5+s20], $0x80, s30, s20, $0xb8;
	[tilespmem:$0x1E400] =	vst v63  }
0x4b: {  	_ =	swait.ge [sflag:s23], $0x4000  }
0x4c: {  	[sflag:s23] =	ssyncset.done $0x0  }
0x4d: {  	s30 =	simm.s32 $0x1480;
	[sflag:s23] =	ssyncadd.s32 $0xFFFFC000  }
0x4e: {  	[spmem:s2] =	stream.indirect.scatter.add.f32 [tilespmem:s21], [sflag:$0x3], $0x80, s30, s20, $0xb8;
	[tilespmem:$0x1E400] =	vst v63  }
0x4f: {  	_ =	swait.ge [sflag:s18], $0x4000  }
0x50: {  	[sflag:s18] =	ssyncset.done $0x0  }
0x51: {  	s31 =	simm.s32 $0x180;
	s30 =	simm.s32 $0x400;
	[sflag:s18] =	ssyncadd.s32 $0xFFFFC000  }
.LBB2_5:
0x52: {  	[tilespmem:s21], [sflag:$0x2] =	stream.indirect.gather [hbm4b:s5+s20], $0x80, s31, s20, $0xb8;
	[tilespmem:$0x1E400] =	vst v63  }
0x53: {  	s31 =	smov.u32 s30  }
0x54: {  	p0 =	sne.s32 s30, $0x4800;
	s30 =	sadd.s32 $0x400, s30;
	_ =	swait.ge [sflag:s22], $0x4000  }
0x55: {  	s31 =	sshra.s32 s31, $0x2;
	[sflag:s22] =	ssyncset.done $0x0  }
0x56: {  	s0 =	sadd.s32 $0x1400, s31;
	[sflag:s22] =	ssyncadd.s32 $0xFFFFC000  }
0x57: {  	[spmem:s2] =	stream.indirect.scatter.add.f32 [tilespmem:s17], [sflag:$0x3], $0x80, s0, s20, $0xb8;
	[tilespmem:$0x1E400] =	vst v63  }
0x58: {  	_ =	swait.ge [sflag:s18], $0x4000  }
0x59: {  	[sflag:s18] =	ssyncset.done $0x0  }
0x5a: {  	s0 =	sadd.s32 $0x100, s31;
	[sflag:s18] =	ssyncadd.s32 $0xFFFFC000  }
0x5b: {  	[tilespmem:s17], [sflag:$0x1] =	stream.indirect.gather [hbm4b:s5+s20], $0x80, s0, s20, $0xb8;
	[tilespmem:$0x1E400] =	vst v63  }
0x5c: {  	_ =	swait.ge [sflag:s23], $0x4000  }
0x5d: {  	[sflag:s23] =	ssyncset.done $0x0  }
.Ltmp1:
0x5e: {  	s0 =	sadd.s32 $0x1480, s31;
	[sflag:s23] =	ssyncadd.s32 $0xFFFFC000;
	(pc) =	sbr.rel @p0 .LBB2_5-.Ltmp1, $4  }
0x5f: {  	[spmem:s2] =	stream.indirect.scatter.add.f32 [tilespmem:s21], [sflag:$0x3], $0x80, s0, s20, $0xb8;
	[tilespmem:$0x1E400] =	vst v63  }
0x60: {  	_ =	swait.ge [sflag:s18], $0x4000  }
0x61: {  	[sflag:s18] =	ssyncset.done $0x0  }
0x62: {  	s31 =	sadd.s32 $0x180, s31;
	[sflag:s18] =	ssyncadd.s32 $0xFFFFC000  }
0x63: {  	[tilespmem:s21], [sflag:$0x2] =	stream.indirect.gather [hbm4b:s5+s20], $0x80, s31, s20, $0xb8;
	[tilespmem:$0x1E400] =	vst v63  }
0x64: {  	_ =	swait.ge [sflag:s22], $0x4000  }
0x65: {  	[sflag:s22] =	ssyncset.done $0x0  }
0x66: {  	[sflag:s22] =	ssyncadd.s32 $0xFFFFC000  }
0x67: {  	[spmem:s2] =	stream.indirect.scatter.add.f32 [tilespmem:s17], [sflag:$0x3], $0x80, s24, s20, $0xb8;
	[tilespmem:$0x1E400] =	vst v63  }
0x68: {  	_ =	swait.ge [sflag:s18], $0x4000  }
0x69: {  	[sflag:s18] =	ssyncset.done $0x0  }
0x6a: {  	[sflag:s18] =	ssyncadd.s32 $0xFFFFC000  }
0x6b: {  	_ =	swait.ge [sflag:s23], $0x4000  }
0x6c: {  	[sflag:s23] =	ssyncset.done $0x0  }
0x6d: {  	[sflag:s23] =	ssyncadd.s32 $0xFFFFC000  }
0x6e: {  	[spmem:s2] =	stream.indirect.scatter.add.f32 [tilespmem:s21], [sflag:$0x3], $0x80, s25, s20, $0xb8;
	[tilespmem:$0x1E400] =	vst v63  }
0x6f: {  	_ =	swait.ge [sflag:s18], $0x4000  }
0x70: {  	[sflag:s18] =	ssyncset.done $0x0  }
0x71: {  	s0 =	sadd.s32 $0x280, s29;
	s29 =	simm.s32 $0x0;
	[sflag:s18] =	ssyncadd.s32 $0xFFFFC000  }
0x72: {  	[tilespmem:s29], [sflag:$0x3] =	stream.linear.gather [hbm4b:s0+s29], $0x1400, $0x38;
	[tilespmem:$0x1E400] =	vst v63  }
0x73: {  	_ =	swait.ge [sflag:s18], $0x1400  }
0x74: {  	[sflag:s18] =	ssyncset.done $0x0  }
0x75: {  	[sflag:s18] =	ssyncadd.s32 $0xFFFFEC00  }
0x76: {  	[tilespmem:s19], [sflag:$0x3] =	stream.linear.gather [hbm4b:s14+s29], $0x1400, $0x38;
	[tilespmem:$0x1E400] =	vst v63  }
0x77: {  	_ =	swait.ge [sflag:s18], $0x1400  }
0x78: {  	[sflag:s18] =	ssyncset.done $0x0  }
0x79: {  	[sflag:s18] =	ssyncadd.s32 $0xFFFFEC00  }
0x7a: {  	[tilespmem:s17], [sflag:$0x1] =	stream.indirect.gather [hbm4b:s5+s20], $0x80, s29, s20, $0xb8;
	[tilespmem:$0x1E400] =	vst v63  }
0x7b: {  	_ = 	snop  }
0x7c: {  	[tilespmem:s21], [sflag:$0x2] =	stream.indirect.gather [hbm4b:s5+s20], $0x80, s20, s20, $0xb8;
	[tilespmem:$0x1E400] =	vst v63  }
0x7d: {  	_ =	swait.ge [sflag:s22], $0x4000  }
0x7e: {  	[sflag:s22] =	ssyncset.done $0x0  }
0x7f: {  	s31 =	simm.s32 $0x1400;
	[sflag:s22] =	ssyncadd.s32 $0xFFFFC000  }
0x80: {  	[spmem:s2] =	stream.indirect.scatter.add.f32 [tilespmem:s17], [sflag:$0x3], $0x80, s31, s20, $0xb8;
	[tilespmem:$0x1E400] =	vst v63  }
0x81: {  	_ =	swait.ge [sflag:s18], $0x4000  }
0x82: {  	[sflag:s18] =	ssyncset.done $0x0  }
0x83: {  	s31 =	simm.s32 $0x100;
	[sflag:s18] =	ssyncadd.s32 $0xFFFFC000  }
0x84: {  	[tilespmem:s17], [sflag:$0x1] =	stream.indirect.gather [hbm4b:s5+s20], $0x80, s31, s20, $0xb8;
	[tilespmem:$0x1E400] =	vst v63  }
0x85: {  	_ =	swait.ge [sflag:s23], $0x4000  }
0x86: {  	[sflag:s23] =	ssyncset.done $0x0  }
0x87: {  	s31 =	simm.s32 $0x1480;
	[sflag:s23] =	ssyncadd.s32 $0xFFFFC000  }
0x88: {  	[spmem:s2] =	stream.indirect.scatter.add.f32 [tilespmem:s21], [sflag:$0x3], $0x80, s31, s20, $0xb8;
	[tilespmem:$0x1E400] =	vst v63  }
0x89: {  	_ =	swait.ge [sflag:s18], $0x4000  }
0x8a: {  	[sflag:s18] =	ssyncset.done $0x0  }
0x8b: {  	s30 =	simm.s32 $0x180;
	s29 =	simm.s32 $0x400;
	[sflag:s18] =	ssyncadd.s32 $0xFFFFC000  }
.LBB2_7:
0x8c: {  	[tilespmem:s21], [sflag:$0x2] =	stream.indirect.gather [hbm4b:s5+s20], $0x80, s30, s20, $0xb8;
	[tilespmem:$0x1E400] =	vst v63  }
0x8d: {  	s0 =	smov.u32 s29  }
0x8e: {  	p0 =	sne.s32 s29, $0x4800;
	s29 =	sadd.s32 $0x400, s29;
	_ =	swait.ge [sflag:s22], $0x4000  }
0x8f: {  	s0 =	sshra.s32 s0, $0x2;
	[sflag:s22] =	ssyncset.done $0x0  }
0x90: {  	s30 =	sadd.s32 $0x1400, s0;
	[sflag:s22] =	ssyncadd.s32 $0xFFFFC000  }
0x91: {  	[spmem:s2] =	stream.indirect.scatter.add.f32 [tilespmem:s17], [sflag:$0x3], $0x80, s30, s20, $0xb8;
	[tilespmem:$0x1E400] =	vst v63  }
0x92: {  	_ =	swait.ge [sflag:s18], $0x4000  }
0x93: {  	[sflag:s18] =	ssyncset.done $0x0  }
0x94: {  	s30 =	sadd.s32 $0x100, s0;
	[sflag:s18] =	ssyncadd.s32 $0xFFFFC000  }
0x95: {  	[tilespmem:s17], [sflag:$0x1] =	stream.indirect.gather [hbm4b:s5+s20], $0x80, s30, s20, $0xb8;
	[tilespmem:$0x1E400] =	vst v63  }
0x96: {  	_ =	swait.ge [sflag:s23], $0x4000  }
0x97: {  	[sflag:s23] =	ssyncset.done $0x0  }
.Ltmp2:
0x98: {  	s30 =	sadd.s32 $0x1480, s0;
	[sflag:s23] =	ssyncadd.s32 $0xFFFFC000;
	(pc) =	sbr.rel @p0 .LBB2_7-.Ltmp2, $4  }
0x99: {  	[spmem:s2] =	stream.indirect.scatter.add.f32 [tilespmem:s21], [sflag:$0x3], $0x80, s30, s20, $0xb8;
	[tilespmem:$0x1E400] =	vst v63  }
0x9a: {  	_ =	swait.ge [sflag:s18], $0x4000  }
0x9b: {  	[sflag:s18] =	ssyncset.done $0x0  }
0x9c: {  	s30 =	sadd.s32 $0x180, s0;
	[sflag:s18] =	ssyncadd.s32 $0xFFFFC000  }
0x9d: {  	[tilespmem:s21], [sflag:$0x2] =	stream.indirect.gather [hbm4b:s5+s20], $0x80, s30, s20, $0xb8;
	[tilespmem:$0x1E400] =	vst v63  }
0x9e: {  	_ =	swait.ge [sflag:s22], $0x4000  }
0x9f: {  	[sflag:s22] =	ssyncset.done $0x0  }
0xa0: {  	[sflag:s22] =	ssyncadd.s32 $0xFFFFC000  }
0xa1: {  	[spmem:s2] =	stream.indirect.scatter.add.f32 [tilespmem:s17], [sflag:$0x3], $0x80, s24, s20, $0xb8;
	[tilespmem:$0x1E400] =	vst v63  }
0xa2: {  	_ =	swait.ge [sflag:s18], $0x4000  }
0xa3: {  	[sflag:s18] =	ssyncset.done $0x0  }
0xa4: {  	[sflag:s18] =	ssyncadd.s32 $0xFFFFC000  }
0xa5: {  	_ =	swait.ge [sflag:s23], $0x4000  }
0xa6: {  	[sflag:s23] =	ssyncset.done $0x0  }
0xa7: {  	s0 =	smul.u32 $0x13C000, s28;
	[sflag:s23] =	ssyncadd.s32 $0xFFFFC000  }
0xa8: {  	[spmem:s2] =	stream.indirect.scatter.add.f32 [tilespmem:s21], [sflag:$0x3], $0x80, s25, s20, $0xb8;
	[tilespmem:$0x1E400] =	vst v63  }
0xa9: {  	_ =	swait.ge [sflag:s18], $0x4000  }
0xaa: {  	s29 =	sshll.u32 s1, $0x6;
	s0 =	sadd.s32 s0, s15;
	[sflag:s18] =	ssyncset.done $0x0  }
0xab: {  	s30 =	sshrl.u32 s8, $0x3;
	s0 =	sshrl.u32 s0, $0x3;
	[sflag:s18] =	ssyncadd.s32 $0xFFFFC000  }
0xac: {  	s29 =	sor.u32 $0x1C03, s29;
	s0 =	sadd.s32 s7, s0;
	[bflag:$0x0] =	sbarrier.arrive $0xFFFF  }
0xad: {  	[hbm:s0], [sflag:s29] =	dma.local [spmem:s30], $0x2780  }
0xae: {  	_ =	swait.ge [sflag:s18], $0x2780  }
0xaf: {  	[sflag:s18] =	ssyncset.done $0x0  }
0xb0: {  	s29 =	simm.s32 $0x0;
	s30 =	simm.s32 $0x200;
	[sflag:s18] =	ssyncadd.s32 $0xFFFFD880  }
.LBB2_9:
0xb1: {  	p0 =	sne.s32 s30, $0xFE00;
	[tilespmem:s29+$0x2870] =	vst v0  }
0xb2: {  	[tilespmem:s29+$0x2800] =	vst v0  }
0xb3: {  	[tilespmem:s29+$0x2810] =	vst v0  }
.Ltmp3:
0xb4: {  	[tilespmem:s29+$0x2820] =	vst v0;
	(pc) =	sbr.rel @p0 .LBB2_9-.Ltmp3, $4  }
0xb5: {  	[tilespmem:s29+$0x2830] =	vst v0  }
0xb6: {  	[tilespmem:s29+$0x2840] =	vst v0  }
0xb7: {  	[tilespmem:s29+$0x2850] =	vst v0  }
0xb8: {  	[tilespmem:s29+$0x2860] =	vst v0;
	s29 =	sshra.s32 s30, $0x2;
	s30 =	sadd.s32 $0x200, s30  }
0xb9: {  	[tilespmem:s29+$0x2870] =	vst v0  }
0xba: {  	[tilespmem:s29+$0x2800] =	vst v0  }
0xbb: {  	[tilespmem:s29+$0x2810] =	vst v0  }
0xbc: {  	[tilespmem:s29+$0x2820] =	vst v0  }
0xbd: {  	[tilespmem:s29+$0x2830] =	vst v0  }
0xbe: {  	[tilespmem:s29+$0x2840] =	vst v0  }
0xbf: {  	[tilespmem:s29+$0x2850] =	vst v0  }
0xc0: {  	[tilespmem:s29+$0x2860] =	vst v0  }
0xc1: {  	[spmem:s8] =	stream.linear.scatter [tilespmem:s17], [sflag:$0x3], $0x4000, $0x38;
	[tilespmem:$0x1E400] =	vst v63  }
0xc2: {  	_ =	swait.ge [sflag:s18], $0x4000  }
0xc3: {  	[sflag:s18] =	ssyncset.done $0x0  }
0xc4: {  	[sflag:s18] =	ssyncadd.s32 $0xFFFFC000  }
0xc5: {  	[spmem:s9] =	stream.linear.scatter [tilespmem:s17], [sflag:$0x3], $0x4000, $0x38;
	[tilespmem:$0x1E400] =	vst v63  }
0xc6: {  	_ =	swait.ge [sflag:s18], $0x4000  }
0xc7: {  	[sflag:s18] =	ssyncset.done $0x0  }
0xc8: {  	[sflag:s18] =	ssyncadd.s32 $0xFFFFC000  }
0xc9: {  	[spmem:s10] =	stream.linear.scatter [tilespmem:s17], [sflag:$0x3], $0x4000, $0x38;
	[tilespmem:$0x1E400] =	vst v63  }
0xca: {  	_ =	swait.ge [sflag:s18], $0x4000  }
0xcb: {  	[sflag:s18] =	ssyncset.done $0x0  }
0xcc: {  	[sflag:s18] =	ssyncadd.s32 $0xFFFFC000  }
0xcd: {  	[spmem:s11] =	stream.linear.scatter [tilespmem:s17], [sflag:$0x3], $0x4000, $0x38;
	[tilespmem:$0x1E400] =	vst v63  }
0xce: {  	s28 =	sadd.s32 $0x1, s28;
	_ =	swait.ge [sflag:s18], $0x4000  }
0xcf: {  	p0 =	sne.s32 s28, $0x14;
	[sflag:s18] =	ssyncset.done $0x0  }
.Ltmp4:
0xd0: {  	[sflag:s18] =	ssyncadd.s32 $0xFFFFC000;
	(pc) =	sbr.rel @p0 .LBB2_4-.Ltmp4, $4  }
0xd1: {  	[spmem:s12] =	stream.linear.scatter [tilespmem:s17], [sflag:$0x3], $0x3C00, $0x38;
	[tilespmem:$0x1E400] =	vst v63  }
0xd2: {  	_ =	swait.ge [sflag:s18], $0x3C00  }
0xd3: {  	[sflag:s18] =	ssyncset.done $0x0  }
0xd4: {  	[sflag:s18] =	ssyncadd.s32 $0xFFFFC400  }
0xd5: {  	s3 =	sadd.s32 $0x1, s3  }
0xd6: {  	p0 =	sne.s32 s3, s16  }
.Ltmp5:
0xd7: {  	_ = 	snop;
	(pc) =	sbr.rel @p0 .LBB2_1-.Ltmp5, $1  }
0xd8: {  	_ =	sdelay $0x3  }
0xd9: {  	_ =	sfence.sel $0x180000  }
0xda: {  	[bflag:$0x0] =	sbarrier.arrive $0xFFFF  }
0xdb: {  	_ =	strace $0x9000004A  }
0xdc: {  	[bflag:$0x2] =	sbarrier.arrive $0xFFFF  }
0xdd: {  	p0 =	sne.s32 s1, $0x0;
	s0 =	rddreg [dreg:$0x2]  }
0xde: {  	s0 =	sadd.s32 @!p0 $0x100000, s0  }
0xdf: {  	[sflag:s0] =	ssyncadd.tile.s32 @!p0 $0x1;
	_ =	shalt  }
.Lfunc_end2:
_tile_overlayer_lowered:
.L_overlay_start_2:
0xe0: {  	(tag) =	ssettag $0x2  }
0xe1: {  	s0 =	rddreg [dreg:$0x0];
	s2 =	stileid.u32  }
0xe2: {  	s1 =	rddreg [dreg:$0x1];
	p0 =	sne.s32 s2, $0x0  }
0xe3: {  	s3 =	rddreg [dreg:$0x2];
	[bflag:$0x3] =	sbarrier.arrive $0xFFFF;
	s2 =	simm.s32 @!p0 $0x1C03  }
0xe4: {  	[timem:s3], [sflag:s2] =	dma.local @!p0 [hbm:s0], s1  }
0xe5: {  	s0 =	simm.s32 @!p0 $0x3  }
0xe6: {  	_ =	swait.ge @!p0 [sflag:s0], s1  }
0xe7: {  	s1 =	ssub.s32 @!p0 $0x0, s1;
	[sflag:s0] =	ssyncset.done @!p0 $0x0  }
0xe8: {  	[sflag:s0] =	ssyncadd.s32 @!p0 s1  }
0xe9: {  	[bflag:$0x3] =	sbarrier.arrive $0xFFFF  }
0xea: {  	_ =	shalt  }

// kernel: kernel.15.cloned.1.call-start
scs
__scs_entry_jumppad:
0x0: {  	(pc) =	sbr.rel $0x88, $3  }
0x1: {  	(tag) =	ssettag $0x0;
	lr =	simm.s32 $0x1  }
0x2: {  	[smem:$0x3F8F] =	sst lr;
	_ =	strace $0xD0000000  }
0x3: {  	_ = 	snop  }
0x4: {  	_ = 	snop  }
0x5: {  	_ = 	snop  }
0x6: {  	_ = 	snop  }
0x7: {  	_ = 	snop  }
__scs_overlays_trampoline_lowered:
0x8: {  	[smem:$0x3F9E] =	sst s0  }
0x9: {  	[smem:$0x3F9F] =	sst s1  }
0xa: {  	[smem:$0x3FA0] =	sst s2  }
0xb: {  	[smem:$0x3FA1] =	sst s3  }
0xc: {  	[smem:$0x3FA2] =	sst s4  }
0xd: {  	[smem:$0x3FA3] =	sst s5  }
0xe: {  	[smem:$0x3FA4] =	sst s6  }
0xf: {  	[smem:$0x3FA5] =	sst s7  }
0x10: {  	[smem:$0x3FA6] =	sst s8  }
0x11: {  	[smem:$0x3FA7] =	sst s9;
	s0 =	simm.s32 @!p0 $0x0  }
0x12: {  	s1 =	sld [smem:$0x3F8D];
	s0 =	simm.s32 @p0 $0x1  }
0x13: {  	[smem:$0x3FA8] =	sst s0;
	s0 =	simm.s32 @!p1 $0x0  }
0x14: {  	s2 =	sld [smem:$0x3F8C];
	s0 =	simm.s32 @p1 $0x1  }
0x15: {  	[smem:$0x3FA9] =	sst s0;
	s0 =	simm.s32 @!p2 $0x0  }
0x16: {  	s3 =	sld [smem:$0x3FDB];
	s0 =	simm.s32 @p2 $0x1  }
0x17: {  	s4 =	simm.s32 $0x1BF5;
	[smem:$0x3FAB] =	sst s0  }
0x18: {  	s0 =	sld [smem:$0x3F8E];
	_ =	swait.ge [sflag:s4], $0x0  }
0x19: {  	s7 =	sld [smem:$0x3F8F]  }
0x1a: {  	s8 =	sadd.s32 $0xFFFFE003, lr  }
0x1b: {  	s9 =	sadd.s32 $0xFFFFFEF7, lr;
	s5 =	simm.s32 $0xFFFFFFFF;
	p2 =	slt.u32 s8, $0xFFFFF086  }
0x1c: {  	p1 =	slt.u32 s9, $0xF7A;
	s5 =	simm.s32 @!p2 $0x0  }
0x1d: {  	s5 =	simm.s32 @p1 $0x1;
	p0 =	seq.s32 s7, s2  }
0x1e: {  	s7 =	smul.u32 @!p0 $0xF7A, s2;
	p2 =	seq.s32 @!p0 s5, $0x0  }
0x1f: {  	s9 =	smul.u32 $0xF7A, s1;
	s8 =	simm.s32 @!p0 $0x1BF5;
	p2 =	por !p2, p0  }
0x20: {  	[sflag:s8] =	ssyncset.s32 @!p0 $0xFFFFF086;
	s6 =	sadd.s32 @!p0 s3, s7;
	s7 =	simm.s32 @!p0 $0x108  }
0x21: {  	s3 =	sadd.s32 s3, s9;
	s6 =	sadd.s32 @!p0 $0x88, s6;
	s7 =	simm.s32 @p2 $0x1082  }
0x22: {  	[simem:s7], [sflag:s8] =	dma.local @!p0 [hbm:s6], $0xF7A  }
0x23: {  	s9 =	sor.u32 $0xD0000000, s2;
	s6 =	simm.s32 $0x108;
	_ =	swait.ge @!p0 [sflag:s8], $0x0  }
0x24: {  	s3 =	sadd.s32 $0x88, s3;
	s6 =	simm.s32 @!p1 $0x1082;
	[sflag:s4] =	ssyncset.s32 $0xFFFFF086  }
0x25: {  	[simem:s6], [sflag:s4] =	dma.local [hbm:s3], $0xF7A  }
0x26: {  	[smem:$0x3F8F] =	sst s1;
	(tag) =	ssettag s2;
	_ =	strace s9  }
0x27: {  	s1 =	sld [smem:$0x3F9F]  }
0x28: {  	s2 =	sld [smem:$0x3FA0]  }
0x29: {  	s4 =	sld [smem:$0x3FA2]  }
0x2a: {  	p0 =	seq.s32 s5, $0x0;
	s5 =	sld [smem:$0x3FA3]  }
0x2b: {  	s6 =	sld [smem:$0x3FA4]  }
0x2c: {  	s7 =	sld [smem:$0x3FA5]  }
0x2d: {  	s3 =	simm.s32 $0x108;
	s8 =	sld [smem:$0x3FA6]  }
0x2e: {  	s3 =	simm.s32 @!p0 $0x1082;
	s9 =	sld [smem:$0x3FA7]  }
0x2f: {  	lr =	sadd.s32 s0, s3;
	s0 =	sld [smem:$0x3F9E]  }
0x30: {  	s3 =	sld [smem:$0x3FA1]  }
0x31: {  	[smem:$0x3FAA] =	sst s10  }
0x32: {  	s10 =	sld [smem:$0x3FA8];
	_ =	sdelay $0x3  }
0x33: {  	p0 =	seq.s32 s10, $0x1;
	s10 =	sld [smem:$0x3FAA];
	_ =	sdelay $0x3  }
0x34: {  	[smem:$0x3FAA] =	sst s10  }
0x35: {  	s10 =	sld [smem:$0x3FA9];
	_ =	sdelay $0x3  }
0x36: {  	p1 =	seq.s32 s10, $0x1;
	s10 =	sld [smem:$0x3FAA];
	_ =	sdelay $0x3  }
0x37: {  	[smem:$0x3FAA] =	sst s10  }
0x38: {  	s10 =	sld [smem:$0x3FAB]  }
0x39: {  	_ = 	snop;
	(pc) =	sbr.ind lr, $3  }
0x3a: {  	_ = 	snop  }
0x3b: {  	_ = 	snop  }
0x3c: {  	p2 =	seq.s32 s10, $0x1;
	s10 =	sld [smem:$0x3FAA]  }
0x3d: {  	_ =	shalt  }
0x3e: {  	_ =	shalt  }
0x3f: {  	_ =	shalt  }
0x40: {  	_ =	shalt  }
0x41: {  	_ =	shalt  }
0x42: {  	_ =	shalt  }
0x43: {  	_ =	shalt  }
0x44: {  	_ =	shalt  }
0x45: {  	_ =	shalt  }
0x46: {  	_ =	shalt  }
0x47: {  	_ =	shalt  }
0x48: {  	_ =	shalt  }
0x49: {  	_ =	shalt  }
0x4a: {  	_ =	shalt  }
0x4b: {  	_ =	shalt  }
0x4c: {  	_ =	shalt  }
0x4d: {  	_ =	shalt  }
0x4e: {  	_ =	shalt  }
0x4f: {  	_ =	shalt  }
0x50: {  	_ =	shalt  }
0x51: {  	_ =	shalt  }
0x52: {  	_ =	shalt  }
0x53: {  	_ =	shalt  }
0x54: {  	_ =	shalt  }
0x55: {  	_ =	shalt  }
0x56: {  	_ =	shalt  }
0x57: {  	_ =	shalt  }
0x58: {  	_ =	shalt  }
0x59: {  	_ =	shalt  }
0x5a: {  	_ =	shalt  }
0x5b: {  	_ =	shalt  }
0x5c: {  	_ =	shalt  }
0x5d: {  	_ =	shalt  }
0x5e: {  	_ =	shalt  }
0x5f: {  	_ =	shalt  }
0x60: {  	_ =	shalt  }
0x61: {  	_ =	shalt  }
0x62: {  	_ =	shalt  }
0x63: {  	_ =	shalt  }
0x64: {  	_ =	shalt  }
0x65: {  	_ =	shalt  }
0x66: {  	_ =	shalt  }
0x67: {  	_ =	shalt  }
0x68: {  	_ =	shalt  }
0x69: {  	_ =	shalt  }
0x6a: {  	_ =	shalt  }
0x6b: {  	_ =	shalt  }
0x6c: {  	_ =	shalt  }
0x6d: {  	_ =	shalt  }
0x6e: {  	_ =	shalt  }
0x6f: {  	_ =	shalt  }
0x70: {  	_ =	shalt  }
0x71: {  	_ =	shalt  }
0x72: {  	_ =	shalt  }
0x73: {  	_ =	shalt  }
0x74: {  	_ =	shalt  }
0x75: {  	_ =	shalt  }
0x76: {  	_ =	shalt  }
0x77: {  	_ =	shalt  }
0x78: {  	_ =	shalt  }
0x79: {  	_ =	shalt  }
0x7a: {  	_ =	shalt  }
0x7b: {  	_ =	shalt  }
0x7c: {  	_ =	shalt  }
0x7d: {  	_ =	shalt  }
0x7e: {  	_ =	shalt  }
0x7f: {  	_ =	shalt  }
0x80: {  	_ =	shalt  }
0x81: {  	_ =	shalt  }
0x82: {  	_ =	shalt  }
0x83: {  	_ =	shalt  }
0x84: {  	_ =	shalt  }
0x85: {  	_ =	shalt  }
0x86: {  	_ =	shalt  }
0x87: {  	_ =	shalt  }
.Lfunc_end0:
.L_simem_size_0:
called_computation.2_lowered:
.L_overlay_start_0:
0x88: {  	s2 =	sld [smem:$0x3FD9]  }
0x89: {  	s3 =	sld [smem:$0x3FFE];
	_ =	sdelay $0x1  }
0x8a: {  	s1 =	srdreg.scid  }
0x8b: {  	s0 =	sand.u32 $0x1, s1  }
0x8c: {  	s16 =	sshll.u32 s0, $0xA;
	s2 =	sadd.s32 s3, s2  }
0x8d: {  	s2 =	sadd.s32 s2, s16  }
0x8e: {  	[smem:$0x3FB6] =	sst s2  }
0x8f: {  	_ = 	snop  }
0x90: {  	(tm) =	ssettm $0x1  }
0x91: {  	s17 =	sld [smem:$0x3FFB];
	_ =	sdelay $0x3  }
0x92: {  	_ =	strace s17  }
0x93: {  	s2 =	sld [smem:$0x3FFC];
	_ =	sdelay $0x3  }
0x94: {  	_ =	strace s2  }
0x95: {  	s2 =	sld [smem:$0x3FFD];
	_ =	sdelay $0x3  }
0x96: {  	_ =	strace s2  }
0x97: {  	_ =	strace $0x8FFFFFFF  }
0x98: {  	s18 =	sld [smem:$0x3FDB];
	_ =	sdelay $0x1  }
0x99: {  	s19 =	simm.s32 $_scs_section_size  }
0x9a: {  	s4 =	simm.s32 $_size__tile_overlayer_lowered;
	s5 =	simm.s32 $_tile_overlayer_lowered  }
0x9b: {  	s22 =	simm.s32 $0x1BFF;
	s21 =	sshll.u32 s5, $0x1;
	s2 =	sadd.s32 s19, s18  }
0x9c: {  	s6 =	simm.s32 $0x0;
	s20 =	sshll.u32 s4, $0x1;
	s4 =	sadd.s32 s21, s2  }
0x9d: {  	[timem:s6], [sflag:s22] =	dma.local [hbm:s4], s20  }
0x9e: {  	_ =	swait.ge [sflag:s22], s20  }
0x9f: {  	s3 =	ssub.s32 $0x0, s20;
	[sflag:s22] =	ssyncset.done $0x0  }
0xa0: {  	[sflag:s22] =	ssyncadd.s32 s3;
	_ =	sdelay $0x1  }
0xa1: {  	s23 =	simm.s32 $0x1B8B  }
0xa2: {  	_ =	swait.ge [sflag:s23], $0x1  }
0xa3: {  	[sflag:s23] =	ssyncset.done $0x0  }
0xa4: {  	s25 =	simm.s32 $0x1B8E;
	s24 =	sld [smem:$0x3FFE];
	[sflag:s23] =	ssyncadd.s32 $0xFFFFFFFF  }
0xa5: {  	s26 =	simm.s32 $execute0_lowered;
	[smem:$0x3FD2] =	sst s25  }
0xa6: {  	s4 =	sshll.u32 s26, $0x1;
	_ =	strace $0x8000004C;
	[dreg:$0x1] =	wrdreg $0xFFFFFFFF  }
0xa7: {  	s28 =	simm.s32 $_size_execute0_lowered;
	s2 =	sadd.s32 s2, s4;
	[dreg:$0x0] =	wrdreg $0x0  }
0xa8: {  	s4 =	sshll.u32 s28, $0x1;
	[dreg:$0x2] =	wrdreg s2  }
0xa9: {  	[dreg:$0x3] =	wrdreg s4  }
0xaa: {  	[dreg:$0x4] =	wrdreg $0xC0  }
0xab: {  	_ =	task [dreg:s6], $0x5FFFF  }
0xac: {  	[dreg:$0x1] =	wrdreg $0xFFFFFFFF  }
0xad: {  	[dreg:$0x0] =	wrdreg $0x60  }
0xae: {  	[dreg:$0x2] =	wrdreg s24  }
0xaf: {  	[dreg:$0x3] =	wrdreg $0xA8000  }
0xb0: {  	[dreg:$0x4] =	wrdreg $0x9  }
0xb1: {  	_ =	task.clear_ibuf [dreg:s6], $0x5FFFF;
	_ =	strace $0x9000004C  }
0xb2: {  	s29 =	simm.s32 $0x9;
	_ =	strace $0x8000004E  }
0xb3: {  	_ =	swait.ge [sflag:s29], $0x1  }
0xb4: {  	[sflag:s29] =	ssyncadd.s32 $0xFFFFFFFF  }
0xb5: {  	_ =	strace $0x9000004E  }
0xb6: {  	_ =	sfence  }
0xb7: {  	s30 =	sld [smem:$0x0];
	_ =	sdelay $0x2  }
0xb8: {  	s31 =	sshll.u32 s1, $0xD;
	s1 =	sshrl.u32 s1, $0x2  }
0xb9: {  	s3 =	sand.u32 $0x4000, s31;
	s1 =	sadd.s32 s1, s30  }
0xba: {  	s0 =	sor.u32 s3, s0;
	s1 =	sshll.u32 s1, $0x11  }
0xbb: {  	s0 =	sor.u32 s1, s0  }
0xbc: {  	s0 =	sadd.s32 $0x8F2B, s0  }
0xbd: {  	[sflag:s0] =	ssyncadd.remote.s32 $0x1  }
0xbe: {  	_ =	sfence.sel $0xFFFF  }
0xbf: {  	[dreg:$0x0] =	wrdreg $0xFFFFFFFF;
	(pc) =	sbr.abs _section_cstart, $3  }
0xc0: {  	[dreg:$0x1] =	wrdreg $0xFFFFFFFF  }
0xc1: {  	_ =	task.clear_ibuf [dreg:s6], $0x2FFFF;
	_ =	strace $0x9FFFFFFF  }
0xc2: {  	(tm) =	ssettm $0x7FFFFFFF  }
0xc3: {  	_ =	shalt  }
tec
execute0_lowered:
.L_overlay_start_1:
0x0: {  	(tag) =	ssettag $0x1  }
0x1: {  	s0 =	srdreg.scid;
	s7 =	rddreg [dreg:$0x0]  }
0x2: {  	s2 =	rddreg [dreg:$0x1];
	s1 =	stileid.u32;
	s3 =	simm.s32 $0x0  }
0x3: {  	s18 =	simm.s32 $0x3;
	s19 =	simm.s32 $0x1400;
	s20 =	simm.s32 $0x80  }
0x4: {  	s21 =	simm.s32 $0x6800;
	s22 =	simm.s32 $0x1;
	s23 =	simm.s32 $0x2  }
0x5: {  	s24 =	simm.s32 $0x2700;
	s25 =	simm.s32 $0x2780;
	s9 =	sand.u32 $0x1, s0  }
0x6: {  	[smem:$0x7FF] =	sst s3;
	s5 =	sadd.s32 $0x12F400, s7;
	s10 =	smul.u32 $0x4F000, s1  }
0x7: {  	s6 =	sadd.s32 $0x67400, s7;
	s17 =	smul.u32 $0x13C00, s1;
	s4 =	sshll.u32 s9, $0x4  }
0x8: {  	s31 =	ssub.s32 $0x2, s9;
	s15 =	smul.u32 $0x18B0000, s9;
	s4 =	sor.u32 s1, s4  }
0x9: {  	_ =	strace $0x8000004D;
	s11 =	sshrl.u32 s31, $0x1;
	s4 =	smul.u32 $0x2800, s4  }
0xa: {  	s10 =	sshrl.u32 s10, $0x2;
	s16 =	ssub.s32 s31, s11;
	s15 =	sadd.s32 s15, s17  }
0xb: {  	s17 =	simm.s32 $0x2800;
	s16 =	smax.u32 s16, $0x1;
	s8 =	sshrl.u32 s4, $0x3  }
0xc: {  	s14 =	sadd.s32 s8, s7;
	s7 =	sadd.s32 $0x749C00, s7;
	s8 =	sadd.s32 s10, s2  }
0xd: {  	s9 =	sadd.s32 $0x4000, s8;
	s10 =	sadd.s32 $0x8000, s8;
	s11 =	sadd.s32 $0xC000, s8  }
0xe: {  	v0 =	vimm.f32 $0.0e+00;
	s12 =	sadd.s32 $0x10000, s8;
	s13 =	sadd.s32 $0xE400, s14;
	s14 =	sadd.s32 $0xE680, s14  }
.LBB2_1:
0xf: {  	s26 =	simm.s32 $0x0;
	s28 =	simm.s32 $0x200  }
.LBB2_2:
0x10: {  	p0 =	sne.s32 s28, $0xFE00;
	[tilespmem:s26+$0x2870] =	vst v0  }
0x11: {  	[tilespmem:s26+$0x2800] =	vst v0  }
0x12: {  	[tilespmem:s26+$0x2810] =	vst v0  }
.Ltmp0:
0x13: {  	[tilespmem:s26+$0x2820] =	vst v0;
	(pc) =	sbr.rel @p0 .LBB2_2-.Ltmp0, $4  }
0x14: {  	[tilespmem:s26+$0x2830] =	vst v0  }
0x15: {  	[tilespmem:s26+$0x2840] =	vst v0  }
0x16: {  	[tilespmem:s26+$0x2850] =	vst v0  }
0x17: {  	[tilespmem:s26+$0x2860] =	vst v0;
	s26 =	sshra.s32 s28, $0x2;
	s28 =	sadd.s32 $0x200, s28  }
0x18: {  	[tilespmem:s26+$0x2870] =	vst v0  }
0x19: {  	[tilespmem:s26+$0x2800] =	vst v0  }
0x1a: {  	[tilespmem:s26+$0x2810] =	vst v0  }
0x1b: {  	[tilespmem:s26+$0x2820] =	vst v0  }
0x1c: {  	[tilespmem:s26+$0x2830] =	vst v0  }
0x1d: {  	[tilespmem:s26+$0x2840] =	vst v0  }
0x1e: {  	[tilespmem:s26+$0x2850] =	vst v0  }
0x1f: {  	[tilespmem:s26+$0x2860] =	vst v0  }
0x20: {  	[spmem:s8] =	stream.linear.scatter [tilespmem:s17], [sflag:$0x3], $0x4000, $0x38;
	[tilespmem:$0x1E400] =	vst v63  }
0x21: {  	_ =	swait.ge [sflag:s18], $0x4000  }
0x22: {  	[sflag:s18] =	ssyncset.done $0x0  }
0x23: {  	[sflag:s18] =	ssyncadd.s32 $0xFFFFC000  }
0x24: {  	[spmem:s9] =	stream.linear.scatter [tilespmem:s17], [sflag:$0x3], $0x4000, $0x38;
	[tilespmem:$0x1E400] =	vst v63  }
0x25: {  	_ =	swait.ge [sflag:s18], $0x4000  }
0x26: {  	[sflag:s18] =	ssyncset.done $0x0  }
0x27: {  	[sflag:s18] =	ssyncadd.s32 $0xFFFFC000  }
0x28: {  	[spmem:s10] =	stream.linear.scatter [tilespmem:s17], [sflag:$0x3], $0x4000, $0x38;
	[tilespmem:$0x1E400] =	vst v63  }
0x29: {  	_ =	swait.ge [sflag:s18], $0x4000  }
0x2a: {  	[sflag:s18] =	ssyncset.done $0x0  }
0x2b: {  	[sflag:s18] =	ssyncadd.s32 $0xFFFFC000  }
0x2c: {  	[spmem:s11] =	stream.linear.scatter [tilespmem:s17], [sflag:$0x3], $0x4000, $0x38;
	[tilespmem:$0x1E400] =	vst v63  }
0x2d: {  	_ =	swait.ge [sflag:s18], $0x4000  }
0x2e: {  	[sflag:s18] =	ssyncset.done $0x0  }
0x2f: {  	[sflag:s18] =	ssyncadd.s32 $0xFFFFC000  }
0x30: {  	[spmem:s12] =	stream.linear.scatter [tilespmem:s17], [sflag:$0x3], $0x3C00, $0x38;
	[tilespmem:$0x1E400] =	vst v63  }
0x31: {  	_ =	swait.ge [sflag:s18], $0x3C00  }
0x32: {  	[sflag:s18] =	ssyncset.done $0x0  }
0x33: {  	s26 =	simm.s32 $0x0;
	s28 =	simm.s32 $0x0;
	[sflag:s18] =	ssyncadd.s32 $0xFFFFC400  }
.LBB2_4:
0x34: {  	s29 =	smul.u32 $0x50000, s28;
	_ =	sdelay $0x1  }
0x35: {  	s29 =	sadd.s32 s4, s29  }
0x36: {  	s29 =	sshrl.u32 s29, $0x3  }
0x37: {  	[bflag:$0x0] =	sbarrier.arrive $0xFFFF;
	s29 =	sadd.s32 s6, s29  }
0x38: {  	[tilespmem:s26], [sflag:$0x3] =	stream.linear.gather [hbm4b:s29+s26], $0x1400, $0x38;
	[tilespmem:$0x1E400] =	vst v63  }
0x39: {  	_ =	swait.ge [sflag:s18], $0x1400  }
0x3a: {  	[sflag:s18] =	ssyncset.done $0x0  }
0x3b: {  	[sflag:s18] =	ssyncadd.s32 $0xFFFFEC00  }
0x3c: {  	[tilespmem:s19], [sflag:$0x3] =	stream.linear.gather [hbm4b:s13+s26], $0x1400, $0x38;
	[tilespmem:$0x1E400] =	vst v63  }
0x3d: {  	_ =	swait.ge [sflag:s18], $0x1400  }
0x3e: {  	[sflag:s18] =	ssyncset.done $0x0  }
0x3f: {  	[sflag:s18] =	ssyncadd.s32 $0xFFFFEC00  }
0x40: {  	[tilespmem:s17], [sflag:$0x1] =	stream.indirect.gather [hbm4b:s5+s20], $0x80, s26, s20, $0xb8;
	[tilespmem:$0x1E400] =	vst v63  }
0x41: {  	_ = 	snop  }
0x42: {  	[tilespmem:s21], [sflag:$0x2] =	stream.indirect.gather [hbm4b:s5+s20], $0x80, s20, s20, $0xb8;
	[tilespmem:$0x1E400] =	vst v63  }
0x43: {  	_ =	swait.ge [sflag:s22], $0x4000  }
0x44: {  	[sflag:s22] =	ssyncset.done $0x0  }
0x45: {  	s30 =	simm.s32 $0x1400;
	[sflag:s22] =	ssyncadd.s32 $0xFFFFC000  }
0x46: {  	[spmem:s2] =	stream.indirect.scatter.add.f32 [tilespmem:s17], [sflag:$0x3], $0x80, s30, s20, $0xb8;
	[tilespmem:$0x1E400] =	vst v63  }
0x47: {  	_ =	swait.ge [sflag:s18], $0x4000  }
0x48: {  	[sflag:s18] =	ssyncset.done $0x0  }
0x49: {  	s30 =	simm.s32 $0x100;
	[sflag:s18] =	ssyncadd.s32 $0xFFFFC000  }
0x4a: {  	[tilespmem:s17], [sflag:$0x1] =	stream.indirect.gather [hbm4b:s5+s20], $0x80, s30, s20, $0xb8;
	[tilespmem:$0x1E400] =	vst v63  }
0x4b: {  	_ =	swait.ge [sflag:s23], $0x4000  }
0x4c: {  	[sflag:s23] =	ssyncset.done $0x0  }
0x4d: {  	s30 =	simm.s32 $0x1480;
	[sflag:s23] =	ssyncadd.s32 $0xFFFFC000  }
0x4e: {  	[spmem:s2] =	stream.indirect.scatter.add.f32 [tilespmem:s21], [sflag:$0x3], $0x80, s30, s20, $0xb8;
	[tilespmem:$0x1E400] =	vst v63  }
0x4f: {  	_ =	swait.ge [sflag:s18], $0x4000  }
0x50: {  	[sflag:s18] =	ssyncset.done $0x0  }
0x51: {  	s31 =	simm.s32 $0x180;
	s30 =	simm.s32 $0x400;
	[sflag:s18] =	ssyncadd.s32 $0xFFFFC000  }
.LBB2_5:
0x52: {  	[tilespmem:s21], [sflag:$0x2] =	stream.indirect.gather [hbm4b:s5+s20], $0x80, s31, s20, $0xb8;
	[tilespmem:$0x1E400] =	vst v63  }
0x53: {  	s31 =	smov.u32 s30  }
0x54: {  	p0 =	sne.s32 s30, $0x4800;
	s30 =	sadd.s32 $0x400, s30;
	_ =	swait.ge [sflag:s22], $0x4000  }
0x55: {  	s31 =	sshra.s32 s31, $0x2;
	[sflag:s22] =	ssyncset.done $0x0  }
0x56: {  	s0 =	sadd.s32 $0x1400, s31;
	[sflag:s22] =	ssyncadd.s32 $0xFFFFC000  }
0x57: {  	[spmem:s2] =	stream.indirect.scatter.add.f32 [tilespmem:s17], [sflag:$0x3], $0x80, s0, s20, $0xb8;
	[tilespmem:$0x1E400] =	vst v63  }
0x58: {  	_ =	swait.ge [sflag:s18], $0x4000  }
0x59: {  	[sflag:s18] =	ssyncset.done $0x0  }
0x5a: {  	s0 =	sadd.s32 $0x100, s31;
	[sflag:s18] =	ssyncadd.s32 $0xFFFFC000  }
0x5b: {  	[tilespmem:s17], [sflag:$0x1] =	stream.indirect.gather [hbm4b:s5+s20], $0x80, s0, s20, $0xb8;
	[tilespmem:$0x1E400] =	vst v63  }
0x5c: {  	_ =	swait.ge [sflag:s23], $0x4000  }
0x5d: {  	[sflag:s23] =	ssyncset.done $0x0  }
.Ltmp1:
0x5e: {  	s0 =	sadd.s32 $0x1480, s31;
	[sflag:s23] =	ssyncadd.s32 $0xFFFFC000;
	(pc) =	sbr.rel @p0 .LBB2_5-.Ltmp1, $4  }
0x5f: {  	[spmem:s2] =	stream.indirect.scatter.add.f32 [tilespmem:s21], [sflag:$0x3], $0x80, s0, s20, $0xb8;
	[tilespmem:$0x1E400] =	vst v63  }
0x60: {  	_ =	swait.ge [sflag:s18], $0x4000  }
0x61: {  	[sflag:s18] =	ssyncset.done $0x0  }
0x62: {  	s31 =	sadd.s32 $0x180, s31;
	[sflag:s18] =	ssyncadd.s32 $0xFFFFC000  }
0x63: {  	[tilespmem:s21], [sflag:$0x2] =	stream.indirect.gather [hbm4b:s5+s20], $0x80, s31, s20, $0xb8;
	[tilespmem:$0x1E400] =	vst v63  }
0x64: {  	_ =	swait.ge [sflag:s22], $0x4000  }
0x65: {  	[sflag:s22] =	ssyncset.done $0x0  }
0x66: {  	[sflag:s22] =	ssyncadd.s32 $0xFFFFC000  }
0x67: {  	[spmem:s2] =	stream.indirect.scatter.add.f32 [tilespmem:s17], [sflag:$0x3], $0x80, s24, s20, $0xb8;
	[tilespmem:$0x1E400] =	vst v63  }
0x68: {  	_ =	swait.ge [sflag:s18], $0x4000  }
0x69: {  	[sflag:s18] =	ssyncset.done $0x0  }
0x6a: {  	[sflag:s18] =	ssyncadd.s32 $0xFFFFC000  }
0x6b: {  	_ =	swait.ge [sflag:s23], $0x4000  }
0x6c: {  	[sflag:s23] =	ssyncset.done $0x0  }
0x6d: {  	[sflag:s23] =	ssyncadd.s32 $0xFFFFC000  }
0x6e: {  	[spmem:s2] =	stream.indirect.scatter.add.f32 [tilespmem:s21], [sflag:$0x3], $0x80, s25, s20, $0xb8;
	[tilespmem:$0x1E400] =	vst v63  }
0x6f: {  	_ =	swait.ge [sflag:s18], $0x4000  }
0x70: {  	[sflag:s18] =	ssyncset.done $0x0  }
0x71: {  	s0 =	sadd.s32 $0x280, s29;
	s29 =	simm.s32 $0x0;
	[sflag:s18] =	ssyncadd.s32 $0xFFFFC000  }
0x72: {  	[tilespmem:s29], [sflag:$0x3] =	stream.linear.gather [hbm4b:s0+s29], $0x1400, $0x38;
	[tilespmem:$0x1E400] =	vst v63  }
0x73: {  	_ =	swait.ge [sflag:s18], $0x1400  }
0x74: {  	[sflag:s18] =	ssyncset.done $0x0  }
0x75: {  	[sflag:s18] =	ssyncadd.s32 $0xFFFFEC00  }
0x76: {  	[tilespmem:s19], [sflag:$0x3] =	stream.linear.gather [hbm4b:s14+s29], $0x1400, $0x38;
	[tilespmem:$0x1E400] =	vst v63  }
0x77: {  	_ =	swait.ge [sflag:s18], $0x1400  }
0x78: {  	[sflag:s18] =	ssyncset.done $0x0  }
0x79: {  	[sflag:s18] =	ssyncadd.s32 $0xFFFFEC00  }
0x7a: {  	[tilespmem:s17], [sflag:$0x1] =	stream.indirect.gather [hbm4b:s5+s20], $0x80, s29, s20, $0xb8;
	[tilespmem:$0x1E400] =	vst v63  }
0x7b: {  	_ = 	snop  }
0x7c: {  	[tilespmem:s21], [sflag:$0x2] =	stream.indirect.gather [hbm4b:s5+s20], $0x80, s20, s20, $0xb8;
	[tilespmem:$0x1E400] =	vst v63  }
0x7d: {  	_ =	swait.ge [sflag:s22], $0x4000  }
0x7e: {  	[sflag:s22] =	ssyncset.done $0x0  }
0x7f: {  	s31 =	simm.s32 $0x1400;
	[sflag:s22] =	ssyncadd.s32 $0xFFFFC000  }
0x80: {  	[spmem:s2] =	stream.indirect.scatter.add.f32 [tilespmem:s17], [sflag:$0x3], $0x80, s31, s20, $0xb8;
	[tilespmem:$0x1E400] =	vst v63  }
0x81: {  	_ =	swait.ge [sflag:s18], $0x4000  }
0x82: {  	[sflag:s18] =	ssyncset.done $0x0  }
0x83: {  	s31 =	simm.s32 $0x100;
	[sflag:s18] =	ssyncadd.s32 $0xFFFFC000  }
0x84: {  	[tilespmem:s17], [sflag:$0x1] =	stream.indirect.gather [hbm4b:s5+s20], $0x80, s31, s20, $0xb8;
	[tilespmem:$0x1E400] =	vst v63  }
0x85: {  	_ =	swait.ge [sflag:s23], $0x4000  }
0x86: {  	[sflag:s23] =	ssyncset.done $0x0  }
0x87: {  	s31 =	simm.s32 $0x1480;
	[sflag:s23] =	ssyncadd.s32 $0xFFFFC000  }
0x88: {  	[spmem:s2] =	stream.indirect.scatter.add.f32 [tilespmem:s21], [sflag:$0x3], $0x80, s31, s20, $0xb8;
	[tilespmem:$0x1E400] =	vst v63  }
0x89: {  	_ =	swait.ge [sflag:s18], $0x4000  }
0x8a: {  	[sflag:s18] =	ssyncset.done $0x0  }
0x8b: {  	s30 =	simm.s32 $0x180;
	s29 =	simm.s32 $0x400;
	[sflag:s18] =	ssyncadd.s32 $0xFFFFC000  }
.LBB2_7:
0x8c: {  	[tilespmem:s21], [sflag:$0x2] =	stream.indirect.gather [hbm4b:s5+s20], $0x80, s30, s20, $0xb8;
	[tilespmem:$0x1E400] =	vst v63  }
0x8d: {  	s0 =	smov.u32 s29  }
0x8e: {  	p0 =	sne.s32 s29, $0x4800;
	s29 =	sadd.s32 $0x400, s29;
	_ =	swait.ge [sflag:s22], $0x4000  }
0x8f: {  	s0 =	sshra.s32 s0, $0x2;
	[sflag:s22] =	ssyncset.done $0x0  }
0x90: {  	s30 =	sadd.s32 $0x1400, s0;
	[sflag:s22] =	ssyncadd.s32 $0xFFFFC000  }
0x91: {  	[spmem:s2] =	stream.indirect.scatter.add.f32 [tilespmem:s17], [sflag:$0x3], $0x80, s30, s20, $0xb8;
	[tilespmem:$0x1E400] =	vst v63  }
0x92: {  	_ =	swait.ge [sflag:s18], $0x4000  }
0x93: {  	[sflag:s18] =	ssyncset.done $0x0  }
0x94: {  	s30 =	sadd.s32 $0x100, s0;
	[sflag:s18] =	ssyncadd.s32 $0xFFFFC000  }
0x95: {  	[tilespmem:s17], [sflag:$0x1] =	stream.indirect.gather [hbm4b:s5+s20], $0x80, s30, s20, $0xb8;
	[tilespmem:$0x1E400] =	vst v63  }
0x96: {  	_ =	swait.ge [sflag:s23], $0x4000  }
0x97: {  	[sflag:s23] =	ssyncset.done $0x0  }
.Ltmp2:
0x98: {  	s30 =	sadd.s32 $0x1480, s0;
	[sflag:s23] =	ssyncadd.s32 $0xFFFFC000;
	(pc) =	sbr.rel @p0 .LBB2_7-.Ltmp2, $4  }
0x99: {  	[spmem:s2] =	stream.indirect.scatter.add.f32 [tilespmem:s21], [sflag:$0x3], $0x80, s30, s20, $0xb8;
	[tilespmem:$0x1E400] =	vst v63  }
0x9a: {  	_ =	swait.ge [sflag:s18], $0x4000  }
0x9b: {  	[sflag:s18] =	ssyncset.done $0x0  }
0x9c: {  	s30 =	sadd.s32 $0x180, s0;
	[sflag:s18] =	ssyncadd.s32 $0xFFFFC000  }
0x9d: {  	[tilespmem:s21], [sflag:$0x2] =	stream.indirect.gather [hbm4b:s5+s20], $0x80, s30, s20, $0xb8;
	[tilespmem:$0x1E400] =	vst v63  }
0x9e: {  	_ =	swait.ge [sflag:s22], $0x4000  }
0x9f: {  	[sflag:s22] =	ssyncset.done $0x0  }
0xa0: {  	[sflag:s22] =	ssyncadd.s32 $0xFFFFC000  }
0xa1: {  	[spmem:s2] =	stream.indirect.scatter.add.f32 [tilespmem:s17], [sflag:$0x3], $0x80, s24, s20, $0xb8;
	[tilespmem:$0x1E400] =	vst v63  }
0xa2: {  	_ =	swait.ge [sflag:s18], $0x4000  }
0xa3: {  	[sflag:s18] =	ssyncset.done $0x0  }
0xa4: {  	[sflag:s18] =	ssyncadd.s32 $0xFFFFC000  }
0xa5: {  	_ =	swait.ge [sflag:s23], $0x4000  }
0xa6: {  	[sflag:s23] =	ssyncset.done $0x0  }
0xa7: {  	s0 =	smul.u32 $0x13C000, s28;
	[sflag:s23] =	ssyncadd.s32 $0xFFFFC000  }
0xa8: {  	[spmem:s2] =	stream.indirect.scatter.add.f32 [tilespmem:s21], [sflag:$0x3], $0x80, s25, s20, $0xb8;
	[tilespmem:$0x1E400] =	vst v63  }
0xa9: {  	_ =	swait.ge [sflag:s18], $0x4000  }
0xaa: {  	s29 =	sshll.u32 s1, $0x6;
	s0 =	sadd.s32 s0, s15;
	[sflag:s18] =	ssyncset.done $0x0  }
0xab: {  	s30 =	sshrl.u32 s8, $0x3;
	s0 =	sshrl.u32 s0, $0x3;
	[sflag:s18] =	ssyncadd.s32 $0xFFFFC000  }
0xac: {  	s29 =	sor.u32 $0x1C03, s29;
	s0 =	sadd.s32 s7, s0;
	[bflag:$0x0] =	sbarrier.arrive $0xFFFF  }
0xad: {  	[hbm:s0], [sflag:s29] =	dma.local [spmem:s30], $0x2780  }
0xae: {  	_ =	swait.ge [sflag:s18], $0x2780  }
0xaf: {  	[sflag:s18] =	ssyncset.done $0x0  }
0xb0: {  	s29 =	simm.s32 $0x0;
	s30 =	simm.s32 $0x200;
	[sflag:s18] =	ssyncadd.s32 $0xFFFFD880  }
.LBB2_9:
0xb1: {  	p0 =	sne.s32 s30, $0xFE00;
	[tilespmem:s29+$0x2870] =	vst v0  }
0xb2: {  	[tilespmem:s29+$0x2800] =	vst v0  }
0xb3: {  	[tilespmem:s29+$0x2810] =	vst v0  }
.Ltmp3:
0xb4: {  	[tilespmem:s29+$0x2820] =	vst v0;
	(pc) =	sbr.rel @p0 .LBB2_9-.Ltmp3, $4  }
0xb5: {  	[tilespmem:s29+$0x2830] =	vst v0  }
0xb6: {  	[tilespmem:s29+$0x2840] =	vst v0  }
0xb7: {  	[tilespmem:s29+$0x2850] =	vst v0  }
0xb8: {  	[tilespmem:s29+$0x2860] =	vst v0;
	s29 =	sshra.s32 s30, $0x2;
	s30 =	sadd.s32 $0x200, s30  }
0xb9: {  	[tilespmem:s29+$0x2870] =	vst v0  }
0xba: {  	[tilespmem:s29+$0x2800] =	vst v0  }
0xbb: {  	[tilespmem:s29+$0x2810] =	vst v0  }
0xbc: {  	[tilespmem:s29+$0x2820] =	vst v0  }
0xbd: {  	[tilespmem:s29+$0x2830] =	vst v0  }
0xbe: {  	[tilespmem:s29+$0x2840] =	vst v0  }
0xbf: {  	[tilespmem:s29+$0x2850] =	vst v0  }
0xc0: {  	[tilespmem:s29+$0x2860] =	vst v0  }
0xc1: {  	[spmem:s8] =	stream.linear.scatter [tilespmem:s17], [sflag:$0x3], $0x4000, $0x38;
	[tilespmem:$0x1E400] =	vst v63  }
0xc2: {  	_ =	swait.ge [sflag:s18], $0x4000  }
0xc3: {  	[sflag:s18] =	ssyncset.done $0x0  }
0xc4: {  	[sflag:s18] =	ssyncadd.s32 $0xFFFFC000  }
0xc5: {  	[spmem:s9] =	stream.linear.scatter [tilespmem:s17], [sflag:$0x3], $0x4000, $0x38;
	[tilespmem:$0x1E400] =	vst v63  }
0xc6: {  	_ =	swait.ge [sflag:s18], $0x4000  }
0xc7: {  	[sflag:s18] =	ssyncset.done $0x0  }
0xc8: {  	[sflag:s18] =	ssyncadd.s32 $0xFFFFC000  }
0xc9: {  	[spmem:s10] =	stream.linear.scatter [tilespmem:s17], [sflag:$0x3], $0x4000, $0x38;
	[tilespmem:$0x1E400] =	vst v63  }
0xca: {  	_ =	swait.ge [sflag:s18], $0x4000  }
0xcb: {  	[sflag:s18] =	ssyncset.done $0x0  }
0xcc: {  	[sflag:s18] =	ssyncadd.s32 $0xFFFFC000  }
0xcd: {  	[spmem:s11] =	stream.linear.scatter [tilespmem:s17], [sflag:$0x3], $0x4000, $0x38;
	[tilespmem:$0x1E400] =	vst v63  }
0xce: {  	s28 =	sadd.s32 $0x1, s28;
	_ =	swait.ge [sflag:s18], $0x4000  }
0xcf: {  	p0 =	sne.s32 s28, $0x14;
	[sflag:s18] =	ssyncset.done $0x0  }
.Ltmp4:
0xd0: {  	[sflag:s18] =	ssyncadd.s32 $0xFFFFC000;
	(pc) =	sbr.rel @p0 .LBB2_4-.Ltmp4, $4  }
0xd1: {  	[spmem:s12] =	stream.linear.scatter [tilespmem:s17], [sflag:$0x3], $0x3C00, $0x38;
	[tilespmem:$0x1E400] =	vst v63  }
0xd2: {  	_ =	swait.ge [sflag:s18], $0x3C00  }
0xd3: {  	[sflag:s18] =	ssyncset.done $0x0  }
0xd4: {  	[sflag:s18] =	ssyncadd.s32 $0xFFFFC400  }
0xd5: {  	s3 =	sadd.s32 $0x1, s3  }
0xd6: {  	p0 =	sne.s32 s3, s16  }
.Ltmp5:
0xd7: {  	_ = 	snop;
	(pc) =	sbr.rel @p0 .LBB2_1-.Ltmp5, $1  }
0xd8: {  	_ =	sdelay $0x3  }
0xd9: {  	_ =	sfence.sel $0x180000  }
0xda: {  	[bflag:$0x0] =	sbarrier.arrive $0xFFFF  }
0xdb: {  	_ =	strace $0x9000004D  }
0xdc: {  	[bflag:$0x2] =	sbarrier.arrive $0xFFFF  }
0xdd: {  	p0 =	sne.s32 s1, $0x0;
	s0 =	rddreg [dreg:$0x2]  }
0xde: {  	s0 =	sadd.s32 @!p0 $0x100000, s0  }
0xdf: {  	[sflag:s0] =	ssyncadd.tile.s32 @!p0 $0x1;
	_ =	shalt  }
.Lfunc_end2:
_tile_overlayer_lowered:
.L_overlay_start_2:
0xe0: {  	(tag) =	ssettag $0x2  }
0xe1: {  	s0 =	rddreg [dreg:$0x0];
	s2 =	stileid.u32  }
0xe2: {  	s1 =	rddreg [dreg:$0x1];
	p0 =	sne.s32 s2, $0x0  }
0xe3: {  	s3 =	rddreg [dreg:$0x2];
	[bflag:$0x3] =	sbarrier.arrive $0xFFFF;
	s2 =	simm.s32 @!p0 $0x1C03  }
0xe4: {  	[timem:s3], [sflag:s2] =	dma.local @!p0 [hbm:s0], s1  }
0xe5: {  	s0 =	simm.s32 @!p0 $0x3  }
0xe6: {  	_ =	swait.ge @!p0 [sflag:s0], s1  }
0xe7: {  	s1 =	ssub.s32 @!p0 $0x0, s1;
	[sflag:s0] =	ssyncset.done @!p0 $0x0  }
0xe8: {  	[sflag:s0] =	ssyncadd.s32 @!p0 s1  }
0xe9: {  	[bflag:$0x3] =	sbarrier.arrive $0xFFFF  }
0xea: {  	_ =	shalt  }

// kernel: kernel.9.cloned.1.call-start
scs
__scs_entry_jumppad:
0x0: {  	(pc) =	sbr.rel $0x88, $3  }
0x1: {  	(tag) =	ssettag $0x0;
	lr =	simm.s32 $0x1  }
0x2: {  	[smem:$0x3F8F] =	sst lr;
	_ =	strace $0xD0000000  }
0x3: {  	_ = 	snop  }
0x4: {  	_ = 	snop  }
0x5: {  	_ = 	snop  }
0x6: {  	_ = 	snop  }
0x7: {  	_ = 	snop  }
__scs_overlays_trampoline_lowered:
0x8: {  	[smem:$0x3F9E] =	sst s0  }
0x9: {  	[smem:$0x3F9F] =	sst s1  }
0xa: {  	[smem:$0x3FA0] =	sst s2  }
0xb: {  	[smem:$0x3FA1] =	sst s3  }
0xc: {  	[smem:$0x3FA2] =	sst s4  }
0xd: {  	[smem:$0x3FA3] =	sst s5  }
0xe: {  	[smem:$0x3FA4] =	sst s6  }
0xf: {  	[smem:$0x3FA5] =	sst s7  }
0x10: {  	[smem:$0x3FA6] =	sst s8  }
0x11: {  	[smem:$0x3FA7] =	sst s9;
	s0 =	simm.s32 @!p0 $0x0  }
0x12: {  	s1 =	sld [smem:$0x3F8D];
	s0 =	simm.s32 @p0 $0x1  }
0x13: {  	[smem:$0x3FA8] =	sst s0;
	s0 =	simm.s32 @!p1 $0x0  }
0x14: {  	s2 =	sld [smem:$0x3F8C];
	s0 =	simm.s32 @p1 $0x1  }
0x15: {  	[smem:$0x3FA9] =	sst s0;
	s0 =	simm.s32 @!p2 $0x0  }
0x16: {  	s3 =	sld [smem:$0x3FDB];
	s0 =	simm.s32 @p2 $0x1  }
0x17: {  	s4 =	simm.s32 $0x1BF5;
	[smem:$0x3FAB] =	sst s0  }
0x18: {  	s0 =	sld [smem:$0x3F8E];
	_ =	swait.ge [sflag:s4], $0x0  }
0x19: {  	s7 =	sld [smem:$0x3F8F]  }
0x1a: {  	s8 =	sadd.s32 $0xFFFFE003, lr  }
0x1b: {  	s9 =	sadd.s32 $0xFFFFFEF7, lr;
	s5 =	simm.s32 $0xFFFFFFFF;
	p2 =	slt.u32 s8, $0xFFFFF086  }
0x1c: {  	p1 =	slt.u32 s9, $0xF7A;
	s5 =	simm.s32 @!p2 $0x0  }
0x1d: {  	s5 =	simm.s32 @p1 $0x1;
	p0 =	seq.s32 s7, s2  }
0x1e: {  	s7 =	smul.u32 @!p0 $0xF7A, s2;
	p2 =	seq.s32 @!p0 s5, $0x0  }
0x1f: {  	s9 =	smul.u32 $0xF7A, s1;
	s8 =	simm.s32 @!p0 $0x1BF5;
	p2 =	por !p2, p0  }
0x20: {  	[sflag:s8] =	ssyncset.s32 @!p0 $0xFFFFF086;
	s6 =	sadd.s32 @!p0 s3, s7;
	s7 =	simm.s32 @!p0 $0x108  }
0x21: {  	s3 =	sadd.s32 s3, s9;
	s6 =	sadd.s32 @!p0 $0x88, s6;
	s7 =	simm.s32 @p2 $0x1082  }
0x22: {  	[simem:s7], [sflag:s8] =	dma.local @!p0 [hbm:s6], $0xF7A  }
0x23: {  	s9 =	sor.u32 $0xD0000000, s2;
	s6 =	simm.s32 $0x108;
	_ =	swait.ge @!p0 [sflag:s8], $0x0  }
0x24: {  	s3 =	sadd.s32 $0x88, s3;
	s6 =	simm.s32 @!p1 $0x1082;
	[sflag:s4] =	ssyncset.s32 $0xFFFFF086  }
0x25: {  	[simem:s6], [sflag:s4] =	dma.local [hbm:s3], $0xF7A  }
0x26: {  	[smem:$0x3F8F] =	sst s1;
	(tag) =	ssettag s2;
	_ =	strace s9  }
0x27: {  	s1 =	sld [smem:$0x3F9F]  }
0x28: {  	s2 =	sld [smem:$0x3FA0]  }
0x29: {  	s4 =	sld [smem:$0x3FA2]  }
0x2a: {  	p0 =	seq.s32 s5, $0x0;
	s5 =	sld [smem:$0x3FA3]  }
0x2b: {  	s6 =	sld [smem:$0x3FA4]  }
0x2c: {  	s7 =	sld [smem:$0x3FA5]  }
0x2d: {  	s3 =	simm.s32 $0x108;
	s8 =	sld [smem:$0x3FA6]  }
0x2e: {  	s3 =	simm.s32 @!p0 $0x1082;
	s9 =	sld [smem:$0x3FA7]  }
0x2f: {  	lr =	sadd.s32 s0, s3;
	s0 =	sld [smem:$0x3F9E]  }
0x30: {  	s3 =	sld [smem:$0x3FA1]  }
0x31: {  	[smem:$0x3FAA] =	sst s10  }
0x32: {  	s10 =	sld [smem:$0x3FA8];
	_ =	sdelay $0x3  }
0x33: {  	p0 =	seq.s32 s10, $0x1;
	s10 =	sld [smem:$0x3FAA];
	_ =	sdelay $0x3  }
0x34: {  	[smem:$0x3FAA] =	sst s10  }
0x35: {  	s10 =	sld [smem:$0x3FA9];
	_ =	sdelay $0x3  }
0x36: {  	p1 =	seq.s32 s10, $0x1;
	s10 =	sld [smem:$0x3FAA];
	_ =	sdelay $0x3  }
0x37: {  	[smem:$0x3FAA] =	sst s10  }
0x38: {  	s10 =	sld [smem:$0x3FAB]  }
0x39: {  	_ = 	snop;
	(pc) =	sbr.ind lr, $3  }
0x3a: {  	_ = 	snop  }
0x3b: {  	_ = 	snop  }
0x3c: {  	p2 =	seq.s32 s10, $0x1;
	s10 =	sld [smem:$0x3FAA]  }
0x3d: {  	_ =	shalt  }
0x3e: {  	_ =	shalt  }
0x3f: {  	_ =	shalt  }
0x40: {  	_ =	shalt  }
0x41: {  	_ =	shalt  }
0x42: {  	_ =	shalt  }
0x43: {  	_ =	shalt  }
0x44: {  	_ =	shalt  }
0x45: {  	_ =	shalt  }
0x46: {  	_ =	shalt  }
0x47: {  	_ =	shalt  }
0x48: {  	_ =	shalt  }
0x49: {  	_ =	shalt  }
0x4a: {  	_ =	shalt  }
0x4b: {  	_ =	shalt  }
0x4c: {  	_ =	shalt  }
0x4d: {  	_ =	shalt  }
0x4e: {  	_ =	shalt  }
0x4f: {  	_ =	shalt  }
0x50: {  	_ =	shalt  }
0x51: {  	_ =	shalt  }
0x52: {  	_ =	shalt  }
0x53: {  	_ =	shalt  }
0x54: {  	_ =	shalt  }
0x55: {  	_ =	shalt  }
0x56: {  	_ =	shalt  }
0x57: {  	_ =	shalt  }
0x58: {  	_ =	shalt  }
0x59: {  	_ =	shalt  }
0x5a: {  	_ =	shalt  }
0x5b: {  	_ =	shalt  }
0x5c: {  	_ =	shalt  }
0x5d: {  	_ =	shalt  }
0x5e: {  	_ =	shalt  }
0x5f: {  	_ =	shalt  }
0x60: {  	_ =	shalt  }
0x61: {  	_ =	shalt  }
0x62: {  	_ =	shalt  }
0x63: {  	_ =	shalt  }
0x64: {  	_ =	shalt  }
0x65: {  	_ =	shalt  }
0x66: {  	_ =	shalt  }
0x67: {  	_ =	shalt  }
0x68: {  	_ =	shalt  }
0x69: {  	_ =	shalt  }
0x6a: {  	_ =	shalt  }
0x6b: {  	_ =	shalt  }
0x6c: {  	_ =	shalt  }
0x6d: {  	_ =	shalt  }
0x6e: {  	_ =	shalt  }
0x6f: {  	_ =	shalt  }
0x70: {  	_ =	shalt  }
0x71: {  	_ =	shalt  }
0x72: {  	_ =	shalt  }
0x73: {  	_ =	shalt  }
0x74: {  	_ =	shalt  }
0x75: {  	_ =	shalt  }
0x76: {  	_ =	shalt  }
0x77: {  	_ =	shalt  }
0x78: {  	_ =	shalt  }
0x79: {  	_ =	shalt  }
0x7a: {  	_ =	shalt  }
0x7b: {  	_ =	shalt  }
0x7c: {  	_ =	shalt  }
0x7d: {  	_ =	shalt  }
0x7e: {  	_ =	shalt  }
0x7f: {  	_ =	shalt  }
0x80: {  	_ =	shalt  }
0x81: {  	_ =	shalt  }
0x82: {  	_ =	shalt  }
0x83: {  	_ =	shalt  }
0x84: {  	_ =	shalt  }
0x85: {  	_ =	shalt  }
0x86: {  	_ =	shalt  }
0x87: {  	_ =	shalt  }
.Lfunc_end0:
.L_simem_size_0:
called_computation_lowered:
.L_overlay_start_0:
0x88: {  	s2 =	sld [smem:$0x3FD9]  }
0x89: {  	s3 =	sld [smem:$0x3FFE];
	_ =	sdelay $0x1  }
0x8a: {  	s1 =	srdreg.scid  }
0x8b: {  	s0 =	sand.u32 $0x1, s1  }
0x8c: {  	s16 =	sshll.u32 s0, $0xA;
	s2 =	sadd.s32 s3, s2  }
0x8d: {  	s2 =	sadd.s32 s2, s16  }
0x8e: {  	[smem:$0x3FB6] =	sst s2  }
0x8f: {  	_ = 	snop  }
0x90: {  	(tm) =	ssettm $0x1  }
0x91: {  	s17 =	sld [smem:$0x3FFB];
	_ =	sdelay $0x3  }
0x92: {  	_ =	strace s17  }
0x93: {  	s2 =	sld [smem:$0x3FFC];
	_ =	sdelay $0x3  }
0x94: {  	_ =	strace s2  }
0x95: {  	s2 =	sld [smem:$0x3FFD];
	_ =	sdelay $0x3  }
0x96: {  	_ =	strace s2  }
0x97: {  	_ =	strace $0x8FFFFFFF  }
0x98: {  	s18 =	sld [smem:$0x3FDB];
	_ =	sdelay $0x1  }
0x99: {  	s19 =	simm.s32 $_scs_section_size  }
0x9a: {  	s4 =	simm.s32 $_size__tile_overlayer_lowered;
	s5 =	simm.s32 $_tile_overlayer_lowered  }
0x9b: {  	s22 =	simm.s32 $0x1BFF;
	s21 =	sshll.u32 s5, $0x1;
	s2 =	sadd.s32 s19, s18  }
0x9c: {  	s6 =	simm.s32 $0x0;
	s20 =	sshll.u32 s4, $0x1;
	s4 =	sadd.s32 s21, s2  }
0x9d: {  	[timem:s6], [sflag:s22] =	dma.local [hbm:s4], s20  }
0x9e: {  	_ =	swait.ge [sflag:s22], s20  }
0x9f: {  	s3 =	ssub.s32 $0x0, s20;
	[sflag:s22] =	ssyncset.done $0x0  }
0xa0: {  	[sflag:s22] =	ssyncadd.s32 s3;
	_ =	sdelay $0x1  }
0xa1: {  	s23 =	simm.s32 $0x1B8B  }
0xa2: {  	_ =	swait.ge [sflag:s23], $0x1  }
0xa3: {  	[sflag:s23] =	ssyncset.done $0x0  }
0xa4: {  	s25 =	simm.s32 $0x1B8E;
	s24 =	sld [smem:$0x3FFE];
	[sflag:s23] =	ssyncadd.s32 $0xFFFFFFFF  }
0xa5: {  	s26 =	simm.s32 $execute0_lowered;
	[smem:$0x3FD2] =	sst s25  }
0xa6: {  	s4 =	sshll.u32 s26, $0x1;
	_ =	strace $0x80000046;
	[dreg:$0x1] =	wrdreg $0xFFFFFFFF  }
0xa7: {  	s28 =	simm.s32 $_size_execute0_lowered;
	s2 =	sadd.s32 s2, s4;
	[dreg:$0x0] =	wrdreg $0x0  }
0xa8: {  	s4 =	sshll.u32 s28, $0x1;
	[dreg:$0x2] =	wrdreg s2  }
0xa9: {  	[dreg:$0x3] =	wrdreg s4  }
0xaa: {  	[dreg:$0x4] =	wrdreg $0xC0  }
0xab: {  	_ =	task [dreg:s6], $0x5FFFF  }
0xac: {  	[dreg:$0x1] =	wrdreg $0xFFFFFFFF  }
0xad: {  	[dreg:$0x0] =	wrdreg $0x60  }
0xae: {  	[dreg:$0x2] =	wrdreg s24  }
0xaf: {  	[dreg:$0x3] =	wrdreg $0x68000  }
0xb0: {  	[dreg:$0x4] =	wrdreg $0x9  }
0xb1: {  	_ =	task.clear_ibuf [dreg:s6], $0x5FFFF;
	_ =	strace $0x90000046  }
0xb2: {  	s29 =	simm.s32 $0x9;
	_ =	strace $0x80000048  }
0xb3: {  	_ =	swait.ge [sflag:s29], $0x1  }
0xb4: {  	[sflag:s29] =	ssyncadd.s32 $0xFFFFFFFF  }
0xb5: {  	_ =	strace $0x90000048  }
0xb6: {  	_ =	sfence  }
0xb7: {  	s30 =	sld [smem:$0x0];
	_ =	sdelay $0x2  }
0xb8: {  	s31 =	sshll.u32 s1, $0xD;
	s1 =	sshrl.u32 s1, $0x2  }
0xb9: {  	s3 =	sand.u32 $0x4000, s31;
	s1 =	sadd.s32 s1, s30  }
0xba: {  	s0 =	sor.u32 s3, s0;
	s1 =	sshll.u32 s1, $0x11  }
0xbb: {  	s0 =	sor.u32 s1, s0  }
0xbc: {  	s0 =	sadd.s32 $0x8F2B, s0  }
0xbd: {  	[sflag:s0] =	ssyncadd.remote.s32 $0x1  }
0xbe: {  	_ =	sfence.sel $0xFFFF  }
0xbf: {  	[dreg:$0x0] =	wrdreg $0xFFFFFFFF;
	(pc) =	sbr.abs _section_cstart, $3  }
0xc0: {  	[dreg:$0x1] =	wrdreg $0xFFFFFFFF  }
0xc1: {  	_ =	task.clear_ibuf [dreg:s6], $0x2FFFF;
	_ =	strace $0x9FFFFFFF  }
0xc2: {  	(tm) =	ssettm $0x7FFFFFFF  }
0xc3: {  	_ =	shalt  }
tec
execute0_lowered:
.L_overlay_start_1:
0x0: {  	(tag) =	ssettag $0x1  }
0x1: {  	s0 =	srdreg.scid;
	s5 =	rddreg [dreg:$0x0]  }
0x2: {  	s2 =	rddreg [dreg:$0x1];
	s3 =	simm.s32 $0x0;
	s12 =	simm.s32 $0x1  }
0x3: {  	s13 =	simm.s32 $0x2800;
	s14 =	simm.s32 $0x80;
	s4 =	sand.u32 $0x1, s0  }
0x4: {  	s17 =	simm.s32 $0x0;
	s0 =	stileid.u32;
	s7 =	smul.u32 $0x13C000, s4  }
0x5: {  	[smem:$0x7FF] =	sst s3;
	s1 =	sshll.u32 s4, $0x4;
	s8 =	smul.u32 $0x13C00, s0  }
0x6: {  	s9 =	smul.u32 $0x4F000, s0;
	s29 =	ssub.s32 $0x2, s4;
	s15 =	sshll.u32 s0, $0x6  }
0x7: {  	s1 =	sor.u32 s0, s1;
	s31 =	sshrl.u32 s29, $0x1;
	s15 =	sor.u32 $0x1C01, s15  }
0x8: {  	s6 =	smul.u32 $0x500, s1;
	s1 =	rddreg [dreg:$0x2];
	_ =	strace $0x80000047  }
0x9: {  	s7 =	sadd.s32 s8, s7;
	s30 =	sshrl.u32 s9, $0x2;
	s11 =	ssub.s32 s29, s31  }
0xa: {  	s7 =	sshrl.u32 s7, $0x3;
	s4 =	sadd.s32 s30, s2;
	s11 =	smax.u32 s11, $0x1  }
0xb: {  	s6 =	sadd.s32 s6, s5;
	s10 =	sadd.s32 s7, s5;
	s7 =	sadd.s32 $0x8000, s4  }
0xc: {  	s8 =	sadd.s32 $0xC000, s4;
	s9 =	sadd.s32 $0x10000, s4;
	s16 =	sshrl.u32 s4, $0x3  }
0xd: {  	v0 =	vimm.f32 $0.0e+00;
	v1 =	vimm.f32 $1.000000000e+00;
	s5 =	sadd.s32 $0x4400, s6;
	s6 =	sadd.s32 $0x4000, s4;
	s10 =	sadd.s32 $0x18400, s10  }
.LBB2_1:
0xe: {  	[tilespmem:s3], [sflag:$0x1] =	stream.linear.gather [hbm4b:s5+s3], $0x2800, $0x38;
	[tilespmem:$0x1A400] =	vst v63  }
0xf: {  	_ =	swait.ge [sflag:s12], $0x2800  }
0x10: {  	[sflag:s12] =	ssyncset.done $0x0  }
0x11: {  	s18 =	simm.s32 $0x0;
	s19 =	simm.s32 $0x200;
	[sflag:s12] =	ssyncadd.s32 $0xFFFFD800  }
.LBB2_2:
0x12: {  	p0 =	sne.s32 s19, $0xFE00;
	[tilespmem:s18+$0x2870] =	vst v0  }
0x13: {  	[tilespmem:s18+$0x2800] =	vst v0  }
0x14: {  	[tilespmem:s18+$0x2810] =	vst v0  }
.Ltmp0:
0x15: {  	[tilespmem:s18+$0x2820] =	vst v0;
	(pc) =	sbr.rel @p0 .LBB2_2-.Ltmp0, $4  }
0x16: {  	[tilespmem:s18+$0x2830] =	vst v0  }
0x17: {  	[tilespmem:s18+$0x2840] =	vst v0  }
0x18: {  	[tilespmem:s18+$0x2850] =	vst v0  }
0x19: {  	[tilespmem:s18+$0x2860] =	vst v0;
	s18 =	sshra.s32 s19, $0x2;
	s19 =	sadd.s32 $0x200, s19  }
0x1a: {  	[tilespmem:s18+$0x2870] =	vst v0  }
0x1b: {  	[tilespmem:s18+$0x2800] =	vst v0  }
0x1c: {  	[tilespmem:s18+$0x2810] =	vst v0  }
0x1d: {  	[tilespmem:s18+$0x2820] =	vst v0  }
0x1e: {  	[tilespmem:s18+$0x2830] =	vst v0  }
0x1f: {  	[tilespmem:s18+$0x2840] =	vst v0  }
0x20: {  	[tilespmem:s18+$0x2850] =	vst v0  }
0x21: {  	[tilespmem:s18+$0x2860] =	vst v0  }
0x22: {  	[spmem:s4] =	stream.linear.scatter [tilespmem:s13], [sflag:$0x1], $0x4000, $0x38;
	[tilespmem:$0x1A400] =	vst v63  }
0x23: {  	_ =	swait.ge [sflag:s12], $0x4000  }
0x24: {  	[sflag:s12] =	ssyncset.done $0x0  }
0x25: {  	[sflag:s12] =	ssyncadd.s32 $0xFFFFC000  }
0x26: {  	[spmem:s6] =	stream.linear.scatter [tilespmem:s13], [sflag:$0x1], $0x4000, $0x38;
	[tilespmem:$0x1A400] =	vst v63  }
0x27: {  	_ =	swait.ge [sflag:s12], $0x4000  }
0x28: {  	[sflag:s12] =	ssyncset.done $0x0  }
0x29: {  	[sflag:s12] =	ssyncadd.s32 $0xFFFFC000  }
0x2a: {  	[spmem:s7] =	stream.linear.scatter [tilespmem:s13], [sflag:$0x1], $0x4000, $0x38;
	[tilespmem:$0x1A400] =	vst v63  }
0x2b: {  	_ =	swait.ge [sflag:s12], $0x4000  }
0x2c: {  	[sflag:s12] =	ssyncset.done $0x0  }
0x2d: {  	[sflag:s12] =	ssyncadd.s32 $0xFFFFC000  }
0x2e: {  	[spmem:s8] =	stream.linear.scatter [tilespmem:s13], [sflag:$0x1], $0x4000, $0x38;
	[tilespmem:$0x1A400] =	vst v63  }
0x2f: {  	_ =	swait.ge [sflag:s12], $0x4000  }
0x30: {  	[sflag:s12] =	ssyncset.done $0x0  }
0x31: {  	[sflag:s12] =	ssyncadd.s32 $0xFFFFC000  }
0x32: {  	[spmem:s9] =	stream.linear.scatter [tilespmem:s13], [sflag:$0x1], $0x3C00, $0x38;
	[tilespmem:$0x1A400] =	vst v63  }
0x33: {  	_ =	swait.ge [sflag:s12], $0x3C00  }
0x34: {  	[sflag:s12] =	ssyncset.done $0x0  }
0x35: {  	s18 =	simm.s32 $0x0;
	s19 =	simm.s32 $0x200;
	[sflag:s12] =	ssyncadd.s32 $0xFFFFC400  }
.LBB2_4:
0x36: {  	p0 =	sne.s32 s19, $0xFE00;
	[tilespmem:s18+$0x2870] =	vst v1  }
0x37: {  	[tilespmem:s18+$0x2800] =	vst v1  }
0x38: {  	[tilespmem:s18+$0x2810] =	vst v1  }
.Ltmp1:
0x39: {  	[tilespmem:s18+$0x2820] =	vst v1;
	(pc) =	sbr.rel @p0 .LBB2_4-.Ltmp1, $4  }
0x3a: {  	[tilespmem:s18+$0x2830] =	vst v1  }
0x3b: {  	[tilespmem:s18+$0x2840] =	vst v1  }
0x3c: {  	[tilespmem:s18+$0x2850] =	vst v1  }
0x3d: {  	[tilespmem:s18+$0x2860] =	vst v1;
	s18 =	sshra.s32 s19, $0x2;
	s19 =	sadd.s32 $0x200, s19  }
0x3e: {  	[tilespmem:s18+$0x2870] =	vst v1  }
0x3f: {  	[tilespmem:s18+$0x2800] =	vst v1  }
0x40: {  	[tilespmem:s18+$0x2810] =	vst v1  }
0x41: {  	[tilespmem:s18+$0x2820] =	vst v1  }
0x42: {  	[tilespmem:s18+$0x2830] =	vst v1  }
0x43: {  	[tilespmem:s18+$0x2840] =	vst v1  }
0x44: {  	[tilespmem:s18+$0x2850] =	vst v1  }
0x45: {  	[tilespmem:s18+$0x2860] =	vst v1  }
0x46: {  	s31 =	simm.s32 $0x0;
	[bflag:$0x0] =	sbarrier.arrive $0xFFFF  }
0x47: {  	[spmem:s2] =	stream.indirect.scatter.add.f32 [tilespmem:s13], [sflag:$0x1], $0x80, s31, s14, $0xb8;
	[tilespmem:$0x1A400] =	vst v63  }
0x48: {  	_ =	swait.ge [sflag:s12], $0x4000  }
0x49: {  	s18 =	simm.s32 $0x200;
	[sflag:s12] =	ssyncset.done $0x0  }
.LBB2_6:
0x4a: {  	s19 =	sshra.s32 s18, $0x2;
	[sflag:s12] =	ssyncadd.s32 $0xFFFFC000;
	p0 =	sne.s32 s18, $0x9E00  }
0x4b: {  	[spmem:s2] =	stream.indirect.scatter.add.f32 [tilespmem:s13], [sflag:$0x1], $0x80, s19, s14, $0xb8;
	[tilespmem:$0x1A400] =	vst v63  }
.Ltmp2:
0x4c: {  	_ = 	snop;
	(pc) =	sbr.rel @p0 .LBB2_6-.Ltmp2, $4  }
0x4d: {  	_ = 	snop  }
0x4e: {  	s18 =	sadd.s32 $0x200, s18  }
0x4f: {  	_ =	swait.ge [sflag:s12], $0x4000  }
0x50: {  	[sflag:s12] =	ssyncset.done $0x0  }
0x51: {  	s17 =	sadd.s32 $0x1, s17  }
0x52: {  	[sflag:s12] =	ssyncadd.s32 $0xFFFFC000;
	p0 =	sne.s32 s17, s11  }
.Ltmp3:
0x53: {  	[bflag:$0x0] =	sbarrier.arrive $0xFFFF;
	(pc) =	sbr.rel @p0 .LBB2_1-.Ltmp3, $4  }
0x54: {  	[hbm:s10], [sflag:s15] =	dma.local [spmem:s16], $0x2780  }
0x55: {  	_ =	swait.ge [sflag:s12], $0x2780  }
0x56: {  	[sflag:s12] =	ssyncset.done $0x0  }
0x57: {  	[sflag:s12] =	ssyncadd.s32 $0xFFFFD880  }
0x58: {  	_ =	sfence.sel $0x180000  }
0x59: {  	[bflag:$0x0] =	sbarrier.arrive $0xFFFF  }
0x5a: {  	p0 =	sne.s32 s0, $0x0;
	_ =	strace $0x90000047  }
0x5b: {  	s0 =	sadd.s32 @!p0 $0x100000, s1;
	[bflag:$0x2] =	sbarrier.arrive $0xFFFF  }
0x5c: {  	[sflag:s0] =	ssyncadd.tile.s32 @!p0 $0x1;
	_ =	shalt  }
.Lfunc_end2:
_tile_overlayer_lowered:
.L_overlay_start_2:
0x5d: {  	(tag) =	ssettag $0x2  }
0x5e: {  	s0 =	rddreg [dreg:$0x0];
	s2 =	stileid.u32  }
0x5f: {  	s1 =	rddreg [dreg:$0x1];
	p0 =	sne.s32 s2, $0x0  }
0x60: {  	s3 =	rddreg [dreg:$0x2];
	[bflag:$0x3] =	sbarrier.arrive $0xFFFF;
	s2 =	simm.s32 @!p0 $0x1C01  }
0x61: {  	[timem:s3], [sflag:s2] =	dma.local @!p0 [hbm:s0], s1  }
0x62: {  	s0 =	simm.s32 @!p0 $0x1  }
0x63: {  	_ =	swait.ge @!p0 [sflag:s0], s1  }
0x64: {  	s1 =	ssub.s32 @!p0 $0x0, s1;
	[sflag:s0] =	ssyncset.done @!p0 $0x0  }
0x65: {  	[sflag:s0] =	ssyncadd.s32 @!p0 s1  }
0x66: {  	[bflag:$0x3] =	sbarrier.arrive $0xFFFF  }
0x67: {  	_ =	shalt  }

</sc_bundles>
